<compile_context>
chip_gen: v7x
topology: tpu7x:2x2x1
jax: 0.10.2.dev20260603
libtpu: 0.0.44.dev20260713+nightly
codegen_flags: <defaults>
</compile_context>

<pallas_src>
import functools

import jax
import jax.numpy as jnp
from jax import lax
from jax.experimental import pallas as pl
from jax.experimental.pallas import tpu as pltpu
from jax.experimental.pallas import tpu_sc as plsc

DIM = 128
NLANE = 16
NVEC = DIM // NLANE
NC, NS = 2, 16
NW = NC * NS
CB = 8
GSZ = 80


def _sc_scores(B, K, center, target, neg_flat, W_v, W_u):
    BPW = B // NW
    NCHUNK = BPW // CB
    ROWS = CB * K
    NG = ROWS // GSZ
    assert B % NW == 0 and BPW % CB == 0 and ROWS % GSZ == 0

    mesh = plsc.VectorSubcoreMesh(
        core_axis_name="c", subcore_axis_name="s", num_cores=NC, num_subcores=NS
    )

    @functools.partial(
        pl.kernel,
        out_type=(
            jax.ShapeDtypeStruct((B * NLANE,), jnp.float32),
            jax.ShapeDtypeStruct((B * NLANE,), jnp.float32),
        ),
        mesh=mesh,
        scratch_types=dict(
            cidx=[pltpu.VMEM((CB,), jnp.int32)] * 2,
            tidx=[pltpu.VMEM((CB,), jnp.int32)] * 2,
            nidx=[pltpu.VMEM((ROWS,), jnp.int32)] * 2,
            cbuf=[pltpu.VMEM((CB, DIM), jnp.float32)] * 2,
            tbuf=[pltpu.VMEM((CB, DIM), jnp.float32)] * 2,
            nbuf=[pltpu.VMEM((ROWS, DIM), jnp.float32)] * 2,
            posb=pltpu.VMEM((BPW * NLANE,), jnp.float32),
            negb=pltpu.VMEM((BPW * NLANE,), jnp.float32),
            rsem=[pltpu.SemaphoreType.DMA] * 2,
            isem=[pltpu.SemaphoreType.DMA] * 2,
        ),
    )
    def sc_kernel(center_h, target_h, negf_h, wv_h, wu_h, pos_h, neg_h, *,
                  cidx, tidx, nidx, cbuf, tbuf, nbuf, posb, negb,
                  rsem, isem):
        wid = lax.axis_index("s") * NC + lax.axis_index("c")
        wbase = wid * BPW

        def idx_copies(ci, slot):
            base = wbase + ci * CB
            return (
                pltpu.make_async_copy(center_h.at[pl.ds(base, CB)], cidx[slot], isem[slot]),
                pltpu.make_async_copy(target_h.at[pl.ds(base, CB)], tidx[slot], isem[slot]),
                pltpu.make_async_copy(negf_h.at[pl.ds(base * K, ROWS)], nidx[slot], isem[slot]),
            )

        def fire_idx(ci, slot):
            for d in idx_copies(ci, slot):
                d.start()

        def wait_idx(ci, slot):
            for d in idx_copies(ci, slot):
                d.wait()

        def row_copies(slot):
            ds = [
                pltpu.make_async_copy(wv_h.at[cidx[slot]], cbuf[slot], rsem[slot]),
                pltpu.make_async_copy(wu_h.at[tidx[slot]], tbuf[slot], rsem[slot]),
            ]
            for g in range(NG):
                ds.append(pltpu.make_async_copy(
                    wu_h.at[nidx[slot].at[pl.ds(g * GSZ, GSZ)]],
                    nbuf[slot].at[pl.ds(g * GSZ, GSZ)],
                    rsem[slot],
                ))
            return ds

        def fire_rows(slot):
            for d in row_copies(slot):
                d.start()

        def drain_rows(slot):
            for d in row_copies(slot):
                d.wait()

        def compute(ci, slot):
            cb, tb, nb = cbuf[slot], tbuf[slot], nbuf[slot]
            for b in range(CB):
                cvecs = [cb[b, pl.ds(j * NLANE, NLANE)] for j in range(NVEC)]
                pacc = tb[b, pl.ds(0, NLANE)] * cvecs[0]
                for j in range(1, NVEC):
                    pacc = pacc + tb[b, pl.ds(j * NLANE, NLANE)] * cvecs[j]

                def kbody(k, accs):
                    r = b * K + k
                    return tuple(
                        accs[j] + nb[r, pl.ds(j * NLANE, NLANE)] * cvecs[j]
                        for j in range(NVEC)
                    )
                zero = jnp.zeros((NLANE,), jnp.float32)
                naccs = lax.fori_loop(0, K, kbody, (zero,) * NVEC, unroll=2)
                nacc = naccs[0]
                for j in range(1, NVEC):
                    nacc = nacc + naccs[j]

                bl = ci * CB + b
                posb[pl.ds(bl * NLANE, NLANE)] = pacc
                negb[pl.ds(bl * NLANE, NLANE)] = nacc

        fire_idx(0, 0)
        wait_idx(0, 0)
        fire_rows(0)
        fire_idx(1, 1)
        wait_idx(1, 1)

        @pl.loop(0, NCHUNK, step=2)
        def _(i):
            fire_rows(1)
            drain_rows(0)
            @pl.when(i + 2 < NCHUNK)
            def _():
                fire_idx(i + 2, 0)
            compute(i, 0)
            @pl.when(i + 2 < NCHUNK)
            def _():
                wait_idx(i + 2, 0)
                fire_rows(0)
            drain_rows(1)
            @pl.when(i + 3 < NCHUNK)
            def _():
                fire_idx(i + 3, 1)
            compute(i + 1, 1)
            @pl.when(i + 3 < NCHUNK)
            def _():
                wait_idx(i + 3, 1)

        pltpu.sync_copy(posb, pos_h.at[pl.ds(wbase * NLANE, BPW * NLANE)])
        pltpu.sync_copy(negb, neg_h.at[pl.ds(wbase * NLANE, BPW * NLANE)])

    return sc_kernel(center, target, neg_flat, W_v, W_u)


def _loss_body(pos_ref, neg_ref, out_ref, *, n):
    seg = (lax.broadcasted_iota(jnp.int32, (DIM, 8), 0) // NLANE
           == lax.broadcasted_iota(jnp.int32, (DIM, 8), 1)).astype(jnp.float32)
    p = jnp.dot(pos_ref[...], seg, preferred_element_type=jnp.float32)
    q = jnp.dot(neg_ref[...], seg, preferred_element_type=jnp.float32)
    ls = jax.nn.log_sigmoid(p) + jax.nn.log_sigmoid(-q)
    out_ref[0, 0] = -jnp.sum(ls) * (1.0 / n)


def kernel(center_words, target_words, negative_words, W_v, W_u):
    B, K = negative_words.shape
    center = center_words.reshape(B)
    target = target_words.reshape(B)
    neg_flat = negative_words.reshape(B * K)

    pos, neg = _sc_scores(B, K, center, target, neg_flat, W_v, W_u)

    r = B * NLANE // DIM
    out = pl.pallas_call(
        functools.partial(_loss_body, n=B),
        out_shape=jax.ShapeDtypeStruct((1, 1), jnp.float32),
        out_specs=pl.BlockSpec(memory_space=pltpu.SMEM),
    )(pos.reshape(r, DIM), neg.reshape(r, DIM))
    return out[0, 0]

# --- scband reference (transcript-rebuilt; emitter-appended) ---
"""Pipeline reference for scband-skipgram-neg-sampling-22290880266889 (READ-ONLY COPY).

The authoritative reference and input builder live on the scoring server;
editing this copy changes nothing except your own understanding.
"""

import jax, jax.numpy as jnp
import numpy as np

VOCAB = 100000
DIM = 128
B = 16384
K = 50


def setup_inputs(seed: int = 0) -> dict:
    key = jax.random.key(seed)
    k1, k2, k3, k4, k5 = jax.random.split(key, 5)
    center_words = jax.random.randint(k1, (B, 1), 0, VOCAB, dtype=jnp.int32)
    target_words = jax.random.randint(k2, (B, 1), 0, VOCAB, dtype=jnp.int32)
    negative_words = jax.random.randint(k3, (B, K), 0, VOCAB, dtype=jnp.int32)
    initrange = (2.0 / (VOCAB + DIM)) ** 0.5
    W_v = jax.random.uniform(k4, (VOCAB, DIM), minval=-initrange, maxval=initrange, dtype=jnp.float32)
    # torch code zero-inits embedding_u; use small random values so the math is non-degenerate
    W_u = jax.random.normal(k5, (VOCAB, DIM), dtype=jnp.float32) * 0.01
    return {"center_words": center_words, "target_words": target_words,
            "negative_words": negative_words, "W_v": W_v, "W_u": W_u}


def reference(center_words, target_words, negative_words, W_v, W_u):
    center_embeds = jnp.take(W_v, center_words, axis=0)            # [B, 1, d]
    target_embeds = jnp.take(W_u, target_words, axis=0)            # [B, 1, d]
    neg_embeds = -jnp.take(W_u, negative_words, axis=0)            # [B, K, d]
    center_t = jnp.swapaxes(center_embeds, 1, 2)                   # [B, d, 1]
    positive_score = jnp.matmul(target_embeds, center_t).squeeze(2)  # [B, 1]
    negative_score = jnp.sum(jnp.matmul(neg_embeds, center_t).squeeze(2), axis=1)
    negative_score = negative_score.reshape(negative_words.shape[0], -1)  # [B, 1]
    loss = jax.nn.log_sigmoid(positive_score) + jax.nn.log_sigmoid(negative_score)
    return -jnp.mean(loss)

if __name__ == "__main__":
    import jax
    _d = setup_inputs()
    print(jax.jit(kernel)(*tuple(_d.values())))

</pallas_src>

<mosaic_0001>
#map = affine_map<(d0, d1) -> (0)>
#map1 = affine_map<(d0, d1) -> (0, 0)>
module attributes {stable_mosaic.version = 14 : i64} {
  func.func @sc_kernel(%arg0: i32, %arg1: i32, %arg2: memref<16384xi32, #tpu.memory_space<hbm>>, %arg3: memref<16384xi32, #tpu.memory_space<hbm>>, %arg4: memref<819200xi32, #tpu.memory_space<hbm>>, %arg5: memref<100000x128xf32, #tpu.memory_space<hbm>>, %arg6: memref<100000x128xf32, #tpu.memory_space<hbm>>, %arg7: memref<262144xf32, #tpu.memory_space<hbm>>, %arg8: memref<262144xf32, #tpu.memory_space<hbm>>, %arg9: memref<8x128xf32, #tpu.memory_space<vmem>>, %arg10: memref<8x128xf32, #tpu.memory_space<vmem>>, %arg11: memref<8xi32, #tpu.memory_space<vmem>>, %arg12: memref<8xi32, #tpu.memory_space<vmem>>, %arg13: memref<!tpu.dma_semaphore, #tpu.memory_space<semaphore_mem>>, %arg14: memref<!tpu.dma_semaphore, #tpu.memory_space<semaphore_mem>>, %arg15: memref<400x128xf32, #tpu.memory_space<vmem>>, %arg16: memref<400x128xf32, #tpu.memory_space<vmem>>, %arg17: memref<8192xf32, #tpu.memory_space<vmem>>, %arg18: memref<400xi32, #tpu.memory_space<vmem>>, %arg19: memref<400xi32, #tpu.memory_space<vmem>>, %arg20: memref<8192xf32, #tpu.memory_space<vmem>>, %arg21: memref<!tpu.dma_semaphore, #tpu.memory_space<semaphore_mem>>, %arg22: memref<!tpu.dma_semaphore, #tpu.memory_space<semaphore_mem>>, %arg23: memref<8x128xf32, #tpu.memory_space<vmem>>, %arg24: memref<8x128xf32, #tpu.memory_space<vmem>>, %arg25: memref<8xi32, #tpu.memory_space<vmem>>, %arg26: memref<8xi32, #tpu.memory_space<vmem>>) attributes {dimension_semantics = [#tpu.dimension_semantics<core_parallel>, #tpu.dimension_semantics<subcore_parallel>], iteration_bounds = array<i64: 2, 16>, scalar_prefetch = 0 : i64, scratch_operands = 18 : i64, tpu.core_type = #tpu.core_type<sc_vector_subcore>, window_params = [{transform_indices = #map}, {transform_indices = #map}, {transform_indices = #map}, {transform_indices = #map1}, {transform_indices = #map1}, {transform_indices = #map}, {transform_indices = #map}]} {
    %mul3A = arith.constant 2 : i32
    %mul3A_0 = arith.muli %arg1, %mul3A : i32
    %add3A = arith.addi %mul3A_0, %arg0 : i32
    %mul3A_1 = arith.constant 512 : i32
    %mul3A_2 = arith.muli %add3A, %mul3A_1 : i32
    %add3A_3 = arith.constant 0 : i32
    %add3A_4 = arith.addi %mul3A_2, %add3A_3 : i32
    %mul3A_5 = arith.constant 50 : i32
    %mul3A_6 = arith.muli %add3A_4, %mul3A_5 : i32
    %dma_start3A = tpu.memref_slice %arg2[%add3A_4] : memref<16384xi32, #tpu.memory_space<hbm>> -> memref<8xi32, #tpu.memory_space<hbm>>
    %dma_start3A_7 = tpu.memref_slice %arg2[%add3A_4] : memref<16384xi32, #tpu.memory_space<hbm>> -> memref<8xi32, #tpu.memory_space<hbm>>
    tpu.enqueue_dma source(%dma_start3A_7 : memref<8xi32, #tpu.memory_space<hbm>>) target(%arg11 : memref<8xi32, #tpu.memory_space<vmem>>) target_semaphore(%arg13 : memref<!tpu.dma_semaphore, #tpu.memory_space<semaphore_mem>>)
    %dma_start3A_8 = tpu.memref_slice %arg3[%add3A_4] : memref<16384xi32, #tpu.memory_space<hbm>> -> memref<8xi32, #tpu.memory_space<hbm>>
    %dma_start3A_9 = tpu.memref_slice %arg3[%add3A_4] : memref<16384xi32, #tpu.memory_space<hbm>> -> memref<8xi32, #tpu.memory_space<hbm>>
    tpu.enqueue_dma source(%dma_start3A_9 : memref<8xi32, #tpu.memory_space<hbm>>) target(%arg25 : memref<8xi32, #tpu.memory_space<vmem>>) target_semaphore(%arg13 : memref<!tpu.dma_semaphore, #tpu.memory_space<semaphore_mem>>)
    %dma_start3A_10 = tpu.memref_slice %arg4[%mul3A_6] : memref<819200xi32, #tpu.memory_space<hbm>> -> memref<400xi32, #tpu.memory_space<hbm>>
    %dma_start3A_11 = tpu.memref_slice %arg4[%mul3A_6] : memref<819200xi32, #tpu.memory_space<hbm>> -> memref<400xi32, #tpu.memory_space<hbm>>
    tpu.enqueue_dma source(%dma_start3A_11 : memref<400xi32, #tpu.memory_space<hbm>>) target(%arg18 : memref<400xi32, #tpu.memory_space<vmem>>) target_semaphore(%arg13 : memref<!tpu.dma_semaphore, #tpu.memory_space<semaphore_mem>>)
    %add3A_12 = arith.constant 0 : i32
    %add3A_13 = arith.addi %mul3A_2, %add3A_12 : i32
    %mul3A_14 = arith.constant 50 : i32
    %mul3A_15 = arith.muli %add3A_13, %mul3A_14 : i32
    %dma_wait3A = tpu.memref_slice %arg2[%add3A_13] : memref<16384xi32, #tpu.memory_space<hbm>> -> memref<8xi32, #tpu.memory_space<hbm>>
    %dma_wait3A_16 = tpu.memref_slice %arg2[%add3A_13] : memref<16384xi32, #tpu.memory_space<hbm>> -> memref<8xi32, #tpu.memory_space<hbm>>
    tpu.wait_dma2 semaphore(%arg13 : memref<!tpu.dma_semaphore, #tpu.memory_space<semaphore_mem>>) src(%dma_wait3A_16 : memref<8xi32, #tpu.memory_space<hbm>>) dst(%arg11 : memref<8xi32, #tpu.memory_space<vmem>>)
    %dma_wait3A_17 = tpu.memref_slice %arg3[%add3A_13] : memref<16384xi32, #tpu.memory_space<hbm>> -> memref<8xi32, #tpu.memory_space<hbm>>
    %dma_wait3A_18 = tpu.memref_slice %arg3[%add3A_13] : memref<16384xi32, #tpu.memory_space<hbm>> -> memref<8xi32, #tpu.memory_space<hbm>>
    tpu.wait_dma2 semaphore(%arg13 : memref<!tpu.dma_semaphore, #tpu.memory_space<semaphore_mem>>) src(%dma_wait3A_18 : memref<8xi32, #tpu.memory_space<hbm>>) dst(%arg25 : memref<8xi32, #tpu.memory_space<vmem>>)
    %dma_wait3A_19 = tpu.memref_slice %arg4[%mul3A_15] : memref<819200xi32, #tpu.memory_space<hbm>> -> memref<400xi32, #tpu.memory_space<hbm>>
    %dma_wait3A_20 = tpu.memref_slice %arg4[%mul3A_15] : memref<819200xi32, #tpu.memory_space<hbm>> -> memref<400xi32, #tpu.memory_space<hbm>>
    tpu.wait_dma2 semaphore(%arg13 : memref<!tpu.dma_semaphore, #tpu.memory_space<semaphore_mem>>) src(%dma_wait3A_20 : memref<400xi32, #tpu.memory_space<hbm>>) dst(%arg18 : memref<400xi32, #tpu.memory_space<vmem>>)
    %dma_start3A_21 = arith.constant 0 : i32
    %dma_start3A_22 = arith.constant 0 : i32
    %dma_start3A_23 = tpu.memref_slice %arg5[%dma_start3A_21, %dma_start3A_22] : memref<100000x128xf32, #tpu.memory_space<hbm>> -> memref<100000x128xf32, #tpu.memory_space<hbm>>
    tpu.enqueue_indirect_dma source(%dma_start3A_23 : memref<100000x128xf32, #tpu.memory_space<hbm>>) target(%arg9 : memref<8x128xf32, #tpu.memory_space<vmem>>) offsets(%arg11 : memref<8xi32, #tpu.memory_space<vmem>>) semaphore(%arg21 : memref<!tpu.dma_semaphore, #tpu.memory_space<semaphore_mem>>)
    %dma_start3A_24 = arith.constant 0 : i32
    %dma_start3A_25 = arith.constant 0 : i32
    %dma_start3A_26 = tpu.memref_slice %arg6[%dma_start3A_24, %dma_start3A_25] : memref<100000x128xf32, #tpu.memory_space<hbm>> -> memref<100000x128xf32, #tpu.memory_space<hbm>>
    tpu.enqueue_indirect_dma source(%dma_start3A_26 : memref<100000x128xf32, #tpu.memory_space<hbm>>) target(%arg23 : memref<8x128xf32, #tpu.memory_space<vmem>>) offsets(%arg25 : memref<8xi32, #tpu.memory_space<vmem>>) semaphore(%arg21 : memref<!tpu.dma_semaphore, #tpu.memory_space<semaphore_mem>>)
    %dma_start3A_27 = arith.constant 0 : i32
    %dma_start3A_28 = arith.constant 0 : i32
    %dma_start3A_29 = tpu.memref_slice %arg15[%dma_start3A_27, %dma_start3A_28] : memref<400x128xf32, #tpu.memory_space<vmem>> -> memref<80x128xf32, #tpu.memory_space<vmem>>
    %dma_start3A_30 = arith.constant 0 : i32
    %dma_start3A_31 = tpu.memref_slice %arg18[%dma_start3A_30] : memref<400xi32, #tpu.memory_space<vmem>> -> memref<80xi32, #tpu.memory_space<vmem>>
    %dma_start3A_32 = arith.constant 0 : i32
    %dma_start3A_33 = arith.constant 0 : i32
    %dma_start3A_34 = tpu.memref_slice %arg6[%dma_start3A_32, %dma_start3A_33] : memref<100000x128xf32, #tpu.memory_space<hbm>> -> memref<100000x128xf32, #tpu.memory_space<hbm>>
    tpu.enqueue_indirect_dma source(%dma_start3A_34 : memref<100000x128xf32, #tpu.memory_space<hbm>>) target(%dma_start3A_29 : memref<80x128xf32, #tpu.memory_space<vmem>>) offsets(%dma_start3A_31 : memref<80xi32, #tpu.memory_space<vmem>>) semaphore(%arg21 : memref<!tpu.dma_semaphore, #tpu.memory_space<semaphore_mem>>)
    %dma_start3A_35 = arith.constant 80 : i32
    %dma_start3A_36 = arith.constant 0 : i32
    %dma_start3A_37 = tpu.memref_slice %arg15[%dma_start3A_35, %dma_start3A_36] : memref<400x128xf32, #tpu.memory_space<vmem>> -> memref<80x128xf32, #tpu.memory_space<vmem>>
    %dma_start3A_38 = arith.constant 80 : i32
    %dma_start3A_39 = tpu.memref_slice %arg18[%dma_start3A_38] : memref<400xi32, #tpu.memory_space<vmem>> -> memref<80xi32, #tpu.memory_space<vmem>>
    %dma_start3A_40 = arith.constant 0 : i32
    %dma_start3A_41 = arith.constant 0 : i32
    %dma_start3A_42 = tpu.memref_slice %arg6[%dma_start3A_40, %dma_start3A_41] : memref<100000x128xf32, #tpu.memory_space<hbm>> -> memref<100000x128xf32, #tpu.memory_space<hbm>>
    tpu.enqueue_indirect_dma source(%dma_start3A_42 : memref<100000x128xf32, #tpu.memory_space<hbm>>) target(%dma_start3A_37 : memref<80x128xf32, #tpu.memory_space<vmem>>) offsets(%dma_start3A_39 : memref<80xi32, #tpu.memory_space<vmem>>) semaphore(%arg21 : memref<!tpu.dma_semaphore, #tpu.memory_space<semaphore_mem>>)
    %dma_start3A_43 = arith.constant 160 : i32
    %dma_start3A_44 = arith.constant 0 : i32
    %dma_start3A_45 = tpu.memref_slice %arg15[%dma_start3A_43, %dma_start3A_44] : memref<400x128xf32, #tpu.memory_space<vmem>> -> memref<80x128xf32, #tpu.memory_space<vmem>>
    %dma_start3A_46 = arith.constant 160 : i32
    %dma_start3A_47 = tpu.memref_slice %arg18[%dma_start3A_46] : memref<400xi32, #tpu.memory_space<vmem>> -> memref<80xi32, #tpu.memory_space<vmem>>
    %dma_start3A_48 = arith.constant 0 : i32
    %dma_start3A_49 = arith.constant 0 : i32
    %dma_start3A_50 = tpu.memref_slice %arg6[%dma_start3A_48, %dma_start3A_49] : memref<100000x128xf32, #tpu.memory_space<hbm>> -> memref<100000x128xf32, #tpu.memory_space<hbm>>
    tpu.enqueue_indirect_dma source(%dma_start3A_50 : memref<100000x128xf32, #tpu.memory_space<hbm>>) target(%dma_start3A_45 : memref<80x128xf32, #tpu.memory_space<vmem>>) offsets(%dma_start3A_47 : memref<80xi32, #tpu.memory_space<vmem>>) semaphore(%arg21 : memref<!tpu.dma_semaphore, #tpu.memory_space<semaphore_mem>>)
    %dma_start3A_51 = arith.constant 240 : i32
    %dma_start3A_52 = arith.constant 0 : i32
    %dma_start3A_53 = tpu.memref_slice %arg15[%dma_start3A_51, %dma_start3A_52] : memref<400x128xf32, #tpu.memory_space<vmem>> -> memref<80x128xf32, #tpu.memory_space<vmem>>
    %dma_start3A_54 = arith.constant 240 : i32
    %dma_start3A_55 = tpu.memref_slice %arg18[%dma_start3A_54] : memref<400xi32, #tpu.memory_space<vmem>> -> memref<80xi32, #tpu.memory_space<vmem>>
    %dma_start3A_56 = arith.constant 0 : i32
    %dma_start3A_57 = arith.constant 0 : i32
    %dma_start3A_58 = tpu.memref_slice %arg6[%dma_start3A_56, %dma_start3A_57] : memref<100000x128xf32, #tpu.memory_space<hbm>> -> memref<100000x128xf32, #tpu.memory_space<hbm>>
    tpu.enqueue_indirect_dma source(%dma_start3A_58 : memref<100000x128xf32, #tpu.memory_space<hbm>>) target(%dma_start3A_53 : memref<80x128xf32, #tpu.memory_space<vmem>>) offsets(%dma_start3A_55 : memref<80xi32, #tpu.memory_space<vmem>>) semaphore(%arg21 : memref<!tpu.dma_semaphore, #tpu.memory_space<semaphore_mem>>)
    %dma_start3A_59 = arith.constant 320 : i32
    %dma_start3A_60 = arith.constant 0 : i32
    %dma_start3A_61 = tpu.memref_slice %arg15[%dma_start3A_59, %dma_start3A_60] : memref<400x128xf32, #tpu.memory_space<vmem>> -> memref<80x128xf32, #tpu.memory_space<vmem>>
    %dma_start3A_62 = arith.constant 320 : i32
    %dma_start3A_63 = tpu.memref_slice %arg18[%dma_start3A_62] : memref<400xi32, #tpu.memory_space<vmem>> -> memref<80xi32, #tpu.memory_space<vmem>>
    %dma_start3A_64 = arith.constant 0 : i32
    %dma_start3A_65 = arith.constant 0 : i32
    %dma_start3A_66 = tpu.memref_slice %arg6[%dma_start3A_64, %dma_start3A_65] : memref<100000x128xf32, #tpu.memory_space<hbm>> -> memref<100000x128xf32, #tpu.memory_space<hbm>>
    tpu.enqueue_indirect_dma source(%dma_start3A_66 : memref<100000x128xf32, #tpu.memory_space<hbm>>) target(%dma_start3A_61 : memref<80x128xf32, #tpu.memory_space<vmem>>) offsets(%dma_start3A_63 : memref<80xi32, #tpu.memory_space<vmem>>) semaphore(%arg21 : memref<!tpu.dma_semaphore, #tpu.memory_space<semaphore_mem>>)
    %add3A_67 = arith.constant 8 : i32
    %add3A_68 = arith.addi %mul3A_2, %add3A_67 : i32
    %mul3A_69 = arith.constant 50 : i32
    %mul3A_70 = arith.muli %add3A_68, %mul3A_69 : i32
    %dma_start3A_71 = tpu.memref_slice %arg2[%add3A_68] : memref<16384xi32, #tpu.memory_space<hbm>> -> memref<8xi32, #tpu.memory_space<hbm>>
    %dma_start3A_72 = tpu.memref_slice %arg2[%add3A_68] : memref<16384xi32, #tpu.memory_space<hbm>> -> memref<8xi32, #tpu.memory_space<hbm>>
    tpu.enqueue_dma source(%dma_start3A_72 : memref<8xi32, #tpu.memory_space<hbm>>) target(%arg12 : memref<8xi32, #tpu.memory_space<vmem>>) target_semaphore(%arg14 : memref<!tpu.dma_semaphore, #tpu.memory_space<semaphore_mem>>)
    %dma_start3A_73 = tpu.memref_slice %arg3[%add3A_68] : memref<16384xi32, #tpu.memory_space<hbm>> -> memref<8xi32, #tpu.memory_space<hbm>>
    %dma_start3A_74 = tpu.memref_slice %arg3[%add3A_68] : memref<16384xi32, #tpu.memory_space<hbm>> -> memref<8xi32, #tpu.memory_space<hbm>>
    tpu.enqueue_dma source(%dma_start3A_74 : memref<8xi32, #tpu.memory_space<hbm>>) target(%arg26 : memref<8xi32, #tpu.memory_space<vmem>>) target_semaphore(%arg14 : memref<!tpu.dma_semaphore, #tpu.memory_space<semaphore_mem>>)
    %dma_start3A_75 = tpu.memref_slice %arg4[%mul3A_70] : memref<819200xi32, #tpu.memory_space<hbm>> -> memref<400xi32, #tpu.memory_space<hbm>>
    %dma_start3A_76 = tpu.memref_slice %arg4[%mul3A_70] : memref<819200xi32, #tpu.memory_space<hbm>> -> memref<400xi32, #tpu.memory_space<hbm>>
    tpu.enqueue_dma source(%dma_start3A_76 : memref<400xi32, #tpu.memory_space<hbm>>) target(%arg19 : memref<400xi32, #tpu.memory_space<vmem>>) target_semaphore(%arg14 : memref<!tpu.dma_semaphore, #tpu.memory_space<semaphore_mem>>)
    %add3A_77 = arith.constant 8 : i32
    %add3A_78 = arith.addi %mul3A_2, %add3A_77 : i32
    %mul3A_79 = arith.constant 50 : i32
    %mul3A_80 = arith.muli %add3A_78, %mul3A_79 : i32
    %dma_wait3A_81 = tpu.memref_slice %arg2[%add3A_78] : memref<16384xi32, #tpu.memory_space<hbm>> -> memref<8xi32, #tpu.memory_space<hbm>>
    %dma_wait3A_82 = tpu.memref_slice %arg2[%add3A_78] : memref<16384xi32, #tpu.memory_space<hbm>> -> memref<8xi32, #tpu.memory_space<hbm>>
    tpu.wait_dma2 semaphore(%arg14 : memref<!tpu.dma_semaphore, #tpu.memory_space<semaphore_mem>>) src(%dma_wait3A_82 : memref<8xi32, #tpu.memory_space<hbm>>) dst(%arg12 : memref<8xi32, #tpu.memory_space<vmem>>)
    %dma_wait3A_83 = tpu.memref_slice %arg3[%add3A_78] : memref<16384xi32, #tpu.memory_space<hbm>> -> memref<8xi32, #tpu.memory_space<hbm>>
    %dma_wait3A_84 = tpu.memref_slice %arg3[%add3A_78] : memref<16384xi32, #tpu.memory_space<hbm>> -> memref<8xi32, #tpu.memory_space<hbm>>
    tpu.wait_dma2 semaphore(%arg14 : memref<!tpu.dma_semaphore, #tpu.memory_space<semaphore_mem>>) src(%dma_wait3A_84 : memref<8xi32, #tpu.memory_space<hbm>>) dst(%arg26 : memref<8xi32, #tpu.memory_space<vmem>>)
    %dma_wait3A_85 = tpu.memref_slice %arg4[%mul3A_80] : memref<819200xi32, #tpu.memory_space<hbm>> -> memref<400xi32, #tpu.memory_space<hbm>>
    %dma_wait3A_86 = tpu.memref_slice %arg4[%mul3A_80] : memref<819200xi32, #tpu.memory_space<hbm>> -> memref<400xi32, #tpu.memory_space<hbm>>
    tpu.wait_dma2 semaphore(%arg14 : memref<!tpu.dma_semaphore, #tpu.memory_space<semaphore_mem>>) src(%dma_wait3A_86 : memref<400xi32, #tpu.memory_space<hbm>>) dst(%arg19 : memref<400xi32, #tpu.memory_space<vmem>>)
    %scan3A = arith.constant 0 : i32
    %scan3A_87 = arith.constant 32 : i32
    %scan3A_88 = arith.addi %scan3A, %scan3A_87 : i32
    %scan3A_89 = arith.constant 1 : i32
    scf.for %scan3A_95 = %scan3A to %scan3A_88 step %scan3A_89  : i32 {
      %mul3A_96 = arith.constant 2 : i32
      %mul3A_97 = arith.muli %scan3A_95, %mul3A_96 : i32
      %add3A_98 = arith.constant 0 : i32
      %add3A_99 = arith.addi %add3A_98, %mul3A_97 : i32
      %dma_start3A_100 = arith.constant 0 : i32
      %dma_start3A_101 = arith.constant 0 : i32
      %dma_start3A_102 = tpu.memref_slice %arg5[%dma_start3A_100, %dma_start3A_101] : memref<100000x128xf32, #tpu.memory_space<hbm>> -> memref<100000x128xf32, #tpu.memory_space<hbm>>
      tpu.enqueue_indirect_dma source(%dma_start3A_102 : memref<100000x128xf32, #tpu.memory_space<hbm>>) target(%arg10 : memref<8x128xf32, #tpu.memory_space<vmem>>) offsets(%arg12 : memref<8xi32, #tpu.memory_space<vmem>>) semaphore(%arg22 : memref<!tpu.dma_semaphore, #tpu.memory_space<semaphore_mem>>)
      %dma_start3A_103 = arith.constant 0 : i32
      %dma_start3A_104 = arith.constant 0 : i32
      %dma_start3A_105 = tpu.memref_slice %arg6[%dma_start3A_103, %dma_start3A_104] : memref<100000x128xf32, #tpu.memory_space<hbm>> -> memref<100000x128xf32, #tpu.memory_space<hbm>>
      tpu.enqueue_indirect_dma source(%dma_start3A_105 : memref<100000x128xf32, #tpu.memory_space<hbm>>) target(%arg24 : memref<8x128xf32, #tpu.memory_space<vmem>>) offsets(%arg26 : memref<8xi32, #tpu.memory_space<vmem>>) semaphore(%arg22 : memref<!tpu.dma_semaphore, #tpu.memory_space<semaphore_mem>>)
      %dma_start3A_106 = arith.constant 0 : i32
      %dma_start3A_107 = arith.constant 0 : i32
      %dma_start3A_108 = tpu.memref_slice %arg16[%dma_start3A_106, %dma_start3A_107] : memref<400x128xf32, #tpu.memory_space<vmem>> -> memref<80x128xf32, #tpu.memory_space<vmem>>
      %dma_start3A_109 = arith.constant 0 : i32
      %dma_start3A_110 = tpu.memref_slice %arg19[%dma_start3A_109] : memref<400xi32, #tpu.memory_space<vmem>> -> memref<80xi32, #tpu.memory_space<vmem>>
      %dma_start3A_111 = arith.constant 0 : i32
      %dma_start3A_112 = arith.constant 0 : i32
      %dma_start3A_113 = tpu.memref_slice %arg6[%dma_start3A_111, %dma_start3A_112] : memref<100000x128xf32, #tpu.memory_space<hbm>> -> memref<100000x128xf32, #tpu.memory_space<hbm>>
      tpu.enqueue_indirect_dma source(%dma_start3A_113 : memref<100000x128xf32, #tpu.memory_space<hbm>>) target(%dma_start3A_108 : memref<80x128xf32, #tpu.memory_space<vmem>>) offsets(%dma_start3A_110 : memref<80xi32, #tpu.memory_space<vmem>>) semaphore(%arg22 : memref<!tpu.dma_semaphore, #tpu.memory_space<semaphore_mem>>)
      %dma_start3A_114 = arith.constant 80 : i32
      %dma_start3A_115 = arith.constant 0 : i32
      %dma_start3A_116 = tpu.memref_slice %arg16[%dma_start3A_114, %dma_start3A_115] : memref<400x128xf32, #tpu.memory_space<vmem>> -> memref<80x128xf32, #tpu.memory_space<vmem>>
      %dma_start3A_117 = arith.constant 80 : i32
      %dma_start3A_118 = tpu.memref_slice %arg19[%dma_start3A_117] : memref<400xi32, #tpu.memory_space<vmem>> -> memref<80xi32, #tpu.memory_space<vmem>>
      %dma_start3A_119 = arith.constant 0 : i32
      %dma_start3A_120 = arith.constant 0 : i32
      %dma_start3A_121 = tpu.memref_slice %arg6[%dma_start3A_119, %dma_start3A_120] : memref<100000x128xf32, #tpu.memory_space<hbm>> -> memref<100000x128xf32, #tpu.memory_space<hbm>>
      tpu.enqueue_indirect_dma source(%dma_start3A_121 : memref<100000x128xf32, #tpu.memory_space<hbm>>) target(%dma_start3A_116 : memref<80x128xf32, #tpu.memory_space<vmem>>) offsets(%dma_start3A_118 : memref<80xi32, #tpu.memory_space<vmem>>) semaphore(%arg22 : memref<!tpu.dma_semaphore, #tpu.memory_space<semaphore_mem>>)
      %dma_start3A_122 = arith.constant 160 : i32
      %dma_start3A_123 = arith.constant 0 : i32
      %dma_start3A_124 = tpu.memref_slice %arg16[%dma_start3A_122, %dma_start3A_123] : memref<400x128xf32, #tpu.memory_space<vmem>> -> memref<80x128xf32, #tpu.memory_space<vmem>>
      %dma_start3A_125 = arith.constant 160 : i32
      %dma_start3A_126 = tpu.memref_slice %arg19[%dma_start3A_125] : memref<400xi32, #tpu.memory_space<vmem>> -> memref<80xi32, #tpu.memory_space<vmem>>
      %dma_start3A_127 = arith.constant 0 : i32
      %dma_start3A_128 = arith.constant 0 : i32
      %dma_start3A_129 = tpu.memref_slice %arg6[%dma_start3A_127, %dma_start3A_128] : memref<100000x128xf32, #tpu.memory_space<hbm>> -> memref<100000x128xf32, #tpu.memory_space<hbm>>
      tpu.enqueue_indirect_dma source(%dma_start3A_129 : memref<100000x128xf32, #tpu.memory_space<hbm>>) target(%dma_start3A_124 : memref<80x128xf32, #tpu.memory_space<vmem>>) offsets(%dma_start3A_126 : memref<80xi32, #tpu.memory_space<vmem>>) semaphore(%arg22 : memref<!tpu.dma_semaphore, #tpu.memory_space<semaphore_mem>>)
      %dma_start3A_130 = arith.constant 240 : i32
      %dma_start3A_131 = arith.constant 0 : i32
      %dma_start3A_132 = tpu.memref_slice %arg16[%dma_start3A_130, %dma_start3A_131] : memref<400x128xf32, #tpu.memory_space<vmem>> -> memref<80x128xf32, #tpu.memory_space<vmem>>
      %dma_start3A_133 = arith.constant 240 : i32
      %dma_start3A_134 = tpu.memref_slice %arg19[%dma_start3A_133] : memref<400xi32, #tpu.memory_space<vmem>> -> memref<80xi32, #tpu.memory_space<vmem>>
      %dma_start3A_135 = arith.constant 0 : i32
      %dma_start3A_136 = arith.constant 0 : i32
      %dma_start3A_137 = tpu.memref_slice %arg6[%dma_start3A_135, %dma_start3A_136] : memref<100000x128xf32, #tpu.memory_space<hbm>> -> memref<100000x128xf32, #tpu.memory_space<hbm>>
      tpu.enqueue_indirect_dma source(%dma_start3A_137 : memref<100000x128xf32, #tpu.memory_space<hbm>>) target(%dma_start3A_132 : memref<80x128xf32, #tpu.memory_space<vmem>>) offsets(%dma_start3A_134 : memref<80xi32, #tpu.memory_space<vmem>>) semaphore(%arg22 : memref<!tpu.dma_semaphore, #tpu.memory_space<semaphore_mem>>)
      %dma_start3A_138 = arith.constant 320 : i32
      %dma_start3A_139 = arith.constant 0 : i32
      %dma_start3A_140 = tpu.memref_slice %arg16[%dma_start3A_138, %dma_start3A_139] : memref<400x128xf32, #tpu.memory_space<vmem>> -> memref<80x128xf32, #tpu.memory_space<vmem>>
      %dma_start3A_141 = arith.constant 320 : i32
      %dma_start3A_142 = tpu.memref_slice %arg19[%dma_start3A_141] : memref<400xi32, #tpu.memory_space<vmem>> -> memref<80xi32, #tpu.memory_space<vmem>>
      %dma_start3A_143 = arith.constant 0 : i32
      %dma_start3A_144 = arith.constant 0 : i32
      %dma_start3A_145 = tpu.memref_slice %arg6[%dma_start3A_143, %dma_start3A_144] : memref<100000x128xf32, #tpu.memory_space<hbm>> -> memref<100000x128xf32, #tpu.memory_space<hbm>>
      tpu.enqueue_indirect_dma source(%dma_start3A_145 : memref<100000x128xf32, #tpu.memory_space<hbm>>) target(%dma_start3A_140 : memref<80x128xf32, #tpu.memory_space<vmem>>) offsets(%dma_start3A_142 : memref<80xi32, #tpu.memory_space<vmem>>) semaphore(%arg22 : memref<!tpu.dma_semaphore, #tpu.memory_space<semaphore_mem>>)
      %dma_wait3A_146 = arith.constant 0 : i32
      %dma_wait3A_147 = arith.constant 0 : i32
      %dma_wait3A_148 = tpu.memref_slice %arg5[%dma_wait3A_146, %dma_wait3A_147] : memref<100000x128xf32, #tpu.memory_space<hbm>> -> memref<100000x128xf32, #tpu.memory_space<hbm>>
      tpu.wait_indirect_dma semaphore(%arg21 : memref<!tpu.dma_semaphore, #tpu.memory_space<semaphore_mem>>) src(%dma_wait3A_148 : memref<100000x128xf32, #tpu.memory_space<hbm>>) dst(%arg9 : memref<8x128xf32, #tpu.memory_space<vmem>>)
      %dma_wait3A_149 = arith.constant 0 : i32
      %dma_wait3A_150 = arith.constant 0 : i32
      %dma_wait3A_151 = tpu.memref_slice %arg6[%dma_wait3A_149, %dma_wait3A_150] : memref<100000x128xf32, #tpu.memory_space<hbm>> -> memref<100000x128xf32, #tpu.memory_space<hbm>>
      tpu.wait_indirect_dma semaphore(%arg21 : memref<!tpu.dma_semaphore, #tpu.memory_space<semaphore_mem>>) src(%dma_wait3A_151 : memref<100000x128xf32, #tpu.memory_space<hbm>>) dst(%arg23 : memref<8x128xf32, #tpu.memory_space<vmem>>)
      %dma_wait3A_152 = arith.constant 0 : i32
      %dma_wait3A_153 = arith.constant 0 : i32
      %dma_wait3A_154 = tpu.memref_slice %arg15[%dma_wait3A_152, %dma_wait3A_153] : memref<400x128xf32, #tpu.memory_space<vmem>> -> memref<80x128xf32, #tpu.memory_space<vmem>>
      %dma_wait3A_155 = arith.constant 0 : i32
      %dma_wait3A_156 = tpu.memref_slice %arg18[%dma_wait3A_155] : memref<400xi32, #tpu.memory_space<vmem>> -> memref<80xi32, #tpu.memory_space<vmem>>
      %dma_wait3A_157 = arith.constant 0 : i32
      %dma_wait3A_158 = arith.constant 0 : i32
      %dma_wait3A_159 = tpu.memref_slice %arg6[%dma_wait3A_157, %dma_wait3A_158] : memref<100000x128xf32, #tpu.memory_space<hbm>> -> memref<100000x128xf32, #tpu.memory_space<hbm>>
      tpu.wait_indirect_dma semaphore(%arg21 : memref<!tpu.dma_semaphore, #tpu.memory_space<semaphore_mem>>) src(%dma_wait3A_159 : memref<100000x128xf32, #tpu.memory_space<hbm>>) dst(%dma_wait3A_154 : memref<80x128xf32, #tpu.memory_space<vmem>>)
      %dma_wait3A_160 = arith.constant 80 : i32
      %dma_wait3A_161 = arith.constant 0 : i32
      %dma_wait3A_162 = tpu.memref_slice %arg15[%dma_wait3A_160, %dma_wait3A_161] : memref<400x128xf32, #tpu.memory_space<vmem>> -> memref<80x128xf32, #tpu.memory_space<vmem>>
      %dma_wait3A_163 = arith.constant 80 : i32
      %dma_wait3A_164 = tpu.memref_slice %arg18[%dma_wait3A_163] : memref<400xi32, #tpu.memory_space<vmem>> -> memref<80xi32, #tpu.memory_space<vmem>>
      %dma_wait3A_165 = arith.constant 0 : i32
      %dma_wait3A_166 = arith.constant 0 : i32
      %dma_wait3A_167 = tpu.memref_slice %arg6[%dma_wait3A_165, %dma_wait3A_166] : memref<100000x128xf32, #tpu.memory_space<hbm>> -> memref<100000x128xf32, #tpu.memory_space<hbm>>
      tpu.wait_indirect_dma semaphore(%arg21 : memref<!tpu.dma_semaphore, #tpu.memory_space<semaphore_mem>>) src(%dma_wait3A_167 : memref<100000x128xf32, #tpu.memory_space<hbm>>) dst(%dma_wait3A_162 : memref<80x128xf32, #tpu.memory_space<vmem>>)
      %dma_wait3A_168 = arith.constant 160 : i32
      %dma_wait3A_169 = arith.constant 0 : i32
      %dma_wait3A_170 = tpu.memref_slice %arg15[%dma_wait3A_168, %dma_wait3A_169] : memref<400x128xf32, #tpu.memory_space<vmem>> -> memref<80x128xf32, #tpu.memory_space<vmem>>
      %dma_wait3A_171 = arith.constant 160 : i32
      %dma_wait3A_172 = tpu.memref_slice %arg18[%dma_wait3A_171] : memref<400xi32, #tpu.memory_space<vmem>> -> memref<80xi32, #tpu.memory_space<vmem>>
      %dma_wait3A_173 = arith.constant 0 : i32
      %dma_wait3A_174 = arith.constant 0 : i32
      %dma_wait3A_175 = tpu.memref_slice %arg6[%dma_wait3A_173, %dma_wait3A_174] : memref<100000x128xf32, #tpu.memory_space<hbm>> -> memref<100000x128xf32, #tpu.memory_space<hbm>>
      tpu.wait_indirect_dma semaphore(%arg21 : memref<!tpu.dma_semaphore, #tpu.memory_space<semaphore_mem>>) src(%dma_wait3A_175 : memref<100000x128xf32, #tpu.memory_space<hbm>>) dst(%dma_wait3A_170 : memref<80x128xf32, #tpu.memory_space<vmem>>)
      %dma_wait3A_176 = arith.constant 240 : i32
      %dma_wait3A_177 = arith.constant 0 : i32
      %dma_wait3A_178 = tpu.memref_slice %arg15[%dma_wait3A_176, %dma_wait3A_177] : memref<400x128xf32, #tpu.memory_space<vmem>> -> memref<80x128xf32, #tpu.memory_space<vmem>>
      %dma_wait3A_179 = arith.constant 240 : i32
      %dma_wait3A_180 = tpu.memref_slice %arg18[%dma_wait3A_179] : memref<400xi32, #tpu.memory_space<vmem>> -> memref<80xi32, #tpu.memory_space<vmem>>
      %dma_wait3A_181 = arith.constant 0 : i32
      %dma_wait3A_182 = arith.constant 0 : i32
      %dma_wait3A_183 = tpu.memref_slice %arg6[%dma_wait3A_181, %dma_wait3A_182] : memref<100000x128xf32, #tpu.memory_space<hbm>> -> memref<100000x128xf32, #tpu.memory_space<hbm>>
      tpu.wait_indirect_dma semaphore(%arg21 : memref<!tpu.dma_semaphore, #tpu.memory_space<semaphore_mem>>) src(%dma_wait3A_183 : memref<100000x128xf32, #tpu.memory_space<hbm>>) dst(%dma_wait3A_178 : memref<80x128xf32, #tpu.memory_space<vmem>>)
      %dma_wait3A_184 = arith.constant 320 : i32
      %dma_wait3A_185 = arith.constant 0 : i32
      %dma_wait3A_186 = tpu.memref_slice %arg15[%dma_wait3A_184, %dma_wait3A_185] : memref<400x128xf32, #tpu.memory_space<vmem>> -> memref<80x128xf32, #tpu.memory_space<vmem>>
      %dma_wait3A_187 = arith.constant 320 : i32
      %dma_wait3A_188 = tpu.memref_slice %arg18[%dma_wait3A_187] : memref<400xi32, #tpu.memory_space<vmem>> -> memref<80xi32, #tpu.memory_space<vmem>>
      %dma_wait3A_189 = arith.constant 0 : i32
      %dma_wait3A_190 = arith.constant 0 : i32
      %dma_wait3A_191 = tpu.memref_slice %arg6[%dma_wait3A_189, %dma_wait3A_190] : memref<100000x128xf32, #tpu.memory_space<hbm>> -> memref<100000x128xf32, #tpu.memory_space<hbm>>
      tpu.wait_indirect_dma semaphore(%arg21 : memref<!tpu.dma_semaphore, #tpu.memory_space<semaphore_mem>>) src(%dma_wait3A_191 : memref<100000x128xf32, #tpu.memory_space<hbm>>) dst(%dma_wait3A_186 : memref<80x128xf32, #tpu.memory_space<vmem>>)
      %add3A_192 = arith.constant 2 : i32
      %add3A_193 = arith.addi %add3A_99, %add3A_192 : i32
      %lt3A = arith.constant 64 : i32
      %lt3A_194 = arith.cmpi slt, %add3A_193, %lt3A : i32
      %convert_element_type3A = arith.extui %lt3A_194 : i1 to i32
      %cond3A = arith.constant 0 : i32
      %cond3A_195 = arith.cmpi ne, %convert_element_type3A, %cond3A : i32
      scf.if %cond3A_195 {
        %add3A_2278 = arith.constant 2 : i32
        %add3A_2279 = arith.addi %add3A_99, %add3A_2278 : i32
        %mul3A_2280 = arith.constant 8 : i32
        %mul3A_2281 = arith.muli %add3A_2279, %mul3A_2280 : i32
        %add3A_2282 = arith.addi %mul3A_2, %mul3A_2281 : i32
        %mul3A_2283 = arith.constant 50 : i32
        %mul3A_2284 = arith.muli %add3A_2282, %mul3A_2283 : i32
        %dma_start3A_2285 = tpu.memref_slice %arg2[%add3A_2282] : memref<16384xi32, #tpu.memory_space<hbm>> -> memref<8xi32, #tpu.memory_space<hbm>>
        %dma_start3A_2286 = tpu.memref_slice %arg2[%add3A_2282] : memref<16384xi32, #tpu.memory_space<hbm>> -> memref<8xi32, #tpu.memory_space<hbm>>
        tpu.enqueue_dma source(%dma_start3A_2286 : memref<8xi32, #tpu.memory_space<hbm>>) target(%arg11 : memref<8xi32, #tpu.memory_space<vmem>>) target_semaphore(%arg13 : memref<!tpu.dma_semaphore, #tpu.memory_space<semaphore_mem>>)
        %dma_start3A_2287 = tpu.memref_slice %arg3[%add3A_2282] : memref<16384xi32, #tpu.memory_space<hbm>> -> memref<8xi32, #tpu.memory_space<hbm>>
        %dma_start3A_2288 = tpu.memref_slice %arg3[%add3A_2282] : memref<16384xi32, #tpu.memory_space<hbm>> -> memref<8xi32, #tpu.memory_space<hbm>>
        tpu.enqueue_dma source(%dma_start3A_2288 : memref<8xi32, #tpu.memory_space<hbm>>) target(%arg25 : memref<8xi32, #tpu.memory_space<vmem>>) target_semaphore(%arg13 : memref<!tpu.dma_semaphore, #tpu.memory_space<semaphore_mem>>)
        %dma_start3A_2289 = tpu.memref_slice %arg4[%mul3A_2284] : memref<819200xi32, #tpu.memory_space<hbm>> -> memref<400xi32, #tpu.memory_space<hbm>>
        %dma_start3A_2290 = tpu.memref_slice %arg4[%mul3A_2284] : memref<819200xi32, #tpu.memory_space<hbm>> -> memref<400xi32, #tpu.memory_space<hbm>>
        tpu.enqueue_dma source(%dma_start3A_2290 : memref<400xi32, #tpu.memory_space<hbm>>) target(%arg18 : memref<400xi32, #tpu.memory_space<vmem>>) target_semaphore(%arg13 : memref<!tpu.dma_semaphore, #tpu.memory_space<semaphore_mem>>)
      } else {
      }
      %get3A = arith.constant 0 : i32
      %get3A_196 = arith.index_cast %get3A : i32 to index
      %get3A_197 = arith.constant 0 : index
      %get3A_198 = tpu.vector_load %arg9[%get3A_196, %get3A_197] {strides = array<i32>} : memref<8x128xf32, #tpu.memory_space<vmem>>, vector<1x16xf32>,
      %get3A_199 = vector.shape_cast %get3A_198 : vector<1x16xf32> to vector<16xf32>
      %get3A_200 = arith.constant 0 : i32
      %get3A_201 = arith.index_cast %get3A_200 : i32 to index
      %get3A_202 = arith.constant 16 : index
      %get3A_203 = tpu.vector_load %arg9[%get3A_201, %get3A_202] {strides = array<i32>} : memref<8x128xf32, #tpu.memory_space<vmem>>, vector<1x16xf32>,
      %get3A_204 = vector.shape_cast %get3A_203 : vector<1x16xf32> to vector<16xf32>
      %get3A_205 = arith.constant 0 : i32
      %get3A_206 = arith.index_cast %get3A_205 : i32 to index
      %get3A_207 = arith.constant 32 : index
      %get3A_208 = tpu.vector_load %arg9[%get3A_206, %get3A_207] {strides = array<i32>} : memref<8x128xf32, #tpu.memory_space<vmem>>, vector<1x16xf32>,
      %get3A_209 = vector.shape_cast %get3A_208 : vector<1x16xf32> to vector<16xf32>
      %get3A_210 = arith.constant 0 : i32
      %get3A_211 = arith.index_cast %get3A_210 : i32 to index
      %get3A_212 = arith.constant 48 : index
      %get3A_213 = tpu.vector_load %arg9[%get3A_211, %get3A_212] {strides = array<i32>} : memref<8x128xf32, #tpu.memory_space<vmem>>, vector<1x16xf32>,
      %get3A_214 = vector.shape_cast %get3A_213 : vector<1x16xf32> to vector<16xf32>
      %get3A_215 = arith.constant 0 : i32
      %get3A_216 = arith.index_cast %get3A_215 : i32 to index
      %get3A_217 = arith.constant 64 : index
      %get3A_218 = tpu.vector_load %arg9[%get3A_216, %get3A_217] {strides = array<i32>} : memref<8x128xf32, #tpu.memory_space<vmem>>, vector<1x16xf32>,
      %get3A_219 = vector.shape_cast %get3A_218 : vector<1x16xf32> to vector<16xf32>
      %get3A_220 = arith.constant 0 : i32
      %get3A_221 = arith.index_cast %get3A_220 : i32 to index
      %get3A_222 = arith.constant 80 : index
      %get3A_223 = tpu.vector_load %arg9[%get3A_221, %get3A_222] {strides = array<i32>} : memref<8x128xf32, #tpu.memory_space<vmem>>, vector<1x16xf32>,
      %get3A_224 = vector.shape_cast %get3A_223 : vector<1x16xf32> to vector<16xf32>
      %get3A_225 = arith.constant 0 : i32
      %get3A_226 = arith.index_cast %get3A_225 : i32 to index
      %get3A_227 = arith.constant 96 : index
      %get3A_228 = tpu.vector_load %arg9[%get3A_226, %get3A_227] {strides = array<i32>} : memref<8x128xf32, #tpu.memory_space<vmem>>, vector<1x16xf32>,
      %get3A_229 = vector.shape_cast %get3A_228 : vector<1x16xf32> to vector<16xf32>
      %get3A_230 = arith.constant 0 : i32
      %get3A_231 = arith.index_cast %get3A_230 : i32 to index
      %get3A_232 = arith.constant 112 : index
      %get3A_233 = tpu.vector_load %arg9[%get3A_231, %get3A_232] {strides = array<i32>} : memref<8x128xf32, #tpu.memory_space<vmem>>, vector<1x16xf32>,
      %get3A_234 = vector.shape_cast %get3A_233 : vector<1x16xf32> to vector<16xf32>
      %get3A_235 = arith.constant 0 : i32
      %get3A_236 = arith.index_cast %get3A_235 : i32 to index
      %get3A_237 = arith.constant 0 : index
      %get3A_238 = tpu.vector_load %arg23[%get3A_236, %get3A_237] {strides = array<i32>} : memref<8x128xf32, #tpu.memory_space<vmem>>, vector<1x16xf32>,
      %get3A_239 = vector.shape_cast %get3A_238 : vector<1x16xf32> to vector<16xf32>
      %mul3A_240 = arith.mulf %get3A_239, %get3A_199 : vector<16xf32>
      %get3A_241 = arith.constant 0 : i32
      %get3A_242 = arith.index_cast %get3A_241 : i32 to index
      %get3A_243 = arith.constant 16 : index
      %get3A_244 = tpu.vector_load %arg23[%get3A_242, %get3A_243] {strides = array<i32>} : memref<8x128xf32, #tpu.memory_space<vmem>>, vector<1x16xf32>,
      %get3A_245 = vector.shape_cast %get3A_244 : vector<1x16xf32> to vector<16xf32>
      %mul3A_246 = arith.mulf %get3A_245, %get3A_204 : vector<16xf32>
      %add3A_247 = arith.addf %mul3A_240, %mul3A_246 : vector<16xf32>
      %get3A_248 = arith.constant 0 : i32
      %get3A_249 = arith.index_cast %get3A_248 : i32 to index
      %get3A_250 = arith.constant 32 : index
      %get3A_251 = tpu.vector_load %arg23[%get3A_249, %get3A_250] {strides = array<i32>} : memref<8x128xf32, #tpu.memory_space<vmem>>, vector<1x16xf32>,
      %get3A_252 = vector.shape_cast %get3A_251 : vector<1x16xf32> to vector<16xf32>
      %mul3A_253 = arith.mulf %get3A_252, %get3A_209 : vector<16xf32>
      %add3A_254 = arith.addf %add3A_247, %mul3A_253 : vector<16xf32>
      %get3A_255 = arith.constant 0 : i32
      %get3A_256 = arith.index_cast %get3A_255 : i32 to index
      %get3A_257 = arith.constant 48 : index
      %get3A_258 = tpu.vector_load %arg23[%get3A_256, %get3A_257] {strides = array<i32>} : memref<8x128xf32, #tpu.memory_space<vmem>>, vector<1x16xf32>,
      %get3A_259 = vector.shape_cast %get3A_258 : vector<1x16xf32> to vector<16xf32>
      %mul3A_260 = arith.mulf %get3A_259, %get3A_214 : vector<16xf32>
      %add3A_261 = arith.addf %add3A_254, %mul3A_260 : vector<16xf32>
      %get3A_262 = arith.constant 0 : i32
      %get3A_263 = arith.index_cast %get3A_262 : i32 to index
      %get3A_264 = arith.constant 64 : index
      %get3A_265 = tpu.vector_load %arg23[%get3A_263, %get3A_264] {strides = array<i32>} : memref<8x128xf32, #tpu.memory_space<vmem>>, vector<1x16xf32>,
      %get3A_266 = vector.shape_cast %get3A_265 : vector<1x16xf32> to vector<16xf32>
      %mul3A_267 = arith.mulf %get3A_266, %get3A_219 : vector<16xf32>
      %add3A_268 = arith.addf %add3A_261, %mul3A_267 : vector<16xf32>
      %get3A_269 = arith.constant 0 : i32
      %get3A_270 = arith.index_cast %get3A_269 : i32 to index
      %get3A_271 = arith.constant 80 : index
      %get3A_272 = tpu.vector_load %arg23[%get3A_270, %get3A_271] {strides = array<i32>} : memref<8x128xf32, #tpu.memory_space<vmem>>, vector<1x16xf32>,
      %get3A_273 = vector.shape_cast %get3A_272 : vector<1x16xf32> to vector<16xf32>
      %mul3A_274 = arith.mulf %get3A_273, %get3A_224 : vector<16xf32>
      %add3A_275 = arith.addf %add3A_268, %mul3A_274 : vector<16xf32>
      %get3A_276 = arith.constant 0 : i32
      %get3A_277 = arith.index_cast %get3A_276 : i32 to index
      %get3A_278 = arith.constant 96 : index
      %get3A_279 = tpu.vector_load %arg23[%get3A_277, %get3A_278] {strides = array<i32>} : memref<8x128xf32, #tpu.memory_space<vmem>>, vector<1x16xf32>,
      %get3A_280 = vector.shape_cast %get3A_279 : vector<1x16xf32> to vector<16xf32>
      %mul3A_281 = arith.mulf %get3A_280, %get3A_229 : vector<16xf32>
      %add3A_282 = arith.addf %add3A_275, %mul3A_281 : vector<16xf32>
      %get3A_283 = arith.constant 0 : i32
      %get3A_284 = arith.index_cast %get3A_283 : i32 to index
      %get3A_285 = arith.constant 112 : index
      %get3A_286 = tpu.vector_load %arg23[%get3A_284, %get3A_285] {strides = array<i32>} : memref<8x128xf32, #tpu.memory_space<vmem>>, vector<1x16xf32>,
      %get3A_287 = vector.shape_cast %get3A_286 : vector<1x16xf32> to vector<16xf32>
      %mul3A_288 = arith.mulf %get3A_287, %get3A_234 : vector<16xf32>
      %add3A_289 = arith.addf %add3A_282, %mul3A_288 : vector<16xf32>
      %broadcast_in_dim3A = arith.constant 0.000000e+00 : f32
      %broadcast_in_dim3A_290 = vector.broadcast %broadcast_in_dim3A : f32 to vector<16xf32>
      %scan3A_291 = arith.constant 0 : i32
      %scan3A_292 = arith.constant 50 : i32
      %scan3A_293 = arith.addi %scan3A_291, %scan3A_292 : i32
      %scan3A_294 = arith.constant 2 : i32
      %scan3A_295:8 = scf.for %scan3A_2278 = %scan3A_291 to %scan3A_293 step %scan3A_294 iter_args(%scan3A_2279 = %broadcast_in_dim3A_290, %scan3A_2280 = %broadcast_in_dim3A_290, %scan3A_2281 = %broadcast_in_dim3A_290, %scan3A_2282 = %broadcast_in_dim3A_290, %scan3A_2283 = %broadcast_in_dim3A_290, %scan3A_2284 = %broadcast_in_dim3A_290, %scan3A_2285 = %broadcast_in_dim3A_290, %scan3A_2286 = %broadcast_in_dim3A_290) -> (vector<16xf32>, vector<16xf32>, vector<16xf32>, vector<16xf32>, vector<16xf32>, vector<16xf32>, vector<16xf32>, vector<16xf32>)  : i32 {
        %add3A_2287 = arith.constant 0 : i32
        %add3A_2288 = arith.addi %add3A_2287, %scan3A_2278 : i32
        %get3A_2289 = arith.index_cast %add3A_2288 : i32 to index
        %get3A_2290 = arith.constant 0 : index
        %get3A_2291 = tpu.vector_load %arg15[%get3A_2289, %get3A_2290] {strides = array<i32>} : memref<400x128xf32, #tpu.memory_space<vmem>>, vector<1x16xf32>,
        %get3A_2292 = vector.shape_cast %get3A_2291 : vector<1x16xf32> to vector<16xf32>
        %mul3A_2293 = arith.mulf %get3A_2292, %get3A_199 : vector<16xf32>
        %add3A_2294 = arith.addf %scan3A_2279, %mul3A_2293 : vector<16xf32>
        %get3A_2295 = arith.index_cast %add3A_2288 : i32 to index
        %get3A_2296 = arith.constant 16 : index
        %get3A_2297 = tpu.vector_load %arg15[%get3A_2295, %get3A_2296] {strides = array<i32>} : memref<400x128xf32, #tpu.memory_space<vmem>>, vector<1x16xf32>,
        %get3A_2298 = vector.shape_cast %get3A_2297 : vector<1x16xf32> to vector<16xf32>
        %mul3A_2299 = arith.mulf %get3A_2298, %get3A_204 : vector<16xf32>
        %add3A_2300 = arith.addf %scan3A_2280, %mul3A_2299 : vector<16xf32>
        %get3A_2301 = arith.index_cast %add3A_2288 : i32 to index
        %get3A_2302 = arith.constant 32 : index
        %get3A_2303 = tpu.vector_load %arg15[%get3A_2301, %get3A_2302] {strides = array<i32>} : memref<400x128xf32, #tpu.memory_space<vmem>>, vector<1x16xf32>,
        %get3A_2304 = vector.shape_cast %get3A_2303 : vector<1x16xf32> to vector<16xf32>
        %mul3A_2305 = arith.mulf %get3A_2304, %get3A_209 : vector<16xf32>
        %add3A_2306 = arith.addf %scan3A_2281, %mul3A_2305 : vector<16xf32>
        %get3A_2307 = arith.index_cast %add3A_2288 : i32 to index
        %get3A_2308 = arith.constant 48 : index
        %get3A_2309 = tpu.vector_load %arg15[%get3A_2307, %get3A_2308] {strides = array<i32>} : memref<400x128xf32, #tpu.memory_space<vmem>>, vector<1x16xf32>,
        %get3A_2310 = vector.shape_cast %get3A_2309 : vector<1x16xf32> to vector<16xf32>
        %mul3A_2311 = arith.mulf %get3A_2310, %get3A_214 : vector<16xf32>
        %add3A_2312 = arith.addf %scan3A_2282, %mul3A_2311 : vector<16xf32>
        %get3A_2313 = arith.index_cast %add3A_2288 : i32 to index
        %get3A_2314 = arith.constant 64 : index
        %get3A_2315 = tpu.vector_load %arg15[%get3A_2313, %get3A_2314] {strides = array<i32>} : memref<400x128xf32, #tpu.memory_space<vmem>>, vector<1x16xf32>,
        %get3A_2316 = vector.shape_cast %get3A_2315 : vector<1x16xf32> to vector<16xf32>
        %mul3A_2317 = arith.mulf %get3A_2316, %get3A_219 : vector<16xf32>
        %add3A_2318 = arith.addf %scan3A_2283, %mul3A_2317 : vector<16xf32>
        %get3A_2319 = arith.index_cast %add3A_2288 : i32 to index
        %get3A_2320 = arith.constant 80 : index
        %get3A_2321 = tpu.vector_load %arg15[%get3A_2319, %get3A_2320] {strides = array<i32>} : memref<400x128xf32, #tpu.memory_space<vmem>>, vector<1x16xf32>,
        %get3A_2322 = vector.shape_cast %get3A_2321 : vector<1x16xf32> to vector<16xf32>
        %mul3A_2323 = arith.mulf %get3A_2322, %get3A_224 : vector<16xf32>
        %add3A_2324 = arith.addf %scan3A_2284, %mul3A_2323 : vector<16xf32>
        %get3A_2325 = arith.index_cast %add3A_2288 : i32 to index
        %get3A_2326 = arith.constant 96 : index
        %get3A_2327 = tpu.vector_load %arg15[%get3A_2325, %get3A_2326] {strides = array<i32>} : memref<400x128xf32, #tpu.memory_space<vmem>>, vector<1x16xf32>,
        %get3A_2328 = vector.shape_cast %get3A_2327 : vector<1x16xf32> to vector<16xf32>
        %mul3A_2329 = arith.mulf %get3A_2328, %get3A_229 : vector<16xf32>
        %add3A_2330 = arith.addf %scan3A_2285, %mul3A_2329 : vector<16xf32>
        %get3A_2331 = arith.index_cast %add3A_2288 : i32 to index
        %get3A_2332 = arith.constant 112 : index
        %get3A_2333 = tpu.vector_load %arg15[%get3A_2331, %get3A_2332] {strides = array<i32>} : memref<400x128xf32, #tpu.memory_space<vmem>>, vector<1x16xf32>,
        %get3A_2334 = vector.shape_cast %get3A_2333 : vector<1x16xf32> to vector<16xf32>
        %mul3A_2335 = arith.mulf %get3A_2334, %get3A_234 : vector<16xf32>
        %add3A_2336 = arith.addf %scan3A_2286, %mul3A_2335 : vector<16xf32>
        %scan3A_2337 = arith.constant 1 : i32
        %scan3A_2338 = arith.addi %scan3A_2278, %scan3A_2337 : i32
        %add3A_2339 = arith.constant 0 : i32
        %add3A_2340 = arith.addi %add3A_2339, %scan3A_2338 : i32
        %get3A_2341 = arith.index_cast %add3A_2340 : i32 to index
        %get3A_2342 = arith.constant 0 : index
        %get3A_2343 = tpu.vector_load %arg15[%get3A_2341, %get3A_2342] {strides = array<i32>} : memref<400x128xf32, #tpu.memory_space<vmem>>, vector<1x16xf32>,
        %get3A_2344 = vector.shape_cast %get3A_2343 : vector<1x16xf32> to vector<16xf32>
        %mul3A_2345 = arith.mulf %get3A_2344, %get3A_199 : vector<16xf32>
        %add3A_2346 = arith.addf %add3A_2294, %mul3A_2345 : vector<16xf32>
        %get3A_2347 = arith.index_cast %add3A_2340 : i32 to index
        %get3A_2348 = arith.constant 16 : index
        %get3A_2349 = tpu.vector_load %arg15[%get3A_2347, %get3A_2348] {strides = array<i32>} : memref<400x128xf32, #tpu.memory_space<vmem>>, vector<1x16xf32>,
        %get3A_2350 = vector.shape_cast %get3A_2349 : vector<1x16xf32> to vector<16xf32>
        %mul3A_2351 = arith.mulf %get3A_2350, %get3A_204 : vector<16xf32>
        %add3A_2352 = arith.addf %add3A_2300, %mul3A_2351 : vector<16xf32>
        %get3A_2353 = arith.index_cast %add3A_2340 : i32 to index
        %get3A_2354 = arith.constant 32 : index
        %get3A_2355 = tpu.vector_load %arg15[%get3A_2353, %get3A_2354] {strides = array<i32>} : memref<400x128xf32, #tpu.memory_space<vmem>>, vector<1x16xf32>,
        %get3A_2356 = vector.shape_cast %get3A_2355 : vector<1x16xf32> to vector<16xf32>
        %mul3A_2357 = arith.mulf %get3A_2356, %get3A_209 : vector<16xf32>
        %add3A_2358 = arith.addf %add3A_2306, %mul3A_2357 : vector<16xf32>
        %get3A_2359 = arith.index_cast %add3A_2340 : i32 to index
        %get3A_2360 = arith.constant 48 : index
        %get3A_2361 = tpu.vector_load %arg15[%get3A_2359, %get3A_2360] {strides = array<i32>} : memref<400x128xf32, #tpu.memory_space<vmem>>, vector<1x16xf32>,
        %get3A_2362 = vector.shape_cast %get3A_2361 : vector<1x16xf32> to vector<16xf32>
        %mul3A_2363 = arith.mulf %get3A_2362, %get3A_214 : vector<16xf32>
        %add3A_2364 = arith.addf %add3A_2312, %mul3A_2363 : vector<16xf32>
        %get3A_2365 = arith.index_cast %add3A_2340 : i32 to index
        %get3A_2366 = arith.constant 64 : index
        %get3A_2367 = tpu.vector_load %arg15[%get3A_2365, %get3A_2366] {strides = array<i32>} : memref<400x128xf32, #tpu.memory_space<vmem>>, vector<1x16xf32>,
        %get3A_2368 = vector.shape_cast %get3A_2367 : vector<1x16xf32> to vector<16xf32>
        %mul3A_2369 = arith.mulf %get3A_2368, %get3A_219 : vector<16xf32>
        %add3A_2370 = arith.addf %add3A_2318, %mul3A_2369 : vector<16xf32>
        %get3A_2371 = arith.index_cast %add3A_2340 : i32 to index
        %get3A_2372 = arith.constant 80 : index
        %get3A_2373 = tpu.vector_load %arg15[%get3A_2371, %get3A_2372] {strides = array<i32>} : memref<400x128xf32, #tpu.memory_space<vmem>>, vector<1x16xf32>,
        %get3A_2374 = vector.shape_cast %get3A_2373 : vector<1x16xf32> to vector<16xf32>
        %mul3A_2375 = arith.mulf %get3A_2374, %get3A_224 : vector<16xf32>
        %add3A_2376 = arith.addf %add3A_2324, %mul3A_2375 : vector<16xf32>
        %get3A_2377 = arith.index_cast %add3A_2340 : i32 to index
        %get3A_2378 = arith.constant 96 : index
        %get3A_2379 = tpu.vector_load %arg15[%get3A_2377, %get3A_2378] {strides = array<i32>} : memref<400x128xf32, #tpu.memory_space<vmem>>, vector<1x16xf32>,
        %get3A_2380 = vector.shape_cast %get3A_2379 : vector<1x16xf32> to vector<16xf32>
        %mul3A_2381 = arith.mulf %get3A_2380, %get3A_229 : vector<16xf32>
        %add3A_2382 = arith.addf %add3A_2330, %mul3A_2381 : vector<16xf32>
        %get3A_2383 = arith.index_cast %add3A_2340 : i32 to index
        %get3A_2384 = arith.constant 112 : index
        %get3A_2385 = tpu.vector_load %arg15[%get3A_2383, %get3A_2384] {strides = array<i32>} : memref<400x128xf32, #tpu.memory_space<vmem>>, vector<1x16xf32>,
        %get3A_2386 = vector.shape_cast %get3A_2385 : vector<1x16xf32> to vector<16xf32>
        %mul3A_2387 = arith.mulf %get3A_2386, %get3A_234 : vector<16xf32>
        %add3A_2388 = arith.addf %add3A_2336, %mul3A_2387 : vector<16xf32>
        scf.yield %add3A_2346, %add3A_2352, %add3A_2358, %add3A_2364, %add3A_2370, %add3A_2376, %add3A_2382, %add3A_2388 : vector<16xf32>, vector<16xf32>, vector<16xf32>, vector<16xf32>, vector<16xf32>, vector<16xf32>, vector<16xf32>, vector<16xf32>
      }
      %scan3A_296 = arith.constant 50 : i32
      %add3A_297 = arith.addf %scan3A_295#0, %scan3A_295#1 : vector<16xf32>
      %add3A_298 = arith.addf %add3A_297, %scan3A_295#2 : vector<16xf32>
      %add3A_299 = arith.addf %add3A_298, %scan3A_295#3 : vector<16xf32>
      %add3A_300 = arith.addf %add3A_299, %scan3A_295#4 : vector<16xf32>
      %add3A_301 = arith.addf %add3A_300, %scan3A_295#5 : vector<16xf32>
      %add3A_302 = arith.addf %add3A_301, %scan3A_295#6 : vector<16xf32>
      %add3A_303 = arith.addf %add3A_302, %scan3A_295#7 : vector<16xf32>
      %mul3A_304 = arith.constant 8 : i32
      %mul3A_305 = arith.muli %add3A_99, %mul3A_304 : i32
      %add3A_306 = arith.constant 0 : i32
      %add3A_307 = arith.addi %mul3A_305, %add3A_306 : i32
      %mul3A_308 = arith.constant 16 : i32
      %mul3A_309 = arith.muli %add3A_307, %mul3A_308 : i32
      %swap3A = arith.index_cast %mul3A_309 : i32 to index
      %swap3A_310 = tpu.vector_load %arg20[%swap3A] {strides = array<i32>} : memref<8192xf32, #tpu.memory_space<vmem>>, vector<16xf32>,
      %swap3A_311 = vector.shape_cast %swap3A_310 : vector<16xf32> to vector<16xf32>
      %swap3A_312 = vector.shape_cast %add3A_289 : vector<16xf32> to vector<16xf32>
      tpu.vector_store %arg20[%swap3A], %swap3A_312 {strides = array<i32>} : memref<8192xf32, #tpu.memory_space<vmem>>, vector<16xf32>,
      %mul3A_313 = arith.constant 16 : i32
      %mul3A_314 = arith.muli %add3A_307, %mul3A_313 : i32
      %swap3A_315 = arith.index_cast %mul3A_314 : i32 to index
      %swap3A_316 = tpu.vector_load %arg17[%swap3A_315] {strides = array<i32>} : memref<8192xf32, #tpu.memory_space<vmem>>, vector<16xf32>,
      %swap3A_317 = vector.shape_cast %swap3A_316 : vector<16xf32> to vector<16xf32>
      %swap3A_318 = vector.shape_cast %add3A_303 : vector<16xf32> to vector<16xf32>
      tpu.vector_store %arg17[%swap3A_315], %swap3A_318 {strides = array<i32>} : memref<8192xf32, #tpu.memory_space<vmem>>, vector<16xf32>,
      %get3A_319 = arith.constant 1 : i32
      %get3A_320 = arith.index_cast %get3A_319 : i32 to index
      %get3A_321 = arith.constant 0 : index
      %get3A_322 = tpu.vector_load %arg9[%get3A_320, %get3A_321] {strides = array<i32>} : memref<8x128xf32, #tpu.memory_space<vmem>>, vector<1x16xf32>,
      %get3A_323 = vector.shape_cast %get3A_322 : vector<1x16xf32> to vector<16xf32>
      %get3A_324 = arith.constant 1 : i32
      %get3A_325 = arith.index_cast %get3A_324 : i32 to index
      %get3A_326 = arith.constant 16 : index
      %get3A_327 = tpu.vector_load %arg9[%get3A_325, %get3A_326] {strides = array<i32>} : memref<8x128xf32, #tpu.memory_space<vmem>>, vector<1x16xf32>,
      %get3A_328 = vector.shape_cast %get3A_327 : vector<1x16xf32> to vector<16xf32>
      %get3A_329 = arith.constant 1 : i32
      %get3A_330 = arith.index_cast %get3A_329 : i32 to index
      %get3A_331 = arith.constant 32 : index
      %get3A_332 = tpu.vector_load %arg9[%get3A_330, %get3A_331] {strides = array<i32>} : memref<8x128xf32, #tpu.memory_space<vmem>>, vector<1x16xf32>,
      %get3A_333 = vector.shape_cast %get3A_332 : vector<1x16xf32> to vector<16xf32>
      %get3A_334 = arith.constant 1 : i32
      %get3A_335 = arith.index_cast %get3A_334 : i32 to index
      %get3A_336 = arith.constant 48 : index
      %get3A_337 = tpu.vector_load %arg9[%get3A_335, %get3A_336] {strides = array<i32>} : memref<8x128xf32, #tpu.memory_space<vmem>>, vector<1x16xf32>,
      %get3A_338 = vector.shape_cast %get3A_337 : vector<1x16xf32> to vector<16xf32>
      %get3A_339 = arith.constant 1 : i32
      %get3A_340 = arith.index_cast %get3A_339 : i32 to index
      %get3A_341 = arith.constant 64 : index
      %get3A_342 = tpu.vector_load %arg9[%get3A_340, %get3A_341] {strides = array<i32>} : memref<8x128xf32, #tpu.memory_space<vmem>>, vector<1x16xf32>,
      %get3A_343 = vector.shape_cast %get3A_342 : vector<1x16xf32> to vector<16xf32>
      %get3A_344 = arith.constant 1 : i32
      %get3A_345 = arith.index_cast %get3A_344 : i32 to index
      %get3A_346 = arith.constant 80 : index
      %get3A_347 = tpu.vector_load %arg9[%get3A_345, %get3A_346] {strides = array<i32>} : memref<8x128xf32, #tpu.memory_space<vmem>>, vector<1x16xf32>,
      %get3A_348 = vector.shape_cast %get3A_347 : vector<1x16xf32> to vector<16xf32>
      %get3A_349 = arith.constant 1 : i32
      %get3A_350 = arith.index_cast %get3A_349 : i32 to index
      %get3A_351 = arith.constant 96 : index
      %get3A_352 = tpu.vector_load %arg9[%get3A_350, %get3A_351] {strides = array<i32>} : memref<8x128xf32, #tpu.memory_space<vmem>>, vector<1x16xf32>,
      %get3A_353 = vector.shape_cast %get3A_352 : vector<1x16xf32> to vector<16xf32>
      %get3A_354 = arith.constant 1 : i32
      %get3A_355 = arith.index_cast %get3A_354 : i32 to index
      %get3A_356 = arith.constant 112 : index
      %get3A_357 = tpu.vector_load %arg9[%get3A_355, %get3A_356] {strides = array<i32>} : memref<8x128xf32, #tpu.memory_space<vmem>>, vector<1x16xf32>,
      %get3A_358 = vector.shape_cast %get3A_357 : vector<1x16xf32> to vector<16xf32>
      %get3A_359 = arith.constant 1 : i32
      %get3A_360 = arith.index_cast %get3A_359 : i32 to index
      %get3A_361 = arith.constant 0 : index
      %get3A_362 = tpu.vector_load %arg23[%get3A_360, %get3A_361] {strides = array<i32>} : memref<8x128xf32, #tpu.memory_space<vmem>>, vector<1x16xf32>,
      %get3A_363 = vector.shape_cast %get3A_362 : vector<1x16xf32> to vector<16xf32>
      %mul3A_364 = arith.mulf %get3A_363, %get3A_323 : vector<16xf32>
      %get3A_365 = arith.constant 1 : i32
      %get3A_366 = arith.index_cast %get3A_365 : i32 to index
      %get3A_367 = arith.constant 16 : index
      %get3A_368 = tpu.vector_load %arg23[%get3A_366, %get3A_367] {strides = array<i32>} : memref<8x128xf32, #tpu.memory_space<vmem>>, vector<1x16xf32>,
      %get3A_369 = vector.shape_cast %get3A_368 : vector<1x16xf32> to vector<16xf32>
      %mul3A_370 = arith.mulf %get3A_369, %get3A_328 : vector<16xf32>
      %add3A_371 = arith.addf %mul3A_364, %mul3A_370 : vector<16xf32>
      %get3A_372 = arith.constant 1 : i32
      %get3A_373 = arith.index_cast %get3A_372 : i32 to index
      %get3A_374 = arith.constant 32 : index
      %get3A_375 = tpu.vector_load %arg23[%get3A_373, %get3A_374] {strides = array<i32>} : memref<8x128xf32, #tpu.memory_space<vmem>>, vector<1x16xf32>,
      %get3A_376 = vector.shape_cast %get3A_375 : vector<1x16xf32> to vector<16xf32>
      %mul3A_377 = arith.mulf %get3A_376, %get3A_333 : vector<16xf32>
      %add3A_378 = arith.addf %add3A_371, %mul3A_377 : vector<16xf32>
      %get3A_379 = arith.constant 1 : i32
      %get3A_380 = arith.index_cast %get3A_379 : i32 to index
      %get3A_381 = arith.constant 48 : index
      %get3A_382 = tpu.vector_load %arg23[%get3A_380, %get3A_381] {strides = array<i32>} : memref<8x128xf32, #tpu.memory_space<vmem>>, vector<1x16xf32>,
      %get3A_383 = vector.shape_cast %get3A_382 : vector<1x16xf32> to vector<16xf32>
      %mul3A_384 = arith.mulf %get3A_383, %get3A_338 : vector<16xf32>
      %add3A_385 = arith.addf %add3A_378, %mul3A_384 : vector<16xf32>
      %get3A_386 = arith.constant 1 : i32
      %get3A_387 = arith.index_cast %get3A_386 : i32 to index
      %get3A_388 = arith.constant 64 : index
      %get3A_389 = tpu.vector_load %arg23[%get3A_387, %get3A_388] {strides = array<i32>} : memref<8x128xf32, #tpu.memory_space<vmem>>, vector<1x16xf32>,
      %get3A_390 = vector.shape_cast %get3A_389 : vector<1x16xf32> to vector<16xf32>
      %mul3A_391 = arith.mulf %get3A_390, %get3A_343 : vector<16xf32>
      %add3A_392 = arith.addf %add3A_385, %mul3A_391 : vector<16xf32>
      %get3A_393 = arith.constant 1 : i32
      %get3A_394 = arith.index_cast %get3A_393 : i32 to index
      %get3A_395 = arith.constant 80 : index
      %get3A_396 = tpu.vector_load %arg23[%get3A_394, %get3A_395] {strides = array<i32>} : memref<8x128xf32, #tpu.memory_space<vmem>>, vector<1x16xf32>,
      %get3A_397 = vector.shape_cast %get3A_396 : vector<1x16xf32> to vector<16xf32>
      %mul3A_398 = arith.mulf %get3A_397, %get3A_348 : vector<16xf32>
      %add3A_399 = arith.addf %add3A_392, %mul3A_398 : vector<16xf32>
      %get3A_400 = arith.constant 1 : i32
      %get3A_401 = arith.index_cast %get3A_400 : i32 to index
      %get3A_402 = arith.constant 96 : index
      %get3A_403 = tpu.vector_load %arg23[%get3A_401, %get3A_402] {strides = array<i32>} : memref<8x128xf32, #tpu.memory_space<vmem>>, vector<1x16xf32>,
      %get3A_404 = vector.shape_cast %get3A_403 : vector<1x16xf32> to vector<16xf32>
      %mul3A_405 = arith.mulf %get3A_404, %get3A_353 : vector<16xf32>
      %add3A_406 = arith.addf %add3A_399, %mul3A_405 : vector<16xf32>
      %get3A_407 = arith.constant 1 : i32
      %get3A_408 = arith.index_cast %get3A_407 : i32 to index
      %get3A_409 = arith.constant 112 : index
      %get3A_410 = tpu.vector_load %arg23[%get3A_408, %get3A_409] {strides = array<i32>} : memref<8x128xf32, #tpu.memory_space<vmem>>, vector<1x16xf32>,
      %get3A_411 = vector.shape_cast %get3A_410 : vector<1x16xf32> to vector<16xf32>
      %mul3A_412 = arith.mulf %get3A_411, %get3A_358 : vector<16xf32>
      %add3A_413 = arith.addf %add3A_406, %mul3A_412 : vector<16xf32>
      %broadcast_in_dim3A_414 = arith.constant 0.000000e+00 : f32
      %broadcast_in_dim3A_415 = vector.broadcast %broadcast_in_dim3A_414 : f32 to vector<16xf32>
      %scan3A_416 = arith.constant 0 : i32
      %scan3A_417 = arith.constant 50 : i32
      %scan3A_418 = arith.addi %scan3A_416, %scan3A_417 : i32
      %scan3A_419 = arith.constant 2 : i32
      %scan3A_420:8 = scf.for %scan3A_2278 = %scan3A_416 to %scan3A_418 step %scan3A_419 iter_args(%scan3A_2279 = %broadcast_in_dim3A_415, %scan3A_2280 = %broadcast_in_dim3A_415, %scan3A_2281 = %broadcast_in_dim3A_415, %scan3A_2282 = %broadcast_in_dim3A_415, %scan3A_2283 = %broadcast_in_dim3A_415, %scan3A_2284 = %broadcast_in_dim3A_415, %scan3A_2285 = %broadcast_in_dim3A_415, %scan3A_2286 = %broadcast_in_dim3A_415) -> (vector<16xf32>, vector<16xf32>, vector<16xf32>, vector<16xf32>, vector<16xf32>, vector<16xf32>, vector<16xf32>, vector<16xf32>)  : i32 {
        %add3A_2287 = arith.constant 50 : i32
        %add3A_2288 = arith.addi %add3A_2287, %scan3A_2278 : i32
        %get3A_2289 = arith.index_cast %add3A_2288 : i32 to index
        %get3A_2290 = arith.constant 0 : index
        %get3A_2291 = tpu.vector_load %arg15[%get3A_2289, %get3A_2290] {strides = array<i32>} : memref<400x128xf32, #tpu.memory_space<vmem>>, vector<1x16xf32>,
        %get3A_2292 = vector.shape_cast %get3A_2291 : vector<1x16xf32> to vector<16xf32>
        %mul3A_2293 = arith.mulf %get3A_2292, %get3A_323 : vector<16xf32>
        %add3A_2294 = arith.addf %scan3A_2279, %mul3A_2293 : vector<16xf32>
        %get3A_2295 = arith.index_cast %add3A_2288 : i32 to index
        %get3A_2296 = arith.constant 16 : index
        %get3A_2297 = tpu.vector_load %arg15[%get3A_2295, %get3A_2296] {strides = array<i32>} : memref<400x128xf32, #tpu.memory_space<vmem>>, vector<1x16xf32>,
        %get3A_2298 = vector.shape_cast %get3A_2297 : vector<1x16xf32> to vector<16xf32>
        %mul3A_2299 = arith.mulf %get3A_2298, %get3A_328 : vector<16xf32>
        %add3A_2300 = arith.addf %scan3A_2280, %mul3A_2299 : vector<16xf32>
        %get3A_2301 = arith.index_cast %add3A_2288 : i32 to index
        %get3A_2302 = arith.constant 32 : index
        %get3A_2303 = tpu.vector_load %arg15[%get3A_2301, %get3A_2302] {strides = array<i32>} : memref<400x128xf32, #tpu.memory_space<vmem>>, vector<1x16xf32>,
        %get3A_2304 = vector.shape_cast %get3A_2303 : vector<1x16xf32> to vector<16xf32>
        %mul3A_2305 = arith.mulf %get3A_2304, %get3A_333 : vector<16xf32>
        %add3A_2306 = arith.addf %scan3A_2281, %mul3A_2305 : vector<16xf32>
        %get3A_2307 = arith.index_cast %add3A_2288 : i32 to index
        %get3A_2308 = arith.constant 48 : index
        %get3A_2309 = tpu.vector_load %arg15[%get3A_2307, %get3A_2308] {strides = array<i32>} : memref<400x128xf32, #tpu.memory_space<vmem>>, vector<1x16xf32>,
        %get3A_2310 = vector.shape_cast %get3A_2309 : vector<1x16xf32> to vector<16xf32>
        %mul3A_2311 = arith.mulf %get3A_2310, %get3A_338 : vector<16xf32>
        %add3A_2312 = arith.addf %scan3A_2282, %mul3A_2311 : vector<16xf32>
        %get3A_2313 = arith.index_cast %add3A_2288 : i32 to index
        %get3A_2314 = arith.constant 64 : index
        %get3A_2315 = tpu.vector_load %arg15[%get3A_2313, %get3A_2314] {strides = array<i32>} : memref<400x128xf32, #tpu.memory_space<vmem>>, vector<1x16xf32>,
        %get3A_2316 = vector.shape_cast %get3A_2315 : vector<1x16xf32> to vector<16xf32>
        %mul3A_2317 = arith.mulf %get3A_2316, %get3A_343 : vector<16xf32>
        %add3A_2318 = arith.addf %scan3A_2283, %mul3A_2317 : vector<16xf32>
        %get3A_2319 = arith.index_cast %add3A_2288 : i32 to index
        %get3A_2320 = arith.constant 80 : index
        %get3A_2321 = tpu.vector_load %arg15[%get3A_2319, %get3A_2320] {strides = array<i32>} : memref<400x128xf32, #tpu.memory_space<vmem>>, vector<1x16xf32>,
        %get3A_2322 = vector.shape_cast %get3A_2321 : vector<1x16xf32> to vector<16xf32>
        %mul3A_2323 = arith.mulf %get3A_2322, %get3A_348 : vector<16xf32>
        %add3A_2324 = arith.addf %scan3A_2284, %mul3A_2323 : vector<16xf32>
        %get3A_2325 = arith.index_cast %add3A_2288 : i32 to index
        %get3A_2326 = arith.constant 96 : index
        %get3A_2327 = tpu.vector_load %arg15[%get3A_2325, %get3A_2326] {strides = array<i32>} : memref<400x128xf32, #tpu.memory_space<vmem>>, vector<1x16xf32>,
        %get3A_2328 = vector.shape_cast %get3A_2327 : vector<1x16xf32> to vector<16xf32>
        %mul3A_2329 = arith.mulf %get3A_2328, %get3A_353 : vector<16xf32>
        %add3A_2330 = arith.addf %scan3A_2285, %mul3A_2329 : vector<16xf32>
        %get3A_2331 = arith.index_cast %add3A_2288 : i32 to index
        %get3A_2332 = arith.constant 112 : index
        %get3A_2333 = tpu.vector_load %arg15[%get3A_2331, %get3A_2332] {strides = array<i32>} : memref<400x128xf32, #tpu.memory_space<vmem>>, vector<1x16xf32>,
        %get3A_2334 = vector.shape_cast %get3A_2333 : vector<1x16xf32> to vector<16xf32>
        %mul3A_2335 = arith.mulf %get3A_2334, %get3A_358 : vector<16xf32>
        %add3A_2336 = arith.addf %scan3A_2286, %mul3A_2335 : vector<16xf32>
        %scan3A_2337 = arith.constant 1 : i32
        %scan3A_2338 = arith.addi %scan3A_2278, %scan3A_2337 : i32
        %add3A_2339 = arith.constant 50 : i32
        %add3A_2340 = arith.addi %add3A_2339, %scan3A_2338 : i32
        %get3A_2341 = arith.index_cast %add3A_2340 : i32 to index
        %get3A_2342 = arith.constant 0 : index
        %get3A_2343 = tpu.vector_load %arg15[%get3A_2341, %get3A_2342] {strides = array<i32>} : memref<400x128xf32, #tpu.memory_space<vmem>>, vector<1x16xf32>,
        %get3A_2344 = vector.shape_cast %get3A_2343 : vector<1x16xf32> to vector<16xf32>
        %mul3A_2345 = arith.mulf %get3A_2344, %get3A_323 : vector<16xf32>
        %add3A_2346 = arith.addf %add3A_2294, %mul3A_2345 : vector<16xf32>
        %get3A_2347 = arith.index_cast %add3A_2340 : i32 to index
        %get3A_2348 = arith.constant 16 : index
        %get3A_2349 = tpu.vector_load %arg15[%get3A_2347, %get3A_2348] {strides = array<i32>} : memref<400x128xf32, #tpu.memory_space<vmem>>, vector<1x16xf32>,
        %get3A_2350 = vector.shape_cast %get3A_2349 : vector<1x16xf32> to vector<16xf32>
        %mul3A_2351 = arith.mulf %get3A_2350, %get3A_328 : vector<16xf32>
        %add3A_2352 = arith.addf %add3A_2300, %mul3A_2351 : vector<16xf32>
        %get3A_2353 = arith.index_cast %add3A_2340 : i32 to index
        %get3A_2354 = arith.constant 32 : index
        %get3A_2355 = tpu.vector_load %arg15[%get3A_2353, %get3A_2354] {strides = array<i32>} : memref<400x128xf32, #tpu.memory_space<vmem>>, vector<1x16xf32>,
        %get3A_2356 = vector.shape_cast %get3A_2355 : vector<1x16xf32> to vector<16xf32>
        %mul3A_2357 = arith.mulf %get3A_2356, %get3A_333 : vector<16xf32>
        %add3A_2358 = arith.addf %add3A_2306, %mul3A_2357 : vector<16xf32>
        %get3A_2359 = arith.index_cast %add3A_2340 : i32 to index
        %get3A_2360 = arith.constant 48 : index
        %get3A_2361 = tpu.vector_load %arg15[%get3A_2359, %get3A_2360] {strides = array<i32>} : memref<400x128xf32, #tpu.memory_space<vmem>>, vector<1x16xf32>,
        %get3A_2362 = vector.shape_cast %get3A_2361 : vector<1x16xf32> to vector<16xf32>
        %mul3A_2363 = arith.mulf %get3A_2362, %get3A_338 : vector<16xf32>
        %add3A_2364 = arith.addf %add3A_2312, %mul3A_2363 : vector<16xf32>
        %get3A_2365 = arith.index_cast %add3A_2340 : i32 to index
        %get3A_2366 = arith.constant 64 : index
        %get3A_2367 = tpu.vector_load %arg15[%get3A_2365, %get3A_2366] {strides = array<i32>} : memref<400x128xf32, #tpu.memory_space<vmem>>, vector<1x16xf32>,
        %get3A_2368 = vector.shape_cast %get3A_2367 : vector<1x16xf32> to vector<16xf32>
        %mul3A_2369 = arith.mulf %get3A_2368, %get3A_343 : vector<16xf32>
        %add3A_2370 = arith.addf %add3A_2318, %mul3A_2369 : vector<16xf32>
        %get3A_2371 = arith.index_cast %add3A_2340 : i32 to index
        %get3A_2372 = arith.constant 80 : index
        %get3A_2373 = tpu.vector_load %arg15[%get3A_2371, %get3A_2372] {strides = array<i32>} : memref<400x128xf32, #tpu.memory_space<vmem>>, vector<1x16xf32>,
        %get3A_2374 = vector.shape_cast %get3A_2373 : vector<1x16xf32> to vector<16xf32>
        %mul3A_2375 = arith.mulf %get3A_2374, %get3A_348 : vector<16xf32>
        %add3A_2376 = arith.addf %add3A_2324, %mul3A_2375 : vector<16xf32>
        %get3A_2377 = arith.index_cast %add3A_2340 : i32 to index
        %get3A_2378 = arith.constant 96 : index
        %get3A_2379 = tpu.vector_load %arg15[%get3A_2377, %get3A_2378] {strides = array<i32>} : memref<400x128xf32, #tpu.memory_space<vmem>>, vector<1x16xf32>,
        %get3A_2380 = vector.shape_cast %get3A_2379 : vector<1x16xf32> to vector<16xf32>
        %mul3A_2381 = arith.mulf %get3A_2380, %get3A_353 : vector<16xf32>
        %add3A_2382 = arith.addf %add3A_2330, %mul3A_2381 : vector<16xf32>
        %get3A_2383 = arith.index_cast %add3A_2340 : i32 to index
        %get3A_2384 = arith.constant 112 : index
        %get3A_2385 = tpu.vector_load %arg15[%get3A_2383, %get3A_2384] {strides = array<i32>} : memref<400x128xf32, #tpu.memory_space<vmem>>, vector<1x16xf32>,
        %get3A_2386 = vector.shape_cast %get3A_2385 : vector<1x16xf32> to vector<16xf32>
        %mul3A_2387 = arith.mulf %get3A_2386, %get3A_358 : vector<16xf32>
        %add3A_2388 = arith.addf %add3A_2336, %mul3A_2387 : vector<16xf32>
        scf.yield %add3A_2346, %add3A_2352, %add3A_2358, %add3A_2364, %add3A_2370, %add3A_2376, %add3A_2382, %add3A_2388 : vector<16xf32>, vector<16xf32>, vector<16xf32>, vector<16xf32>, vector<16xf32>, vector<16xf32>, vector<16xf32>, vector<16xf32>
      }
      %scan3A_421 = arith.constant 50 : i32
      %add3A_422 = arith.addf %scan3A_420#0, %scan3A_420#1 : vector<16xf32>
      %add3A_423 = arith.addf %add3A_422, %scan3A_420#2 : vector<16xf32>
      %add3A_424 = arith.addf %add3A_423, %scan3A_420#3 : vector<16xf32>
      %add3A_425 = arith.addf %add3A_424, %scan3A_420#4 : vector<16xf32>
      %add3A_426 = arith.addf %add3A_425, %scan3A_420#5 : vector<16xf32>
      %add3A_427 = arith.addf %add3A_426, %scan3A_420#6 : vector<16xf32>
      %add3A_428 = arith.addf %add3A_427, %scan3A_420#7 : vector<16xf32>
      %mul3A_429 = arith.constant 8 : i32
      %mul3A_430 = arith.muli %add3A_99, %mul3A_429 : i32
      %add3A_431 = arith.constant 1 : i32
      %add3A_432 = arith.addi %mul3A_430, %add3A_431 : i32
      %mul3A_433 = arith.constant 16 : i32
      %mul3A_434 = arith.muli %add3A_432, %mul3A_433 : i32
      %swap3A_435 = arith.index_cast %mul3A_434 : i32 to index
      %swap3A_436 = tpu.vector_load %arg20[%swap3A_435] {strides = array<i32>} : memref<8192xf32, #tpu.memory_space<vmem>>, vector<16xf32>,
      %swap3A_437 = vector.shape_cast %swap3A_436 : vector<16xf32> to vector<16xf32>
      %swap3A_438 = vector.shape_cast %add3A_413 : vector<16xf32> to vector<16xf32>
      tpu.vector_store %arg20[%swap3A_435], %swap3A_438 {strides = array<i32>} : memref<8192xf32, #tpu.memory_space<vmem>>, vector<16xf32>,
      %mul3A_439 = arith.constant 16 : i32
      %mul3A_440 = arith.muli %add3A_432, %mul3A_439 : i32
      %swap3A_441 = arith.index_cast %mul3A_440 : i32 to index
      %swap3A_442 = tpu.vector_load %arg17[%swap3A_441] {strides = array<i32>} : memref<8192xf32, #tpu.memory_space<vmem>>, vector<16xf32>,
      %swap3A_443 = vector.shape_cast %swap3A_442 : vector<16xf32> to vector<16xf32>
      %swap3A_444 = vector.shape_cast %add3A_428 : vector<16xf32> to vector<16xf32>
      tpu.vector_store %arg17[%swap3A_441], %swap3A_444 {strides = array<i32>} : memref<8192xf32, #tpu.memory_space<vmem>>, vector<16xf32>,
      %get3A_445 = arith.constant 2 : i32
      %get3A_446 = arith.index_cast %get3A_445 : i32 to index
      %get3A_447 = arith.constant 0 : index
      %get3A_448 = tpu.vector_load %arg9[%get3A_446, %get3A_447] {strides = array<i32>} : memref<8x128xf32, #tpu.memory_space<vmem>>, vector<1x16xf32>,
      %get3A_449 = vector.shape_cast %get3A_448 : vector<1x16xf32> to vector<16xf32>
      %get3A_450 = arith.constant 2 : i32
      %get3A_451 = arith.index_cast %get3A_450 : i32 to index
      %get3A_452 = arith.constant 16 : index
      %get3A_453 = tpu.vector_load %arg9[%get3A_451, %get3A_452] {strides = array<i32>} : memref<8x128xf32, #tpu.memory_space<vmem>>, vector<1x16xf32>,
      %get3A_454 = vector.shape_cast %get3A_453 : vector<1x16xf32> to vector<16xf32>
      %get3A_455 = arith.constant 2 : i32
      %get3A_456 = arith.index_cast %get3A_455 : i32 to index
      %get3A_457 = arith.constant 32 : index
      %get3A_458 = tpu.vector_load %arg9[%get3A_456, %get3A_457] {strides = array<i32>} : memref<8x128xf32, #tpu.memory_space<vmem>>, vector<1x16xf32>,
      %get3A_459 = vector.shape_cast %get3A_458 : vector<1x16xf32> to vector<16xf32>
      %get3A_460 = arith.constant 2 : i32
      %get3A_461 = arith.index_cast %get3A_460 : i32 to index
      %get3A_462 = arith.constant 48 : index
      %get3A_463 = tpu.vector_load %arg9[%get3A_461, %get3A_462] {strides = array<i32>} : memref<8x128xf32, #tpu.memory_space<vmem>>, vector<1x16xf32>,
      %get3A_464 = vector.shape_cast %get3A_463 : vector<1x16xf32> to vector<16xf32>
      %get3A_465 = arith.constant 2 : i32
      %get3A_466 = arith.index_cast %get3A_465 : i32 to index
      %get3A_467 = arith.constant 64 : index
      %get3A_468 = tpu.vector_load %arg9[%get3A_466, %get3A_467] {strides = array<i32>} : memref<8x128xf32, #tpu.memory_space<vmem>>, vector<1x16xf32>,
      %get3A_469 = vector.shape_cast %get3A_468 : vector<1x16xf32> to vector<16xf32>
      %get3A_470 = arith.constant 2 : i32
      %get3A_471 = arith.index_cast %get3A_470 : i32 to index
      %get3A_472 = arith.constant 80 : index
      %get3A_473 = tpu.vector_load %arg9[%get3A_471, %get3A_472] {strides = array<i32>} : memref<8x128xf32, #tpu.memory_space<vmem>>, vector<1x16xf32>,
      %get3A_474 = vector.shape_cast %get3A_473 : vector<1x16xf32> to vector<16xf32>
      %get3A_475 = arith.constant 2 : i32
      %get3A_476 = arith.index_cast %get3A_475 : i32 to index
      %get3A_477 = arith.constant 96 : index
      %get3A_478 = tpu.vector_load %arg9[%get3A_476, %get3A_477] {strides = array<i32>} : memref<8x128xf32, #tpu.memory_space<vmem>>, vector<1x16xf32>,
      %get3A_479 = vector.shape_cast %get3A_478 : vector<1x16xf32> to vector<16xf32>
      %get3A_480 = arith.constant 2 : i32
      %get3A_481 = arith.index_cast %get3A_480 : i32 to index
      %get3A_482 = arith.constant 112 : index
      %get3A_483 = tpu.vector_load %arg9[%get3A_481, %get3A_482] {strides = array<i32>} : memref<8x128xf32, #tpu.memory_space<vmem>>, vector<1x16xf32>,
      %get3A_484 = vector.shape_cast %get3A_483 : vector<1x16xf32> to vector<16xf32>
      %get3A_485 = arith.constant 2 : i32
      %get3A_486 = arith.index_cast %get3A_485 : i32 to index
      %get3A_487 = arith.constant 0 : index
      %get3A_488 = tpu.vector_load %arg23[%get3A_486, %get3A_487] {strides = array<i32>} : memref<8x128xf32, #tpu.memory_space<vmem>>, vector<1x16xf32>,
      %get3A_489 = vector.shape_cast %get3A_488 : vector<1x16xf32> to vector<16xf32>
      %mul3A_490 = arith.mulf %get3A_489, %get3A_449 : vector<16xf32>
      %get3A_491 = arith.constant 2 : i32
      %get3A_492 = arith.index_cast %get3A_491 : i32 to index
      %get3A_493 = arith.constant 16 : index
      %get3A_494 = tpu.vector_load %arg23[%get3A_492, %get3A_493] {strides = array<i32>} : memref<8x128xf32, #tpu.memory_space<vmem>>, vector<1x16xf32>,
      %get3A_495 = vector.shape_cast %get3A_494 : vector<1x16xf32> to vector<16xf32>
      %mul3A_496 = arith.mulf %get3A_495, %get3A_454 : vector<16xf32>
      %add3A_497 = arith.addf %mul3A_490, %mul3A_496 : vector<16xf32>
      %get3A_498 = arith.constant 2 : i32
      %get3A_499 = arith.index_cast %get3A_498 : i32 to index
      %get3A_500 = arith.constant 32 : index
      %get3A_501 = tpu.vector_load %arg23[%get3A_499, %get3A_500] {strides = array<i32>} : memref<8x128xf32, #tpu.memory_space<vmem>>, vector<1x16xf32>,
      %get3A_502 = vector.shape_cast %get3A_501 : vector<1x16xf32> to vector<16xf32>
      %mul3A_503 = arith.mulf %get3A_502, %get3A_459 : vector<16xf32>
      %add3A_504 = arith.addf %add3A_497, %mul3A_503 : vector<16xf32>
      %get3A_505 = arith.constant 2 : i32
      %get3A_506 = arith.index_cast %get3A_505 : i32 to index
      %get3A_507 = arith.constant 48 : index
      %get3A_508 = tpu.vector_load %arg23[%get3A_506, %get3A_507] {strides = array<i32>} : memref<8x128xf32, #tpu.memory_space<vmem>>, vector<1x16xf32>,
      %get3A_509 = vector.shape_cast %get3A_508 : vector<1x16xf32> to vector<16xf32>
      %mul3A_510 = arith.mulf %get3A_509, %get3A_464 : vector<16xf32>
      %add3A_511 = arith.addf %add3A_504, %mul3A_510 : vector<16xf32>
      %get3A_512 = arith.constant 2 : i32
      %get3A_513 = arith.index_cast %get3A_512 : i32 to index
      %get3A_514 = arith.constant 64 : index
      %get3A_515 = tpu.vector_load %arg23[%get3A_513, %get3A_514] {strides = array<i32>} : memref<8x128xf32, #tpu.memory_space<vmem>>, vector<1x16xf32>,
      %get3A_516 = vector.shape_cast %get3A_515 : vector<1x16xf32> to vector<16xf32>
      %mul3A_517 = arith.mulf %get3A_516, %get3A_469 : vector<16xf32>
      %add3A_518 = arith.addf %add3A_511, %mul3A_517 : vector<16xf32>
      %get3A_519 = arith.constant 2 : i32
      %get3A_520 = arith.index_cast %get3A_519 : i32 to index
      %get3A_521 = arith.constant 80 : index
      %get3A_522 = tpu.vector_load %arg23[%get3A_520, %get3A_521] {strides = array<i32>} : memref<8x128xf32, #tpu.memory_space<vmem>>, vector<1x16xf32>,
      %get3A_523 = vector.shape_cast %get3A_522 : vector<1x16xf32> to vector<16xf32>
      %mul3A_524 = arith.mulf %get3A_523, %get3A_474 : vector<16xf32>
      %add3A_525 = arith.addf %add3A_518, %mul3A_524 : vector<16xf32>
      %get3A_526 = arith.constant 2 : i32
      %get3A_527 = arith.index_cast %get3A_526 : i32 to index
      %get3A_528 = arith.constant 96 : index
      %get3A_529 = tpu.vector_load %arg23[%get3A_527, %get3A_528] {strides = array<i32>} : memref<8x128xf32, #tpu.memory_space<vmem>>, vector<1x16xf32>,
      %get3A_530 = vector.shape_cast %get3A_529 : vector<1x16xf32> to vector<16xf32>
      %mul3A_531 = arith.mulf %get3A_530, %get3A_479 : vector<16xf32>
      %add3A_532 = arith.addf %add3A_525, %mul3A_531 : vector<16xf32>
      %get3A_533 = arith.constant 2 : i32
      %get3A_534 = arith.index_cast %get3A_533 : i32 to index
      %get3A_535 = arith.constant 112 : index
      %get3A_536 = tpu.vector_load %arg23[%get3A_534, %get3A_535] {strides = array<i32>} : memref<8x128xf32, #tpu.memory_space<vmem>>, vector<1x16xf32>,
      %get3A_537 = vector.shape_cast %get3A_536 : vector<1x16xf32> to vector<16xf32>
      %mul3A_538 = arith.mulf %get3A_537, %get3A_484 : vector<16xf32>
      %add3A_539 = arith.addf %add3A_532, %mul3A_538 : vector<16xf32>
      %broadcast_in_dim3A_540 = arith.constant 0.000000e+00 : f32
      %broadcast_in_dim3A_541 = vector.broadcast %broadcast_in_dim3A_540 : f32 to vector<16xf32>
      %scan3A_542 = arith.constant 0 : i32
      %scan3A_543 = arith.constant 50 : i32
      %scan3A_544 = arith.addi %scan3A_542, %scan3A_543 : i32
      %scan3A_545 = arith.constant 2 : i32
      %scan3A_546:8 = scf.for %scan3A_2278 = %scan3A_542 to %scan3A_544 step %scan3A_545 iter_args(%scan3A_2279 = %broadcast_in_dim3A_541, %scan3A_2280 = %broadcast_in_dim3A_541, %scan3A_2281 = %broadcast_in_dim3A_541, %scan3A_2282 = %broadcast_in_dim3A_541, %scan3A_2283 = %broadcast_in_dim3A_541, %scan3A_2284 = %broadcast_in_dim3A_541, %scan3A_2285 = %broadcast_in_dim3A_541, %scan3A_2286 = %broadcast_in_dim3A_541) -> (vector<16xf32>, vector<16xf32>, vector<16xf32>, vector<16xf32>, vector<16xf32>, vector<16xf32>, vector<16xf32>, vector<16xf32>)  : i32 {
        %add3A_2287 = arith.constant 100 : i32
        %add3A_2288 = arith.addi %add3A_2287, %scan3A_2278 : i32
        %get3A_2289 = arith.index_cast %add3A_2288 : i32 to index
        %get3A_2290 = arith.constant 0 : index
        %get3A_2291 = tpu.vector_load %arg15[%get3A_2289, %get3A_2290] {strides = array<i32>} : memref<400x128xf32, #tpu.memory_space<vmem>>, vector<1x16xf32>,
        %get3A_2292 = vector.shape_cast %get3A_2291 : vector<1x16xf32> to vector<16xf32>
        %mul3A_2293 = arith.mulf %get3A_2292, %get3A_449 : vector<16xf32>
        %add3A_2294 = arith.addf %scan3A_2279, %mul3A_2293 : vector<16xf32>
        %get3A_2295 = arith.index_cast %add3A_2288 : i32 to index
        %get3A_2296 = arith.constant 16 : index
        %get3A_2297 = tpu.vector_load %arg15[%get3A_2295, %get3A_2296] {strides = array<i32>} : memref<400x128xf32, #tpu.memory_space<vmem>>, vector<1x16xf32>,
        %get3A_2298 = vector.shape_cast %get3A_2297 : vector<1x16xf32> to vector<16xf32>
        %mul3A_2299 = arith.mulf %get3A_2298, %get3A_454 : vector<16xf32>
        %add3A_2300 = arith.addf %scan3A_2280, %mul3A_2299 : vector<16xf32>
        %get3A_2301 = arith.index_cast %add3A_2288 : i32 to index
        %get3A_2302 = arith.constant 32 : index
        %get3A_2303 = tpu.vector_load %arg15[%get3A_2301, %get3A_2302] {strides = array<i32>} : memref<400x128xf32, #tpu.memory_space<vmem>>, vector<1x16xf32>,
        %get3A_2304 = vector.shape_cast %get3A_2303 : vector<1x16xf32> to vector<16xf32>
        %mul3A_2305 = arith.mulf %get3A_2304, %get3A_459 : vector<16xf32>
        %add3A_2306 = arith.addf %scan3A_2281, %mul3A_2305 : vector<16xf32>
        %get3A_2307 = arith.index_cast %add3A_2288 : i32 to index
        %get3A_2308 = arith.constant 48 : index
        %get3A_2309 = tpu.vector_load %arg15[%get3A_2307, %get3A_2308] {strides = array<i32>} : memref<400x128xf32, #tpu.memory_space<vmem>>, vector<1x16xf32>,
        %get3A_2310 = vector.shape_cast %get3A_2309 : vector<1x16xf32> to vector<16xf32>
        %mul3A_2311 = arith.mulf %get3A_2310, %get3A_464 : vector<16xf32>
        %add3A_2312 = arith.addf %scan3A_2282, %mul3A_2311 : vector<16xf32>
        %get3A_2313 = arith.index_cast %add3A_2288 : i32 to index
        %get3A_2314 = arith.constant 64 : index
        %get3A_2315 = tpu.vector_load %arg15[%get3A_2313, %get3A_2314] {strides = array<i32>} : memref<400x128xf32, #tpu.memory_space<vmem>>, vector<1x16xf32>,
        %get3A_2316 = vector.shape_cast %get3A_2315 : vector<1x16xf32> to vector<16xf32>
        %mul3A_2317 = arith.mulf %get3A_2316, %get3A_469 : vector<16xf32>
        %add3A_2318 = arith.addf %scan3A_2283, %mul3A_2317 : vector<16xf32>
        %get3A_2319 = arith.index_cast %add3A_2288 : i32 to index
        %get3A_2320 = arith.constant 80 : index
        %get3A_2321 = tpu.vector_load %arg15[%get3A_2319, %get3A_2320] {strides = array<i32>} : memref<400x128xf32, #tpu.memory_space<vmem>>, vector<1x16xf32>,
        %get3A_2322 = vector.shape_cast %get3A_2321 : vector<1x16xf32> to vector<16xf32>
        %mul3A_2323 = arith.mulf %get3A_2322, %get3A_474 : vector<16xf32>
        %add3A_2324 = arith.addf %scan3A_2284, %mul3A_2323 : vector<16xf32>
        %get3A_2325 = arith.index_cast %add3A_2288 : i32 to index
        %get3A_2326 = arith.constant 96 : index
        %get3A_2327 = tpu.vector_load %arg15[%get3A_2325, %get3A_2326] {strides = array<i32>} : memref<400x128xf32, #tpu.memory_space<vmem>>, vector<1x16xf32>,
        %get3A_2328 = vector.shape_cast %get3A_2327 : vector<1x16xf32> to vector<16xf32>
        %mul3A_2329 = arith.mulf %get3A_2328, %get3A_479 : vector<16xf32>
        %add3A_2330 = arith.addf %scan3A_2285, %mul3A_2329 : vector<16xf32>
        %get3A_2331 = arith.index_cast %add3A_2288 : i32 to index
        %get3A_2332 = arith.constant 112 : index
        %get3A_2333 = tpu.vector_load %arg15[%get3A_2331, %get3A_2332] {strides = array<i32>} : memref<400x128xf32, #tpu.memory_space<vmem>>, vector<1x16xf32>,
        %get3A_2334 = vector.shape_cast %get3A_2333 : vector<1x16xf32> to vector<16xf32>
        %mul3A_2335 = arith.mulf %get3A_2334, %get3A_484 : vector<16xf32>
        %add3A_2336 = arith.addf %scan3A_2286, %mul3A_2335 : vector<16xf32>
        %scan3A_2337 = arith.constant 1 : i32
        %scan3A_2338 = arith.addi %scan3A_2278, %scan3A_2337 : i32
        %add3A_2339 = arith.constant 100 : i32
        %add3A_2340 = arith.addi %add3A_2339, %scan3A_2338 : i32
        %get3A_2341 = arith.index_cast %add3A_2340 : i32 to index
        %get3A_2342 = arith.constant 0 : index
        %get3A_2343 = tpu.vector_load %arg15[%get3A_2341, %get3A_2342] {strides = array<i32>} : memref<400x128xf32, #tpu.memory_space<vmem>>, vector<1x16xf32>,
        %get3A_2344 = vector.shape_cast %get3A_2343 : vector<1x16xf32> to vector<16xf32>
        %mul3A_2345 = arith.mulf %get3A_2344, %get3A_449 : vector<16xf32>
        %add3A_2346 = arith.addf %add3A_2294, %mul3A_2345 : vector<16xf32>
        %get3A_2347 = arith.index_cast %add3A_2340 : i32 to index
        %get3A_2348 = arith.constant 16 : index
        %get3A_2349 = tpu.vector_load %arg15[%get3A_2347, %get3A_2348] {strides = array<i32>} : memref<400x128xf32, #tpu.memory_space<vmem>>, vector<1x16xf32>,
        %get3A_2350 = vector.shape_cast %get3A_2349 : vector<1x16xf32> to vector<16xf32>
        %mul3A_2351 = arith.mulf %get3A_2350, %get3A_454 : vector<16xf32>
        %add3A_2352 = arith.addf %add3A_2300, %mul3A_2351 : vector<16xf32>
        %get3A_2353 = arith.index_cast %add3A_2340 : i32 to index
        %get3A_2354 = arith.constant 32 : index
        %get3A_2355 = tpu.vector_load %arg15[%get3A_2353, %get3A_2354] {strides = array<i32>} : memref<400x128xf32, #tpu.memory_space<vmem>>, vector<1x16xf32>,
        %get3A_2356 = vector.shape_cast %get3A_2355 : vector<1x16xf32> to vector<16xf32>
        %mul3A_2357 = arith.mulf %get3A_2356, %get3A_459 : vector<16xf32>
        %add3A_2358 = arith.addf %add3A_2306, %mul3A_2357 : vector<16xf32>
        %get3A_2359 = arith.index_cast %add3A_2340 : i32 to index
        %get3A_2360 = arith.constant 48 : index
        %get3A_2361 = tpu.vector_load %arg15[%get3A_2359, %get3A_2360] {strides = array<i32>} : memref<400x128xf32, #tpu.memory_space<vmem>>, vector<1x16xf32>,
        %get3A_2362 = vector.shape_cast %get3A_2361 : vector<1x16xf32> to vector<16xf32>
        %mul3A_2363 = arith.mulf %get3A_2362, %get3A_464 : vector<16xf32>
        %add3A_2364 = arith.addf %add3A_2312, %mul3A_2363 : vector<16xf32>
        %get3A_2365 = arith.index_cast %add3A_2340 : i32 to index
        %get3A_2366 = arith.constant 64 : index
        %get3A_2367 = tpu.vector_load %arg15[%get3A_2365, %get3A_2366] {strides = array<i32>} : memref<400x128xf32, #tpu.memory_space<vmem>>, vector<1x16xf32>,
        %get3A_2368 = vector.shape_cast %get3A_2367 : vector<1x16xf32> to vector<16xf32>
        %mul3A_2369 = arith.mulf %get3A_2368, %get3A_469 : vector<16xf32>
        %add3A_2370 = arith.addf %add3A_2318, %mul3A_2369 : vector<16xf32>
        %get3A_2371 = arith.index_cast %add3A_2340 : i32 to index
        %get3A_2372 = arith.constant 80 : index
        %get3A_2373 = tpu.vector_load %arg15[%get3A_2371, %get3A_2372] {strides = array<i32>} : memref<400x128xf32, #tpu.memory_space<vmem>>, vector<1x16xf32>,
        %get3A_2374 = vector.shape_cast %get3A_2373 : vector<1x16xf32> to vector<16xf32>
        %mul3A_2375 = arith.mulf %get3A_2374, %get3A_474 : vector<16xf32>
        %add3A_2376 = arith.addf %add3A_2324, %mul3A_2375 : vector<16xf32>
        %get3A_2377 = arith.index_cast %add3A_2340 : i32 to index
        %get3A_2378 = arith.constant 96 : index
        %get3A_2379 = tpu.vector_load %arg15[%get3A_2377, %get3A_2378] {strides = array<i32>} : memref<400x128xf32, #tpu.memory_space<vmem>>, vector<1x16xf32>,
        %get3A_2380 = vector.shape_cast %get3A_2379 : vector<1x16xf32> to vector<16xf32>
        %mul3A_2381 = arith.mulf %get3A_2380, %get3A_479 : vector<16xf32>
        %add3A_2382 = arith.addf %add3A_2330, %mul3A_2381 : vector<16xf32>
        %get3A_2383 = arith.index_cast %add3A_2340 : i32 to index
        %get3A_2384 = arith.constant 112 : index
        %get3A_2385 = tpu.vector_load %arg15[%get3A_2383, %get3A_2384] {strides = array<i32>} : memref<400x128xf32, #tpu.memory_space<vmem>>, vector<1x16xf32>,
        %get3A_2386 = vector.shape_cast %get3A_2385 : vector<1x16xf32> to vector<16xf32>
        %mul3A_2387 = arith.mulf %get3A_2386, %get3A_484 : vector<16xf32>
        %add3A_2388 = arith.addf %add3A_2336, %mul3A_2387 : vector<16xf32>
        scf.yield %add3A_2346, %add3A_2352, %add3A_2358, %add3A_2364, %add3A_2370, %add3A_2376, %add3A_2382, %add3A_2388 : vector<16xf32>, vector<16xf32>, vector<16xf32>, vector<16xf32>, vector<16xf32>, vector<16xf32>, vector<16xf32>, vector<16xf32>
      }
      %scan3A_547 = arith.constant 50 : i32
      %add3A_548 = arith.addf %scan3A_546#0, %scan3A_546#1 : vector<16xf32>
      %add3A_549 = arith.addf %add3A_548, %scan3A_546#2 : vector<16xf32>
      %add3A_550 = arith.addf %add3A_549, %scan3A_546#3 : vector<16xf32>
      %add3A_551 = arith.addf %add3A_550, %scan3A_546#4 : vector<16xf32>
      %add3A_552 = arith.addf %add3A_551, %scan3A_546#5 : vector<16xf32>
      %add3A_553 = arith.addf %add3A_552, %scan3A_546#6 : vector<16xf32>
      %add3A_554 = arith.addf %add3A_553, %scan3A_546#7 : vector<16xf32>
      %mul3A_555 = arith.constant 8 : i32
      %mul3A_556 = arith.muli %add3A_99, %mul3A_555 : i32
      %add3A_557 = arith.constant 2 : i32
      %add3A_558 = arith.addi %mul3A_556, %add3A_557 : i32
      %mul3A_559 = arith.constant 16 : i32
      %mul3A_560 = arith.muli %add3A_558, %mul3A_559 : i32
      %swap3A_561 = arith.index_cast %mul3A_560 : i32 to index
      %swap3A_562 = tpu.vector_load %arg20[%swap3A_561] {strides = array<i32>} : memref<8192xf32, #tpu.memory_space<vmem>>, vector<16xf32>,
      %swap3A_563 = vector.shape_cast %swap3A_562 : vector<16xf32> to vector<16xf32>
      %swap3A_564 = vector.shape_cast %add3A_539 : vector<16xf32> to vector<16xf32>
      tpu.vector_store %arg20[%swap3A_561], %swap3A_564 {strides = array<i32>} : memref<8192xf32, #tpu.memory_space<vmem>>, vector<16xf32>,
      %mul3A_565 = arith.constant 16 : i32
      %mul3A_566 = arith.muli %add3A_558, %mul3A_565 : i32
      %swap3A_567 = arith.index_cast %mul3A_566 : i32 to index
      %swap3A_568 = tpu.vector_load %arg17[%swap3A_567] {strides = array<i32>} : memref<8192xf32, #tpu.memory_space<vmem>>, vector<16xf32>,
      %swap3A_569 = vector.shape_cast %swap3A_568 : vector<16xf32> to vector<16xf32>
      %swap3A_570 = vector.shape_cast %add3A_554 : vector<16xf32> to vector<16xf32>
      tpu.vector_store %arg17[%swap3A_567], %swap3A_570 {strides = array<i32>} : memref<8192xf32, #tpu.memory_space<vmem>>, vector<16xf32>,
      %get3A_571 = arith.constant 3 : i32
      %get3A_572 = arith.index_cast %get3A_571 : i32 to index
      %get3A_573 = arith.constant 0 : index
      %get3A_574 = tpu.vector_load %arg9[%get3A_572, %get3A_573] {strides = array<i32>} : memref<8x128xf32, #tpu.memory_space<vmem>>, vector<1x16xf32>,
      %get3A_575 = vector.shape_cast %get3A_574 : vector<1x16xf32> to vector<16xf32>
      %get3A_576 = arith.constant 3 : i32
      %get3A_577 = arith.index_cast %get3A_576 : i32 to index
      %get3A_578 = arith.constant 16 : index
      %get3A_579 = tpu.vector_load %arg9[%get3A_577, %get3A_578] {strides = array<i32>} : memref<8x128xf32, #tpu.memory_space<vmem>>, vector<1x16xf32>,
      %get3A_580 = vector.shape_cast %get3A_579 : vector<1x16xf32> to vector<16xf32>
      %get3A_581 = arith.constant 3 : i32
      %get3A_582 = arith.index_cast %get3A_581 : i32 to index
      %get3A_583 = arith.constant 32 : index
      %get3A_584 = tpu.vector_load %arg9[%get3A_582, %get3A_583] {strides = array<i32>} : memref<8x128xf32, #tpu.memory_space<vmem>>, vector<1x16xf32>,
      %get3A_585 = vector.shape_cast %get3A_584 : vector<1x16xf32> to vector<16xf32>
      %get3A_586 = arith.constant 3 : i32
      %get3A_587 = arith.index_cast %get3A_586 : i32 to index
      %get3A_588 = arith.constant 48 : index
      %get3A_589 = tpu.vector_load %arg9[%get3A_587, %get3A_588] {strides = array<i32>} : memref<8x128xf32, #tpu.memory_space<vmem>>, vector<1x16xf32>,
      %get3A_590 = vector.shape_cast %get3A_589 : vector<1x16xf32> to vector<16xf32>
      %get3A_591 = arith.constant 3 : i32
      %get3A_592 = arith.index_cast %get3A_591 : i32 to index
      %get3A_593 = arith.constant 64 : index
      %get3A_594 = tpu.vector_load %arg9[%get3A_592, %get3A_593] {strides = array<i32>} : memref<8x128xf32, #tpu.memory_space<vmem>>, vector<1x16xf32>,
      %get3A_595 = vector.shape_cast %get3A_594 : vector<1x16xf32> to vector<16xf32>
      %get3A_596 = arith.constant 3 : i32
      %get3A_597 = arith.index_cast %get3A_596 : i32 to index
      %get3A_598 = arith.constant 80 : index
      %get3A_599 = tpu.vector_load %arg9[%get3A_597, %get3A_598] {strides = array<i32>} : memref<8x128xf32, #tpu.memory_space<vmem>>, vector<1x16xf32>,
      %get3A_600 = vector.shape_cast %get3A_599 : vector<1x16xf32> to vector<16xf32>
      %get3A_601 = arith.constant 3 : i32
      %get3A_602 = arith.index_cast %get3A_601 : i32 to index
      %get3A_603 = arith.constant 96 : index
      %get3A_604 = tpu.vector_load %arg9[%get3A_602, %get3A_603] {strides = array<i32>} : memref<8x128xf32, #tpu.memory_space<vmem>>, vector<1x16xf32>,
      %get3A_605 = vector.shape_cast %get3A_604 : vector<1x16xf32> to vector<16xf32>
      %get3A_606 = arith.constant 3 : i32
      %get3A_607 = arith.index_cast %get3A_606 : i32 to index
      %get3A_608 = arith.constant 112 : index
      %get3A_609 = tpu.vector_load %arg9[%get3A_607, %get3A_608] {strides = array<i32>} : memref<8x128xf32, #tpu.memory_space<vmem>>, vector<1x16xf32>,
      %get3A_610 = vector.shape_cast %get3A_609 : vector<1x16xf32> to vector<16xf32>
      %get3A_611 = arith.constant 3 : i32
      %get3A_612 = arith.index_cast %get3A_611 : i32 to index
      %get3A_613 = arith.constant 0 : index
      %get3A_614 = tpu.vector_load %arg23[%get3A_612, %get3A_613] {strides = array<i32>} : memref<8x128xf32, #tpu.memory_space<vmem>>, vector<1x16xf32>,
      %get3A_615 = vector.shape_cast %get3A_614 : vector<1x16xf32> to vector<16xf32>
      %mul3A_616 = arith.mulf %get3A_615, %get3A_575 : vector<16xf32>
      %get3A_617 = arith.constant 3 : i32
      %get3A_618 = arith.index_cast %get3A_617 : i32 to index
      %get3A_619 = arith.constant 16 : index
      %get3A_620 = tpu.vector_load %arg23[%get3A_618, %get3A_619] {strides = array<i32>} : memref<8x128xf32, #tpu.memory_space<vmem>>, vector<1x16xf32>,
      %get3A_621 = vector.shape_cast %get3A_620 : vector<1x16xf32> to vector<16xf32>
      %mul3A_622 = arith.mulf %get3A_621, %get3A_580 : vector<16xf32>
      %add3A_623 = arith.addf %mul3A_616, %mul3A_622 : vector<16xf32>
      %get3A_624 = arith.constant 3 : i32
      %get3A_625 = arith.index_cast %get3A_624 : i32 to index
      %get3A_626 = arith.constant 32 : index
      %get3A_627 = tpu.vector_load %arg23[%get3A_625, %get3A_626] {strides = array<i32>} : memref<8x128xf32, #tpu.memory_space<vmem>>, vector<1x16xf32>,
      %get3A_628 = vector.shape_cast %get3A_627 : vector<1x16xf32> to vector<16xf32>
      %mul3A_629 = arith.mulf %get3A_628, %get3A_585 : vector<16xf32>
      %add3A_630 = arith.addf %add3A_623, %mul3A_629 : vector<16xf32>
      %get3A_631 = arith.constant 3 : i32
      %get3A_632 = arith.index_cast %get3A_631 : i32 to index
      %get3A_633 = arith.constant 48 : index
      %get3A_634 = tpu.vector_load %arg23[%get3A_632, %get3A_633] {strides = array<i32>} : memref<8x128xf32, #tpu.memory_space<vmem>>, vector<1x16xf32>,
      %get3A_635 = vector.shape_cast %get3A_634 : vector<1x16xf32> to vector<16xf32>
      %mul3A_636 = arith.mulf %get3A_635, %get3A_590 : vector<16xf32>
      %add3A_637 = arith.addf %add3A_630, %mul3A_636 : vector<16xf32>
      %get3A_638 = arith.constant 3 : i32
      %get3A_639 = arith.index_cast %get3A_638 : i32 to index
      %get3A_640 = arith.constant 64 : index
      %get3A_641 = tpu.vector_load %arg23[%get3A_639, %get3A_640] {strides = array<i32>} : memref<8x128xf32, #tpu.memory_space<vmem>>, vector<1x16xf32>,
      %get3A_642 = vector.shape_cast %get3A_641 : vector<1x16xf32> to vector<16xf32>
      %mul3A_643 = arith.mulf %get3A_642, %get3A_595 : vector<16xf32>
      %add3A_644 = arith.addf %add3A_637, %mul3A_643 : vector<16xf32>
      %get3A_645 = arith.constant 3 : i32
      %get3A_646 = arith.index_cast %get3A_645 : i32 to index
      %get3A_647 = arith.constant 80 : index
      %get3A_648 = tpu.vector_load %arg23[%get3A_646, %get3A_647] {strides = array<i32>} : memref<8x128xf32, #tpu.memory_space<vmem>>, vector<1x16xf32>,
      %get3A_649 = vector.shape_cast %get3A_648 : vector<1x16xf32> to vector<16xf32>
      %mul3A_650 = arith.mulf %get3A_649, %get3A_600 : vector<16xf32>
      %add3A_651 = arith.addf %add3A_644, %mul3A_650 : vector<16xf32>
      %get3A_652 = arith.constant 3 : i32
      %get3A_653 = arith.index_cast %get3A_652 : i32 to index
      %get3A_654 = arith.constant 96 : index
      %get3A_655 = tpu.vector_load %arg23[%get3A_653, %get3A_654] {strides = array<i32>} : memref<8x128xf32, #tpu.memory_space<vmem>>, vector<1x16xf32>,
      %get3A_656 = vector.shape_cast %get3A_655 : vector<1x16xf32> to vector<16xf32>
      %mul3A_657 = arith.mulf %get3A_656, %get3A_605 : vector<16xf32>
      %add3A_658 = arith.addf %add3A_651, %mul3A_657 : vector<16xf32>
      %get3A_659 = arith.constant 3 : i32
      %get3A_660 = arith.index_cast %get3A_659 : i32 to index
      %get3A_661 = arith.constant 112 : index
      %get3A_662 = tpu.vector_load %arg23[%get3A_660, %get3A_661] {strides = array<i32>} : memref<8x128xf32, #tpu.memory_space<vmem>>, vector<1x16xf32>,
      %get3A_663 = vector.shape_cast %get3A_662 : vector<1x16xf32> to vector<16xf32>
      %mul3A_664 = arith.mulf %get3A_663, %get3A_610 : vector<16xf32>
      %add3A_665 = arith.addf %add3A_658, %mul3A_664 : vector<16xf32>
      %broadcast_in_dim3A_666 = arith.constant 0.000000e+00 : f32
      %broadcast_in_dim3A_667 = vector.broadcast %broadcast_in_dim3A_666 : f32 to vector<16xf32>
      %scan3A_668 = arith.constant 0 : i32
      %scan3A_669 = arith.constant 50 : i32
      %scan3A_670 = arith.addi %scan3A_668, %scan3A_669 : i32
      %scan3A_671 = arith.constant 2 : i32
      %scan3A_672:8 = scf.for %scan3A_2278 = %scan3A_668 to %scan3A_670 step %scan3A_671 iter_args(%scan3A_2279 = %broadcast_in_dim3A_667, %scan3A_2280 = %broadcast_in_dim3A_667, %scan3A_2281 = %broadcast_in_dim3A_667, %scan3A_2282 = %broadcast_in_dim3A_667, %scan3A_2283 = %broadcast_in_dim3A_667, %scan3A_2284 = %broadcast_in_dim3A_667, %scan3A_2285 = %broadcast_in_dim3A_667, %scan3A_2286 = %broadcast_in_dim3A_667) -> (vector<16xf32>, vector<16xf32>, vector<16xf32>, vector<16xf32>, vector<16xf32>, vector<16xf32>, vector<16xf32>, vector<16xf32>)  : i32 {
        %add3A_2287 = arith.constant 150 : i32
        %add3A_2288 = arith.addi %add3A_2287, %scan3A_2278 : i32
        %get3A_2289 = arith.index_cast %add3A_2288 : i32 to index
        %get3A_2290 = arith.constant 0 : index
        %get3A_2291 = tpu.vector_load %arg15[%get3A_2289, %get3A_2290] {strides = array<i32>} : memref<400x128xf32, #tpu.memory_space<vmem>>, vector<1x16xf32>,
        %get3A_2292 = vector.shape_cast %get3A_2291 : vector<1x16xf32> to vector<16xf32>
        %mul3A_2293 = arith.mulf %get3A_2292, %get3A_575 : vector<16xf32>
        %add3A_2294 = arith.addf %scan3A_2279, %mul3A_2293 : vector<16xf32>
        %get3A_2295 = arith.index_cast %add3A_2288 : i32 to index
        %get3A_2296 = arith.constant 16 : index
        %get3A_2297 = tpu.vector_load %arg15[%get3A_2295, %get3A_2296] {strides = array<i32>} : memref<400x128xf32, #tpu.memory_space<vmem>>, vector<1x16xf32>,
        %get3A_2298 = vector.shape_cast %get3A_2297 : vector<1x16xf32> to vector<16xf32>
        %mul3A_2299 = arith.mulf %get3A_2298, %get3A_580 : vector<16xf32>
        %add3A_2300 = arith.addf %scan3A_2280, %mul3A_2299 : vector<16xf32>
        %get3A_2301 = arith.index_cast %add3A_2288 : i32 to index
        %get3A_2302 = arith.constant 32 : index
        %get3A_2303 = tpu.vector_load %arg15[%get3A_2301, %get3A_2302] {strides = array<i32>} : memref<400x128xf32, #tpu.memory_space<vmem>>, vector<1x16xf32>,
        %get3A_2304 = vector.shape_cast %get3A_2303 : vector<1x16xf32> to vector<16xf32>
        %mul3A_2305 = arith.mulf %get3A_2304, %get3A_585 : vector<16xf32>
        %add3A_2306 = arith.addf %scan3A_2281, %mul3A_2305 : vector<16xf32>
        %get3A_2307 = arith.index_cast %add3A_2288 : i32 to index
        %get3A_2308 = arith.constant 48 : index
        %get3A_2309 = tpu.vector_load %arg15[%get3A_2307, %get3A_2308] {strides = array<i32>} : memref<400x128xf32, #tpu.memory_space<vmem>>, vector<1x16xf32>,
        %get3A_2310 = vector.shape_cast %get3A_2309 : vector<1x16xf32> to vector<16xf32>
        %mul3A_2311 = arith.mulf %get3A_2310, %get3A_590 : vector<16xf32>
        %add3A_2312 = arith.addf %scan3A_2282, %mul3A_2311 : vector<16xf32>
        %get3A_2313 = arith.index_cast %add3A_2288 : i32 to index
        %get3A_2314 = arith.constant 64 : index
        %get3A_2315 = tpu.vector_load %arg15[%get3A_2313, %get3A_2314] {strides = array<i32>} : memref<400x128xf32, #tpu.memory_space<vmem>>, vector<1x16xf32>,
        %get3A_2316 = vector.shape_cast %get3A_2315 : vector<1x16xf32> to vector<16xf32>
        %mul3A_2317 = arith.mulf %get3A_2316, %get3A_595 : vector<16xf32>
        %add3A_2318 = arith.addf %scan3A_2283, %mul3A_2317 : vector<16xf32>
        %get3A_2319 = arith.index_cast %add3A_2288 : i32 to index
        %get3A_2320 = arith.constant 80 : index
        %get3A_2321 = tpu.vector_load %arg15[%get3A_2319, %get3A_2320] {strides = array<i32>} : memref<400x128xf32, #tpu.memory_space<vmem>>, vector<1x16xf32>,
        %get3A_2322 = vector.shape_cast %get3A_2321 : vector<1x16xf32> to vector<16xf32>
        %mul3A_2323 = arith.mulf %get3A_2322, %get3A_600 : vector<16xf32>
        %add3A_2324 = arith.addf %scan3A_2284, %mul3A_2323 : vector<16xf32>
        %get3A_2325 = arith.index_cast %add3A_2288 : i32 to index
        %get3A_2326 = arith.constant 96 : index
        %get3A_2327 = tpu.vector_load %arg15[%get3A_2325, %get3A_2326] {strides = array<i32>} : memref<400x128xf32, #tpu.memory_space<vmem>>, vector<1x16xf32>,
        %get3A_2328 = vector.shape_cast %get3A_2327 : vector<1x16xf32> to vector<16xf32>
        %mul3A_2329 = arith.mulf %get3A_2328, %get3A_605 : vector<16xf32>
        %add3A_2330 = arith.addf %scan3A_2285, %mul3A_2329 : vector<16xf32>
        %get3A_2331 = arith.index_cast %add3A_2288 : i32 to index
        %get3A_2332 = arith.constant 112 : index
        %get3A_2333 = tpu.vector_load %arg15[%get3A_2331, %get3A_2332] {strides = array<i32>} : memref<400x128xf32, #tpu.memory_space<vmem>>, vector<1x16xf32>,
        %get3A_2334 = vector.shape_cast %get3A_2333 : vector<1x16xf32> to vector<16xf32>
        %mul3A_2335 = arith.mulf %get3A_2334, %get3A_610 : vector<16xf32>
        %add3A_2336 = arith.addf %scan3A_2286, %mul3A_2335 : vector<16xf32>
        %scan3A_2337 = arith.constant 1 : i32
        %scan3A_2338 = arith.addi %scan3A_2278, %scan3A_2337 : i32
        %add3A_2339 = arith.constant 150 : i32
        %add3A_2340 = arith.addi %add3A_2339, %scan3A_2338 : i32
        %get3A_2341 = arith.index_cast %add3A_2340 : i32 to index
        %get3A_2342 = arith.constant 0 : index
        %get3A_2343 = tpu.vector_load %arg15[%get3A_2341, %get3A_2342] {strides = array<i32>} : memref<400x128xf32, #tpu.memory_space<vmem>>, vector<1x16xf32>,
        %get3A_2344 = vector.shape_cast %get3A_2343 : vector<1x16xf32> to vector<16xf32>
        %mul3A_2345 = arith.mulf %get3A_2344, %get3A_575 : vector<16xf32>
        %add3A_2346 = arith.addf %add3A_2294, %mul3A_2345 : vector<16xf32>
        %get3A_2347 = arith.index_cast %add3A_2340 : i32 to index
        %get3A_2348 = arith.constant 16 : index
        %get3A_2349 = tpu.vector_load %arg15[%get3A_2347, %get3A_2348] {strides = array<i32>} : memref<400x128xf32, #tpu.memory_space<vmem>>, vector<1x16xf32>,
        %get3A_2350 = vector.shape_cast %get3A_2349 : vector<1x16xf32> to vector<16xf32>
        %mul3A_2351 = arith.mulf %get3A_2350, %get3A_580 : vector<16xf32>
        %add3A_2352 = arith.addf %add3A_2300, %mul3A_2351 : vector<16xf32>
        %get3A_2353 = arith.index_cast %add3A_2340 : i32 to index
        %get3A_2354 = arith.constant 32 : index
        %get3A_2355 = tpu.vector_load %arg15[%get3A_2353, %get3A_2354] {strides = array<i32>} : memref<400x128xf32, #tpu.memory_space<vmem>>, vector<1x16xf32>,
        %get3A_2356 = vector.shape_cast %get3A_2355 : vector<1x16xf32> to vector<16xf32>
        %mul3A_2357 = arith.mulf %get3A_2356, %get3A_585 : vector<16xf32>
        %add3A_2358 = arith.addf %add3A_2306, %mul3A_2357 : vector<16xf32>
        %get3A_2359 = arith.index_cast %add3A_2340 : i32 to index
        %get3A_2360 = arith.constant 48 : index
        %get3A_2361 = tpu.vector_load %arg15[%get3A_2359, %get3A_2360] {strides = array<i32>} : memref<400x128xf32, #tpu.memory_space<vmem>>, vector<1x16xf32>,
        %get3A_2362 = vector.shape_cast %get3A_2361 : vector<1x16xf32> to vector<16xf32>
        %mul3A_2363 = arith.mulf %get3A_2362, %get3A_590 : vector<16xf32>
        %add3A_2364 = arith.addf %add3A_2312, %mul3A_2363 : vector<16xf32>
        %get3A_2365 = arith.index_cast %add3A_2340 : i32 to index
        %get3A_2366 = arith.constant 64 : index
        %get3A_2367 = tpu.vector_load %arg15[%get3A_2365, %get3A_2366] {strides = array<i32>} : memref<400x128xf32, #tpu.memory_space<vmem>>, vector<1x16xf32>,
        %get3A_2368 = vector.shape_cast %get3A_2367 : vector<1x16xf32> to vector<16xf32>
        %mul3A_2369 = arith.mulf %get3A_2368, %get3A_595 : vector<16xf32>
        %add3A_2370 = arith.addf %add3A_2318, %mul3A_2369 : vector<16xf32>
        %get3A_2371 = arith.index_cast %add3A_2340 : i32 to index
        %get3A_2372 = arith.constant 80 : index
        %get3A_2373 = tpu.vector_load %arg15[%get3A_2371, %get3A_2372] {strides = array<i32>} : memref<400x128xf32, #tpu.memory_space<vmem>>, vector<1x16xf32>,
        %get3A_2374 = vector.shape_cast %get3A_2373 : vector<1x16xf32> to vector<16xf32>
        %mul3A_2375 = arith.mulf %get3A_2374, %get3A_600 : vector<16xf32>
        %add3A_2376 = arith.addf %add3A_2324, %mul3A_2375 : vector<16xf32>
        %get3A_2377 = arith.index_cast %add3A_2340 : i32 to index
        %get3A_2378 = arith.constant 96 : index
        %get3A_2379 = tpu.vector_load %arg15[%get3A_2377, %get3A_2378] {strides = array<i32>} : memref<400x128xf32, #tpu.memory_space<vmem>>, vector<1x16xf32>,
        %get3A_2380 = vector.shape_cast %get3A_2379 : vector<1x16xf32> to vector<16xf32>
        %mul3A_2381 = arith.mulf %get3A_2380, %get3A_605 : vector<16xf32>
        %add3A_2382 = arith.addf %add3A_2330, %mul3A_2381 : vector<16xf32>
        %get3A_2383 = arith.index_cast %add3A_2340 : i32 to index
        %get3A_2384 = arith.constant 112 : index
        %get3A_2385 = tpu.vector_load %arg15[%get3A_2383, %get3A_2384] {strides = array<i32>} : memref<400x128xf32, #tpu.memory_space<vmem>>, vector<1x16xf32>,
        %get3A_2386 = vector.shape_cast %get3A_2385 : vector<1x16xf32> to vector<16xf32>
        %mul3A_2387 = arith.mulf %get3A_2386, %get3A_610 : vector<16xf32>
        %add3A_2388 = arith.addf %add3A_2336, %mul3A_2387 : vector<16xf32>
        scf.yield %add3A_2346, %add3A_2352, %add3A_2358, %add3A_2364, %add3A_2370, %add3A_2376, %add3A_2382, %add3A_2388 : vector<16xf32>, vector<16xf32>, vector<16xf32>, vector<16xf32>, vector<16xf32>, vector<16xf32>, vector<16xf32>, vector<16xf32>
      }
      %scan3A_673 = arith.constant 50 : i32
      %add3A_674 = arith.addf %scan3A_672#0, %scan3A_672#1 : vector<16xf32>
      %add3A_675 = arith.addf %add3A_674, %scan3A_672#2 : vector<16xf32>
      %add3A_676 = arith.addf %add3A_675, %scan3A_672#3 : vector<16xf32>
      %add3A_677 = arith.addf %add3A_676, %scan3A_672#4 : vector<16xf32>
      %add3A_678 = arith.addf %add3A_677, %scan3A_672#5 : vector<16xf32>
      %add3A_679 = arith.addf %add3A_678, %scan3A_672#6 : vector<16xf32>
      %add3A_680 = arith.addf %add3A_679, %scan3A_672#7 : vector<16xf32>
      %mul3A_681 = arith.constant 8 : i32
      %mul3A_682 = arith.muli %add3A_99, %mul3A_681 : i32
      %add3A_683 = arith.constant 3 : i32
      %add3A_684 = arith.addi %mul3A_682, %add3A_683 : i32
      %mul3A_685 = arith.constant 16 : i32
      %mul3A_686 = arith.muli %add3A_684, %mul3A_685 : i32
      %swap3A_687 = arith.index_cast %mul3A_686 : i32 to index
      %swap3A_688 = tpu.vector_load %arg20[%swap3A_687] {strides = array<i32>} : memref<8192xf32, #tpu.memory_space<vmem>>, vector<16xf32>,
      %swap3A_689 = vector.shape_cast %swap3A_688 : vector<16xf32> to vector<16xf32>
      %swap3A_690 = vector.shape_cast %add3A_665 : vector<16xf32> to vector<16xf32>
      tpu.vector_store %arg20[%swap3A_687], %swap3A_690 {strides = array<i32>} : memref<8192xf32, #tpu.memory_space<vmem>>, vector<16xf32>,
      %mul3A_691 = arith.constant 16 : i32
      %mul3A_692 = arith.muli %add3A_684, %mul3A_691 : i32
      %swap3A_693 = arith.index_cast %mul3A_692 : i32 to index
      %swap3A_694 = tpu.vector_load %arg17[%swap3A_693] {strides = array<i32>} : memref<8192xf32, #tpu.memory_space<vmem>>, vector<16xf32>,
      %swap3A_695 = vector.shape_cast %swap3A_694 : vector<16xf32> to vector<16xf32>
      %swap3A_696 = vector.shape_cast %add3A_680 : vector<16xf32> to vector<16xf32>
      tpu.vector_store %arg17[%swap3A_693], %swap3A_696 {strides = array<i32>} : memref<8192xf32, #tpu.memory_space<vmem>>, vector<16xf32>,
      %get3A_697 = arith.constant 4 : i32
      %get3A_698 = arith.index_cast %get3A_697 : i32 to index
      %get3A_699 = arith.constant 0 : index
      %get3A_700 = tpu.vector_load %arg9[%get3A_698, %get3A_699] {strides = array<i32>} : memref<8x128xf32, #tpu.memory_space<vmem>>, vector<1x16xf32>,
      %get3A_701 = vector.shape_cast %get3A_700 : vector<1x16xf32> to vector<16xf32>
      %get3A_702 = arith.constant 4 : i32
      %get3A_703 = arith.index_cast %get3A_702 : i32 to index
      %get3A_704 = arith.constant 16 : index
      %get3A_705 = tpu.vector_load %arg9[%get3A_703, %get3A_704] {strides = array<i32>} : memref<8x128xf32, #tpu.memory_space<vmem>>, vector<1x16xf32>,
      %get3A_706 = vector.shape_cast %get3A_705 : vector<1x16xf32> to vector<16xf32>
      %get3A_707 = arith.constant 4 : i32
      %get3A_708 = arith.index_cast %get3A_707 : i32 to index
      %get3A_709 = arith.constant 32 : index
      %get3A_710 = tpu.vector_load %arg9[%get3A_708, %get3A_709] {strides = array<i32>} : memref<8x128xf32, #tpu.memory_space<vmem>>, vector<1x16xf32>,
      %get3A_711 = vector.shape_cast %get3A_710 : vector<1x16xf32> to vector<16xf32>
      %get3A_712 = arith.constant 4 : i32
      %get3A_713 = arith.index_cast %get3A_712 : i32 to index
      %get3A_714 = arith.constant 48 : index
      %get3A_715 = tpu.vector_load %arg9[%get3A_713, %get3A_714] {strides = array<i32>} : memref<8x128xf32, #tpu.memory_space<vmem>>, vector<1x16xf32>,
      %get3A_716 = vector.shape_cast %get3A_715 : vector<1x16xf32> to vector<16xf32>
      %get3A_717 = arith.constant 4 : i32
      %get3A_718 = arith.index_cast %get3A_717 : i32 to index
      %get3A_719 = arith.constant 64 : index
      %get3A_720 = tpu.vector_load %arg9[%get3A_718, %get3A_719] {strides = array<i32>} : memref<8x128xf32, #tpu.memory_space<vmem>>, vector<1x16xf32>,
      %get3A_721 = vector.shape_cast %get3A_720 : vector<1x16xf32> to vector<16xf32>
      %get3A_722 = arith.constant 4 : i32
      %get3A_723 = arith.index_cast %get3A_722 : i32 to index
      %get3A_724 = arith.constant 80 : index
      %get3A_725 = tpu.vector_load %arg9[%get3A_723, %get3A_724] {strides = array<i32>} : memref<8x128xf32, #tpu.memory_space<vmem>>, vector<1x16xf32>,
      %get3A_726 = vector.shape_cast %get3A_725 : vector<1x16xf32> to vector<16xf32>
      %get3A_727 = arith.constant 4 : i32
      %get3A_728 = arith.index_cast %get3A_727 : i32 to index
      %get3A_729 = arith.constant 96 : index
      %get3A_730 = tpu.vector_load %arg9[%get3A_728, %get3A_729] {strides = array<i32>} : memref<8x128xf32, #tpu.memory_space<vmem>>, vector<1x16xf32>,
      %get3A_731 = vector.shape_cast %get3A_730 : vector<1x16xf32> to vector<16xf32>
      %get3A_732 = arith.constant 4 : i32
      %get3A_733 = arith.index_cast %get3A_732 : i32 to index
      %get3A_734 = arith.constant 112 : index
      %get3A_735 = tpu.vector_load %arg9[%get3A_733, %get3A_734] {strides = array<i32>} : memref<8x128xf32, #tpu.memory_space<vmem>>, vector<1x16xf32>,
      %get3A_736 = vector.shape_cast %get3A_735 : vector<1x16xf32> to vector<16xf32>
      %get3A_737 = arith.constant 4 : i32
      %get3A_738 = arith.index_cast %get3A_737 : i32 to index
      %get3A_739 = arith.constant 0 : index
      %get3A_740 = tpu.vector_load %arg23[%get3A_738, %get3A_739] {strides = array<i32>} : memref<8x128xf32, #tpu.memory_space<vmem>>, vector<1x16xf32>,
      %get3A_741 = vector.shape_cast %get3A_740 : vector<1x16xf32> to vector<16xf32>
      %mul3A_742 = arith.mulf %get3A_741, %get3A_701 : vector<16xf32>
      %get3A_743 = arith.constant 4 : i32
      %get3A_744 = arith.index_cast %get3A_743 : i32 to index
      %get3A_745 = arith.constant 16 : index
      %get3A_746 = tpu.vector_load %arg23[%get3A_744, %get3A_745] {strides = array<i32>} : memref<8x128xf32, #tpu.memory_space<vmem>>, vector<1x16xf32>,
      %get3A_747 = vector.shape_cast %get3A_746 : vector<1x16xf32> to vector<16xf32>
      %mul3A_748 = arith.mulf %get3A_747, %get3A_706 : vector<16xf32>
      %add3A_749 = arith.addf %mul3A_742, %mul3A_748 : vector<16xf32>
      %get3A_750 = arith.constant 4 : i32
      %get3A_751 = arith.index_cast %get3A_750 : i32 to index
      %get3A_752 = arith.constant 32 : index
      %get3A_753 = tpu.vector_load %arg23[%get3A_751, %get3A_752] {strides = array<i32>} : memref<8x128xf32, #tpu.memory_space<vmem>>, vector<1x16xf32>,
      %get3A_754 = vector.shape_cast %get3A_753 : vector<1x16xf32> to vector<16xf32>
      %mul3A_755 = arith.mulf %get3A_754, %get3A_711 : vector<16xf32>
      %add3A_756 = arith.addf %add3A_749, %mul3A_755 : vector<16xf32>
      %get3A_757 = arith.constant 4 : i32
      %get3A_758 = arith.index_cast %get3A_757 : i32 to index
      %get3A_759 = arith.constant 48 : index
      %get3A_760 = tpu.vector_load %arg23[%get3A_758, %get3A_759] {strides = array<i32>} : memref<8x128xf32, #tpu.memory_space<vmem>>, vector<1x16xf32>,
      %get3A_761 = vector.shape_cast %get3A_760 : vector<1x16xf32> to vector<16xf32>
      %mul3A_762 = arith.mulf %get3A_761, %get3A_716 : vector<16xf32>
      %add3A_763 = arith.addf %add3A_756, %mul3A_762 : vector<16xf32>
      %get3A_764 = arith.constant 4 : i32
      %get3A_765 = arith.index_cast %get3A_764 : i32 to index
      %get3A_766 = arith.constant 64 : index
      %get3A_767 = tpu.vector_load %arg23[%get3A_765, %get3A_766] {strides = array<i32>} : memref<8x128xf32, #tpu.memory_space<vmem>>, vector<1x16xf32>,
      %get3A_768 = vector.shape_cast %get3A_767 : vector<1x16xf32> to vector<16xf32>
      %mul3A_769 = arith.mulf %get3A_768, %get3A_721 : vector<16xf32>
      %add3A_770 = arith.addf %add3A_763, %mul3A_769 : vector<16xf32>
      %get3A_771 = arith.constant 4 : i32
      %get3A_772 = arith.index_cast %get3A_771 : i32 to index
      %get3A_773 = arith.constant 80 : index
      %get3A_774 = tpu.vector_load %arg23[%get3A_772, %get3A_773] {strides = array<i32>} : memref<8x128xf32, #tpu.memory_space<vmem>>, vector<1x16xf32>,
      %get3A_775 = vector.shape_cast %get3A_774 : vector<1x16xf32> to vector<16xf32>
      %mul3A_776 = arith.mulf %get3A_775, %get3A_726 : vector<16xf32>
      %add3A_777 = arith.addf %add3A_770, %mul3A_776 : vector<16xf32>
      %get3A_778 = arith.constant 4 : i32
      %get3A_779 = arith.index_cast %get3A_778 : i32 to index
      %get3A_780 = arith.constant 96 : index
      %get3A_781 = tpu.vector_load %arg23[%get3A_779, %get3A_780] {strides = array<i32>} : memref<8x128xf32, #tpu.memory_space<vmem>>, vector<1x16xf32>,
      %get3A_782 = vector.shape_cast %get3A_781 : vector<1x16xf32> to vector<16xf32>
      %mul3A_783 = arith.mulf %get3A_782, %get3A_731 : vector<16xf32>
      %add3A_784 = arith.addf %add3A_777, %mul3A_783 : vector<16xf32>
      %get3A_785 = arith.constant 4 : i32
      %get3A_786 = arith.index_cast %get3A_785 : i32 to index
      %get3A_787 = arith.constant 112 : index
      %get3A_788 = tpu.vector_load %arg23[%get3A_786, %get3A_787] {strides = array<i32>} : memref<8x128xf32, #tpu.memory_space<vmem>>, vector<1x16xf32>,
      %get3A_789 = vector.shape_cast %get3A_788 : vector<1x16xf32> to vector<16xf32>
      %mul3A_790 = arith.mulf %get3A_789, %get3A_736 : vector<16xf32>
      %add3A_791 = arith.addf %add3A_784, %mul3A_790 : vector<16xf32>
      %broadcast_in_dim3A_792 = arith.constant 0.000000e+00 : f32
      %broadcast_in_dim3A_793 = vector.broadcast %broadcast_in_dim3A_792 : f32 to vector<16xf32>
      %scan3A_794 = arith.constant 0 : i32
      %scan3A_795 = arith.constant 50 : i32
      %scan3A_796 = arith.addi %scan3A_794, %scan3A_795 : i32
      %scan3A_797 = arith.constant 2 : i32
      %scan3A_798:8 = scf.for %scan3A_2278 = %scan3A_794 to %scan3A_796 step %scan3A_797 iter_args(%scan3A_2279 = %broadcast_in_dim3A_793, %scan3A_2280 = %broadcast_in_dim3A_793, %scan3A_2281 = %broadcast_in_dim3A_793, %scan3A_2282 = %broadcast_in_dim3A_793, %scan3A_2283 = %broadcast_in_dim3A_793, %scan3A_2284 = %broadcast_in_dim3A_793, %scan3A_2285 = %broadcast_in_dim3A_793, %scan3A_2286 = %broadcast_in_dim3A_793) -> (vector<16xf32>, vector<16xf32>, vector<16xf32>, vector<16xf32>, vector<16xf32>, vector<16xf32>, vector<16xf32>, vector<16xf32>)  : i32 {
        %add3A_2287 = arith.constant 200 : i32
        %add3A_2288 = arith.addi %add3A_2287, %scan3A_2278 : i32
        %get3A_2289 = arith.index_cast %add3A_2288 : i32 to index
        %get3A_2290 = arith.constant 0 : index
        %get3A_2291 = tpu.vector_load %arg15[%get3A_2289, %get3A_2290] {strides = array<i32>} : memref<400x128xf32, #tpu.memory_space<vmem>>, vector<1x16xf32>,
        %get3A_2292 = vector.shape_cast %get3A_2291 : vector<1x16xf32> to vector<16xf32>
        %mul3A_2293 = arith.mulf %get3A_2292, %get3A_701 : vector<16xf32>
        %add3A_2294 = arith.addf %scan3A_2279, %mul3A_2293 : vector<16xf32>
        %get3A_2295 = arith.index_cast %add3A_2288 : i32 to index
        %get3A_2296 = arith.constant 16 : index
        %get3A_2297 = tpu.vector_load %arg15[%get3A_2295, %get3A_2296] {strides = array<i32>} : memref<400x128xf32, #tpu.memory_space<vmem>>, vector<1x16xf32>,
        %get3A_2298 = vector.shape_cast %get3A_2297 : vector<1x16xf32> to vector<16xf32>
        %mul3A_2299 = arith.mulf %get3A_2298, %get3A_706 : vector<16xf32>
        %add3A_2300 = arith.addf %scan3A_2280, %mul3A_2299 : vector<16xf32>
        %get3A_2301 = arith.index_cast %add3A_2288 : i32 to index
        %get3A_2302 = arith.constant 32 : index
        %get3A_2303 = tpu.vector_load %arg15[%get3A_2301, %get3A_2302] {strides = array<i32>} : memref<400x128xf32, #tpu.memory_space<vmem>>, vector<1x16xf32>,
        %get3A_2304 = vector.shape_cast %get3A_2303 : vector<1x16xf32> to vector<16xf32>
        %mul3A_2305 = arith.mulf %get3A_2304, %get3A_711 : vector<16xf32>
        %add3A_2306 = arith.addf %scan3A_2281, %mul3A_2305 : vector<16xf32>
        %get3A_2307 = arith.index_cast %add3A_2288 : i32 to index
        %get3A_2308 = arith.constant 48 : index
        %get3A_2309 = tpu.vector_load %arg15[%get3A_2307, %get3A_2308] {strides = array<i32>} : memref<400x128xf32, #tpu.memory_space<vmem>>, vector<1x16xf32>,
        %get3A_2310 = vector.shape_cast %get3A_2309 : vector<1x16xf32> to vector<16xf32>
        %mul3A_2311 = arith.mulf %get3A_2310, %get3A_716 : vector<16xf32>
        %add3A_2312 = arith.addf %scan3A_2282, %mul3A_2311 : vector<16xf32>
        %get3A_2313 = arith.index_cast %add3A_2288 : i32 to index
        %get3A_2314 = arith.constant 64 : index
        %get3A_2315 = tpu.vector_load %arg15[%get3A_2313, %get3A_2314] {strides = array<i32>} : memref<400x128xf32, #tpu.memory_space<vmem>>, vector<1x16xf32>,
        %get3A_2316 = vector.shape_cast %get3A_2315 : vector<1x16xf32> to vector<16xf32>
        %mul3A_2317 = arith.mulf %get3A_2316, %get3A_721 : vector<16xf32>
        %add3A_2318 = arith.addf %scan3A_2283, %mul3A_2317 : vector<16xf32>
        %get3A_2319 = arith.index_cast %add3A_2288 : i32 to index
        %get3A_2320 = arith.constant 80 : index
        %get3A_2321 = tpu.vector_load %arg15[%get3A_2319, %get3A_2320] {strides = array<i32>} : memref<400x128xf32, #tpu.memory_space<vmem>>, vector<1x16xf32>,
        %get3A_2322 = vector.shape_cast %get3A_2321 : vector<1x16xf32> to vector<16xf32>
        %mul3A_2323 = arith.mulf %get3A_2322, %get3A_726 : vector<16xf32>
        %add3A_2324 = arith.addf %scan3A_2284, %mul3A_2323 : vector<16xf32>
        %get3A_2325 = arith.index_cast %add3A_2288 : i32 to index
        %get3A_2326 = arith.constant 96 : index
        %get3A_2327 = tpu.vector_load %arg15[%get3A_2325, %get3A_2326] {strides = array<i32>} : memref<400x128xf32, #tpu.memory_space<vmem>>, vector<1x16xf32>,
        %get3A_2328 = vector.shape_cast %get3A_2327 : vector<1x16xf32> to vector<16xf32>
        %mul3A_2329 = arith.mulf %get3A_2328, %get3A_731 : vector<16xf32>
        %add3A_2330 = arith.addf %scan3A_2285, %mul3A_2329 : vector<16xf32>
        %get3A_2331 = arith.index_cast %add3A_2288 : i32 to index
        %get3A_2332 = arith.constant 112 : index
        %get3A_2333 = tpu.vector_load %arg15[%get3A_2331, %get3A_2332] {strides = array<i32>} : memref<400x128xf32, #tpu.memory_space<vmem>>, vector<1x16xf32>,
        %get3A_2334 = vector.shape_cast %get3A_2333 : vector<1x16xf32> to vector<16xf32>
        %mul3A_2335 = arith.mulf %get3A_2334, %get3A_736 : vector<16xf32>
        %add3A_2336 = arith.addf %scan3A_2286, %mul3A_2335 : vector<16xf32>
        %scan3A_2337 = arith.constant 1 : i32
        %scan3A_2338 = arith.addi %scan3A_2278, %scan3A_2337 : i32
        %add3A_2339 = arith.constant 200 : i32
        %add3A_2340 = arith.addi %add3A_2339, %scan3A_2338 : i32
        %get3A_2341 = arith.index_cast %add3A_2340 : i32 to index
        %get3A_2342 = arith.constant 0 : index
        %get3A_2343 = tpu.vector_load %arg15[%get3A_2341, %get3A_2342] {strides = array<i32>} : memref<400x128xf32, #tpu.memory_space<vmem>>, vector<1x16xf32>,
        %get3A_2344 = vector.shape_cast %get3A_2343 : vector<1x16xf32> to vector<16xf32>
        %mul3A_2345 = arith.mulf %get3A_2344, %get3A_701 : vector<16xf32>
        %add3A_2346 = arith.addf %add3A_2294, %mul3A_2345 : vector<16xf32>
        %get3A_2347 = arith.index_cast %add3A_2340 : i32 to index
        %get3A_2348 = arith.constant 16 : index
        %get3A_2349 = tpu.vector_load %arg15[%get3A_2347, %get3A_2348] {strides = array<i32>} : memref<400x128xf32, #tpu.memory_space<vmem>>, vector<1x16xf32>,
        %get3A_2350 = vector.shape_cast %get3A_2349 : vector<1x16xf32> to vector<16xf32>
        %mul3A_2351 = arith.mulf %get3A_2350, %get3A_706 : vector<16xf32>
        %add3A_2352 = arith.addf %add3A_2300, %mul3A_2351 : vector<16xf32>
        %get3A_2353 = arith.index_cast %add3A_2340 : i32 to index
        %get3A_2354 = arith.constant 32 : index
        %get3A_2355 = tpu.vector_load %arg15[%get3A_2353, %get3A_2354] {strides = array<i32>} : memref<400x128xf32, #tpu.memory_space<vmem>>, vector<1x16xf32>,
        %get3A_2356 = vector.shape_cast %get3A_2355 : vector<1x16xf32> to vector<16xf32>
        %mul3A_2357 = arith.mulf %get3A_2356, %get3A_711 : vector<16xf32>
        %add3A_2358 = arith.addf %add3A_2306, %mul3A_2357 : vector<16xf32>
        %get3A_2359 = arith.index_cast %add3A_2340 : i32 to index
        %get3A_2360 = arith.constant 48 : index
        %get3A_2361 = tpu.vector_load %arg15[%get3A_2359, %get3A_2360] {strides = array<i32>} : memref<400x128xf32, #tpu.memory_space<vmem>>, vector<1x16xf32>,
        %get3A_2362 = vector.shape_cast %get3A_2361 : vector<1x16xf32> to vector<16xf32>
        %mul3A_2363 = arith.mulf %get3A_2362, %get3A_716 : vector<16xf32>
        %add3A_2364 = arith.addf %add3A_2312, %mul3A_2363 : vector<16xf32>
        %get3A_2365 = arith.index_cast %add3A_2340 : i32 to index
        %get3A_2366 = arith.constant 64 : index
        %get3A_2367 = tpu.vector_load %arg15[%get3A_2365, %get3A_2366] {strides = array<i32>} : memref<400x128xf32, #tpu.memory_space<vmem>>, vector<1x16xf32>,
        %get3A_2368 = vector.shape_cast %get3A_2367 : vector<1x16xf32> to vector<16xf32>
        %mul3A_2369 = arith.mulf %get3A_2368, %get3A_721 : vector<16xf32>
        %add3A_2370 = arith.addf %add3A_2318, %mul3A_2369 : vector<16xf32>
        %get3A_2371 = arith.index_cast %add3A_2340 : i32 to index
        %get3A_2372 = arith.constant 80 : index
        %get3A_2373 = tpu.vector_load %arg15[%get3A_2371, %get3A_2372] {strides = array<i32>} : memref<400x128xf32, #tpu.memory_space<vmem>>, vector<1x16xf32>,
        %get3A_2374 = vector.shape_cast %get3A_2373 : vector<1x16xf32> to vector<16xf32>
        %mul3A_2375 = arith.mulf %get3A_2374, %get3A_726 : vector<16xf32>
        %add3A_2376 = arith.addf %add3A_2324, %mul3A_2375 : vector<16xf32>
        %get3A_2377 = arith.index_cast %add3A_2340 : i32 to index
        %get3A_2378 = arith.constant 96 : index
        %get3A_2379 = tpu.vector_load %arg15[%get3A_2377, %get3A_2378] {strides = array<i32>} : memref<400x128xf32, #tpu.memory_space<vmem>>, vector<1x16xf32>,
        %get3A_2380 = vector.shape_cast %get3A_2379 : vector<1x16xf32> to vector<16xf32>
        %mul3A_2381 = arith.mulf %get3A_2380, %get3A_731 : vector<16xf32>
        %add3A_2382 = arith.addf %add3A_2330, %mul3A_2381 : vector<16xf32>
        %get3A_2383 = arith.index_cast %add3A_2340 : i32 to index
        %get3A_2384 = arith.constant 112 : index
        %get3A_2385 = tpu.vector_load %arg15[%get3A_2383, %get3A_2384] {strides = array<i32>} : memref<400x128xf32, #tpu.memory_space<vmem>>, vector<1x16xf32>,
        %get3A_2386 = vector.shape_cast %get3A_2385 : vector<1x16xf32> to vector<16xf32>
        %mul3A_2387 = arith.mulf %get3A_2386, %get3A_736 : vector<16xf32>
        %add3A_2388 = arith.addf %add3A_2336, %mul3A_2387 : vector<16xf32>
        scf.yield %add3A_2346, %add3A_2352, %add3A_2358, %add3A_2364, %add3A_2370, %add3A_2376, %add3A_2382, %add3A_2388 : vector<16xf32>, vector<16xf32>, vector<16xf32>, vector<16xf32>, vector<16xf32>, vector<16xf32>, vector<16xf32>, vector<16xf32>
      }
      %scan3A_799 = arith.constant 50 : i32
      %add3A_800 = arith.addf %scan3A_798#0, %scan3A_798#1 : vector<16xf32>
      %add3A_801 = arith.addf %add3A_800, %scan3A_798#2 : vector<16xf32>
      %add3A_802 = arith.addf %add3A_801, %scan3A_798#3 : vector<16xf32>
      %add3A_803 = arith.addf %add3A_802, %scan3A_798#4 : vector<16xf32>
      %add3A_804 = arith.addf %add3A_803, %scan3A_798#5 : vector<16xf32>
      %add3A_805 = arith.addf %add3A_804, %scan3A_798#6 : vector<16xf32>
      %add3A_806 = arith.addf %add3A_805, %scan3A_798#7 : vector<16xf32>
      %mul3A_807 = arith.constant 8 : i32
      %mul3A_808 = arith.muli %add3A_99, %mul3A_807 : i32
      %add3A_809 = arith.constant 4 : i32
      %add3A_810 = arith.addi %mul3A_808, %add3A_809 : i32
      %mul3A_811 = arith.constant 16 : i32
      %mul3A_812 = arith.muli %add3A_810, %mul3A_811 : i32
      %swap3A_813 = arith.index_cast %mul3A_812 : i32 to index
      %swap3A_814 = tpu.vector_load %arg20[%swap3A_813] {strides = array<i32>} : memref<8192xf32, #tpu.memory_space<vmem>>, vector<16xf32>,
      %swap3A_815 = vector.shape_cast %swap3A_814 : vector<16xf32> to vector<16xf32>
      %swap3A_816 = vector.shape_cast %add3A_791 : vector<16xf32> to vector<16xf32>
      tpu.vector_store %arg20[%swap3A_813], %swap3A_816 {strides = array<i32>} : memref<8192xf32, #tpu.memory_space<vmem>>, vector<16xf32>,
      %mul3A_817 = arith.constant 16 : i32
      %mul3A_818 = arith.muli %add3A_810, %mul3A_817 : i32
      %swap3A_819 = arith.index_cast %mul3A_818 : i32 to index
      %swap3A_820 = tpu.vector_load %arg17[%swap3A_819] {strides = array<i32>} : memref<8192xf32, #tpu.memory_space<vmem>>, vector<16xf32>,
      %swap3A_821 = vector.shape_cast %swap3A_820 : vector<16xf32> to vector<16xf32>
      %swap3A_822 = vector.shape_cast %add3A_806 : vector<16xf32> to vector<16xf32>
      tpu.vector_store %arg17[%swap3A_819], %swap3A_822 {strides = array<i32>} : memref<8192xf32, #tpu.memory_space<vmem>>, vector<16xf32>,
      %get3A_823 = arith.constant 5 : i32
      %get3A_824 = arith.index_cast %get3A_823 : i32 to index
      %get3A_825 = arith.constant 0 : index
      %get3A_826 = tpu.vector_load %arg9[%get3A_824, %get3A_825] {strides = array<i32>} : memref<8x128xf32, #tpu.memory_space<vmem>>, vector<1x16xf32>,
      %get3A_827 = vector.shape_cast %get3A_826 : vector<1x16xf32> to vector<16xf32>
      %get3A_828 = arith.constant 5 : i32
      %get3A_829 = arith.index_cast %get3A_828 : i32 to index
      %get3A_830 = arith.constant 16 : index
      %get3A_831 = tpu.vector_load %arg9[%get3A_829, %get3A_830] {strides = array<i32>} : memref<8x128xf32, #tpu.memory_space<vmem>>, vector<1x16xf32>,
      %get3A_832 = vector.shape_cast %get3A_831 : vector<1x16xf32> to vector<16xf32>
      %get3A_833 = arith.constant 5 : i32
      %get3A_834 = arith.index_cast %get3A_833 : i32 to index
      %get3A_835 = arith.constant 32 : index
      %get3A_836 = tpu.vector_load %arg9[%get3A_834, %get3A_835] {strides = array<i32>} : memref<8x128xf32, #tpu.memory_space<vmem>>, vector<1x16xf32>,
      %get3A_837 = vector.shape_cast %get3A_836 : vector<1x16xf32> to vector<16xf32>
      %get3A_838 = arith.constant 5 : i32
      %get3A_839 = arith.index_cast %get3A_838 : i32 to index
      %get3A_840 = arith.constant 48 : index
      %get3A_841 = tpu.vector_load %arg9[%get3A_839, %get3A_840] {strides = array<i32>} : memref<8x128xf32, #tpu.memory_space<vmem>>, vector<1x16xf32>,
      %get3A_842 = vector.shape_cast %get3A_841 : vector<1x16xf32> to vector<16xf32>
      %get3A_843 = arith.constant 5 : i32
      %get3A_844 = arith.index_cast %get3A_843 : i32 to index
      %get3A_845 = arith.constant 64 : index
      %get3A_846 = tpu.vector_load %arg9[%get3A_844, %get3A_845] {strides = array<i32>} : memref<8x128xf32, #tpu.memory_space<vmem>>, vector<1x16xf32>,
      %get3A_847 = vector.shape_cast %get3A_846 : vector<1x16xf32> to vector<16xf32>
      %get3A_848 = arith.constant 5 : i32
      %get3A_849 = arith.index_cast %get3A_848 : i32 to index
      %get3A_850 = arith.constant 80 : index
      %get3A_851 = tpu.vector_load %arg9[%get3A_849, %get3A_850] {strides = array<i32>} : memref<8x128xf32, #tpu.memory_space<vmem>>, vector<1x16xf32>,
      %get3A_852 = vector.shape_cast %get3A_851 : vector<1x16xf32> to vector<16xf32>
      %get3A_853 = arith.constant 5 : i32
      %get3A_854 = arith.index_cast %get3A_853 : i32 to index
      %get3A_855 = arith.constant 96 : index
      %get3A_856 = tpu.vector_load %arg9[%get3A_854, %get3A_855] {strides = array<i32>} : memref<8x128xf32, #tpu.memory_space<vmem>>, vector<1x16xf32>,
      %get3A_857 = vector.shape_cast %get3A_856 : vector<1x16xf32> to vector<16xf32>
      %get3A_858 = arith.constant 5 : i32
      %get3A_859 = arith.index_cast %get3A_858 : i32 to index
      %get3A_860 = arith.constant 112 : index
      %get3A_861 = tpu.vector_load %arg9[%get3A_859, %get3A_860] {strides = array<i32>} : memref<8x128xf32, #tpu.memory_space<vmem>>, vector<1x16xf32>,
      %get3A_862 = vector.shape_cast %get3A_861 : vector<1x16xf32> to vector<16xf32>
      %get3A_863 = arith.constant 5 : i32
      %get3A_864 = arith.index_cast %get3A_863 : i32 to index
      %get3A_865 = arith.constant 0 : index
      %get3A_866 = tpu.vector_load %arg23[%get3A_864, %get3A_865] {strides = array<i32>} : memref<8x128xf32, #tpu.memory_space<vmem>>, vector<1x16xf32>,
      %get3A_867 = vector.shape_cast %get3A_866 : vector<1x16xf32> to vector<16xf32>
      %mul3A_868 = arith.mulf %get3A_867, %get3A_827 : vector<16xf32>
      %get3A_869 = arith.constant 5 : i32
      %get3A_870 = arith.index_cast %get3A_869 : i32 to index
      %get3A_871 = arith.constant 16 : index
      %get3A_872 = tpu.vector_load %arg23[%get3A_870, %get3A_871] {strides = array<i32>} : memref<8x128xf32, #tpu.memory_space<vmem>>, vector<1x16xf32>,
      %get3A_873 = vector.shape_cast %get3A_872 : vector<1x16xf32> to vector<16xf32>
      %mul3A_874 = arith.mulf %get3A_873, %get3A_832 : vector<16xf32>
      %add3A_875 = arith.addf %mul3A_868, %mul3A_874 : vector<16xf32>
      %get3A_876 = arith.constant 5 : i32
      %get3A_877 = arith.index_cast %get3A_876 : i32 to index
      %get3A_878 = arith.constant 32 : index
      %get3A_879 = tpu.vector_load %arg23[%get3A_877, %get3A_878] {strides = array<i32>} : memref<8x128xf32, #tpu.memory_space<vmem>>, vector<1x16xf32>,
      %get3A_880 = vector.shape_cast %get3A_879 : vector<1x16xf32> to vector<16xf32>
      %mul3A_881 = arith.mulf %get3A_880, %get3A_837 : vector<16xf32>
      %add3A_882 = arith.addf %add3A_875, %mul3A_881 : vector<16xf32>
      %get3A_883 = arith.constant 5 : i32
      %get3A_884 = arith.index_cast %get3A_883 : i32 to index
      %get3A_885 = arith.constant 48 : index
      %get3A_886 = tpu.vector_load %arg23[%get3A_884, %get3A_885] {strides = array<i32>} : memref<8x128xf32, #tpu.memory_space<vmem>>, vector<1x16xf32>,
      %get3A_887 = vector.shape_cast %get3A_886 : vector<1x16xf32> to vector<16xf32>
      %mul3A_888 = arith.mulf %get3A_887, %get3A_842 : vector<16xf32>
      %add3A_889 = arith.addf %add3A_882, %mul3A_888 : vector<16xf32>
      %get3A_890 = arith.constant 5 : i32
      %get3A_891 = arith.index_cast %get3A_890 : i32 to index
      %get3A_892 = arith.constant 64 : index
      %get3A_893 = tpu.vector_load %arg23[%get3A_891, %get3A_892] {strides = array<i32>} : memref<8x128xf32, #tpu.memory_space<vmem>>, vector<1x16xf32>,
      %get3A_894 = vector.shape_cast %get3A_893 : vector<1x16xf32> to vector<16xf32>
      %mul3A_895 = arith.mulf %get3A_894, %get3A_847 : vector<16xf32>
      %add3A_896 = arith.addf %add3A_889, %mul3A_895 : vector<16xf32>
      %get3A_897 = arith.constant 5 : i32
      %get3A_898 = arith.index_cast %get3A_897 : i32 to index
      %get3A_899 = arith.constant 80 : index
      %get3A_900 = tpu.vector_load %arg23[%get3A_898, %get3A_899] {strides = array<i32>} : memref<8x128xf32, #tpu.memory_space<vmem>>, vector<1x16xf32>,
      %get3A_901 = vector.shape_cast %get3A_900 : vector<1x16xf32> to vector<16xf32>
      %mul3A_902 = arith.mulf %get3A_901, %get3A_852 : vector<16xf32>
      %add3A_903 = arith.addf %add3A_896, %mul3A_902 : vector<16xf32>
      %get3A_904 = arith.constant 5 : i32
      %get3A_905 = arith.index_cast %get3A_904 : i32 to index
      %get3A_906 = arith.constant 96 : index
      %get3A_907 = tpu.vector_load %arg23[%get3A_905, %get3A_906] {strides = array<i32>} : memref<8x128xf32, #tpu.memory_space<vmem>>, vector<1x16xf32>,
      %get3A_908 = vector.shape_cast %get3A_907 : vector<1x16xf32> to vector<16xf32>
      %mul3A_909 = arith.mulf %get3A_908, %get3A_857 : vector<16xf32>
      %add3A_910 = arith.addf %add3A_903, %mul3A_909 : vector<16xf32>
      %get3A_911 = arith.constant 5 : i32
      %get3A_912 = arith.index_cast %get3A_911 : i32 to index
      %get3A_913 = arith.constant 112 : index
      %get3A_914 = tpu.vector_load %arg23[%get3A_912, %get3A_913] {strides = array<i32>} : memref<8x128xf32, #tpu.memory_space<vmem>>, vector<1x16xf32>,
      %get3A_915 = vector.shape_cast %get3A_914 : vector<1x16xf32> to vector<16xf32>
      %mul3A_916 = arith.mulf %get3A_915, %get3A_862 : vector<16xf32>
      %add3A_917 = arith.addf %add3A_910, %mul3A_916 : vector<16xf32>
      %broadcast_in_dim3A_918 = arith.constant 0.000000e+00 : f32
      %broadcast_in_dim3A_919 = vector.broadcast %broadcast_in_dim3A_918 : f32 to vector<16xf32>
      %scan3A_920 = arith.constant 0 : i32
      %scan3A_921 = arith.constant 50 : i32
      %scan3A_922 = arith.addi %scan3A_920, %scan3A_921 : i32
      %scan3A_923 = arith.constant 2 : i32
      %scan3A_924:8 = scf.for %scan3A_2278 = %scan3A_920 to %scan3A_922 step %scan3A_923 iter_args(%scan3A_2279 = %broadcast_in_dim3A_919, %scan3A_2280 = %broadcast_in_dim3A_919, %scan3A_2281 = %broadcast_in_dim3A_919, %scan3A_2282 = %broadcast_in_dim3A_919, %scan3A_2283 = %broadcast_in_dim3A_919, %scan3A_2284 = %broadcast_in_dim3A_919, %scan3A_2285 = %broadcast_in_dim3A_919, %scan3A_2286 = %broadcast_in_dim3A_919) -> (vector<16xf32>, vector<16xf32>, vector<16xf32>, vector<16xf32>, vector<16xf32>, vector<16xf32>, vector<16xf32>, vector<16xf32>)  : i32 {
        %add3A_2287 = arith.constant 250 : i32
        %add3A_2288 = arith.addi %add3A_2287, %scan3A_2278 : i32
        %get3A_2289 = arith.index_cast %add3A_2288 : i32 to index
        %get3A_2290 = arith.constant 0 : index
        %get3A_2291 = tpu.vector_load %arg15[%get3A_2289, %get3A_2290] {strides = array<i32>} : memref<400x128xf32, #tpu.memory_space<vmem>>, vector<1x16xf32>,
        %get3A_2292 = vector.shape_cast %get3A_2291 : vector<1x16xf32> to vector<16xf32>
        %mul3A_2293 = arith.mulf %get3A_2292, %get3A_827 : vector<16xf32>
        %add3A_2294 = arith.addf %scan3A_2279, %mul3A_2293 : vector<16xf32>
        %get3A_2295 = arith.index_cast %add3A_2288 : i32 to index
        %get3A_2296 = arith.constant 16 : index
        %get3A_2297 = tpu.vector_load %arg15[%get3A_2295, %get3A_2296] {strides = array<i32>} : memref<400x128xf32, #tpu.memory_space<vmem>>, vector<1x16xf32>,
        %get3A_2298 = vector.shape_cast %get3A_2297 : vector<1x16xf32> to vector<16xf32>
        %mul3A_2299 = arith.mulf %get3A_2298, %get3A_832 : vector<16xf32>
        %add3A_2300 = arith.addf %scan3A_2280, %mul3A_2299 : vector<16xf32>
        %get3A_2301 = arith.index_cast %add3A_2288 : i32 to index
        %get3A_2302 = arith.constant 32 : index
        %get3A_2303 = tpu.vector_load %arg15[%get3A_2301, %get3A_2302] {strides = array<i32>} : memref<400x128xf32, #tpu.memory_space<vmem>>, vector<1x16xf32>,
        %get3A_2304 = vector.shape_cast %get3A_2303 : vector<1x16xf32> to vector<16xf32>
        %mul3A_2305 = arith.mulf %get3A_2304, %get3A_837 : vector<16xf32>
        %add3A_2306 = arith.addf %scan3A_2281, %mul3A_2305 : vector<16xf32>
        %get3A_2307 = arith.index_cast %add3A_2288 : i32 to index
        %get3A_2308 = arith.constant 48 : index
        %get3A_2309 = tpu.vector_load %arg15[%get3A_2307, %get3A_2308] {strides = array<i32>} : memref<400x128xf32, #tpu.memory_space<vmem>>, vector<1x16xf32>,
        %get3A_2310 = vector.shape_cast %get3A_2309 : vector<1x16xf32> to vector<16xf32>
        %mul3A_2311 = arith.mulf %get3A_2310, %get3A_842 : vector<16xf32>
        %add3A_2312 = arith.addf %scan3A_2282, %mul3A_2311 : vector<16xf32>
        %get3A_2313 = arith.index_cast %add3A_2288 : i32 to index
        %get3A_2314 = arith.constant 64 : index
        %get3A_2315 = tpu.vector_load %arg15[%get3A_2313, %get3A_2314] {strides = array<i32>} : memref<400x128xf32, #tpu.memory_space<vmem>>, vector<1x16xf32>,
        %get3A_2316 = vector.shape_cast %get3A_2315 : vector<1x16xf32> to vector<16xf32>
        %mul3A_2317 = arith.mulf %get3A_2316, %get3A_847 : vector<16xf32>
        %add3A_2318 = arith.addf %scan3A_2283, %mul3A_2317 : vector<16xf32>
        %get3A_2319 = arith.index_cast %add3A_2288 : i32 to index
        %get3A_2320 = arith.constant 80 : index
        %get3A_2321 = tpu.vector_load %arg15[%get3A_2319, %get3A_2320] {strides = array<i32>} : memref<400x128xf32, #tpu.memory_space<vmem>>, vector<1x16xf32>,
        %get3A_2322 = vector.shape_cast %get3A_2321 : vector<1x16xf32> to vector<16xf32>
        %mul3A_2323 = arith.mulf %get3A_2322, %get3A_852 : vector<16xf32>
        %add3A_2324 = arith.addf %scan3A_2284, %mul3A_2323 : vector<16xf32>
        %get3A_2325 = arith.index_cast %add3A_2288 : i32 to index
        %get3A_2326 = arith.constant 96 : index
        %get3A_2327 = tpu.vector_load %arg15[%get3A_2325, %get3A_2326] {strides = array<i32>} : memref<400x128xf32, #tpu.memory_space<vmem>>, vector<1x16xf32>,
        %get3A_2328 = vector.shape_cast %get3A_2327 : vector<1x16xf32> to vector<16xf32>
        %mul3A_2329 = arith.mulf %get3A_2328, %get3A_857 : vector<16xf32>
        %add3A_2330 = arith.addf %scan3A_2285, %mul3A_2329 : vector<16xf32>
        %get3A_2331 = arith.index_cast %add3A_2288 : i32 to index
        %get3A_2332 = arith.constant 112 : index
        %get3A_2333 = tpu.vector_load %arg15[%get3A_2331, %get3A_2332] {strides = array<i32>} : memref<400x128xf32, #tpu.memory_space<vmem>>, vector<1x16xf32>,
        %get3A_2334 = vector.shape_cast %get3A_2333 : vector<1x16xf32> to vector<16xf32>
        %mul3A_2335 = arith.mulf %get3A_2334, %get3A_862 : vector<16xf32>
        %add3A_2336 = arith.addf %scan3A_2286, %mul3A_2335 : vector<16xf32>
        %scan3A_2337 = arith.constant 1 : i32
        %scan3A_2338 = arith.addi %scan3A_2278, %scan3A_2337 : i32
        %add3A_2339 = arith.constant 250 : i32
        %add3A_2340 = arith.addi %add3A_2339, %scan3A_2338 : i32
        %get3A_2341 = arith.index_cast %add3A_2340 : i32 to index
        %get3A_2342 = arith.constant 0 : index
        %get3A_2343 = tpu.vector_load %arg15[%get3A_2341, %get3A_2342] {strides = array<i32>} : memref<400x128xf32, #tpu.memory_space<vmem>>, vector<1x16xf32>,
        %get3A_2344 = vector.shape_cast %get3A_2343 : vector<1x16xf32> to vector<16xf32>
        %mul3A_2345 = arith.mulf %get3A_2344, %get3A_827 : vector<16xf32>
        %add3A_2346 = arith.addf %add3A_2294, %mul3A_2345 : vector<16xf32>
        %get3A_2347 = arith.index_cast %add3A_2340 : i32 to index
        %get3A_2348 = arith.constant 16 : index
        %get3A_2349 = tpu.vector_load %arg15[%get3A_2347, %get3A_2348] {strides = array<i32>} : memref<400x128xf32, #tpu.memory_space<vmem>>, vector<1x16xf32>,
        %get3A_2350 = vector.shape_cast %get3A_2349 : vector<1x16xf32> to vector<16xf32>
        %mul3A_2351 = arith.mulf %get3A_2350, %get3A_832 : vector<16xf32>
        %add3A_2352 = arith.addf %add3A_2300, %mul3A_2351 : vector<16xf32>
        %get3A_2353 = arith.index_cast %add3A_2340 : i32 to index
        %get3A_2354 = arith.constant 32 : index
        %get3A_2355 = tpu.vector_load %arg15[%get3A_2353, %get3A_2354] {strides = array<i32>} : memref<400x128xf32, #tpu.memory_space<vmem>>, vector<1x16xf32>,
        %get3A_2356 = vector.shape_cast %get3A_2355 : vector<1x16xf32> to vector<16xf32>
        %mul3A_2357 = arith.mulf %get3A_2356, %get3A_837 : vector<16xf32>
        %add3A_2358 = arith.addf %add3A_2306, %mul3A_2357 : vector<16xf32>
        %get3A_2359 = arith.index_cast %add3A_2340 : i32 to index
        %get3A_2360 = arith.constant 48 : index
        %get3A_2361 = tpu.vector_load %arg15[%get3A_2359, %get3A_2360] {strides = array<i32>} : memref<400x128xf32, #tpu.memory_space<vmem>>, vector<1x16xf32>,
        %get3A_2362 = vector.shape_cast %get3A_2361 : vector<1x16xf32> to vector<16xf32>
        %mul3A_2363 = arith.mulf %get3A_2362, %get3A_842 : vector<16xf32>
        %add3A_2364 = arith.addf %add3A_2312, %mul3A_2363 : vector<16xf32>
        %get3A_2365 = arith.index_cast %add3A_2340 : i32 to index
        %get3A_2366 = arith.constant 64 : index
        %get3A_2367 = tpu.vector_load %arg15[%get3A_2365, %get3A_2366] {strides = array<i32>} : memref<400x128xf32, #tpu.memory_space<vmem>>, vector<1x16xf32>,
        %get3A_2368 = vector.shape_cast %get3A_2367 : vector<1x16xf32> to vector<16xf32>
        %mul3A_2369 = arith.mulf %get3A_2368, %get3A_847 : vector<16xf32>
        %add3A_2370 = arith.addf %add3A_2318, %mul3A_2369 : vector<16xf32>
        %get3A_2371 = arith.index_cast %add3A_2340 : i32 to index
        %get3A_2372 = arith.constant 80 : index
        %get3A_2373 = tpu.vector_load %arg15[%get3A_2371, %get3A_2372] {strides = array<i32>} : memref<400x128xf32, #tpu.memory_space<vmem>>, vector<1x16xf32>,
        %get3A_2374 = vector.shape_cast %get3A_2373 : vector<1x16xf32> to vector<16xf32>
        %mul3A_2375 = arith.mulf %get3A_2374, %get3A_852 : vector<16xf32>
        %add3A_2376 = arith.addf %add3A_2324, %mul3A_2375 : vector<16xf32>
        %get3A_2377 = arith.index_cast %add3A_2340 : i32 to index
        %get3A_2378 = arith.constant 96 : index
        %get3A_2379 = tpu.vector_load %arg15[%get3A_2377, %get3A_2378] {strides = array<i32>} : memref<400x128xf32, #tpu.memory_space<vmem>>, vector<1x16xf32>,
        %get3A_2380 = vector.shape_cast %get3A_2379 : vector<1x16xf32> to vector<16xf32>
        %mul3A_2381 = arith.mulf %get3A_2380, %get3A_857 : vector<16xf32>
        %add3A_2382 = arith.addf %add3A_2330, %mul3A_2381 : vector<16xf32>
        %get3A_2383 = arith.index_cast %add3A_2340 : i32 to index
        %get3A_2384 = arith.constant 112 : index
        %get3A_2385 = tpu.vector_load %arg15[%get3A_2383, %get3A_2384] {strides = array<i32>} : memref<400x128xf32, #tpu.memory_space<vmem>>, vector<1x16xf32>,
        %get3A_2386 = vector.shape_cast %get3A_2385 : vector<1x16xf32> to vector<16xf32>
        %mul3A_2387 = arith.mulf %get3A_2386, %get3A_862 : vector<16xf32>
        %add3A_2388 = arith.addf %add3A_2336, %mul3A_2387 : vector<16xf32>
        scf.yield %add3A_2346, %add3A_2352, %add3A_2358, %add3A_2364, %add3A_2370, %add3A_2376, %add3A_2382, %add3A_2388 : vector<16xf32>, vector<16xf32>, vector<16xf32>, vector<16xf32>, vector<16xf32>, vector<16xf32>, vector<16xf32>, vector<16xf32>
      }
      %scan3A_925 = arith.constant 50 : i32
      %add3A_926 = arith.addf %scan3A_924#0, %scan3A_924#1 : vector<16xf32>
      %add3A_927 = arith.addf %add3A_926, %scan3A_924#2 : vector<16xf32>
      %add3A_928 = arith.addf %add3A_927, %scan3A_924#3 : vector<16xf32>
      %add3A_929 = arith.addf %add3A_928, %scan3A_924#4 : vector<16xf32>
      %add3A_930 = arith.addf %add3A_929, %scan3A_924#5 : vector<16xf32>
      %add3A_931 = arith.addf %add3A_930, %scan3A_924#6 : vector<16xf32>
      %add3A_932 = arith.addf %add3A_931, %scan3A_924#7 : vector<16xf32>
      %mul3A_933 = arith.constant 8 : i32
      %mul3A_934 = arith.muli %add3A_99, %mul3A_933 : i32
      %add3A_935 = arith.constant 5 : i32
      %add3A_936 = arith.addi %mul3A_934, %add3A_935 : i32
      %mul3A_937 = arith.constant 16 : i32
      %mul3A_938 = arith.muli %add3A_936, %mul3A_937 : i32
      %swap3A_939 = arith.index_cast %mul3A_938 : i32 to index
      %swap3A_940 = tpu.vector_load %arg20[%swap3A_939] {strides = array<i32>} : memref<8192xf32, #tpu.memory_space<vmem>>, vector<16xf32>,
      %swap3A_941 = vector.shape_cast %swap3A_940 : vector<16xf32> to vector<16xf32>
      %swap3A_942 = vector.shape_cast %add3A_917 : vector<16xf32> to vector<16xf32>
      tpu.vector_store %arg20[%swap3A_939], %swap3A_942 {strides = array<i32>} : memref<8192xf32, #tpu.memory_space<vmem>>, vector<16xf32>,
      %mul3A_943 = arith.constant 16 : i32
      %mul3A_944 = arith.muli %add3A_936, %mul3A_943 : i32
      %swap3A_945 = arith.index_cast %mul3A_944 : i32 to index
      %swap3A_946 = tpu.vector_load %arg17[%swap3A_945] {strides = array<i32>} : memref<8192xf32, #tpu.memory_space<vmem>>, vector<16xf32>,
      %swap3A_947 = vector.shape_cast %swap3A_946 : vector<16xf32> to vector<16xf32>
      %swap3A_948 = vector.shape_cast %add3A_932 : vector<16xf32> to vector<16xf32>
      tpu.vector_store %arg17[%swap3A_945], %swap3A_948 {strides = array<i32>} : memref<8192xf32, #tpu.memory_space<vmem>>, vector<16xf32>,
      %get3A_949 = arith.constant 6 : i32
      %get3A_950 = arith.index_cast %get3A_949 : i32 to index
      %get3A_951 = arith.constant 0 : index
      %get3A_952 = tpu.vector_load %arg9[%get3A_950, %get3A_951] {strides = array<i32>} : memref<8x128xf32, #tpu.memory_space<vmem>>, vector<1x16xf32>,
      %get3A_953 = vector.shape_cast %get3A_952 : vector<1x16xf32> to vector<16xf32>
      %get3A_954 = arith.constant 6 : i32
      %get3A_955 = arith.index_cast %get3A_954 : i32 to index
      %get3A_956 = arith.constant 16 : index
      %get3A_957 = tpu.vector_load %arg9[%get3A_955, %get3A_956] {strides = array<i32>} : memref<8x128xf32, #tpu.memory_space<vmem>>, vector<1x16xf32>,
      %get3A_958 = vector.shape_cast %get3A_957 : vector<1x16xf32> to vector<16xf32>
      %get3A_959 = arith.constant 6 : i32
      %get3A_960 = arith.index_cast %get3A_959 : i32 to index
      %get3A_961 = arith.constant 32 : index
      %get3A_962 = tpu.vector_load %arg9[%get3A_960, %get3A_961] {strides = array<i32>} : memref<8x128xf32, #tpu.memory_space<vmem>>, vector<1x16xf32>,
      %get3A_963 = vector.shape_cast %get3A_962 : vector<1x16xf32> to vector<16xf32>
      %get3A_964 = arith.constant 6 : i32
      %get3A_965 = arith.index_cast %get3A_964 : i32 to index
      %get3A_966 = arith.constant 48 : index
      %get3A_967 = tpu.vector_load %arg9[%get3A_965, %get3A_966] {strides = array<i32>} : memref<8x128xf32, #tpu.memory_space<vmem>>, vector<1x16xf32>,
      %get3A_968 = vector.shape_cast %get3A_967 : vector<1x16xf32> to vector<16xf32>
      %get3A_969 = arith.constant 6 : i32
      %get3A_970 = arith.index_cast %get3A_969 : i32 to index
      %get3A_971 = arith.constant 64 : index
      %get3A_972 = tpu.vector_load %arg9[%get3A_970, %get3A_971] {strides = array<i32>} : memref<8x128xf32, #tpu.memory_space<vmem>>, vector<1x16xf32>,
      %get3A_973 = vector.shape_cast %get3A_972 : vector<1x16xf32> to vector<16xf32>
      %get3A_974 = arith.constant 6 : i32
      %get3A_975 = arith.index_cast %get3A_974 : i32 to index
      %get3A_976 = arith.constant 80 : index
      %get3A_977 = tpu.vector_load %arg9[%get3A_975, %get3A_976] {strides = array<i32>} : memref<8x128xf32, #tpu.memory_space<vmem>>, vector<1x16xf32>,
      %get3A_978 = vector.shape_cast %get3A_977 : vector<1x16xf32> to vector<16xf32>
      %get3A_979 = arith.constant 6 : i32
      %get3A_980 = arith.index_cast %get3A_979 : i32 to index
      %get3A_981 = arith.constant 96 : index
      %get3A_982 = tpu.vector_load %arg9[%get3A_980, %get3A_981] {strides = array<i32>} : memref<8x128xf32, #tpu.memory_space<vmem>>, vector<1x16xf32>,
      %get3A_983 = vector.shape_cast %get3A_982 : vector<1x16xf32> to vector<16xf32>
      %get3A_984 = arith.constant 6 : i32
      %get3A_985 = arith.index_cast %get3A_984 : i32 to index
      %get3A_986 = arith.constant 112 : index
      %get3A_987 = tpu.vector_load %arg9[%get3A_985, %get3A_986] {strides = array<i32>} : memref<8x128xf32, #tpu.memory_space<vmem>>, vector<1x16xf32>,
      %get3A_988 = vector.shape_cast %get3A_987 : vector<1x16xf32> to vector<16xf32>
      %get3A_989 = arith.constant 6 : i32
      %get3A_990 = arith.index_cast %get3A_989 : i32 to index
      %get3A_991 = arith.constant 0 : index
      %get3A_992 = tpu.vector_load %arg23[%get3A_990, %get3A_991] {strides = array<i32>} : memref<8x128xf32, #tpu.memory_space<vmem>>, vector<1x16xf32>,
      %get3A_993 = vector.shape_cast %get3A_992 : vector<1x16xf32> to vector<16xf32>
      %mul3A_994 = arith.mulf %get3A_993, %get3A_953 : vector<16xf32>
      %get3A_995 = arith.constant 6 : i32
      %get3A_996 = arith.index_cast %get3A_995 : i32 to index
      %get3A_997 = arith.constant 16 : index
      %get3A_998 = tpu.vector_load %arg23[%get3A_996, %get3A_997] {strides = array<i32>} : memref<8x128xf32, #tpu.memory_space<vmem>>, vector<1x16xf32>,
      %get3A_999 = vector.shape_cast %get3A_998 : vector<1x16xf32> to vector<16xf32>
      %mul3A_1000 = arith.mulf %get3A_999, %get3A_958 : vector<16xf32>
      %add3A_1001 = arith.addf %mul3A_994, %mul3A_1000 : vector<16xf32>
      %get3A_1002 = arith.constant 6 : i32
      %get3A_1003 = arith.index_cast %get3A_1002 : i32 to index
      %get3A_1004 = arith.constant 32 : index
      %get3A_1005 = tpu.vector_load %arg23[%get3A_1003, %get3A_1004] {strides = array<i32>} : memref<8x128xf32, #tpu.memory_space<vmem>>, vector<1x16xf32>,
      %get3A_1006 = vector.shape_cast %get3A_1005 : vector<1x16xf32> to vector<16xf32>
      %mul3A_1007 = arith.mulf %get3A_1006, %get3A_963 : vector<16xf32>
      %add3A_1008 = arith.addf %add3A_1001, %mul3A_1007 : vector<16xf32>
      %get3A_1009 = arith.constant 6 : i32
      %get3A_1010 = arith.index_cast %get3A_1009 : i32 to index
      %get3A_1011 = arith.constant 48 : index
      %get3A_1012 = tpu.vector_load %arg23[%get3A_1010, %get3A_1011] {strides = array<i32>} : memref<8x128xf32, #tpu.memory_space<vmem>>, vector<1x16xf32>,
      %get3A_1013 = vector.shape_cast %get3A_1012 : vector<1x16xf32> to vector<16xf32>
      %mul3A_1014 = arith.mulf %get3A_1013, %get3A_968 : vector<16xf32>
      %add3A_1015 = arith.addf %add3A_1008, %mul3A_1014 : vector<16xf32>
      %get3A_1016 = arith.constant 6 : i32
      %get3A_1017 = arith.index_cast %get3A_1016 : i32 to index
      %get3A_1018 = arith.constant 64 : index
      %get3A_1019 = tpu.vector_load %arg23[%get3A_1017, %get3A_1018] {strides = array<i32>} : memref<8x128xf32, #tpu.memory_space<vmem>>, vector<1x16xf32>,
      %get3A_1020 = vector.shape_cast %get3A_1019 : vector<1x16xf32> to vector<16xf32>
      %mul3A_1021 = arith.mulf %get3A_1020, %get3A_973 : vector<16xf32>
      %add3A_1022 = arith.addf %add3A_1015, %mul3A_1021 : vector<16xf32>
      %get3A_1023 = arith.constant 6 : i32
      %get3A_1024 = arith.index_cast %get3A_1023 : i32 to index
      %get3A_1025 = arith.constant 80 : index
      %get3A_1026 = tpu.vector_load %arg23[%get3A_1024, %get3A_1025] {strides = array<i32>} : memref<8x128xf32, #tpu.memory_space<vmem>>, vector<1x16xf32>,
      %get3A_1027 = vector.shape_cast %get3A_1026 : vector<1x16xf32> to vector<16xf32>
      %mul3A_1028 = arith.mulf %get3A_1027, %get3A_978 : vector<16xf32>
      %add3A_1029 = arith.addf %add3A_1022, %mul3A_1028 : vector<16xf32>
      %get3A_1030 = arith.constant 6 : i32
      %get3A_1031 = arith.index_cast %get3A_1030 : i32 to index
      %get3A_1032 = arith.constant 96 : index
      %get3A_1033 = tpu.vector_load %arg23[%get3A_1031, %get3A_1032] {strides = array<i32>} : memref<8x128xf32, #tpu.memory_space<vmem>>, vector<1x16xf32>,
      %get3A_1034 = vector.shape_cast %get3A_1033 : vector<1x16xf32> to vector<16xf32>
      %mul3A_1035 = arith.mulf %get3A_1034, %get3A_983 : vector<16xf32>
      %add3A_1036 = arith.addf %add3A_1029, %mul3A_1035 : vector<16xf32>
      %get3A_1037 = arith.constant 6 : i32
      %get3A_1038 = arith.index_cast %get3A_1037 : i32 to index
      %get3A_1039 = arith.constant 112 : index
      %get3A_1040 = tpu.vector_load %arg23[%get3A_1038, %get3A_1039] {strides = array<i32>} : memref<8x128xf32, #tpu.memory_space<vmem>>, vector<1x16xf32>,
      %get3A_1041 = vector.shape_cast %get3A_1040 : vector<1x16xf32> to vector<16xf32>
      %mul3A_1042 = arith.mulf %get3A_1041, %get3A_988 : vector<16xf32>
      %add3A_1043 = arith.addf %add3A_1036, %mul3A_1042 : vector<16xf32>
      %broadcast_in_dim3A_1044 = arith.constant 0.000000e+00 : f32
      %broadcast_in_dim3A_1045 = vector.broadcast %broadcast_in_dim3A_1044 : f32 to vector<16xf32>
      %scan3A_1046 = arith.constant 0 : i32
      %scan3A_1047 = arith.constant 50 : i32
      %scan3A_1048 = arith.addi %scan3A_1046, %scan3A_1047 : i32
      %scan3A_1049 = arith.constant 2 : i32
      %scan3A_1050:8 = scf.for %scan3A_2278 = %scan3A_1046 to %scan3A_1048 step %scan3A_1049 iter_args(%scan3A_2279 = %broadcast_in_dim3A_1045, %scan3A_2280 = %broadcast_in_dim3A_1045, %scan3A_2281 = %broadcast_in_dim3A_1045, %scan3A_2282 = %broadcast_in_dim3A_1045, %scan3A_2283 = %broadcast_in_dim3A_1045, %scan3A_2284 = %broadcast_in_dim3A_1045, %scan3A_2285 = %broadcast_in_dim3A_1045, %scan3A_2286 = %broadcast_in_dim3A_1045) -> (vector<16xf32>, vector<16xf32>, vector<16xf32>, vector<16xf32>, vector<16xf32>, vector<16xf32>, vector<16xf32>, vector<16xf32>)  : i32 {
        %add3A_2287 = arith.constant 300 : i32
        %add3A_2288 = arith.addi %add3A_2287, %scan3A_2278 : i32
        %get3A_2289 = arith.index_cast %add3A_2288 : i32 to index
        %get3A_2290 = arith.constant 0 : index
        %get3A_2291 = tpu.vector_load %arg15[%get3A_2289, %get3A_2290] {strides = array<i32>} : memref<400x128xf32, #tpu.memory_space<vmem>>, vector<1x16xf32>,
        %get3A_2292 = vector.shape_cast %get3A_2291 : vector<1x16xf32> to vector<16xf32>
        %mul3A_2293 = arith.mulf %get3A_2292, %get3A_953 : vector<16xf32>
        %add3A_2294 = arith.addf %scan3A_2279, %mul3A_2293 : vector<16xf32>
        %get3A_2295 = arith.index_cast %add3A_2288 : i32 to index
        %get3A_2296 = arith.constant 16 : index
        %get3A_2297 = tpu.vector_load %arg15[%get3A_2295, %get3A_2296] {strides = array<i32>} : memref<400x128xf32, #tpu.memory_space<vmem>>, vector<1x16xf32>,
        %get3A_2298 = vector.shape_cast %get3A_2297 : vector<1x16xf32> to vector<16xf32>
        %mul3A_2299 = arith.mulf %get3A_2298, %get3A_958 : vector<16xf32>
        %add3A_2300 = arith.addf %scan3A_2280, %mul3A_2299 : vector<16xf32>
        %get3A_2301 = arith.index_cast %add3A_2288 : i32 to index
        %get3A_2302 = arith.constant 32 : index
        %get3A_2303 = tpu.vector_load %arg15[%get3A_2301, %get3A_2302] {strides = array<i32>} : memref<400x128xf32, #tpu.memory_space<vmem>>, vector<1x16xf32>,
        %get3A_2304 = vector.shape_cast %get3A_2303 : vector<1x16xf32> to vector<16xf32>
        %mul3A_2305 = arith.mulf %get3A_2304, %get3A_963 : vector<16xf32>
        %add3A_2306 = arith.addf %scan3A_2281, %mul3A_2305 : vector<16xf32>
        %get3A_2307 = arith.index_cast %add3A_2288 : i32 to index
        %get3A_2308 = arith.constant 48 : index
        %get3A_2309 = tpu.vector_load %arg15[%get3A_2307, %get3A_2308] {strides = array<i32>} : memref<400x128xf32, #tpu.memory_space<vmem>>, vector<1x16xf32>,
        %get3A_2310 = vector.shape_cast %get3A_2309 : vector<1x16xf32> to vector<16xf32>
        %mul3A_2311 = arith.mulf %get3A_2310, %get3A_968 : vector<16xf32>
        %add3A_2312 = arith.addf %scan3A_2282, %mul3A_2311 : vector<16xf32>
        %get3A_2313 = arith.index_cast %add3A_2288 : i32 to index
        %get3A_2314 = arith.constant 64 : index
        %get3A_2315 = tpu.vector_load %arg15[%get3A_2313, %get3A_2314] {strides = array<i32>} : memref<400x128xf32, #tpu.memory_space<vmem>>, vector<1x16xf32>,
        %get3A_2316 = vector.shape_cast %get3A_2315 : vector<1x16xf32> to vector<16xf32>
        %mul3A_2317 = arith.mulf %get3A_2316, %get3A_973 : vector<16xf32>
        %add3A_2318 = arith.addf %scan3A_2283, %mul3A_2317 : vector<16xf32>
        %get3A_2319 = arith.index_cast %add3A_2288 : i32 to index
        %get3A_2320 = arith.constant 80 : index
        %get3A_2321 = tpu.vector_load %arg15[%get3A_2319, %get3A_2320] {strides = array<i32>} : memref<400x128xf32, #tpu.memory_space<vmem>>, vector<1x16xf32>,
        %get3A_2322 = vector.shape_cast %get3A_2321 : vector<1x16xf32> to vector<16xf32>
        %mul3A_2323 = arith.mulf %get3A_2322, %get3A_978 : vector<16xf32>
        %add3A_2324 = arith.addf %scan3A_2284, %mul3A_2323 : vector<16xf32>
        %get3A_2325 = arith.index_cast %add3A_2288 : i32 to index
        %get3A_2326 = arith.constant 96 : index
        %get3A_2327 = tpu.vector_load %arg15[%get3A_2325, %get3A_2326] {strides = array<i32>} : memref<400x128xf32, #tpu.memory_space<vmem>>, vector<1x16xf32>,
        %get3A_2328 = vector.shape_cast %get3A_2327 : vector<1x16xf32> to vector<16xf32>
        %mul3A_2329 = arith.mulf %get3A_2328, %get3A_983 : vector<16xf32>
        %add3A_2330 = arith.addf %scan3A_2285, %mul3A_2329 : vector<16xf32>
        %get3A_2331 = arith.index_cast %add3A_2288 : i32 to index
        %get3A_2332 = arith.constant 112 : index
        %get3A_2333 = tpu.vector_load %arg15[%get3A_2331, %get3A_2332] {strides = array<i32>} : memref<400x128xf32, #tpu.memory_space<vmem>>, vector<1x16xf32>,
        %get3A_2334 = vector.shape_cast %get3A_2333 : vector<1x16xf32> to vector<16xf32>
        %mul3A_2335 = arith.mulf %get3A_2334, %get3A_988 : vector<16xf32>
        %add3A_2336 = arith.addf %scan3A_2286, %mul3A_2335 : vector<16xf32>
        %scan3A_2337 = arith.constant 1 : i32
        %scan3A_2338 = arith.addi %scan3A_2278, %scan3A_2337 : i32
        %add3A_2339 = arith.constant 300 : i32
        %add3A_2340 = arith.addi %add3A_2339, %scan3A_2338 : i32
        %get3A_2341 = arith.index_cast %add3A_2340 : i32 to index
        %get3A_2342 = arith.constant 0 : index
        %get3A_2343 = tpu.vector_load %arg15[%get3A_2341, %get3A_2342] {strides = array<i32>} : memref<400x128xf32, #tpu.memory_space<vmem>>, vector<1x16xf32>,
        %get3A_2344 = vector.shape_cast %get3A_2343 : vector<1x16xf32> to vector<16xf32>
        %mul3A_2345 = arith.mulf %get3A_2344, %get3A_953 : vector<16xf32>
        %add3A_2346 = arith.addf %add3A_2294, %mul3A_2345 : vector<16xf32>
        %get3A_2347 = arith.index_cast %add3A_2340 : i32 to index
        %get3A_2348 = arith.constant 16 : index
        %get3A_2349 = tpu.vector_load %arg15[%get3A_2347, %get3A_2348] {strides = array<i32>} : memref<400x128xf32, #tpu.memory_space<vmem>>, vector<1x16xf32>,
        %get3A_2350 = vector.shape_cast %get3A_2349 : vector<1x16xf32> to vector<16xf32>
        %mul3A_2351 = arith.mulf %get3A_2350, %get3A_958 : vector<16xf32>
        %add3A_2352 = arith.addf %add3A_2300, %mul3A_2351 : vector<16xf32>
        %get3A_2353 = arith.index_cast %add3A_2340 : i32 to index
        %get3A_2354 = arith.constant 32 : index
        %get3A_2355 = tpu.vector_load %arg15[%get3A_2353, %get3A_2354] {strides = array<i32>} : memref<400x128xf32, #tpu.memory_space<vmem>>, vector<1x16xf32>,
        %get3A_2356 = vector.shape_cast %get3A_2355 : vector<1x16xf32> to vector<16xf32>
        %mul3A_2357 = arith.mulf %get3A_2356, %get3A_963 : vector<16xf32>
        %add3A_2358 = arith.addf %add3A_2306, %mul3A_2357 : vector<16xf32>
        %get3A_2359 = arith.index_cast %add3A_2340 : i32 to index
        %get3A_2360 = arith.constant 48 : index
        %get3A_2361 = tpu.vector_load %arg15[%get3A_2359, %get3A_2360] {strides = array<i32>} : memref<400x128xf32, #tpu.memory_space<vmem>>, vector<1x16xf32>,
        %get3A_2362 = vector.shape_cast %get3A_2361 : vector<1x16xf32> to vector<16xf32>
        %mul3A_2363 = arith.mulf %get3A_2362, %get3A_968 : vector<16xf32>
        %add3A_2364 = arith.addf %add3A_2312, %mul3A_2363 : vector<16xf32>
        %get3A_2365 = arith.index_cast %add3A_2340 : i32 to index
        %get3A_2366 = arith.constant 64 : index
        %get3A_2367 = tpu.vector_load %arg15[%get3A_2365, %get3A_2366] {strides = array<i32>} : memref<400x128xf32, #tpu.memory_space<vmem>>, vector<1x16xf32>,
        %get3A_2368 = vector.shape_cast %get3A_2367 : vector<1x16xf32> to vector<16xf32>
        %mul3A_2369 = arith.mulf %get3A_2368, %get3A_973 : vector<16xf32>
        %add3A_2370 = arith.addf %add3A_2318, %mul3A_2369 : vector<16xf32>
        %get3A_2371 = arith.index_cast %add3A_2340 : i32 to index
        %get3A_2372 = arith.constant 80 : index
        %get3A_2373 = tpu.vector_load %arg15[%get3A_2371, %get3A_2372] {strides = array<i32>} : memref<400x128xf32, #tpu.memory_space<vmem>>, vector<1x16xf32>,
        %get3A_2374 = vector.shape_cast %get3A_2373 : vector<1x16xf32> to vector<16xf32>
        %mul3A_2375 = arith.mulf %get3A_2374, %get3A_978 : vector<16xf32>
        %add3A_2376 = arith.addf %add3A_2324, %mul3A_2375 : vector<16xf32>
        %get3A_2377 = arith.index_cast %add3A_2340 : i32 to index
        %get3A_2378 = arith.constant 96 : index
        %get3A_2379 = tpu.vector_load %arg15[%get3A_2377, %get3A_2378] {strides = array<i32>} : memref<400x128xf32, #tpu.memory_space<vmem>>, vector<1x16xf32>,
        %get3A_2380 = vector.shape_cast %get3A_2379 : vector<1x16xf32> to vector<16xf32>
        %mul3A_2381 = arith.mulf %get3A_2380, %get3A_983 : vector<16xf32>
        %add3A_2382 = arith.addf %add3A_2330, %mul3A_2381 : vector<16xf32>
        %get3A_2383 = arith.index_cast %add3A_2340 : i32 to index
        %get3A_2384 = arith.constant 112 : index
        %get3A_2385 = tpu.vector_load %arg15[%get3A_2383, %get3A_2384] {strides = array<i32>} : memref<400x128xf32, #tpu.memory_space<vmem>>, vector<1x16xf32>,
        %get3A_2386 = vector.shape_cast %get3A_2385 : vector<1x16xf32> to vector<16xf32>
        %mul3A_2387 = arith.mulf %get3A_2386, %get3A_988 : vector<16xf32>
        %add3A_2388 = arith.addf %add3A_2336, %mul3A_2387 : vector<16xf32>
        scf.yield %add3A_2346, %add3A_2352, %add3A_2358, %add3A_2364, %add3A_2370, %add3A_2376, %add3A_2382, %add3A_2388 : vector<16xf32>, vector<16xf32>, vector<16xf32>, vector<16xf32>, vector<16xf32>, vector<16xf32>, vector<16xf32>, vector<16xf32>
      }
      %scan3A_1051 = arith.constant 50 : i32
      %add3A_1052 = arith.addf %scan3A_1050#0, %scan3A_1050#1 : vector<16xf32>
      %add3A_1053 = arith.addf %add3A_1052, %scan3A_1050#2 : vector<16xf32>
      %add3A_1054 = arith.addf %add3A_1053, %scan3A_1050#3 : vector<16xf32>
      %add3A_1055 = arith.addf %add3A_1054, %scan3A_1050#4 : vector<16xf32>
      %add3A_1056 = arith.addf %add3A_1055, %scan3A_1050#5 : vector<16xf32>
      %add3A_1057 = arith.addf %add3A_1056, %scan3A_1050#6 : vector<16xf32>
      %add3A_1058 = arith.addf %add3A_1057, %scan3A_1050#7 : vector<16xf32>
      %mul3A_1059 = arith.constant 8 : i32
      %mul3A_1060 = arith.muli %add3A_99, %mul3A_1059 : i32
      %add3A_1061 = arith.constant 6 : i32
      %add3A_1062 = arith.addi %mul3A_1060, %add3A_1061 : i32
      %mul3A_1063 = arith.constant 16 : i32
      %mul3A_1064 = arith.muli %add3A_1062, %mul3A_1063 : i32
      %swap3A_1065 = arith.index_cast %mul3A_1064 : i32 to index
      %swap3A_1066 = tpu.vector_load %arg20[%swap3A_1065] {strides = array<i32>} : memref<8192xf32, #tpu.memory_space<vmem>>, vector<16xf32>,
      %swap3A_1067 = vector.shape_cast %swap3A_1066 : vector<16xf32> to vector<16xf32>
      %swap3A_1068 = vector.shape_cast %add3A_1043 : vector<16xf32> to vector<16xf32>
      tpu.vector_store %arg20[%swap3A_1065], %swap3A_1068 {strides = array<i32>} : memref<8192xf32, #tpu.memory_space<vmem>>, vector<16xf32>,
      %mul3A_1069 = arith.constant 16 : i32
      %mul3A_1070 = arith.muli %add3A_1062, %mul3A_1069 : i32
      %swap3A_1071 = arith.index_cast %mul3A_1070 : i32 to index
      %swap3A_1072 = tpu.vector_load %arg17[%swap3A_1071] {strides = array<i32>} : memref<8192xf32, #tpu.memory_space<vmem>>, vector<16xf32>,
      %swap3A_1073 = vector.shape_cast %swap3A_1072 : vector<16xf32> to vector<16xf32>
      %swap3A_1074 = vector.shape_cast %add3A_1058 : vector<16xf32> to vector<16xf32>
      tpu.vector_store %arg17[%swap3A_1071], %swap3A_1074 {strides = array<i32>} : memref<8192xf32, #tpu.memory_space<vmem>>, vector<16xf32>,
      %get3A_1075 = arith.constant 7 : i32
      %get3A_1076 = arith.index_cast %get3A_1075 : i32 to index
      %get3A_1077 = arith.constant 0 : index
      %get3A_1078 = tpu.vector_load %arg9[%get3A_1076, %get3A_1077] {strides = array<i32>} : memref<8x128xf32, #tpu.memory_space<vmem>>, vector<1x16xf32>,
      %get3A_1079 = vector.shape_cast %get3A_1078 : vector<1x16xf32> to vector<16xf32>
      %get3A_1080 = arith.constant 7 : i32
      %get3A_1081 = arith.index_cast %get3A_1080 : i32 to index
      %get3A_1082 = arith.constant 16 : index
      %get3A_1083 = tpu.vector_load %arg9[%get3A_1081, %get3A_1082] {strides = array<i32>} : memref<8x128xf32, #tpu.memory_space<vmem>>, vector<1x16xf32>,
      %get3A_1084 = vector.shape_cast %get3A_1083 : vector<1x16xf32> to vector<16xf32>
      %get3A_1085 = arith.constant 7 : i32
      %get3A_1086 = arith.index_cast %get3A_1085 : i32 to index
      %get3A_1087 = arith.constant 32 : index
      %get3A_1088 = tpu.vector_load %arg9[%get3A_1086, %get3A_1087] {strides = array<i32>} : memref<8x128xf32, #tpu.memory_space<vmem>>, vector<1x16xf32>,
      %get3A_1089 = vector.shape_cast %get3A_1088 : vector<1x16xf32> to vector<16xf32>
      %get3A_1090 = arith.constant 7 : i32
      %get3A_1091 = arith.index_cast %get3A_1090 : i32 to index
      %get3A_1092 = arith.constant 48 : index
      %get3A_1093 = tpu.vector_load %arg9[%get3A_1091, %get3A_1092] {strides = array<i32>} : memref<8x128xf32, #tpu.memory_space<vmem>>, vector<1x16xf32>,
      %get3A_1094 = vector.shape_cast %get3A_1093 : vector<1x16xf32> to vector<16xf32>
      %get3A_1095 = arith.constant 7 : i32
      %get3A_1096 = arith.index_cast %get3A_1095 : i32 to index
      %get3A_1097 = arith.constant 64 : index
      %get3A_1098 = tpu.vector_load %arg9[%get3A_1096, %get3A_1097] {strides = array<i32>} : memref<8x128xf32, #tpu.memory_space<vmem>>, vector<1x16xf32>,
      %get3A_1099 = vector.shape_cast %get3A_1098 : vector<1x16xf32> to vector<16xf32>
      %get3A_1100 = arith.constant 7 : i32
      %get3A_1101 = arith.index_cast %get3A_1100 : i32 to index
      %get3A_1102 = arith.constant 80 : index
      %get3A_1103 = tpu.vector_load %arg9[%get3A_1101, %get3A_1102] {strides = array<i32>} : memref<8x128xf32, #tpu.memory_space<vmem>>, vector<1x16xf32>,
      %get3A_1104 = vector.shape_cast %get3A_1103 : vector<1x16xf32> to vector<16xf32>
      %get3A_1105 = arith.constant 7 : i32
      %get3A_1106 = arith.index_cast %get3A_1105 : i32 to index
      %get3A_1107 = arith.constant 96 : index
      %get3A_1108 = tpu.vector_load %arg9[%get3A_1106, %get3A_1107] {strides = array<i32>} : memref<8x128xf32, #tpu.memory_space<vmem>>, vector<1x16xf32>,
      %get3A_1109 = vector.shape_cast %get3A_1108 : vector<1x16xf32> to vector<16xf32>
      %get3A_1110 = arith.constant 7 : i32
      %get3A_1111 = arith.index_cast %get3A_1110 : i32 to index
      %get3A_1112 = arith.constant 112 : index
      %get3A_1113 = tpu.vector_load %arg9[%get3A_1111, %get3A_1112] {strides = array<i32>} : memref<8x128xf32, #tpu.memory_space<vmem>>, vector<1x16xf32>,
      %get3A_1114 = vector.shape_cast %get3A_1113 : vector<1x16xf32> to vector<16xf32>
      %get3A_1115 = arith.constant 7 : i32
      %get3A_1116 = arith.index_cast %get3A_1115 : i32 to index
      %get3A_1117 = arith.constant 0 : index
      %get3A_1118 = tpu.vector_load %arg23[%get3A_1116, %get3A_1117] {strides = array<i32>} : memref<8x128xf32, #tpu.memory_space<vmem>>, vector<1x16xf32>,
      %get3A_1119 = vector.shape_cast %get3A_1118 : vector<1x16xf32> to vector<16xf32>
      %mul3A_1120 = arith.mulf %get3A_1119, %get3A_1079 : vector<16xf32>
      %get3A_1121 = arith.constant 7 : i32
      %get3A_1122 = arith.index_cast %get3A_1121 : i32 to index
      %get3A_1123 = arith.constant 16 : index
      %get3A_1124 = tpu.vector_load %arg23[%get3A_1122, %get3A_1123] {strides = array<i32>} : memref<8x128xf32, #tpu.memory_space<vmem>>, vector<1x16xf32>,
      %get3A_1125 = vector.shape_cast %get3A_1124 : vector<1x16xf32> to vector<16xf32>
      %mul3A_1126 = arith.mulf %get3A_1125, %get3A_1084 : vector<16xf32>
      %add3A_1127 = arith.addf %mul3A_1120, %mul3A_1126 : vector<16xf32>
      %get3A_1128 = arith.constant 7 : i32
      %get3A_1129 = arith.index_cast %get3A_1128 : i32 to index
      %get3A_1130 = arith.constant 32 : index
      %get3A_1131 = tpu.vector_load %arg23[%get3A_1129, %get3A_1130] {strides = array<i32>} : memref<8x128xf32, #tpu.memory_space<vmem>>, vector<1x16xf32>,
      %get3A_1132 = vector.shape_cast %get3A_1131 : vector<1x16xf32> to vector<16xf32>
      %mul3A_1133 = arith.mulf %get3A_1132, %get3A_1089 : vector<16xf32>
      %add3A_1134 = arith.addf %add3A_1127, %mul3A_1133 : vector<16xf32>
      %get3A_1135 = arith.constant 7 : i32
      %get3A_1136 = arith.index_cast %get3A_1135 : i32 to index
      %get3A_1137 = arith.constant 48 : index
      %get3A_1138 = tpu.vector_load %arg23[%get3A_1136, %get3A_1137] {strides = array<i32>} : memref<8x128xf32, #tpu.memory_space<vmem>>, vector<1x16xf32>,
      %get3A_1139 = vector.shape_cast %get3A_1138 : vector<1x16xf32> to vector<16xf32>
      %mul3A_1140 = arith.mulf %get3A_1139, %get3A_1094 : vector<16xf32>
      %add3A_1141 = arith.addf %add3A_1134, %mul3A_1140 : vector<16xf32>
      %get3A_1142 = arith.constant 7 : i32
      %get3A_1143 = arith.index_cast %get3A_1142 : i32 to index
      %get3A_1144 = arith.constant 64 : index
      %get3A_1145 = tpu.vector_load %arg23[%get3A_1143, %get3A_1144] {strides = array<i32>} : memref<8x128xf32, #tpu.memory_space<vmem>>, vector<1x16xf32>,
      %get3A_1146 = vector.shape_cast %get3A_1145 : vector<1x16xf32> to vector<16xf32>
      %mul3A_1147 = arith.mulf %get3A_1146, %get3A_1099 : vector<16xf32>
      %add3A_1148 = arith.addf %add3A_1141, %mul3A_1147 : vector<16xf32>
      %get3A_1149 = arith.constant 7 : i32
      %get3A_1150 = arith.index_cast %get3A_1149 : i32 to index
      %get3A_1151 = arith.constant 80 : index
      %get3A_1152 = tpu.vector_load %arg23[%get3A_1150, %get3A_1151] {strides = array<i32>} : memref<8x128xf32, #tpu.memory_space<vmem>>, vector<1x16xf32>,
      %get3A_1153 = vector.shape_cast %get3A_1152 : vector<1x16xf32> to vector<16xf32>
      %mul3A_1154 = arith.mulf %get3A_1153, %get3A_1104 : vector<16xf32>
      %add3A_1155 = arith.addf %add3A_1148, %mul3A_1154 : vector<16xf32>
      %get3A_1156 = arith.constant 7 : i32
      %get3A_1157 = arith.index_cast %get3A_1156 : i32 to index
      %get3A_1158 = arith.constant 96 : index
      %get3A_1159 = tpu.vector_load %arg23[%get3A_1157, %get3A_1158] {strides = array<i32>} : memref<8x128xf32, #tpu.memory_space<vmem>>, vector<1x16xf32>,
      %get3A_1160 = vector.shape_cast %get3A_1159 : vector<1x16xf32> to vector<16xf32>
      %mul3A_1161 = arith.mulf %get3A_1160, %get3A_1109 : vector<16xf32>
      %add3A_1162 = arith.addf %add3A_1155, %mul3A_1161 : vector<16xf32>
      %get3A_1163 = arith.constant 7 : i32
      %get3A_1164 = arith.index_cast %get3A_1163 : i32 to index
      %get3A_1165 = arith.constant 112 : index
      %get3A_1166 = tpu.vector_load %arg23[%get3A_1164, %get3A_1165] {strides = array<i32>} : memref<8x128xf32, #tpu.memory_space<vmem>>, vector<1x16xf32>,
      %get3A_1167 = vector.shape_cast %get3A_1166 : vector<1x16xf32> to vector<16xf32>
      %mul3A_1168 = arith.mulf %get3A_1167, %get3A_1114 : vector<16xf32>
      %add3A_1169 = arith.addf %add3A_1162, %mul3A_1168 : vector<16xf32>
      %broadcast_in_dim3A_1170 = arith.constant 0.000000e+00 : f32
      %broadcast_in_dim3A_1171 = vector.broadcast %broadcast_in_dim3A_1170 : f32 to vector<16xf32>
      %scan3A_1172 = arith.constant 0 : i32
      %scan3A_1173 = arith.constant 50 : i32
      %scan3A_1174 = arith.addi %scan3A_1172, %scan3A_1173 : i32
      %scan3A_1175 = arith.constant 2 : i32
      %scan3A_1176:8 = scf.for %scan3A_2278 = %scan3A_1172 to %scan3A_1174 step %scan3A_1175 iter_args(%scan3A_2279 = %broadcast_in_dim3A_1171, %scan3A_2280 = %broadcast_in_dim3A_1171, %scan3A_2281 = %broadcast_in_dim3A_1171, %scan3A_2282 = %broadcast_in_dim3A_1171, %scan3A_2283 = %broadcast_in_dim3A_1171, %scan3A_2284 = %broadcast_in_dim3A_1171, %scan3A_2285 = %broadcast_in_dim3A_1171, %scan3A_2286 = %broadcast_in_dim3A_1171) -> (vector<16xf32>, vector<16xf32>, vector<16xf32>, vector<16xf32>, vector<16xf32>, vector<16xf32>, vector<16xf32>, vector<16xf32>)  : i32 {
        %add3A_2287 = arith.constant 350 : i32
        %add3A_2288 = arith.addi %add3A_2287, %scan3A_2278 : i32
        %get3A_2289 = arith.index_cast %add3A_2288 : i32 to index
        %get3A_2290 = arith.constant 0 : index
        %get3A_2291 = tpu.vector_load %arg15[%get3A_2289, %get3A_2290] {strides = array<i32>} : memref<400x128xf32, #tpu.memory_space<vmem>>, vector<1x16xf32>,
        %get3A_2292 = vector.shape_cast %get3A_2291 : vector<1x16xf32> to vector<16xf32>
        %mul3A_2293 = arith.mulf %get3A_2292, %get3A_1079 : vector<16xf32>
        %add3A_2294 = arith.addf %scan3A_2279, %mul3A_2293 : vector<16xf32>
        %get3A_2295 = arith.index_cast %add3A_2288 : i32 to index
        %get3A_2296 = arith.constant 16 : index
        %get3A_2297 = tpu.vector_load %arg15[%get3A_2295, %get3A_2296] {strides = array<i32>} : memref<400x128xf32, #tpu.memory_space<vmem>>, vector<1x16xf32>,
        %get3A_2298 = vector.shape_cast %get3A_2297 : vector<1x16xf32> to vector<16xf32>
        %mul3A_2299 = arith.mulf %get3A_2298, %get3A_1084 : vector<16xf32>
        %add3A_2300 = arith.addf %scan3A_2280, %mul3A_2299 : vector<16xf32>
        %get3A_2301 = arith.index_cast %add3A_2288 : i32 to index
        %get3A_2302 = arith.constant 32 : index
        %get3A_2303 = tpu.vector_load %arg15[%get3A_2301, %get3A_2302] {strides = array<i32>} : memref<400x128xf32, #tpu.memory_space<vmem>>, vector<1x16xf32>,
        %get3A_2304 = vector.shape_cast %get3A_2303 : vector<1x16xf32> to vector<16xf32>
        %mul3A_2305 = arith.mulf %get3A_2304, %get3A_1089 : vector<16xf32>
        %add3A_2306 = arith.addf %scan3A_2281, %mul3A_2305 : vector<16xf32>
        %get3A_2307 = arith.index_cast %add3A_2288 : i32 to index
        %get3A_2308 = arith.constant 48 : index
        %get3A_2309 = tpu.vector_load %arg15[%get3A_2307, %get3A_2308] {strides = array<i32>} : memref<400x128xf32, #tpu.memory_space<vmem>>, vector<1x16xf32>,
        %get3A_2310 = vector.shape_cast %get3A_2309 : vector<1x16xf32> to vector<16xf32>
        %mul3A_2311 = arith.mulf %get3A_2310, %get3A_1094 : vector<16xf32>
        %add3A_2312 = arith.addf %scan3A_2282, %mul3A_2311 : vector<16xf32>
        %get3A_2313 = arith.index_cast %add3A_2288 : i32 to index
        %get3A_2314 = arith.constant 64 : index
        %get3A_2315 = tpu.vector_load %arg15[%get3A_2313, %get3A_2314] {strides = array<i32>} : memref<400x128xf32, #tpu.memory_space<vmem>>, vector<1x16xf32>,
        %get3A_2316 = vector.shape_cast %get3A_2315 : vector<1x16xf32> to vector<16xf32>
        %mul3A_2317 = arith.mulf %get3A_2316, %get3A_1099 : vector<16xf32>
        %add3A_2318 = arith.addf %scan3A_2283, %mul3A_2317 : vector<16xf32>
        %get3A_2319 = arith.index_cast %add3A_2288 : i32 to index
        %get3A_2320 = arith.constant 80 : index
        %get3A_2321 = tpu.vector_load %arg15[%get3A_2319, %get3A_2320] {strides = array<i32>} : memref<400x128xf32, #tpu.memory_space<vmem>>, vector<1x16xf32>,
        %get3A_2322 = vector.shape_cast %get3A_2321 : vector<1x16xf32> to vector<16xf32>
        %mul3A_2323 = arith.mulf %get3A_2322, %get3A_1104 : vector<16xf32>
        %add3A_2324 = arith.addf %scan3A_2284, %mul3A_2323 : vector<16xf32>
        %get3A_2325 = arith.index_cast %add3A_2288 : i32 to index
        %get3A_2326 = arith.constant 96 : index
        %get3A_2327 = tpu.vector_load %arg15[%get3A_2325, %get3A_2326] {strides = array<i32>} : memref<400x128xf32, #tpu.memory_space<vmem>>, vector<1x16xf32>,
        %get3A_2328 = vector.shape_cast %get3A_2327 : vector<1x16xf32> to vector<16xf32>
        %mul3A_2329 = arith.mulf %get3A_2328, %get3A_1109 : vector<16xf32>
        %add3A_2330 = arith.addf %scan3A_2285, %mul3A_2329 : vector<16xf32>
        %get3A_2331 = arith.index_cast %add3A_2288 : i32 to index
        %get3A_2332 = arith.constant 112 : index
        %get3A_2333 = tpu.vector_load %arg15[%get3A_2331, %get3A_2332] {strides = array<i32>} : memref<400x128xf32, #tpu.memory_space<vmem>>, vector<1x16xf32>,
        %get3A_2334 = vector.shape_cast %get3A_2333 : vector<1x16xf32> to vector<16xf32>
        %mul3A_2335 = arith.mulf %get3A_2334, %get3A_1114 : vector<16xf32>
        %add3A_2336 = arith.addf %scan3A_2286, %mul3A_2335 : vector<16xf32>
        %scan3A_2337 = arith.constant 1 : i32
        %scan3A_2338 = arith.addi %scan3A_2278, %scan3A_2337 : i32
        %add3A_2339 = arith.constant 350 : i32
        %add3A_2340 = arith.addi %add3A_2339, %scan3A_2338 : i32
        %get3A_2341 = arith.index_cast %add3A_2340 : i32 to index
        %get3A_2342 = arith.constant 0 : index
        %get3A_2343 = tpu.vector_load %arg15[%get3A_2341, %get3A_2342] {strides = array<i32>} : memref<400x128xf32, #tpu.memory_space<vmem>>, vector<1x16xf32>,
        %get3A_2344 = vector.shape_cast %get3A_2343 : vector<1x16xf32> to vector<16xf32>
        %mul3A_2345 = arith.mulf %get3A_2344, %get3A_1079 : vector<16xf32>
        %add3A_2346 = arith.addf %add3A_2294, %mul3A_2345 : vector<16xf32>
        %get3A_2347 = arith.index_cast %add3A_2340 : i32 to index
        %get3A_2348 = arith.constant 16 : index
        %get3A_2349 = tpu.vector_load %arg15[%get3A_2347, %get3A_2348] {strides = array<i32>} : memref<400x128xf32, #tpu.memory_space<vmem>>, vector<1x16xf32>,
        %get3A_2350 = vector.shape_cast %get3A_2349 : vector<1x16xf32> to vector<16xf32>
        %mul3A_2351 = arith.mulf %get3A_2350, %get3A_1084 : vector<16xf32>
        %add3A_2352 = arith.addf %add3A_2300, %mul3A_2351 : vector<16xf32>
        %get3A_2353 = arith.index_cast %add3A_2340 : i32 to index
        %get3A_2354 = arith.constant 32 : index
        %get3A_2355 = tpu.vector_load %arg15[%get3A_2353, %get3A_2354] {strides = array<i32>} : memref<400x128xf32, #tpu.memory_space<vmem>>, vector<1x16xf32>,
        %get3A_2356 = vector.shape_cast %get3A_2355 : vector<1x16xf32> to vector<16xf32>
        %mul3A_2357 = arith.mulf %get3A_2356, %get3A_1089 : vector<16xf32>
        %add3A_2358 = arith.addf %add3A_2306, %mul3A_2357 : vector<16xf32>
        %get3A_2359 = arith.index_cast %add3A_2340 : i32 to index
        %get3A_2360 = arith.constant 48 : index
        %get3A_2361 = tpu.vector_load %arg15[%get3A_2359, %get3A_2360] {strides = array<i32>} : memref<400x128xf32, #tpu.memory_space<vmem>>, vector<1x16xf32>,
        %get3A_2362 = vector.shape_cast %get3A_2361 : vector<1x16xf32> to vector<16xf32>
        %mul3A_2363 = arith.mulf %get3A_2362, %get3A_1094 : vector<16xf32>
        %add3A_2364 = arith.addf %add3A_2312, %mul3A_2363 : vector<16xf32>
        %get3A_2365 = arith.index_cast %add3A_2340 : i32 to index
        %get3A_2366 = arith.constant 64 : index
        %get3A_2367 = tpu.vector_load %arg15[%get3A_2365, %get3A_2366] {strides = array<i32>} : memref<400x128xf32, #tpu.memory_space<vmem>>, vector<1x16xf32>,
        %get3A_2368 = vector.shape_cast %get3A_2367 : vector<1x16xf32> to vector<16xf32>
        %mul3A_2369 = arith.mulf %get3A_2368, %get3A_1099 : vector<16xf32>
        %add3A_2370 = arith.addf %add3A_2318, %mul3A_2369 : vector<16xf32>
        %get3A_2371 = arith.index_cast %add3A_2340 : i32 to index
        %get3A_2372 = arith.constant 80 : index
        %get3A_2373 = tpu.vector_load %arg15[%get3A_2371, %get3A_2372] {strides = array<i32>} : memref<400x128xf32, #tpu.memory_space<vmem>>, vector<1x16xf32>,
        %get3A_2374 = vector.shape_cast %get3A_2373 : vector<1x16xf32> to vector<16xf32>
        %mul3A_2375 = arith.mulf %get3A_2374, %get3A_1104 : vector<16xf32>
        %add3A_2376 = arith.addf %add3A_2324, %mul3A_2375 : vector<16xf32>
        %get3A_2377 = arith.index_cast %add3A_2340 : i32 to index
        %get3A_2378 = arith.constant 96 : index
        %get3A_2379 = tpu.vector_load %arg15[%get3A_2377, %get3A_2378] {strides = array<i32>} : memref<400x128xf32, #tpu.memory_space<vmem>>, vector<1x16xf32>,
        %get3A_2380 = vector.shape_cast %get3A_2379 : vector<1x16xf32> to vector<16xf32>
        %mul3A_2381 = arith.mulf %get3A_2380, %get3A_1109 : vector<16xf32>
        %add3A_2382 = arith.addf %add3A_2330, %mul3A_2381 : vector<16xf32>
        %get3A_2383 = arith.index_cast %add3A_2340 : i32 to index
        %get3A_2384 = arith.constant 112 : index
        %get3A_2385 = tpu.vector_load %arg15[%get3A_2383, %get3A_2384] {strides = array<i32>} : memref<400x128xf32, #tpu.memory_space<vmem>>, vector<1x16xf32>,
        %get3A_2386 = vector.shape_cast %get3A_2385 : vector<1x16xf32> to vector<16xf32>
        %mul3A_2387 = arith.mulf %get3A_2386, %get3A_1114 : vector<16xf32>
        %add3A_2388 = arith.addf %add3A_2336, %mul3A_2387 : vector<16xf32>
        scf.yield %add3A_2346, %add3A_2352, %add3A_2358, %add3A_2364, %add3A_2370, %add3A_2376, %add3A_2382, %add3A_2388 : vector<16xf32>, vector<16xf32>, vector<16xf32>, vector<16xf32>, vector<16xf32>, vector<16xf32>, vector<16xf32>, vector<16xf32>
      }
      %scan3A_1177 = arith.constant 50 : i32
      %add3A_1178 = arith.addf %scan3A_1176#0, %scan3A_1176#1 : vector<16xf32>
      %add3A_1179 = arith.addf %add3A_1178, %scan3A_1176#2 : vector<16xf32>
      %add3A_1180 = arith.addf %add3A_1179, %scan3A_1176#3 : vector<16xf32>
      %add3A_1181 = arith.addf %add3A_1180, %scan3A_1176#4 : vector<16xf32>
      %add3A_1182 = arith.addf %add3A_1181, %scan3A_1176#5 : vector<16xf32>
      %add3A_1183 = arith.addf %add3A_1182, %scan3A_1176#6 : vector<16xf32>
      %add3A_1184 = arith.addf %add3A_1183, %scan3A_1176#7 : vector<16xf32>
      %mul3A_1185 = arith.constant 8 : i32
      %mul3A_1186 = arith.muli %add3A_99, %mul3A_1185 : i32
      %add3A_1187 = arith.constant 7 : i32
      %add3A_1188 = arith.addi %mul3A_1186, %add3A_1187 : i32
      %mul3A_1189 = arith.constant 16 : i32
      %mul3A_1190 = arith.muli %add3A_1188, %mul3A_1189 : i32
      %swap3A_1191 = arith.index_cast %mul3A_1190 : i32 to index
      %swap3A_1192 = tpu.vector_load %arg20[%swap3A_1191] {strides = array<i32>} : memref<8192xf32, #tpu.memory_space<vmem>>, vector<16xf32>,
      %swap3A_1193 = vector.shape_cast %swap3A_1192 : vector<16xf32> to vector<16xf32>
      %swap3A_1194 = vector.shape_cast %add3A_1169 : vector<16xf32> to vector<16xf32>
      tpu.vector_store %arg20[%swap3A_1191], %swap3A_1194 {strides = array<i32>} : memref<8192xf32, #tpu.memory_space<vmem>>, vector<16xf32>,
      %mul3A_1195 = arith.constant 16 : i32
      %mul3A_1196 = arith.muli %add3A_1188, %mul3A_1195 : i32
      %swap3A_1197 = arith.index_cast %mul3A_1196 : i32 to index
      %swap3A_1198 = tpu.vector_load %arg17[%swap3A_1197] {strides = array<i32>} : memref<8192xf32, #tpu.memory_space<vmem>>, vector<16xf32>,
      %swap3A_1199 = vector.shape_cast %swap3A_1198 : vector<16xf32> to vector<16xf32>
      %swap3A_1200 = vector.shape_cast %add3A_1184 : vector<16xf32> to vector<16xf32>
      tpu.vector_store %arg17[%swap3A_1197], %swap3A_1200 {strides = array<i32>} : memref<8192xf32, #tpu.memory_space<vmem>>, vector<16xf32>,
      %add3A_1201 = arith.constant 2 : i32
      %add3A_1202 = arith.addi %add3A_99, %add3A_1201 : i32
      %lt3A_1203 = arith.constant 64 : i32
      %lt3A_1204 = arith.cmpi slt, %add3A_1202, %lt3A_1203 : i32
      %convert_element_type3A_1205 = arith.extui %lt3A_1204 : i1 to i32
      %cond3A_1206 = arith.constant 0 : i32
      %cond3A_1207 = arith.cmpi ne, %convert_element_type3A_1205, %cond3A_1206 : i32
      scf.if %cond3A_1207 {
        %add3A_2278 = arith.constant 2 : i32
        %add3A_2279 = arith.addi %add3A_99, %add3A_2278 : i32
        %mul3A_2280 = arith.constant 8 : i32
        %mul3A_2281 = arith.muli %add3A_2279, %mul3A_2280 : i32
        %add3A_2282 = arith.addi %mul3A_2, %mul3A_2281 : i32
        %mul3A_2283 = arith.constant 50 : i32
        %mul3A_2284 = arith.muli %add3A_2282, %mul3A_2283 : i32
        %dma_wait3A_2285 = tpu.memref_slice %arg2[%add3A_2282] : memref<16384xi32, #tpu.memory_space<hbm>> -> memref<8xi32, #tpu.memory_space<hbm>>
        %dma_wait3A_2286 = tpu.memref_slice %arg2[%add3A_2282] : memref<16384xi32, #tpu.memory_space<hbm>> -> memref<8xi32, #tpu.memory_space<hbm>>
        tpu.wait_dma2 semaphore(%arg13 : memref<!tpu.dma_semaphore, #tpu.memory_space<semaphore_mem>>) src(%dma_wait3A_2286 : memref<8xi32, #tpu.memory_space<hbm>>) dst(%arg11 : memref<8xi32, #tpu.memory_space<vmem>>)
        %dma_wait3A_2287 = tpu.memref_slice %arg3[%add3A_2282] : memref<16384xi32, #tpu.memory_space<hbm>> -> memref<8xi32, #tpu.memory_space<hbm>>
        %dma_wait3A_2288 = tpu.memref_slice %arg3[%add3A_2282] : memref<16384xi32, #tpu.memory_space<hbm>> -> memref<8xi32, #tpu.memory_space<hbm>>
        tpu.wait_dma2 semaphore(%arg13 : memref<!tpu.dma_semaphore, #tpu.memory_space<semaphore_mem>>) src(%dma_wait3A_2288 : memref<8xi32, #tpu.memory_space<hbm>>) dst(%arg25 : memref<8xi32, #tpu.memory_space<vmem>>)
        %dma_wait3A_2289 = tpu.memref_slice %arg4[%mul3A_2284] : memref<819200xi32, #tpu.memory_space<hbm>> -> memref<400xi32, #tpu.memory_space<hbm>>
        %dma_wait3A_2290 = tpu.memref_slice %arg4[%mul3A_2284] : memref<819200xi32, #tpu.memory_space<hbm>> -> memref<400xi32, #tpu.memory_space<hbm>>
        tpu.wait_dma2 semaphore(%arg13 : memref<!tpu.dma_semaphore, #tpu.memory_space<semaphore_mem>>) src(%dma_wait3A_2290 : memref<400xi32, #tpu.memory_space<hbm>>) dst(%arg18 : memref<400xi32, #tpu.memory_space<vmem>>)
        %dma_start3A_2291 = arith.constant 0 : i32
        %dma_start3A_2292 = arith.constant 0 : i32
        %dma_start3A_2293 = tpu.memref_slice %arg5[%dma_start3A_2291, %dma_start3A_2292] : memref<100000x128xf32, #tpu.memory_space<hbm>> -> memref<100000x128xf32, #tpu.memory_space<hbm>>
        tpu.enqueue_indirect_dma source(%dma_start3A_2293 : memref<100000x128xf32, #tpu.memory_space<hbm>>) target(%arg9 : memref<8x128xf32, #tpu.memory_space<vmem>>) offsets(%arg11 : memref<8xi32, #tpu.memory_space<vmem>>) semaphore(%arg21 : memref<!tpu.dma_semaphore, #tpu.memory_space<semaphore_mem>>)
        %dma_start3A_2294 = arith.constant 0 : i32
        %dma_start3A_2295 = arith.constant 0 : i32
        %dma_start3A_2296 = tpu.memref_slice %arg6[%dma_start3A_2294, %dma_start3A_2295] : memref<100000x128xf32, #tpu.memory_space<hbm>> -> memref<100000x128xf32, #tpu.memory_space<hbm>>
        tpu.enqueue_indirect_dma source(%dma_start3A_2296 : memref<100000x128xf32, #tpu.memory_space<hbm>>) target(%arg23 : memref<8x128xf32, #tpu.memory_space<vmem>>) offsets(%arg25 : memref<8xi32, #tpu.memory_space<vmem>>) semaphore(%arg21 : memref<!tpu.dma_semaphore, #tpu.memory_space<semaphore_mem>>)
        %dma_start3A_2297 = arith.constant 0 : i32
        %dma_start3A_2298 = arith.constant 0 : i32
        %dma_start3A_2299 = tpu.memref_slice %arg15[%dma_start3A_2297, %dma_start3A_2298] : memref<400x128xf32, #tpu.memory_space<vmem>> -> memref<80x128xf32, #tpu.memory_space<vmem>>
        %dma_start3A_2300 = arith.constant 0 : i32
        %dma_start3A_2301 = tpu.memref_slice %arg18[%dma_start3A_2300] : memref<400xi32, #tpu.memory_space<vmem>> -> memref<80xi32, #tpu.memory_space<vmem>>
        %dma_start3A_2302 = arith.constant 0 : i32
        %dma_start3A_2303 = arith.constant 0 : i32
        %dma_start3A_2304 = tpu.memref_slice %arg6[%dma_start3A_2302, %dma_start3A_2303] : memref<100000x128xf32, #tpu.memory_space<hbm>> -> memref<100000x128xf32, #tpu.memory_space<hbm>>
        tpu.enqueue_indirect_dma source(%dma_start3A_2304 : memref<100000x128xf32, #tpu.memory_space<hbm>>) target(%dma_start3A_2299 : memref<80x128xf32, #tpu.memory_space<vmem>>) offsets(%dma_start3A_2301 : memref<80xi32, #tpu.memory_space<vmem>>) semaphore(%arg21 : memref<!tpu.dma_semaphore, #tpu.memory_space<semaphore_mem>>)
        %dma_start3A_2305 = arith.constant 80 : i32
        %dma_start3A_2306 = arith.constant 0 : i32
        %dma_start3A_2307 = tpu.memref_slice %arg15[%dma_start3A_2305, %dma_start3A_2306] : memref<400x128xf32, #tpu.memory_space<vmem>> -> memref<80x128xf32, #tpu.memory_space<vmem>>
        %dma_start3A_2308 = arith.constant 80 : i32
        %dma_start3A_2309 = tpu.memref_slice %arg18[%dma_start3A_2308] : memref<400xi32, #tpu.memory_space<vmem>> -> memref<80xi32, #tpu.memory_space<vmem>>
        %dma_start3A_2310 = arith.constant 0 : i32
        %dma_start3A_2311 = arith.constant 0 : i32
        %dma_start3A_2312 = tpu.memref_slice %arg6[%dma_start3A_2310, %dma_start3A_2311] : memref<100000x128xf32, #tpu.memory_space<hbm>> -> memref<100000x128xf32, #tpu.memory_space<hbm>>
        tpu.enqueue_indirect_dma source(%dma_start3A_2312 : memref<100000x128xf32, #tpu.memory_space<hbm>>) target(%dma_start3A_2307 : memref<80x128xf32, #tpu.memory_space<vmem>>) offsets(%dma_start3A_2309 : memref<80xi32, #tpu.memory_space<vmem>>) semaphore(%arg21 : memref<!tpu.dma_semaphore, #tpu.memory_space<semaphore_mem>>)
        %dma_start3A_2313 = arith.constant 160 : i32
        %dma_start3A_2314 = arith.constant 0 : i32
        %dma_start3A_2315 = tpu.memref_slice %arg15[%dma_start3A_2313, %dma_start3A_2314] : memref<400x128xf32, #tpu.memory_space<vmem>> -> memref<80x128xf32, #tpu.memory_space<vmem>>
        %dma_start3A_2316 = arith.constant 160 : i32
        %dma_start3A_2317 = tpu.memref_slice %arg18[%dma_start3A_2316] : memref<400xi32, #tpu.memory_space<vmem>> -> memref<80xi32, #tpu.memory_space<vmem>>
        %dma_start3A_2318 = arith.constant 0 : i32
        %dma_start3A_2319 = arith.constant 0 : i32
        %dma_start3A_2320 = tpu.memref_slice %arg6[%dma_start3A_2318, %dma_start3A_2319] : memref<100000x128xf32, #tpu.memory_space<hbm>> -> memref<100000x128xf32, #tpu.memory_space<hbm>>
        tpu.enqueue_indirect_dma source(%dma_start3A_2320 : memref<100000x128xf32, #tpu.memory_space<hbm>>) target(%dma_start3A_2315 : memref<80x128xf32, #tpu.memory_space<vmem>>) offsets(%dma_start3A_2317 : memref<80xi32, #tpu.memory_space<vmem>>) semaphore(%arg21 : memref<!tpu.dma_semaphore, #tpu.memory_space<semaphore_mem>>)
        %dma_start3A_2321 = arith.constant 240 : i32
        %dma_start3A_2322 = arith.constant 0 : i32
        %dma_start3A_2323 = tpu.memref_slice %arg15[%dma_start3A_2321, %dma_start3A_2322] : memref<400x128xf32, #tpu.memory_space<vmem>> -> memref<80x128xf32, #tpu.memory_space<vmem>>
        %dma_start3A_2324 = arith.constant 240 : i32
        %dma_start3A_2325 = tpu.memref_slice %arg18[%dma_start3A_2324] : memref<400xi32, #tpu.memory_space<vmem>> -> memref<80xi32, #tpu.memory_space<vmem>>
        %dma_start3A_2326 = arith.constant 0 : i32
        %dma_start3A_2327 = arith.constant 0 : i32
        %dma_start3A_2328 = tpu.memref_slice %arg6[%dma_start3A_2326, %dma_start3A_2327] : memref<100000x128xf32, #tpu.memory_space<hbm>> -> memref<100000x128xf32, #tpu.memory_space<hbm>>
        tpu.enqueue_indirect_dma source(%dma_start3A_2328 : memref<100000x128xf32, #tpu.memory_space<hbm>>) target(%dma_start3A_2323 : memref<80x128xf32, #tpu.memory_space<vmem>>) offsets(%dma_start3A_2325 : memref<80xi32, #tpu.memory_space<vmem>>) semaphore(%arg21 : memref<!tpu.dma_semaphore, #tpu.memory_space<semaphore_mem>>)
        %dma_start3A_2329 = arith.constant 320 : i32
        %dma_start3A_2330 = arith.constant 0 : i32
        %dma_start3A_2331 = tpu.memref_slice %arg15[%dma_start3A_2329, %dma_start3A_2330] : memref<400x128xf32, #tpu.memory_space<vmem>> -> memref<80x128xf32, #tpu.memory_space<vmem>>
        %dma_start3A_2332 = arith.constant 320 : i32
        %dma_start3A_2333 = tpu.memref_slice %arg18[%dma_start3A_2332] : memref<400xi32, #tpu.memory_space<vmem>> -> memref<80xi32, #tpu.memory_space<vmem>>
        %dma_start3A_2334 = arith.constant 0 : i32
        %dma_start3A_2335 = arith.constant 0 : i32
        %dma_start3A_2336 = tpu.memref_slice %arg6[%dma_start3A_2334, %dma_start3A_2335] : memref<100000x128xf32, #tpu.memory_space<hbm>> -> memref<100000x128xf32, #tpu.memory_space<hbm>>
        tpu.enqueue_indirect_dma source(%dma_start3A_2336 : memref<100000x128xf32, #tpu.memory_space<hbm>>) target(%dma_start3A_2331 : memref<80x128xf32, #tpu.memory_space<vmem>>) offsets(%dma_start3A_2333 : memref<80xi32, #tpu.memory_space<vmem>>) semaphore(%arg21 : memref<!tpu.dma_semaphore, #tpu.memory_space<semaphore_mem>>)
      } else {
      }
      %dma_wait3A_1208 = arith.constant 0 : i32
      %dma_wait3A_1209 = arith.constant 0 : i32
      %dma_wait3A_1210 = tpu.memref_slice %arg5[%dma_wait3A_1208, %dma_wait3A_1209] : memref<100000x128xf32, #tpu.memory_space<hbm>> -> memref<100000x128xf32, #tpu.memory_space<hbm>>
      tpu.wait_indirect_dma semaphore(%arg22 : memref<!tpu.dma_semaphore, #tpu.memory_space<semaphore_mem>>) src(%dma_wait3A_1210 : memref<100000x128xf32, #tpu.memory_space<hbm>>) dst(%arg10 : memref<8x128xf32, #tpu.memory_space<vmem>>)
      %dma_wait3A_1211 = arith.constant 0 : i32
      %dma_wait3A_1212 = arith.constant 0 : i32
      %dma_wait3A_1213 = tpu.memref_slice %arg6[%dma_wait3A_1211, %dma_wait3A_1212] : memref<100000x128xf32, #tpu.memory_space<hbm>> -> memref<100000x128xf32, #tpu.memory_space<hbm>>
      tpu.wait_indirect_dma semaphore(%arg22 : memref<!tpu.dma_semaphore, #tpu.memory_space<semaphore_mem>>) src(%dma_wait3A_1213 : memref<100000x128xf32, #tpu.memory_space<hbm>>) dst(%arg24 : memref<8x128xf32, #tpu.memory_space<vmem>>)
      %dma_wait3A_1214 = arith.constant 0 : i32
      %dma_wait3A_1215 = arith.constant 0 : i32
      %dma_wait3A_1216 = tpu.memref_slice %arg16[%dma_wait3A_1214, %dma_wait3A_1215] : memref<400x128xf32, #tpu.memory_space<vmem>> -> memref<80x128xf32, #tpu.memory_space<vmem>>
      %dma_wait3A_1217 = arith.constant 0 : i32
      %dma_wait3A_1218 = tpu.memref_slice %arg19[%dma_wait3A_1217] : memref<400xi32, #tpu.memory_space<vmem>> -> memref<80xi32, #tpu.memory_space<vmem>>
      %dma_wait3A_1219 = arith.constant 0 : i32
      %dma_wait3A_1220 = arith.constant 0 : i32
      %dma_wait3A_1221 = tpu.memref_slice %arg6[%dma_wait3A_1219, %dma_wait3A_1220] : memref<100000x128xf32, #tpu.memory_space<hbm>> -> memref<100000x128xf32, #tpu.memory_space<hbm>>
      tpu.wait_indirect_dma semaphore(%arg22 : memref<!tpu.dma_semaphore, #tpu.memory_space<semaphore_mem>>) src(%dma_wait3A_1221 : memref<100000x128xf32, #tpu.memory_space<hbm>>) dst(%dma_wait3A_1216 : memref<80x128xf32, #tpu.memory_space<vmem>>)
      %dma_wait3A_1222 = arith.constant 80 : i32
      %dma_wait3A_1223 = arith.constant 0 : i32
      %dma_wait3A_1224 = tpu.memref_slice %arg16[%dma_wait3A_1222, %dma_wait3A_1223] : memref<400x128xf32, #tpu.memory_space<vmem>> -> memref<80x128xf32, #tpu.memory_space<vmem>>
      %dma_wait3A_1225 = arith.constant 80 : i32
      %dma_wait3A_1226 = tpu.memref_slice %arg19[%dma_wait3A_1225] : memref<400xi32, #tpu.memory_space<vmem>> -> memref<80xi32, #tpu.memory_space<vmem>>
      %dma_wait3A_1227 = arith.constant 0 : i32
      %dma_wait3A_1228 = arith.constant 0 : i32
      %dma_wait3A_1229 = tpu.memref_slice %arg6[%dma_wait3A_1227, %dma_wait3A_1228] : memref<100000x128xf32, #tpu.memory_space<hbm>> -> memref<100000x128xf32, #tpu.memory_space<hbm>>
      tpu.wait_indirect_dma semaphore(%arg22 : memref<!tpu.dma_semaphore, #tpu.memory_space<semaphore_mem>>) src(%dma_wait3A_1229 : memref<100000x128xf32, #tpu.memory_space<hbm>>) dst(%dma_wait3A_1224 : memref<80x128xf32, #tpu.memory_space<vmem>>)
      %dma_wait3A_1230 = arith.constant 160 : i32
      %dma_wait3A_1231 = arith.constant 0 : i32
      %dma_wait3A_1232 = tpu.memref_slice %arg16[%dma_wait3A_1230, %dma_wait3A_1231] : memref<400x128xf32, #tpu.memory_space<vmem>> -> memref<80x128xf32, #tpu.memory_space<vmem>>
      %dma_wait3A_1233 = arith.constant 160 : i32
      %dma_wait3A_1234 = tpu.memref_slice %arg19[%dma_wait3A_1233] : memref<400xi32, #tpu.memory_space<vmem>> -> memref<80xi32, #tpu.memory_space<vmem>>
      %dma_wait3A_1235 = arith.constant 0 : i32
      %dma_wait3A_1236 = arith.constant 0 : i32
      %dma_wait3A_1237 = tpu.memref_slice %arg6[%dma_wait3A_1235, %dma_wait3A_1236] : memref<100000x128xf32, #tpu.memory_space<hbm>> -> memref<100000x128xf32, #tpu.memory_space<hbm>>
      tpu.wait_indirect_dma semaphore(%arg22 : memref<!tpu.dma_semaphore, #tpu.memory_space<semaphore_mem>>) src(%dma_wait3A_1237 : memref<100000x128xf32, #tpu.memory_space<hbm>>) dst(%dma_wait3A_1232 : memref<80x128xf32, #tpu.memory_space<vmem>>)
      %dma_wait3A_1238 = arith.constant 240 : i32
      %dma_wait3A_1239 = arith.constant 0 : i32
      %dma_wait3A_1240 = tpu.memref_slice %arg16[%dma_wait3A_1238, %dma_wait3A_1239] : memref<400x128xf32, #tpu.memory_space<vmem>> -> memref<80x128xf32, #tpu.memory_space<vmem>>
      %dma_wait3A_1241 = arith.constant 240 : i32
      %dma_wait3A_1242 = tpu.memref_slice %arg19[%dma_wait3A_1241] : memref<400xi32, #tpu.memory_space<vmem>> -> memref<80xi32, #tpu.memory_space<vmem>>
      %dma_wait3A_1243 = arith.constant 0 : i32
      %dma_wait3A_1244 = arith.constant 0 : i32
      %dma_wait3A_1245 = tpu.memref_slice %arg6[%dma_wait3A_1243, %dma_wait3A_1244] : memref<100000x128xf32, #tpu.memory_space<hbm>> -> memref<100000x128xf32, #tpu.memory_space<hbm>>
      tpu.wait_indirect_dma semaphore(%arg22 : memref<!tpu.dma_semaphore, #tpu.memory_space<semaphore_mem>>) src(%dma_wait3A_1245 : memref<100000x128xf32, #tpu.memory_space<hbm>>) dst(%dma_wait3A_1240 : memref<80x128xf32, #tpu.memory_space<vmem>>)
      %dma_wait3A_1246 = arith.constant 320 : i32
      %dma_wait3A_1247 = arith.constant 0 : i32
      %dma_wait3A_1248 = tpu.memref_slice %arg16[%dma_wait3A_1246, %dma_wait3A_1247] : memref<400x128xf32, #tpu.memory_space<vmem>> -> memref<80x128xf32, #tpu.memory_space<vmem>>
      %dma_wait3A_1249 = arith.constant 320 : i32
      %dma_wait3A_1250 = tpu.memref_slice %arg19[%dma_wait3A_1249] : memref<400xi32, #tpu.memory_space<vmem>> -> memref<80xi32, #tpu.memory_space<vmem>>
      %dma_wait3A_1251 = arith.constant 0 : i32
      %dma_wait3A_1252 = arith.constant 0 : i32
      %dma_wait3A_1253 = tpu.memref_slice %arg6[%dma_wait3A_1251, %dma_wait3A_1252] : memref<100000x128xf32, #tpu.memory_space<hbm>> -> memref<100000x128xf32, #tpu.memory_space<hbm>>
      tpu.wait_indirect_dma semaphore(%arg22 : memref<!tpu.dma_semaphore, #tpu.memory_space<semaphore_mem>>) src(%dma_wait3A_1253 : memref<100000x128xf32, #tpu.memory_space<hbm>>) dst(%dma_wait3A_1248 : memref<80x128xf32, #tpu.memory_space<vmem>>)
      %add3A_1254 = arith.constant 3 : i32
      %add3A_1255 = arith.addi %add3A_99, %add3A_1254 : i32
      %lt3A_1256 = arith.constant 64 : i32
      %lt3A_1257 = arith.cmpi slt, %add3A_1255, %lt3A_1256 : i32
      %convert_element_type3A_1258 = arith.extui %lt3A_1257 : i1 to i32
      %cond3A_1259 = arith.constant 0 : i32
      %cond3A_1260 = arith.cmpi ne, %convert_element_type3A_1258, %cond3A_1259 : i32
      scf.if %cond3A_1260 {
        %add3A_2278 = arith.constant 3 : i32
        %add3A_2279 = arith.addi %add3A_99, %add3A_2278 : i32
        %mul3A_2280 = arith.constant 8 : i32
        %mul3A_2281 = arith.muli %add3A_2279, %mul3A_2280 : i32
        %add3A_2282 = arith.addi %mul3A_2, %mul3A_2281 : i32
        %mul3A_2283 = arith.constant 50 : i32
        %mul3A_2284 = arith.muli %add3A_2282, %mul3A_2283 : i32
        %dma_start3A_2285 = tpu.memref_slice %arg2[%add3A_2282] : memref<16384xi32, #tpu.memory_space<hbm>> -> memref<8xi32, #tpu.memory_space<hbm>>
        %dma_start3A_2286 = tpu.memref_slice %arg2[%add3A_2282] : memref<16384xi32, #tpu.memory_space<hbm>> -> memref<8xi32, #tpu.memory_space<hbm>>
        tpu.enqueue_dma source(%dma_start3A_2286 : memref<8xi32, #tpu.memory_space<hbm>>) target(%arg12 : memref<8xi32, #tpu.memory_space<vmem>>) target_semaphore(%arg14 : memref<!tpu.dma_semaphore, #tpu.memory_space<semaphore_mem>>)
        %dma_start3A_2287 = tpu.memref_slice %arg3[%add3A_2282] : memref<16384xi32, #tpu.memory_space<hbm>> -> memref<8xi32, #tpu.memory_space<hbm>>
        %dma_start3A_2288 = tpu.memref_slice %arg3[%add3A_2282] : memref<16384xi32, #tpu.memory_space<hbm>> -> memref<8xi32, #tpu.memory_space<hbm>>
        tpu.enqueue_dma source(%dma_start3A_2288 : memref<8xi32, #tpu.memory_space<hbm>>) target(%arg26 : memref<8xi32, #tpu.memory_space<vmem>>) target_semaphore(%arg14 : memref<!tpu.dma_semaphore, #tpu.memory_space<semaphore_mem>>)
        %dma_start3A_2289 = tpu.memref_slice %arg4[%mul3A_2284] : memref<819200xi32, #tpu.memory_space<hbm>> -> memref<400xi32, #tpu.memory_space<hbm>>
        %dma_start3A_2290 = tpu.memref_slice %arg4[%mul3A_2284] : memref<819200xi32, #tpu.memory_space<hbm>> -> memref<400xi32, #tpu.memory_space<hbm>>
        tpu.enqueue_dma source(%dma_start3A_2290 : memref<400xi32, #tpu.memory_space<hbm>>) target(%arg19 : memref<400xi32, #tpu.memory_space<vmem>>) target_semaphore(%arg14 : memref<!tpu.dma_semaphore, #tpu.memory_space<semaphore_mem>>)
      } else {
      }
      %add3A_1261 = arith.constant 1 : i32
      %add3A_1262 = arith.addi %add3A_99, %add3A_1261 : i32
      %get3A_1263 = arith.constant 0 : i32
      %get3A_1264 = arith.index_cast %get3A_1263 : i32 to index
      %get3A_1265 = arith.constant 0 : index
      %get3A_1266 = tpu.vector_load %arg10[%get3A_1264, %get3A_1265] {strides = array<i32>} : memref<8x128xf32, #tpu.memory_space<vmem>>, vector<1x16xf32>,
      %get3A_1267 = vector.shape_cast %get3A_1266 : vector<1x16xf32> to vector<16xf32>
      %get3A_1268 = arith.constant 0 : i32
      %get3A_1269 = arith.index_cast %get3A_1268 : i32 to index
      %get3A_1270 = arith.constant 16 : index
      %get3A_1271 = tpu.vector_load %arg10[%get3A_1269, %get3A_1270] {strides = array<i32>} : memref<8x128xf32, #tpu.memory_space<vmem>>, vector<1x16xf32>,
      %get3A_1272 = vector.shape_cast %get3A_1271 : vector<1x16xf32> to vector<16xf32>
      %get3A_1273 = arith.constant 0 : i32
      %get3A_1274 = arith.index_cast %get3A_1273 : i32 to index
      %get3A_1275 = arith.constant 32 : index
      %get3A_1276 = tpu.vector_load %arg10[%get3A_1274, %get3A_1275] {strides = array<i32>} : memref<8x128xf32, #tpu.memory_space<vmem>>, vector<1x16xf32>,
      %get3A_1277 = vector.shape_cast %get3A_1276 : vector<1x16xf32> to vector<16xf32>
      %get3A_1278 = arith.constant 0 : i32
      %get3A_1279 = arith.index_cast %get3A_1278 : i32 to index
      %get3A_1280 = arith.constant 48 : index
      %get3A_1281 = tpu.vector_load %arg10[%get3A_1279, %get3A_1280] {strides = array<i32>} : memref<8x128xf32, #tpu.memory_space<vmem>>, vector<1x16xf32>,
      %get3A_1282 = vector.shape_cast %get3A_1281 : vector<1x16xf32> to vector<16xf32>
      %get3A_1283 = arith.constant 0 : i32
      %get3A_1284 = arith.index_cast %get3A_1283 : i32 to index
      %get3A_1285 = arith.constant 64 : index
      %get3A_1286 = tpu.vector_load %arg10[%get3A_1284, %get3A_1285] {strides = array<i32>} : memref<8x128xf32, #tpu.memory_space<vmem>>, vector<1x16xf32>,
      %get3A_1287 = vector.shape_cast %get3A_1286 : vector<1x16xf32> to vector<16xf32>
      %get3A_1288 = arith.constant 0 : i32
      %get3A_1289 = arith.index_cast %get3A_1288 : i32 to index
      %get3A_1290 = arith.constant 80 : index
      %get3A_1291 = tpu.vector_load %arg10[%get3A_1289, %get3A_1290] {strides = array<i32>} : memref<8x128xf32, #tpu.memory_space<vmem>>, vector<1x16xf32>,
      %get3A_1292 = vector.shape_cast %get3A_1291 : vector<1x16xf32> to vector<16xf32>
      %get3A_1293 = arith.constant 0 : i32
      %get3A_1294 = arith.index_cast %get3A_1293 : i32 to index
      %get3A_1295 = arith.constant 96 : index
      %get3A_1296 = tpu.vector_load %arg10[%get3A_1294, %get3A_1295] {strides = array<i32>} : memref<8x128xf32, #tpu.memory_space<vmem>>, vector<1x16xf32>,
      %get3A_1297 = vector.shape_cast %get3A_1296 : vector<1x16xf32> to vector<16xf32>
      %get3A_1298 = arith.constant 0 : i32
      %get3A_1299 = arith.index_cast %get3A_1298 : i32 to index
      %get3A_1300 = arith.constant 112 : index
      %get3A_1301 = tpu.vector_load %arg10[%get3A_1299, %get3A_1300] {strides = array<i32>} : memref<8x128xf32, #tpu.memory_space<vmem>>, vector<1x16xf32>,
      %get3A_1302 = vector.shape_cast %get3A_1301 : vector<1x16xf32> to vector<16xf32>
      %get3A_1303 = arith.constant 0 : i32
      %get3A_1304 = arith.index_cast %get3A_1303 : i32 to index
      %get3A_1305 = arith.constant 0 : index
      %get3A_1306 = tpu.vector_load %arg24[%get3A_1304, %get3A_1305] {strides = array<i32>} : memref<8x128xf32, #tpu.memory_space<vmem>>, vector<1x16xf32>,
      %get3A_1307 = vector.shape_cast %get3A_1306 : vector<1x16xf32> to vector<16xf32>
      %mul3A_1308 = arith.mulf %get3A_1307, %get3A_1267 : vector<16xf32>
      %get3A_1309 = arith.constant 0 : i32
      %get3A_1310 = arith.index_cast %get3A_1309 : i32 to index
      %get3A_1311 = arith.constant 16 : index
      %get3A_1312 = tpu.vector_load %arg24[%get3A_1310, %get3A_1311] {strides = array<i32>} : memref<8x128xf32, #tpu.memory_space<vmem>>, vector<1x16xf32>,
      %get3A_1313 = vector.shape_cast %get3A_1312 : vector<1x16xf32> to vector<16xf32>
      %mul3A_1314 = arith.mulf %get3A_1313, %get3A_1272 : vector<16xf32>
      %add3A_1315 = arith.addf %mul3A_1308, %mul3A_1314 : vector<16xf32>
      %get3A_1316 = arith.constant 0 : i32
      %get3A_1317 = arith.index_cast %get3A_1316 : i32 to index
      %get3A_1318 = arith.constant 32 : index
      %get3A_1319 = tpu.vector_load %arg24[%get3A_1317, %get3A_1318] {strides = array<i32>} : memref<8x128xf32, #tpu.memory_space<vmem>>, vector<1x16xf32>,
      %get3A_1320 = vector.shape_cast %get3A_1319 : vector<1x16xf32> to vector<16xf32>
      %mul3A_1321 = arith.mulf %get3A_1320, %get3A_1277 : vector<16xf32>
      %add3A_1322 = arith.addf %add3A_1315, %mul3A_1321 : vector<16xf32>
      %get3A_1323 = arith.constant 0 : i32
      %get3A_1324 = arith.index_cast %get3A_1323 : i32 to index
      %get3A_1325 = arith.constant 48 : index
      %get3A_1326 = tpu.vector_load %arg24[%get3A_1324, %get3A_1325] {strides = array<i32>} : memref<8x128xf32, #tpu.memory_space<vmem>>, vector<1x16xf32>,
      %get3A_1327 = vector.shape_cast %get3A_1326 : vector<1x16xf32> to vector<16xf32>
      %mul3A_1328 = arith.mulf %get3A_1327, %get3A_1282 : vector<16xf32>
      %add3A_1329 = arith.addf %add3A_1322, %mul3A_1328 : vector<16xf32>
      %get3A_1330 = arith.constant 0 : i32
      %get3A_1331 = arith.index_cast %get3A_1330 : i32 to index
      %get3A_1332 = arith.constant 64 : index
      %get3A_1333 = tpu.vector_load %arg24[%get3A_1331, %get3A_1332] {strides = array<i32>} : memref<8x128xf32, #tpu.memory_space<vmem>>, vector<1x16xf32>,
      %get3A_1334 = vector.shape_cast %get3A_1333 : vector<1x16xf32> to vector<16xf32>
      %mul3A_1335 = arith.mulf %get3A_1334, %get3A_1287 : vector<16xf32>
      %add3A_1336 = arith.addf %add3A_1329, %mul3A_1335 : vector<16xf32>
      %get3A_1337 = arith.constant 0 : i32
      %get3A_1338 = arith.index_cast %get3A_1337 : i32 to index
      %get3A_1339 = arith.constant 80 : index
      %get3A_1340 = tpu.vector_load %arg24[%get3A_1338, %get3A_1339] {strides = array<i32>} : memref<8x128xf32, #tpu.memory_space<vmem>>, vector<1x16xf32>,
      %get3A_1341 = vector.shape_cast %get3A_1340 : vector<1x16xf32> to vector<16xf32>
      %mul3A_1342 = arith.mulf %get3A_1341, %get3A_1292 : vector<16xf32>
      %add3A_1343 = arith.addf %add3A_1336, %mul3A_1342 : vector<16xf32>
      %get3A_1344 = arith.constant 0 : i32
      %get3A_1345 = arith.index_cast %get3A_1344 : i32 to index
      %get3A_1346 = arith.constant 96 : index
      %get3A_1347 = tpu.vector_load %arg24[%get3A_1345, %get3A_1346] {strides = array<i32>} : memref<8x128xf32, #tpu.memory_space<vmem>>, vector<1x16xf32>,
      %get3A_1348 = vector.shape_cast %get3A_1347 : vector<1x16xf32> to vector<16xf32>
      %mul3A_1349 = arith.mulf %get3A_1348, %get3A_1297 : vector<16xf32>
      %add3A_1350 = arith.addf %add3A_1343, %mul3A_1349 : vector<16xf32>
      %get3A_1351 = arith.constant 0 : i32
      %get3A_1352 = arith.index_cast %get3A_1351 : i32 to index
      %get3A_1353 = arith.constant 112 : index
      %get3A_1354 = tpu.vector_load %arg24[%get3A_1352, %get3A_1353] {strides = array<i32>} : memref<8x128xf32, #tpu.memory_space<vmem>>, vector<1x16xf32>,
      %get3A_1355 = vector.shape_cast %get3A_1354 : vector<1x16xf32> to vector<16xf32>
      %mul3A_1356 = arith.mulf %get3A_1355, %get3A_1302 : vector<16xf32>
      %add3A_1357 = arith.addf %add3A_1350, %mul3A_1356 : vector<16xf32>
      %broadcast_in_dim3A_1358 = arith.constant 0.000000e+00 : f32
      %broadcast_in_dim3A_1359 = vector.broadcast %broadcast_in_dim3A_1358 : f32 to vector<16xf32>
      %scan3A_1360 = arith.constant 0 : i32
      %scan3A_1361 = arith.constant 50 : i32
      %scan3A_1362 = arith.addi %scan3A_1360, %scan3A_1361 : i32
      %scan3A_1363 = arith.constant 2 : i32
      %scan3A_1364:8 = scf.for %scan3A_2278 = %scan3A_1360 to %scan3A_1362 step %scan3A_1363 iter_args(%scan3A_2279 = %broadcast_in_dim3A_1359, %scan3A_2280 = %broadcast_in_dim3A_1359, %scan3A_2281 = %broadcast_in_dim3A_1359, %scan3A_2282 = %broadcast_in_dim3A_1359, %scan3A_2283 = %broadcast_in_dim3A_1359, %scan3A_2284 = %broadcast_in_dim3A_1359, %scan3A_2285 = %broadcast_in_dim3A_1359, %scan3A_2286 = %broadcast_in_dim3A_1359) -> (vector<16xf32>, vector<16xf32>, vector<16xf32>, vector<16xf32>, vector<16xf32>, vector<16xf32>, vector<16xf32>, vector<16xf32>)  : i32 {
        %add3A_2287 = arith.constant 0 : i32
        %add3A_2288 = arith.addi %add3A_2287, %scan3A_2278 : i32
        %get3A_2289 = arith.index_cast %add3A_2288 : i32 to index
        %get3A_2290 = arith.constant 0 : index
        %get3A_2291 = tpu.vector_load %arg16[%get3A_2289, %get3A_2290] {strides = array<i32>} : memref<400x128xf32, #tpu.memory_space<vmem>>, vector<1x16xf32>,
        %get3A_2292 = vector.shape_cast %get3A_2291 : vector<1x16xf32> to vector<16xf32>
        %mul3A_2293 = arith.mulf %get3A_2292, %get3A_1267 : vector<16xf32>
        %add3A_2294 = arith.addf %scan3A_2279, %mul3A_2293 : vector<16xf32>
        %get3A_2295 = arith.index_cast %add3A_2288 : i32 to index
        %get3A_2296 = arith.constant 16 : index
        %get3A_2297 = tpu.vector_load %arg16[%get3A_2295, %get3A_2296] {strides = array<i32>} : memref<400x128xf32, #tpu.memory_space<vmem>>, vector<1x16xf32>,
        %get3A_2298 = vector.shape_cast %get3A_2297 : vector<1x16xf32> to vector<16xf32>
        %mul3A_2299 = arith.mulf %get3A_2298, %get3A_1272 : vector<16xf32>
        %add3A_2300 = arith.addf %scan3A_2280, %mul3A_2299 : vector<16xf32>
        %get3A_2301 = arith.index_cast %add3A_2288 : i32 to index
        %get3A_2302 = arith.constant 32 : index
        %get3A_2303 = tpu.vector_load %arg16[%get3A_2301, %get3A_2302] {strides = array<i32>} : memref<400x128xf32, #tpu.memory_space<vmem>>, vector<1x16xf32>,
        %get3A_2304 = vector.shape_cast %get3A_2303 : vector<1x16xf32> to vector<16xf32>
        %mul3A_2305 = arith.mulf %get3A_2304, %get3A_1277 : vector<16xf32>
        %add3A_2306 = arith.addf %scan3A_2281, %mul3A_2305 : vector<16xf32>
        %get3A_2307 = arith.index_cast %add3A_2288 : i32 to index
        %get3A_2308 = arith.constant 48 : index
        %get3A_2309 = tpu.vector_load %arg16[%get3A_2307, %get3A_2308] {strides = array<i32>} : memref<400x128xf32, #tpu.memory_space<vmem>>, vector<1x16xf32>,
        %get3A_2310 = vector.shape_cast %get3A_2309 : vector<1x16xf32> to vector<16xf32>
        %mul3A_2311 = arith.mulf %get3A_2310, %get3A_1282 : vector<16xf32>
        %add3A_2312 = arith.addf %scan3A_2282, %mul3A_2311 : vector<16xf32>
        %get3A_2313 = arith.index_cast %add3A_2288 : i32 to index
        %get3A_2314 = arith.constant 64 : index
        %get3A_2315 = tpu.vector_load %arg16[%get3A_2313, %get3A_2314] {strides = array<i32>} : memref<400x128xf32, #tpu.memory_space<vmem>>, vector<1x16xf32>,
        %get3A_2316 = vector.shape_cast %get3A_2315 : vector<1x16xf32> to vector<16xf32>
        %mul3A_2317 = arith.mulf %get3A_2316, %get3A_1287 : vector<16xf32>
        %add3A_2318 = arith.addf %scan3A_2283, %mul3A_2317 : vector<16xf32>
        %get3A_2319 = arith.index_cast %add3A_2288 : i32 to index
        %get3A_2320 = arith.constant 80 : index
        %get3A_2321 = tpu.vector_load %arg16[%get3A_2319, %get3A_2320] {strides = array<i32>} : memref<400x128xf32, #tpu.memory_space<vmem>>, vector<1x16xf32>,
        %get3A_2322 = vector.shape_cast %get3A_2321 : vector<1x16xf32> to vector<16xf32>
        %mul3A_2323 = arith.mulf %get3A_2322, %get3A_1292 : vector<16xf32>
        %add3A_2324 = arith.addf %scan3A_2284, %mul3A_2323 : vector<16xf32>
        %get3A_2325 = arith.index_cast %add3A_2288 : i32 to index
        %get3A_2326 = arith.constant 96 : index
        %get3A_2327 = tpu.vector_load %arg16[%get3A_2325, %get3A_2326] {strides = array<i32>} : memref<400x128xf32, #tpu.memory_space<vmem>>, vector<1x16xf32>,
        %get3A_2328 = vector.shape_cast %get3A_2327 : vector<1x16xf32> to vector<16xf32>
        %mul3A_2329 = arith.mulf %get3A_2328, %get3A_1297 : vector<16xf32>
        %add3A_2330 = arith.addf %scan3A_2285, %mul3A_2329 : vector<16xf32>
        %get3A_2331 = arith.index_cast %add3A_2288 : i32 to index
        %get3A_2332 = arith.constant 112 : index
        %get3A_2333 = tpu.vector_load %arg16[%get3A_2331, %get3A_2332] {strides = array<i32>} : memref<400x128xf32, #tpu.memory_space<vmem>>, vector<1x16xf32>,
        %get3A_2334 = vector.shape_cast %get3A_2333 : vector<1x16xf32> to vector<16xf32>
        %mul3A_2335 = arith.mulf %get3A_2334, %get3A_1302 : vector<16xf32>
        %add3A_2336 = arith.addf %scan3A_2286, %mul3A_2335 : vector<16xf32>
        %scan3A_2337 = arith.constant 1 : i32
        %scan3A_2338 = arith.addi %scan3A_2278, %scan3A_2337 : i32
        %add3A_2339 = arith.constant 0 : i32
        %add3A_2340 = arith.addi %add3A_2339, %scan3A_2338 : i32
        %get3A_2341 = arith.index_cast %add3A_2340 : i32 to index
        %get3A_2342 = arith.constant 0 : index
        %get3A_2343 = tpu.vector_load %arg16[%get3A_2341, %get3A_2342] {strides = array<i32>} : memref<400x128xf32, #tpu.memory_space<vmem>>, vector<1x16xf32>,
        %get3A_2344 = vector.shape_cast %get3A_2343 : vector<1x16xf32> to vector<16xf32>
        %mul3A_2345 = arith.mulf %get3A_2344, %get3A_1267 : vector<16xf32>
        %add3A_2346 = arith.addf %add3A_2294, %mul3A_2345 : vector<16xf32>
        %get3A_2347 = arith.index_cast %add3A_2340 : i32 to index
        %get3A_2348 = arith.constant 16 : index
        %get3A_2349 = tpu.vector_load %arg16[%get3A_2347, %get3A_2348] {strides = array<i32>} : memref<400x128xf32, #tpu.memory_space<vmem>>, vector<1x16xf32>,
        %get3A_2350 = vector.shape_cast %get3A_2349 : vector<1x16xf32> to vector<16xf32>
        %mul3A_2351 = arith.mulf %get3A_2350, %get3A_1272 : vector<16xf32>
        %add3A_2352 = arith.addf %add3A_2300, %mul3A_2351 : vector<16xf32>
        %get3A_2353 = arith.index_cast %add3A_2340 : i32 to index
        %get3A_2354 = arith.constant 32 : index
        %get3A_2355 = tpu.vector_load %arg16[%get3A_2353, %get3A_2354] {strides = array<i32>} : memref<400x128xf32, #tpu.memory_space<vmem>>, vector<1x16xf32>,
        %get3A_2356 = vector.shape_cast %get3A_2355 : vector<1x16xf32> to vector<16xf32>
        %mul3A_2357 = arith.mulf %get3A_2356, %get3A_1277 : vector<16xf32>
        %add3A_2358 = arith.addf %add3A_2306, %mul3A_2357 : vector<16xf32>
        %get3A_2359 = arith.index_cast %add3A_2340 : i32 to index
        %get3A_2360 = arith.constant 48 : index
        %get3A_2361 = tpu.vector_load %arg16[%get3A_2359, %get3A_2360] {strides = array<i32>} : memref<400x128xf32, #tpu.memory_space<vmem>>, vector<1x16xf32>,
        %get3A_2362 = vector.shape_cast %get3A_2361 : vector<1x16xf32> to vector<16xf32>
        %mul3A_2363 = arith.mulf %get3A_2362, %get3A_1282 : vector<16xf32>
        %add3A_2364 = arith.addf %add3A_2312, %mul3A_2363 : vector<16xf32>
        %get3A_2365 = arith.index_cast %add3A_2340 : i32 to index
        %get3A_2366 = arith.constant 64 : index
        %get3A_2367 = tpu.vector_load %arg16[%get3A_2365, %get3A_2366] {strides = array<i32>} : memref<400x128xf32, #tpu.memory_space<vmem>>, vector<1x16xf32>,
        %get3A_2368 = vector.shape_cast %get3A_2367 : vector<1x16xf32> to vector<16xf32>
        %mul3A_2369 = arith.mulf %get3A_2368, %get3A_1287 : vector<16xf32>
        %add3A_2370 = arith.addf %add3A_2318, %mul3A_2369 : vector<16xf32>
        %get3A_2371 = arith.index_cast %add3A_2340 : i32 to index
        %get3A_2372 = arith.constant 80 : index
        %get3A_2373 = tpu.vector_load %arg16[%get3A_2371, %get3A_2372] {strides = array<i32>} : memref<400x128xf32, #tpu.memory_space<vmem>>, vector<1x16xf32>,
        %get3A_2374 = vector.shape_cast %get3A_2373 : vector<1x16xf32> to vector<16xf32>
        %mul3A_2375 = arith.mulf %get3A_2374, %get3A_1292 : vector<16xf32>
        %add3A_2376 = arith.addf %add3A_2324, %mul3A_2375 : vector<16xf32>
        %get3A_2377 = arith.index_cast %add3A_2340 : i32 to index
        %get3A_2378 = arith.constant 96 : index
        %get3A_2379 = tpu.vector_load %arg16[%get3A_2377, %get3A_2378] {strides = array<i32>} : memref<400x128xf32, #tpu.memory_space<vmem>>, vector<1x16xf32>,
        %get3A_2380 = vector.shape_cast %get3A_2379 : vector<1x16xf32> to vector<16xf32>
        %mul3A_2381 = arith.mulf %get3A_2380, %get3A_1297 : vector<16xf32>
        %add3A_2382 = arith.addf %add3A_2330, %mul3A_2381 : vector<16xf32>
        %get3A_2383 = arith.index_cast %add3A_2340 : i32 to index
        %get3A_2384 = arith.constant 112 : index
        %get3A_2385 = tpu.vector_load %arg16[%get3A_2383, %get3A_2384] {strides = array<i32>} : memref<400x128xf32, #tpu.memory_space<vmem>>, vector<1x16xf32>,
        %get3A_2386 = vector.shape_cast %get3A_2385 : vector<1x16xf32> to vector<16xf32>
        %mul3A_2387 = arith.mulf %get3A_2386, %get3A_1302 : vector<16xf32>
        %add3A_2388 = arith.addf %add3A_2336, %mul3A_2387 : vector<16xf32>
        scf.yield %add3A_2346, %add3A_2352, %add3A_2358, %add3A_2364, %add3A_2370, %add3A_2376, %add3A_2382, %add3A_2388 : vector<16xf32>, vector<16xf32>, vector<16xf32>, vector<16xf32>, vector<16xf32>, vector<16xf32>, vector<16xf32>, vector<16xf32>
      }
      %scan3A_1365 = arith.constant 50 : i32
      %add3A_1366 = arith.addf %scan3A_1364#0, %scan3A_1364#1 : vector<16xf32>
      %add3A_1367 = arith.addf %add3A_1366, %scan3A_1364#2 : vector<16xf32>
      %add3A_1368 = arith.addf %add3A_1367, %scan3A_1364#3 : vector<16xf32>
      %add3A_1369 = arith.addf %add3A_1368, %scan3A_1364#4 : vector<16xf32>
      %add3A_1370 = arith.addf %add3A_1369, %scan3A_1364#5 : vector<16xf32>
      %add3A_1371 = arith.addf %add3A_1370, %scan3A_1364#6 : vector<16xf32>
      %add3A_1372 = arith.addf %add3A_1371, %scan3A_1364#7 : vector<16xf32>
      %mul3A_1373 = arith.constant 8 : i32
      %mul3A_1374 = arith.muli %add3A_1262, %mul3A_1373 : i32
      %add3A_1375 = arith.constant 0 : i32
      %add3A_1376 = arith.addi %mul3A_1374, %add3A_1375 : i32
      %mul3A_1377 = arith.constant 16 : i32
      %mul3A_1378 = arith.muli %add3A_1376, %mul3A_1377 : i32
      %swap3A_1379 = arith.index_cast %mul3A_1378 : i32 to index
      %swap3A_1380 = tpu.vector_load %arg20[%swap3A_1379] {strides = array<i32>} : memref<8192xf32, #tpu.memory_space<vmem>>, vector<16xf32>,
      %swap3A_1381 = vector.shape_cast %swap3A_1380 : vector<16xf32> to vector<16xf32>
      %swap3A_1382 = vector.shape_cast %add3A_1357 : vector<16xf32> to vector<16xf32>
      tpu.vector_store %arg20[%swap3A_1379], %swap3A_1382 {strides = array<i32>} : memref<8192xf32, #tpu.memory_space<vmem>>, vector<16xf32>,
      %mul3A_1383 = arith.constant 16 : i32
      %mul3A_1384 = arith.muli %add3A_1376, %mul3A_1383 : i32
      %swap3A_1385 = arith.index_cast %mul3A_1384 : i32 to index
      %swap3A_1386 = tpu.vector_load %arg17[%swap3A_1385] {strides = array<i32>} : memref<8192xf32, #tpu.memory_space<vmem>>, vector<16xf32>,
      %swap3A_1387 = vector.shape_cast %swap3A_1386 : vector<16xf32> to vector<16xf32>
      %swap3A_1388 = vector.shape_cast %add3A_1372 : vector<16xf32> to vector<16xf32>
      tpu.vector_store %arg17[%swap3A_1385], %swap3A_1388 {strides = array<i32>} : memref<8192xf32, #tpu.memory_space<vmem>>, vector<16xf32>,
      %get3A_1389 = arith.constant 1 : i32
      %get3A_1390 = arith.index_cast %get3A_1389 : i32 to index
      %get3A_1391 = arith.constant 0 : index
      %get3A_1392 = tpu.vector_load %arg10[%get3A_1390, %get3A_1391] {strides = array<i32>} : memref<8x128xf32, #tpu.memory_space<vmem>>, vector<1x16xf32>,
      %get3A_1393 = vector.shape_cast %get3A_1392 : vector<1x16xf32> to vector<16xf32>
      %get3A_1394 = arith.constant 1 : i32
      %get3A_1395 = arith.index_cast %get3A_1394 : i32 to index
      %get3A_1396 = arith.constant 16 : index
      %get3A_1397 = tpu.vector_load %arg10[%get3A_1395, %get3A_1396] {strides = array<i32>} : memref<8x128xf32, #tpu.memory_space<vmem>>, vector<1x16xf32>,
      %get3A_1398 = vector.shape_cast %get3A_1397 : vector<1x16xf32> to vector<16xf32>
      %get3A_1399 = arith.constant 1 : i32
      %get3A_1400 = arith.index_cast %get3A_1399 : i32 to index
      %get3A_1401 = arith.constant 32 : index
      %get3A_1402 = tpu.vector_load %arg10[%get3A_1400, %get3A_1401] {strides = array<i32>} : memref<8x128xf32, #tpu.memory_space<vmem>>, vector<1x16xf32>,
      %get3A_1403 = vector.shape_cast %get3A_1402 : vector<1x16xf32> to vector<16xf32>
      %get3A_1404 = arith.constant 1 : i32
      %get3A_1405 = arith.index_cast %get3A_1404 : i32 to index
      %get3A_1406 = arith.constant 48 : index
      %get3A_1407 = tpu.vector_load %arg10[%get3A_1405, %get3A_1406] {strides = array<i32>} : memref<8x128xf32, #tpu.memory_space<vmem>>, vector<1x16xf32>,
      %get3A_1408 = vector.shape_cast %get3A_1407 : vector<1x16xf32> to vector<16xf32>
      %get3A_1409 = arith.constant 1 : i32
      %get3A_1410 = arith.index_cast %get3A_1409 : i32 to index
      %get3A_1411 = arith.constant 64 : index
      %get3A_1412 = tpu.vector_load %arg10[%get3A_1410, %get3A_1411] {strides = array<i32>} : memref<8x128xf32, #tpu.memory_space<vmem>>, vector<1x16xf32>,
      %get3A_1413 = vector.shape_cast %get3A_1412 : vector<1x16xf32> to vector<16xf32>
      %get3A_1414 = arith.constant 1 : i32
      %get3A_1415 = arith.index_cast %get3A_1414 : i32 to index
      %get3A_1416 = arith.constant 80 : index
      %get3A_1417 = tpu.vector_load %arg10[%get3A_1415, %get3A_1416] {strides = array<i32>} : memref<8x128xf32, #tpu.memory_space<vmem>>, vector<1x16xf32>,
      %get3A_1418 = vector.shape_cast %get3A_1417 : vector<1x16xf32> to vector<16xf32>
      %get3A_1419 = arith.constant 1 : i32
      %get3A_1420 = arith.index_cast %get3A_1419 : i32 to index
      %get3A_1421 = arith.constant 96 : index
      %get3A_1422 = tpu.vector_load %arg10[%get3A_1420, %get3A_1421] {strides = array<i32>} : memref<8x128xf32, #tpu.memory_space<vmem>>, vector<1x16xf32>,
      %get3A_1423 = vector.shape_cast %get3A_1422 : vector<1x16xf32> to vector<16xf32>
      %get3A_1424 = arith.constant 1 : i32
      %get3A_1425 = arith.index_cast %get3A_1424 : i32 to index
      %get3A_1426 = arith.constant 112 : index
      %get3A_1427 = tpu.vector_load %arg10[%get3A_1425, %get3A_1426] {strides = array<i32>} : memref<8x128xf32, #tpu.memory_space<vmem>>, vector<1x16xf32>,
      %get3A_1428 = vector.shape_cast %get3A_1427 : vector<1x16xf32> to vector<16xf32>
      %get3A_1429 = arith.constant 1 : i32
      %get3A_1430 = arith.index_cast %get3A_1429 : i32 to index
      %get3A_1431 = arith.constant 0 : index
      %get3A_1432 = tpu.vector_load %arg24[%get3A_1430, %get3A_1431] {strides = array<i32>} : memref<8x128xf32, #tpu.memory_space<vmem>>, vector<1x16xf32>,
      %get3A_1433 = vector.shape_cast %get3A_1432 : vector<1x16xf32> to vector<16xf32>
      %mul3A_1434 = arith.mulf %get3A_1433, %get3A_1393 : vector<16xf32>
      %get3A_1435 = arith.constant 1 : i32
      %get3A_1436 = arith.index_cast %get3A_1435 : i32 to index
      %get3A_1437 = arith.constant 16 : index
      %get3A_1438 = tpu.vector_load %arg24[%get3A_1436, %get3A_1437] {strides = array<i32>} : memref<8x128xf32, #tpu.memory_space<vmem>>, vector<1x16xf32>,
      %get3A_1439 = vector.shape_cast %get3A_1438 : vector<1x16xf32> to vector<16xf32>
      %mul3A_1440 = arith.mulf %get3A_1439, %get3A_1398 : vector<16xf32>
      %add3A_1441 = arith.addf %mul3A_1434, %mul3A_1440 : vector<16xf32>
      %get3A_1442 = arith.constant 1 : i32
      %get3A_1443 = arith.index_cast %get3A_1442 : i32 to index
      %get3A_1444 = arith.constant 32 : index
      %get3A_1445 = tpu.vector_load %arg24[%get3A_1443, %get3A_1444] {strides = array<i32>} : memref<8x128xf32, #tpu.memory_space<vmem>>, vector<1x16xf32>,
      %get3A_1446 = vector.shape_cast %get3A_1445 : vector<1x16xf32> to vector<16xf32>
      %mul3A_1447 = arith.mulf %get3A_1446, %get3A_1403 : vector<16xf32>
      %add3A_1448 = arith.addf %add3A_1441, %mul3A_1447 : vector<16xf32>
      %get3A_1449 = arith.constant 1 : i32
      %get3A_1450 = arith.index_cast %get3A_1449 : i32 to index
      %get3A_1451 = arith.constant 48 : index
      %get3A_1452 = tpu.vector_load %arg24[%get3A_1450, %get3A_1451] {strides = array<i32>} : memref<8x128xf32, #tpu.memory_space<vmem>>, vector<1x16xf32>,
      %get3A_1453 = vector.shape_cast %get3A_1452 : vector<1x16xf32> to vector<16xf32>
      %mul3A_1454 = arith.mulf %get3A_1453, %get3A_1408 : vector<16xf32>
      %add3A_1455 = arith.addf %add3A_1448, %mul3A_1454 : vector<16xf32>
      %get3A_1456 = arith.constant 1 : i32
      %get3A_1457 = arith.index_cast %get3A_1456 : i32 to index
      %get3A_1458 = arith.constant 64 : index
      %get3A_1459 = tpu.vector_load %arg24[%get3A_1457, %get3A_1458] {strides = array<i32>} : memref<8x128xf32, #tpu.memory_space<vmem>>, vector<1x16xf32>,
      %get3A_1460 = vector.shape_cast %get3A_1459 : vector<1x16xf32> to vector<16xf32>
      %mul3A_1461 = arith.mulf %get3A_1460, %get3A_1413 : vector<16xf32>
      %add3A_1462 = arith.addf %add3A_1455, %mul3A_1461 : vector<16xf32>
      %get3A_1463 = arith.constant 1 : i32
      %get3A_1464 = arith.index_cast %get3A_1463 : i32 to index
      %get3A_1465 = arith.constant 80 : index
      %get3A_1466 = tpu.vector_load %arg24[%get3A_1464, %get3A_1465] {strides = array<i32>} : memref<8x128xf32, #tpu.memory_space<vmem>>, vector<1x16xf32>,
      %get3A_1467 = vector.shape_cast %get3A_1466 : vector<1x16xf32> to vector<16xf32>
      %mul3A_1468 = arith.mulf %get3A_1467, %get3A_1418 : vector<16xf32>
      %add3A_1469 = arith.addf %add3A_1462, %mul3A_1468 : vector<16xf32>
      %get3A_1470 = arith.constant 1 : i32
      %get3A_1471 = arith.index_cast %get3A_1470 : i32 to index
      %get3A_1472 = arith.constant 96 : index
      %get3A_1473 = tpu.vector_load %arg24[%get3A_1471, %get3A_1472] {strides = array<i32>} : memref<8x128xf32, #tpu.memory_space<vmem>>, vector<1x16xf32>,
      %get3A_1474 = vector.shape_cast %get3A_1473 : vector<1x16xf32> to vector<16xf32>
      %mul3A_1475 = arith.mulf %get3A_1474, %get3A_1423 : vector<16xf32>
      %add3A_1476 = arith.addf %add3A_1469, %mul3A_1475 : vector<16xf32>
      %get3A_1477 = arith.constant 1 : i32
      %get3A_1478 = arith.index_cast %get3A_1477 : i32 to index
      %get3A_1479 = arith.constant 112 : index
      %get3A_1480 = tpu.vector_load %arg24[%get3A_1478, %get3A_1479] {strides = array<i32>} : memref<8x128xf32, #tpu.memory_space<vmem>>, vector<1x16xf32>,
      %get3A_1481 = vector.shape_cast %get3A_1480 : vector<1x16xf32> to vector<16xf32>
      %mul3A_1482 = arith.mulf %get3A_1481, %get3A_1428 : vector<16xf32>
      %add3A_1483 = arith.addf %add3A_1476, %mul3A_1482 : vector<16xf32>
      %broadcast_in_dim3A_1484 = arith.constant 0.000000e+00 : f32
      %broadcast_in_dim3A_1485 = vector.broadcast %broadcast_in_dim3A_1484 : f32 to vector<16xf32>
      %scan3A_1486 = arith.constant 0 : i32
      %scan3A_1487 = arith.constant 50 : i32
      %scan3A_1488 = arith.addi %scan3A_1486, %scan3A_1487 : i32
      %scan3A_1489 = arith.constant 2 : i32
      %scan3A_1490:8 = scf.for %scan3A_2278 = %scan3A_1486 to %scan3A_1488 step %scan3A_1489 iter_args(%scan3A_2279 = %broadcast_in_dim3A_1485, %scan3A_2280 = %broadcast_in_dim3A_1485, %scan3A_2281 = %broadcast_in_dim3A_1485, %scan3A_2282 = %broadcast_in_dim3A_1485, %scan3A_2283 = %broadcast_in_dim3A_1485, %scan3A_2284 = %broadcast_in_dim3A_1485, %scan3A_2285 = %broadcast_in_dim3A_1485, %scan3A_2286 = %broadcast_in_dim3A_1485) -> (vector<16xf32>, vector<16xf32>, vector<16xf32>, vector<16xf32>, vector<16xf32>, vector<16xf32>, vector<16xf32>, vector<16xf32>)  : i32 {
        %add3A_2287 = arith.constant 50 : i32
        %add3A_2288 = arith.addi %add3A_2287, %scan3A_2278 : i32
        %get3A_2289 = arith.index_cast %add3A_2288 : i32 to index
        %get3A_2290 = arith.constant 0 : index
        %get3A_2291 = tpu.vector_load %arg16[%get3A_2289, %get3A_2290] {strides = array<i32>} : memref<400x128xf32, #tpu.memory_space<vmem>>, vector<1x16xf32>,
        %get3A_2292 = vector.shape_cast %get3A_2291 : vector<1x16xf32> to vector<16xf32>
        %mul3A_2293 = arith.mulf %get3A_2292, %get3A_1393 : vector<16xf32>
        %add3A_2294 = arith.addf %scan3A_2279, %mul3A_2293 : vector<16xf32>
        %get3A_2295 = arith.index_cast %add3A_2288 : i32 to index
        %get3A_2296 = arith.constant 16 : index
        %get3A_2297 = tpu.vector_load %arg16[%get3A_2295, %get3A_2296] {strides = array<i32>} : memref<400x128xf32, #tpu.memory_space<vmem>>, vector<1x16xf32>,
        %get3A_2298 = vector.shape_cast %get3A_2297 : vector<1x16xf32> to vector<16xf32>
        %mul3A_2299 = arith.mulf %get3A_2298, %get3A_1398 : vector<16xf32>
        %add3A_2300 = arith.addf %scan3A_2280, %mul3A_2299 : vector<16xf32>
        %get3A_2301 = arith.index_cast %add3A_2288 : i32 to index
        %get3A_2302 = arith.constant 32 : index
        %get3A_2303 = tpu.vector_load %arg16[%get3A_2301, %get3A_2302] {strides = array<i32>} : memref<400x128xf32, #tpu.memory_space<vmem>>, vector<1x16xf32>,
        %get3A_2304 = vector.shape_cast %get3A_2303 : vector<1x16xf32> to vector<16xf32>
        %mul3A_2305 = arith.mulf %get3A_2304, %get3A_1403 : vector<16xf32>
        %add3A_2306 = arith.addf %scan3A_2281, %mul3A_2305 : vector<16xf32>
        %get3A_2307 = arith.index_cast %add3A_2288 : i32 to index
        %get3A_2308 = arith.constant 48 : index
        %get3A_2309 = tpu.vector_load %arg16[%get3A_2307, %get3A_2308] {strides = array<i32>} : memref<400x128xf32, #tpu.memory_space<vmem>>, vector<1x16xf32>,
        %get3A_2310 = vector.shape_cast %get3A_2309 : vector<1x16xf32> to vector<16xf32>
        %mul3A_2311 = arith.mulf %get3A_2310, %get3A_1408 : vector<16xf32>
        %add3A_2312 = arith.addf %scan3A_2282, %mul3A_2311 : vector<16xf32>
        %get3A_2313 = arith.index_cast %add3A_2288 : i32 to index
        %get3A_2314 = arith.constant 64 : index
        %get3A_2315 = tpu.vector_load %arg16[%get3A_2313, %get3A_2314] {strides = array<i32>} : memref<400x128xf32, #tpu.memory_space<vmem>>, vector<1x16xf32>,
        %get3A_2316 = vector.shape_cast %get3A_2315 : vector<1x16xf32> to vector<16xf32>
        %mul3A_2317 = arith.mulf %get3A_2316, %get3A_1413 : vector<16xf32>
        %add3A_2318 = arith.addf %scan3A_2283, %mul3A_2317 : vector<16xf32>
        %get3A_2319 = arith.index_cast %add3A_2288 : i32 to index
        %get3A_2320 = arith.constant 80 : index
        %get3A_2321 = tpu.vector_load %arg16[%get3A_2319, %get3A_2320] {strides = array<i32>} : memref<400x128xf32, #tpu.memory_space<vmem>>, vector<1x16xf32>,
        %get3A_2322 = vector.shape_cast %get3A_2321 : vector<1x16xf32> to vector<16xf32>
        %mul3A_2323 = arith.mulf %get3A_2322, %get3A_1418 : vector<16xf32>
        %add3A_2324 = arith.addf %scan3A_2284, %mul3A_2323 : vector<16xf32>
        %get3A_2325 = arith.index_cast %add3A_2288 : i32 to index
        %get3A_2326 = arith.constant 96 : index
        %get3A_2327 = tpu.vector_load %arg16[%get3A_2325, %get3A_2326] {strides = array<i32>} : memref<400x128xf32, #tpu.memory_space<vmem>>, vector<1x16xf32>,
        %get3A_2328 = vector.shape_cast %get3A_2327 : vector<1x16xf32> to vector<16xf32>
        %mul3A_2329 = arith.mulf %get3A_2328, %get3A_1423 : vector<16xf32>
        %add3A_2330 = arith.addf %scan3A_2285, %mul3A_2329 : vector<16xf32>
        %get3A_2331 = arith.index_cast %add3A_2288 : i32 to index
        %get3A_2332 = arith.constant 112 : index
        %get3A_2333 = tpu.vector_load %arg16[%get3A_2331, %get3A_2332] {strides = array<i32>} : memref<400x128xf32, #tpu.memory_space<vmem>>, vector<1x16xf32>,
        %get3A_2334 = vector.shape_cast %get3A_2333 : vector<1x16xf32> to vector<16xf32>
        %mul3A_2335 = arith.mulf %get3A_2334, %get3A_1428 : vector<16xf32>
        %add3A_2336 = arith.addf %scan3A_2286, %mul3A_2335 : vector<16xf32>
        %scan3A_2337 = arith.constant 1 : i32
        %scan3A_2338 = arith.addi %scan3A_2278, %scan3A_2337 : i32
        %add3A_2339 = arith.constant 50 : i32
        %add3A_2340 = arith.addi %add3A_2339, %scan3A_2338 : i32
        %get3A_2341 = arith.index_cast %add3A_2340 : i32 to index
        %get3A_2342 = arith.constant 0 : index
        %get3A_2343 = tpu.vector_load %arg16[%get3A_2341, %get3A_2342] {strides = array<i32>} : memref<400x128xf32, #tpu.memory_space<vmem>>, vector<1x16xf32>,
        %get3A_2344 = vector.shape_cast %get3A_2343 : vector<1x16xf32> to vector<16xf32>
        %mul3A_2345 = arith.mulf %get3A_2344, %get3A_1393 : vector<16xf32>
        %add3A_2346 = arith.addf %add3A_2294, %mul3A_2345 : vector<16xf32>
        %get3A_2347 = arith.index_cast %add3A_2340 : i32 to index
        %get3A_2348 = arith.constant 16 : index
        %get3A_2349 = tpu.vector_load %arg16[%get3A_2347, %get3A_2348] {strides = array<i32>} : memref<400x128xf32, #tpu.memory_space<vmem>>, vector<1x16xf32>,
        %get3A_2350 = vector.shape_cast %get3A_2349 : vector<1x16xf32> to vector<16xf32>
        %mul3A_2351 = arith.mulf %get3A_2350, %get3A_1398 : vector<16xf32>
        %add3A_2352 = arith.addf %add3A_2300, %mul3A_2351 : vector<16xf32>
        %get3A_2353 = arith.index_cast %add3A_2340 : i32 to index
        %get3A_2354 = arith.constant 32 : index
        %get3A_2355 = tpu.vector_load %arg16[%get3A_2353, %get3A_2354] {strides = array<i32>} : memref<400x128xf32, #tpu.memory_space<vmem>>, vector<1x16xf32>,
        %get3A_2356 = vector.shape_cast %get3A_2355 : vector<1x16xf32> to vector<16xf32>
        %mul3A_2357 = arith.mulf %get3A_2356, %get3A_1403 : vector<16xf32>
        %add3A_2358 = arith.addf %add3A_2306, %mul3A_2357 : vector<16xf32>
        %get3A_2359 = arith.index_cast %add3A_2340 : i32 to index
        %get3A_2360 = arith.constant 48 : index
        %get3A_2361 = tpu.vector_load %arg16[%get3A_2359, %get3A_2360] {strides = array<i32>} : memref<400x128xf32, #tpu.memory_space<vmem>>, vector<1x16xf32>,
        %get3A_2362 = vector.shape_cast %get3A_2361 : vector<1x16xf32> to vector<16xf32>
        %mul3A_2363 = arith.mulf %get3A_2362, %get3A_1408 : vector<16xf32>
        %add3A_2364 = arith.addf %add3A_2312, %mul3A_2363 : vector<16xf32>
        %get3A_2365 = arith.index_cast %add3A_2340 : i32 to index
        %get3A_2366 = arith.constant 64 : index
        %get3A_2367 = tpu.vector_load %arg16[%get3A_2365, %get3A_2366] {strides = array<i32>} : memref<400x128xf32, #tpu.memory_space<vmem>>, vector<1x16xf32>,
        %get3A_2368 = vector.shape_cast %get3A_2367 : vector<1x16xf32> to vector<16xf32>
        %mul3A_2369 = arith.mulf %get3A_2368, %get3A_1413 : vector<16xf32>
        %add3A_2370 = arith.addf %add3A_2318, %mul3A_2369 : vector<16xf32>
        %get3A_2371 = arith.index_cast %add3A_2340 : i32 to index
        %get3A_2372 = arith.constant 80 : index
        %get3A_2373 = tpu.vector_load %arg16[%get3A_2371, %get3A_2372] {strides = array<i32>} : memref<400x128xf32, #tpu.memory_space<vmem>>, vector<1x16xf32>,
        %get3A_2374 = vector.shape_cast %get3A_2373 : vector<1x16xf32> to vector<16xf32>
        %mul3A_2375 = arith.mulf %get3A_2374, %get3A_1418 : vector<16xf32>
        %add3A_2376 = arith.addf %add3A_2324, %mul3A_2375 : vector<16xf32>
        %get3A_2377 = arith.index_cast %add3A_2340 : i32 to index
        %get3A_2378 = arith.constant 96 : index
        %get3A_2379 = tpu.vector_load %arg16[%get3A_2377, %get3A_2378] {strides = array<i32>} : memref<400x128xf32, #tpu.memory_space<vmem>>, vector<1x16xf32>,
        %get3A_2380 = vector.shape_cast %get3A_2379 : vector<1x16xf32> to vector<16xf32>
        %mul3A_2381 = arith.mulf %get3A_2380, %get3A_1423 : vector<16xf32>
        %add3A_2382 = arith.addf %add3A_2330, %mul3A_2381 : vector<16xf32>
        %get3A_2383 = arith.index_cast %add3A_2340 : i32 to index
        %get3A_2384 = arith.constant 112 : index
        %get3A_2385 = tpu.vector_load %arg16[%get3A_2383, %get3A_2384] {strides = array<i32>} : memref<400x128xf32, #tpu.memory_space<vmem>>, vector<1x16xf32>,
        %get3A_2386 = vector.shape_cast %get3A_2385 : vector<1x16xf32> to vector<16xf32>
        %mul3A_2387 = arith.mulf %get3A_2386, %get3A_1428 : vector<16xf32>
        %add3A_2388 = arith.addf %add3A_2336, %mul3A_2387 : vector<16xf32>
        scf.yield %add3A_2346, %add3A_2352, %add3A_2358, %add3A_2364, %add3A_2370, %add3A_2376, %add3A_2382, %add3A_2388 : vector<16xf32>, vector<16xf32>, vector<16xf32>, vector<16xf32>, vector<16xf32>, vector<16xf32>, vector<16xf32>, vector<16xf32>
      }
      %scan3A_1491 = arith.constant 50 : i32
      %add3A_1492 = arith.addf %scan3A_1490#0, %scan3A_1490#1 : vector<16xf32>
      %add3A_1493 = arith.addf %add3A_1492, %scan3A_1490#2 : vector<16xf32>
      %add3A_1494 = arith.addf %add3A_1493, %scan3A_1490#3 : vector<16xf32>
      %add3A_1495 = arith.addf %add3A_1494, %scan3A_1490#4 : vector<16xf32>
      %add3A_1496 = arith.addf %add3A_1495, %scan3A_1490#5 : vector<16xf32>
      %add3A_1497 = arith.addf %add3A_1496, %scan3A_1490#6 : vector<16xf32>
      %add3A_1498 = arith.addf %add3A_1497, %scan3A_1490#7 : vector<16xf32>
      %mul3A_1499 = arith.constant 8 : i32
      %mul3A_1500 = arith.muli %add3A_1262, %mul3A_1499 : i32
      %add3A_1501 = arith.constant 1 : i32
      %add3A_1502 = arith.addi %mul3A_1500, %add3A_1501 : i32
      %mul3A_1503 = arith.constant 16 : i32
      %mul3A_1504 = arith.muli %add3A_1502, %mul3A_1503 : i32
      %swap3A_1505 = arith.index_cast %mul3A_1504 : i32 to index
      %swap3A_1506 = tpu.vector_load %arg20[%swap3A_1505] {strides = array<i32>} : memref<8192xf32, #tpu.memory_space<vmem>>, vector<16xf32>,
      %swap3A_1507 = vector.shape_cast %swap3A_1506 : vector<16xf32> to vector<16xf32>
      %swap3A_1508 = vector.shape_cast %add3A_1483 : vector<16xf32> to vector<16xf32>
      tpu.vector_store %arg20[%swap3A_1505], %swap3A_1508 {strides = array<i32>} : memref<8192xf32, #tpu.memory_space<vmem>>, vector<16xf32>,
      %mul3A_1509 = arith.constant 16 : i32
      %mul3A_1510 = arith.muli %add3A_1502, %mul3A_1509 : i32
      %swap3A_1511 = arith.index_cast %mul3A_1510 : i32 to index
      %swap3A_1512 = tpu.vector_load %arg17[%swap3A_1511] {strides = array<i32>} : memref<8192xf32, #tpu.memory_space<vmem>>, vector<16xf32>,
      %swap3A_1513 = vector.shape_cast %swap3A_1512 : vector<16xf32> to vector<16xf32>
      %swap3A_1514 = vector.shape_cast %add3A_1498 : vector<16xf32> to vector<16xf32>
      tpu.vector_store %arg17[%swap3A_1511], %swap3A_1514 {strides = array<i32>} : memref<8192xf32, #tpu.memory_space<vmem>>, vector<16xf32>,
      %get3A_1515 = arith.constant 2 : i32
      %get3A_1516 = arith.index_cast %get3A_1515 : i32 to index
      %get3A_1517 = arith.constant 0 : index
      %get3A_1518 = tpu.vector_load %arg10[%get3A_1516, %get3A_1517] {strides = array<i32>} : memref<8x128xf32, #tpu.memory_space<vmem>>, vector<1x16xf32>,
      %get3A_1519 = vector.shape_cast %get3A_1518 : vector<1x16xf32> to vector<16xf32>
      %get3A_1520 = arith.constant 2 : i32
      %get3A_1521 = arith.index_cast %get3A_1520 : i32 to index
      %get3A_1522 = arith.constant 16 : index
      %get3A_1523 = tpu.vector_load %arg10[%get3A_1521, %get3A_1522] {strides = array<i32>} : memref<8x128xf32, #tpu.memory_space<vmem>>, vector<1x16xf32>,
      %get3A_1524 = vector.shape_cast %get3A_1523 : vector<1x16xf32> to vector<16xf32>
      %get3A_1525 = arith.constant 2 : i32
      %get3A_1526 = arith.index_cast %get3A_1525 : i32 to index
      %get3A_1527 = arith.constant 32 : index
      %get3A_1528 = tpu.vector_load %arg10[%get3A_1526, %get3A_1527] {strides = array<i32>} : memref<8x128xf32, #tpu.memory_space<vmem>>, vector<1x16xf32>,
      %get3A_1529 = vector.shape_cast %get3A_1528 : vector<1x16xf32> to vector<16xf32>
      %get3A_1530 = arith.constant 2 : i32
      %get3A_1531 = arith.index_cast %get3A_1530 : i32 to index
      %get3A_1532 = arith.constant 48 : index
      %get3A_1533 = tpu.vector_load %arg10[%get3A_1531, %get3A_1532] {strides = array<i32>} : memref<8x128xf32, #tpu.memory_space<vmem>>, vector<1x16xf32>,
      %get3A_1534 = vector.shape_cast %get3A_1533 : vector<1x16xf32> to vector<16xf32>
      %get3A_1535 = arith.constant 2 : i32
      %get3A_1536 = arith.index_cast %get3A_1535 : i32 to index
      %get3A_1537 = arith.constant 64 : index
      %get3A_1538 = tpu.vector_load %arg10[%get3A_1536, %get3A_1537] {strides = array<i32>} : memref<8x128xf32, #tpu.memory_space<vmem>>, vector<1x16xf32>,
      %get3A_1539 = vector.shape_cast %get3A_1538 : vector<1x16xf32> to vector<16xf32>
      %get3A_1540 = arith.constant 2 : i32
      %get3A_1541 = arith.index_cast %get3A_1540 : i32 to index
      %get3A_1542 = arith.constant 80 : index
      %get3A_1543 = tpu.vector_load %arg10[%get3A_1541, %get3A_1542] {strides = array<i32>} : memref<8x128xf32, #tpu.memory_space<vmem>>, vector<1x16xf32>,
      %get3A_1544 = vector.shape_cast %get3A_1543 : vector<1x16xf32> to vector<16xf32>
      %get3A_1545 = arith.constant 2 : i32
      %get3A_1546 = arith.index_cast %get3A_1545 : i32 to index
      %get3A_1547 = arith.constant 96 : index
      %get3A_1548 = tpu.vector_load %arg10[%get3A_1546, %get3A_1547] {strides = array<i32>} : memref<8x128xf32, #tpu.memory_space<vmem>>, vector<1x16xf32>,
      %get3A_1549 = vector.shape_cast %get3A_1548 : vector<1x16xf32> to vector<16xf32>
      %get3A_1550 = arith.constant 2 : i32
      %get3A_1551 = arith.index_cast %get3A_1550 : i32 to index
      %get3A_1552 = arith.constant 112 : index
      %get3A_1553 = tpu.vector_load %arg10[%get3A_1551, %get3A_1552] {strides = array<i32>} : memref<8x128xf32, #tpu.memory_space<vmem>>, vector<1x16xf32>,
      %get3A_1554 = vector.shape_cast %get3A_1553 : vector<1x16xf32> to vector<16xf32>
      %get3A_1555 = arith.constant 2 : i32
      %get3A_1556 = arith.index_cast %get3A_1555 : i32 to index
      %get3A_1557 = arith.constant 0 : index
      %get3A_1558 = tpu.vector_load %arg24[%get3A_1556, %get3A_1557] {strides = array<i32>} : memref<8x128xf32, #tpu.memory_space<vmem>>, vector<1x16xf32>,
      %get3A_1559 = vector.shape_cast %get3A_1558 : vector<1x16xf32> to vector<16xf32>
      %mul3A_1560 = arith.mulf %get3A_1559, %get3A_1519 : vector<16xf32>
      %get3A_1561 = arith.constant 2 : i32
      %get3A_1562 = arith.index_cast %get3A_1561 : i32 to index
      %get3A_1563 = arith.constant 16 : index
      %get3A_1564 = tpu.vector_load %arg24[%get3A_1562, %get3A_1563] {strides = array<i32>} : memref<8x128xf32, #tpu.memory_space<vmem>>, vector<1x16xf32>,
      %get3A_1565 = vector.shape_cast %get3A_1564 : vector<1x16xf32> to vector<16xf32>
      %mul3A_1566 = arith.mulf %get3A_1565, %get3A_1524 : vector<16xf32>
      %add3A_1567 = arith.addf %mul3A_1560, %mul3A_1566 : vector<16xf32>
      %get3A_1568 = arith.constant 2 : i32
      %get3A_1569 = arith.index_cast %get3A_1568 : i32 to index
      %get3A_1570 = arith.constant 32 : index
      %get3A_1571 = tpu.vector_load %arg24[%get3A_1569, %get3A_1570] {strides = array<i32>} : memref<8x128xf32, #tpu.memory_space<vmem>>, vector<1x16xf32>,
      %get3A_1572 = vector.shape_cast %get3A_1571 : vector<1x16xf32> to vector<16xf32>
      %mul3A_1573 = arith.mulf %get3A_1572, %get3A_1529 : vector<16xf32>
      %add3A_1574 = arith.addf %add3A_1567, %mul3A_1573 : vector<16xf32>
      %get3A_1575 = arith.constant 2 : i32
      %get3A_1576 = arith.index_cast %get3A_1575 : i32 to index
      %get3A_1577 = arith.constant 48 : index
      %get3A_1578 = tpu.vector_load %arg24[%get3A_1576, %get3A_1577] {strides = array<i32>} : memref<8x128xf32, #tpu.memory_space<vmem>>, vector<1x16xf32>,
      %get3A_1579 = vector.shape_cast %get3A_1578 : vector<1x16xf32> to vector<16xf32>
      %mul3A_1580 = arith.mulf %get3A_1579, %get3A_1534 : vector<16xf32>
      %add3A_1581 = arith.addf %add3A_1574, %mul3A_1580 : vector<16xf32>
      %get3A_1582 = arith.constant 2 : i32
      %get3A_1583 = arith.index_cast %get3A_1582 : i32 to index
      %get3A_1584 = arith.constant 64 : index
      %get3A_1585 = tpu.vector_load %arg24[%get3A_1583, %get3A_1584] {strides = array<i32>} : memref<8x128xf32, #tpu.memory_space<vmem>>, vector<1x16xf32>,
      %get3A_1586 = vector.shape_cast %get3A_1585 : vector<1x16xf32> to vector<16xf32>
      %mul3A_1587 = arith.mulf %get3A_1586, %get3A_1539 : vector<16xf32>
      %add3A_1588 = arith.addf %add3A_1581, %mul3A_1587 : vector<16xf32>
      %get3A_1589 = arith.constant 2 : i32
      %get3A_1590 = arith.index_cast %get3A_1589 : i32 to index
      %get3A_1591 = arith.constant 80 : index
      %get3A_1592 = tpu.vector_load %arg24[%get3A_1590, %get3A_1591] {strides = array<i32>} : memref<8x128xf32, #tpu.memory_space<vmem>>, vector<1x16xf32>,
      %get3A_1593 = vector.shape_cast %get3A_1592 : vector<1x16xf32> to vector<16xf32>
      %mul3A_1594 = arith.mulf %get3A_1593, %get3A_1544 : vector<16xf32>
      %add3A_1595 = arith.addf %add3A_1588, %mul3A_1594 : vector<16xf32>
      %get3A_1596 = arith.constant 2 : i32
      %get3A_1597 = arith.index_cast %get3A_1596 : i32 to index
      %get3A_1598 = arith.constant 96 : index
      %get3A_1599 = tpu.vector_load %arg24[%get3A_1597, %get3A_1598] {strides = array<i32>} : memref<8x128xf32, #tpu.memory_space<vmem>>, vector<1x16xf32>,
      %get3A_1600 = vector.shape_cast %get3A_1599 : vector<1x16xf32> to vector<16xf32>
      %mul3A_1601 = arith.mulf %get3A_1600, %get3A_1549 : vector<16xf32>
      %add3A_1602 = arith.addf %add3A_1595, %mul3A_1601 : vector<16xf32>
      %get3A_1603 = arith.constant 2 : i32
      %get3A_1604 = arith.index_cast %get3A_1603 : i32 to index
      %get3A_1605 = arith.constant 112 : index
      %get3A_1606 = tpu.vector_load %arg24[%get3A_1604, %get3A_1605] {strides = array<i32>} : memref<8x128xf32, #tpu.memory_space<vmem>>, vector<1x16xf32>,
      %get3A_1607 = vector.shape_cast %get3A_1606 : vector<1x16xf32> to vector<16xf32>
      %mul3A_1608 = arith.mulf %get3A_1607, %get3A_1554 : vector<16xf32>
      %add3A_1609 = arith.addf %add3A_1602, %mul3A_1608 : vector<16xf32>
      %broadcast_in_dim3A_1610 = arith.constant 0.000000e+00 : f32
      %broadcast_in_dim3A_1611 = vector.broadcast %broadcast_in_dim3A_1610 : f32 to vector<16xf32>
      %scan3A_1612 = arith.constant 0 : i32
      %scan3A_1613 = arith.constant 50 : i32
      %scan3A_1614 = arith.addi %scan3A_1612, %scan3A_1613 : i32
      %scan3A_1615 = arith.constant 2 : i32
      %scan3A_1616:8 = scf.for %scan3A_2278 = %scan3A_1612 to %scan3A_1614 step %scan3A_1615 iter_args(%scan3A_2279 = %broadcast_in_dim3A_1611, %scan3A_2280 = %broadcast_in_dim3A_1611, %scan3A_2281 = %broadcast_in_dim3A_1611, %scan3A_2282 = %broadcast_in_dim3A_1611, %scan3A_2283 = %broadcast_in_dim3A_1611, %scan3A_2284 = %broadcast_in_dim3A_1611, %scan3A_2285 = %broadcast_in_dim3A_1611, %scan3A_2286 = %broadcast_in_dim3A_1611) -> (vector<16xf32>, vector<16xf32>, vector<16xf32>, vector<16xf32>, vector<16xf32>, vector<16xf32>, vector<16xf32>, vector<16xf32>)  : i32 {
        %add3A_2287 = arith.constant 100 : i32
        %add3A_2288 = arith.addi %add3A_2287, %scan3A_2278 : i32
        %get3A_2289 = arith.index_cast %add3A_2288 : i32 to index
        %get3A_2290 = arith.constant 0 : index
        %get3A_2291 = tpu.vector_load %arg16[%get3A_2289, %get3A_2290] {strides = array<i32>} : memref<400x128xf32, #tpu.memory_space<vmem>>, vector<1x16xf32>,
        %get3A_2292 = vector.shape_cast %get3A_2291 : vector<1x16xf32> to vector<16xf32>
        %mul3A_2293 = arith.mulf %get3A_2292, %get3A_1519 : vector<16xf32>
        %add3A_2294 = arith.addf %scan3A_2279, %mul3A_2293 : vector<16xf32>
        %get3A_2295 = arith.index_cast %add3A_2288 : i32 to index
        %get3A_2296 = arith.constant 16 : index
        %get3A_2297 = tpu.vector_load %arg16[%get3A_2295, %get3A_2296] {strides = array<i32>} : memref<400x128xf32, #tpu.memory_space<vmem>>, vector<1x16xf32>,
        %get3A_2298 = vector.shape_cast %get3A_2297 : vector<1x16xf32> to vector<16xf32>
        %mul3A_2299 = arith.mulf %get3A_2298, %get3A_1524 : vector<16xf32>
        %add3A_2300 = arith.addf %scan3A_2280, %mul3A_2299 : vector<16xf32>
        %get3A_2301 = arith.index_cast %add3A_2288 : i32 to index
        %get3A_2302 = arith.constant 32 : index
        %get3A_2303 = tpu.vector_load %arg16[%get3A_2301, %get3A_2302] {strides = array<i32>} : memref<400x128xf32, #tpu.memory_space<vmem>>, vector<1x16xf32>,
        %get3A_2304 = vector.shape_cast %get3A_2303 : vector<1x16xf32> to vector<16xf32>
        %mul3A_2305 = arith.mulf %get3A_2304, %get3A_1529 : vector<16xf32>
        %add3A_2306 = arith.addf %scan3A_2281, %mul3A_2305 : vector<16xf32>
        %get3A_2307 = arith.index_cast %add3A_2288 : i32 to index
        %get3A_2308 = arith.constant 48 : index
        %get3A_2309 = tpu.vector_load %arg16[%get3A_2307, %get3A_2308] {strides = array<i32>} : memref<400x128xf32, #tpu.memory_space<vmem>>, vector<1x16xf32>,
        %get3A_2310 = vector.shape_cast %get3A_2309 : vector<1x16xf32> to vector<16xf32>
        %mul3A_2311 = arith.mulf %get3A_2310, %get3A_1534 : vector<16xf32>
        %add3A_2312 = arith.addf %scan3A_2282, %mul3A_2311 : vector<16xf32>
        %get3A_2313 = arith.index_cast %add3A_2288 : i32 to index
        %get3A_2314 = arith.constant 64 : index
        %get3A_2315 = tpu.vector_load %arg16[%get3A_2313, %get3A_2314] {strides = array<i32>} : memref<400x128xf32, #tpu.memory_space<vmem>>, vector<1x16xf32>,
        %get3A_2316 = vector.shape_cast %get3A_2315 : vector<1x16xf32> to vector<16xf32>
        %mul3A_2317 = arith.mulf %get3A_2316, %get3A_1539 : vector<16xf32>
        %add3A_2318 = arith.addf %scan3A_2283, %mul3A_2317 : vector<16xf32>
        %get3A_2319 = arith.index_cast %add3A_2288 : i32 to index
        %get3A_2320 = arith.constant 80 : index
        %get3A_2321 = tpu.vector_load %arg16[%get3A_2319, %get3A_2320] {strides = array<i32>} : memref<400x128xf32, #tpu.memory_space<vmem>>, vector<1x16xf32>,
        %get3A_2322 = vector.shape_cast %get3A_2321 : vector<1x16xf32> to vector<16xf32>
        %mul3A_2323 = arith.mulf %get3A_2322, %get3A_1544 : vector<16xf32>
        %add3A_2324 = arith.addf %scan3A_2284, %mul3A_2323 : vector<16xf32>
        %get3A_2325 = arith.index_cast %add3A_2288 : i32 to index
        %get3A_2326 = arith.constant 96 : index
        %get3A_2327 = tpu.vector_load %arg16[%get3A_2325, %get3A_2326] {strides = array<i32>} : memref<400x128xf32, #tpu.memory_space<vmem>>, vector<1x16xf32>,
        %get3A_2328 = vector.shape_cast %get3A_2327 : vector<1x16xf32> to vector<16xf32>
        %mul3A_2329 = arith.mulf %get3A_2328, %get3A_1549 : vector<16xf32>
        %add3A_2330 = arith.addf %scan3A_2285, %mul3A_2329 : vector<16xf32>
        %get3A_2331 = arith.index_cast %add3A_2288 : i32 to index
        %get3A_2332 = arith.constant 112 : index
        %get3A_2333 = tpu.vector_load %arg16[%get3A_2331, %get3A_2332] {strides = array<i32>} : memref<400x128xf32, #tpu.memory_space<vmem>>, vector<1x16xf32>,
        %get3A_2334 = vector.shape_cast %get3A_2333 : vector<1x16xf32> to vector<16xf32>
        %mul3A_2335 = arith.mulf %get3A_2334, %get3A_1554 : vector<16xf32>
        %add3A_2336 = arith.addf %scan3A_2286, %mul3A_2335 : vector<16xf32>
        %scan3A_2337 = arith.constant 1 : i32
        %scan3A_2338 = arith.addi %scan3A_2278, %scan3A_2337 : i32
        %add3A_2339 = arith.constant 100 : i32
        %add3A_2340 = arith.addi %add3A_2339, %scan3A_2338 : i32
        %get3A_2341 = arith.index_cast %add3A_2340 : i32 to index
        %get3A_2342 = arith.constant 0 : index
        %get3A_2343 = tpu.vector_load %arg16[%get3A_2341, %get3A_2342] {strides = array<i32>} : memref<400x128xf32, #tpu.memory_space<vmem>>, vector<1x16xf32>,
        %get3A_2344 = vector.shape_cast %get3A_2343 : vector<1x16xf32> to vector<16xf32>
        %mul3A_2345 = arith.mulf %get3A_2344, %get3A_1519 : vector<16xf32>
        %add3A_2346 = arith.addf %add3A_2294, %mul3A_2345 : vector<16xf32>
        %get3A_2347 = arith.index_cast %add3A_2340 : i32 to index
        %get3A_2348 = arith.constant 16 : index
        %get3A_2349 = tpu.vector_load %arg16[%get3A_2347, %get3A_2348] {strides = array<i32>} : memref<400x128xf32, #tpu.memory_space<vmem>>, vector<1x16xf32>,
        %get3A_2350 = vector.shape_cast %get3A_2349 : vector<1x16xf32> to vector<16xf32>
        %mul3A_2351 = arith.mulf %get3A_2350, %get3A_1524 : vector<16xf32>
        %add3A_2352 = arith.addf %add3A_2300, %mul3A_2351 : vector<16xf32>
        %get3A_2353 = arith.index_cast %add3A_2340 : i32 to index
        %get3A_2354 = arith.constant 32 : index
        %get3A_2355 = tpu.vector_load %arg16[%get3A_2353, %get3A_2354] {strides = array<i32>} : memref<400x128xf32, #tpu.memory_space<vmem>>, vector<1x16xf32>,
        %get3A_2356 = vector.shape_cast %get3A_2355 : vector<1x16xf32> to vector<16xf32>
        %mul3A_2357 = arith.mulf %get3A_2356, %get3A_1529 : vector<16xf32>
        %add3A_2358 = arith.addf %add3A_2306, %mul3A_2357 : vector<16xf32>
        %get3A_2359 = arith.index_cast %add3A_2340 : i32 to index
        %get3A_2360 = arith.constant 48 : index
        %get3A_2361 = tpu.vector_load %arg16[%get3A_2359, %get3A_2360] {strides = array<i32>} : memref<400x128xf32, #tpu.memory_space<vmem>>, vector<1x16xf32>,
        %get3A_2362 = vector.shape_cast %get3A_2361 : vector<1x16xf32> to vector<16xf32>
        %mul3A_2363 = arith.mulf %get3A_2362, %get3A_1534 : vector<16xf32>
        %add3A_2364 = arith.addf %add3A_2312, %mul3A_2363 : vector<16xf32>
        %get3A_2365 = arith.index_cast %add3A_2340 : i32 to index
        %get3A_2366 = arith.constant 64 : index
        %get3A_2367 = tpu.vector_load %arg16[%get3A_2365, %get3A_2366] {strides = array<i32>} : memref<400x128xf32, #tpu.memory_space<vmem>>, vector<1x16xf32>,
        %get3A_2368 = vector.shape_cast %get3A_2367 : vector<1x16xf32> to vector<16xf32>
        %mul3A_2369 = arith.mulf %get3A_2368, %get3A_1539 : vector<16xf32>
        %add3A_2370 = arith.addf %add3A_2318, %mul3A_2369 : vector<16xf32>
        %get3A_2371 = arith.index_cast %add3A_2340 : i32 to index
        %get3A_2372 = arith.constant 80 : index
        %get3A_2373 = tpu.vector_load %arg16[%get3A_2371, %get3A_2372] {strides = array<i32>} : memref<400x128xf32, #tpu.memory_space<vmem>>, vector<1x16xf32>,
        %get3A_2374 = vector.shape_cast %get3A_2373 : vector<1x16xf32> to vector<16xf32>
        %mul3A_2375 = arith.mulf %get3A_2374, %get3A_1544 : vector<16xf32>
        %add3A_2376 = arith.addf %add3A_2324, %mul3A_2375 : vector<16xf32>
        %get3A_2377 = arith.index_cast %add3A_2340 : i32 to index
        %get3A_2378 = arith.constant 96 : index
        %get3A_2379 = tpu.vector_load %arg16[%get3A_2377, %get3A_2378] {strides = array<i32>} : memref<400x128xf32, #tpu.memory_space<vmem>>, vector<1x16xf32>,
        %get3A_2380 = vector.shape_cast %get3A_2379 : vector<1x16xf32> to vector<16xf32>
        %mul3A_2381 = arith.mulf %get3A_2380, %get3A_1549 : vector<16xf32>
        %add3A_2382 = arith.addf %add3A_2330, %mul3A_2381 : vector<16xf32>
        %get3A_2383 = arith.index_cast %add3A_2340 : i32 to index
        %get3A_2384 = arith.constant 112 : index
        %get3A_2385 = tpu.vector_load %arg16[%get3A_2383, %get3A_2384] {strides = array<i32>} : memref<400x128xf32, #tpu.memory_space<vmem>>, vector<1x16xf32>,
        %get3A_2386 = vector.shape_cast %get3A_2385 : vector<1x16xf32> to vector<16xf32>
        %mul3A_2387 = arith.mulf %get3A_2386, %get3A_1554 : vector<16xf32>
        %add3A_2388 = arith.addf %add3A_2336, %mul3A_2387 : vector<16xf32>
        scf.yield %add3A_2346, %add3A_2352, %add3A_2358, %add3A_2364, %add3A_2370, %add3A_2376, %add3A_2382, %add3A_2388 : vector<16xf32>, vector<16xf32>, vector<16xf32>, vector<16xf32>, vector<16xf32>, vector<16xf32>, vector<16xf32>, vector<16xf32>
      }
      %scan3A_1617 = arith.constant 50 : i32
      %add3A_1618 = arith.addf %scan3A_1616#0, %scan3A_1616#1 : vector<16xf32>
      %add3A_1619 = arith.addf %add3A_1618, %scan3A_1616#2 : vector<16xf32>
      %add3A_1620 = arith.addf %add3A_1619, %scan3A_1616#3 : vector<16xf32>
      %add3A_1621 = arith.addf %add3A_1620, %scan3A_1616#4 : vector<16xf32>
      %add3A_1622 = arith.addf %add3A_1621, %scan3A_1616#5 : vector<16xf32>
      %add3A_1623 = arith.addf %add3A_1622, %scan3A_1616#6 : vector<16xf32>
      %add3A_1624 = arith.addf %add3A_1623, %scan3A_1616#7 : vector<16xf32>
      %mul3A_1625 = arith.constant 8 : i32
      %mul3A_1626 = arith.muli %add3A_1262, %mul3A_1625 : i32
      %add3A_1627 = arith.constant 2 : i32
      %add3A_1628 = arith.addi %mul3A_1626, %add3A_1627 : i32
      %mul3A_1629 = arith.constant 16 : i32
      %mul3A_1630 = arith.muli %add3A_1628, %mul3A_1629 : i32
      %swap3A_1631 = arith.index_cast %mul3A_1630 : i32 to index
      %swap3A_1632 = tpu.vector_load %arg20[%swap3A_1631] {strides = array<i32>} : memref<8192xf32, #tpu.memory_space<vmem>>, vector<16xf32>,
      %swap3A_1633 = vector.shape_cast %swap3A_1632 : vector<16xf32> to vector<16xf32>
      %swap3A_1634 = vector.shape_cast %add3A_1609 : vector<16xf32> to vector<16xf32>
      tpu.vector_store %arg20[%swap3A_1631], %swap3A_1634 {strides = array<i32>} : memref<8192xf32, #tpu.memory_space<vmem>>, vector<16xf32>,
      %mul3A_1635 = arith.constant 16 : i32
      %mul3A_1636 = arith.muli %add3A_1628, %mul3A_1635 : i32
      %swap3A_1637 = arith.index_cast %mul3A_1636 : i32 to index
      %swap3A_1638 = tpu.vector_load %arg17[%swap3A_1637] {strides = array<i32>} : memref<8192xf32, #tpu.memory_space<vmem>>, vector<16xf32>,
      %swap3A_1639 = vector.shape_cast %swap3A_1638 : vector<16xf32> to vector<16xf32>
      %swap3A_1640 = vector.shape_cast %add3A_1624 : vector<16xf32> to vector<16xf32>
      tpu.vector_store %arg17[%swap3A_1637], %swap3A_1640 {strides = array<i32>} : memref<8192xf32, #tpu.memory_space<vmem>>, vector<16xf32>,
      %get3A_1641 = arith.constant 3 : i32
      %get3A_1642 = arith.index_cast %get3A_1641 : i32 to index
      %get3A_1643 = arith.constant 0 : index
      %get3A_1644 = tpu.vector_load %arg10[%get3A_1642, %get3A_1643] {strides = array<i32>} : memref<8x128xf32, #tpu.memory_space<vmem>>, vector<1x16xf32>,
      %get3A_1645 = vector.shape_cast %get3A_1644 : vector<1x16xf32> to vector<16xf32>
      %get3A_1646 = arith.constant 3 : i32
      %get3A_1647 = arith.index_cast %get3A_1646 : i32 to index
      %get3A_1648 = arith.constant 16 : index
      %get3A_1649 = tpu.vector_load %arg10[%get3A_1647, %get3A_1648] {strides = array<i32>} : memref<8x128xf32, #tpu.memory_space<vmem>>, vector<1x16xf32>,
      %get3A_1650 = vector.shape_cast %get3A_1649 : vector<1x16xf32> to vector<16xf32>
      %get3A_1651 = arith.constant 3 : i32
      %get3A_1652 = arith.index_cast %get3A_1651 : i32 to index
      %get3A_1653 = arith.constant 32 : index
      %get3A_1654 = tpu.vector_load %arg10[%get3A_1652, %get3A_1653] {strides = array<i32>} : memref<8x128xf32, #tpu.memory_space<vmem>>, vector<1x16xf32>,
      %get3A_1655 = vector.shape_cast %get3A_1654 : vector<1x16xf32> to vector<16xf32>
      %get3A_1656 = arith.constant 3 : i32
      %get3A_1657 = arith.index_cast %get3A_1656 : i32 to index
      %get3A_1658 = arith.constant 48 : index
      %get3A_1659 = tpu.vector_load %arg10[%get3A_1657, %get3A_1658] {strides = array<i32>} : memref<8x128xf32, #tpu.memory_space<vmem>>, vector<1x16xf32>,
      %get3A_1660 = vector.shape_cast %get3A_1659 : vector<1x16xf32> to vector<16xf32>
      %get3A_1661 = arith.constant 3 : i32
      %get3A_1662 = arith.index_cast %get3A_1661 : i32 to index
      %get3A_1663 = arith.constant 64 : index
      %get3A_1664 = tpu.vector_load %arg10[%get3A_1662, %get3A_1663] {strides = array<i32>} : memref<8x128xf32, #tpu.memory_space<vmem>>, vector<1x16xf32>,
      %get3A_1665 = vector.shape_cast %get3A_1664 : vector<1x16xf32> to vector<16xf32>
      %get3A_1666 = arith.constant 3 : i32
      %get3A_1667 = arith.index_cast %get3A_1666 : i32 to index
      %get3A_1668 = arith.constant 80 : index
      %get3A_1669 = tpu.vector_load %arg10[%get3A_1667, %get3A_1668] {strides = array<i32>} : memref<8x128xf32, #tpu.memory_space<vmem>>, vector<1x16xf32>,
      %get3A_1670 = vector.shape_cast %get3A_1669 : vector<1x16xf32> to vector<16xf32>
      %get3A_1671 = arith.constant 3 : i32
      %get3A_1672 = arith.index_cast %get3A_1671 : i32 to index
      %get3A_1673 = arith.constant 96 : index
      %get3A_1674 = tpu.vector_load %arg10[%get3A_1672, %get3A_1673] {strides = array<i32>} : memref<8x128xf32, #tpu.memory_space<vmem>>, vector<1x16xf32>,
      %get3A_1675 = vector.shape_cast %get3A_1674 : vector<1x16xf32> to vector<16xf32>
      %get3A_1676 = arith.constant 3 : i32
      %get3A_1677 = arith.index_cast %get3A_1676 : i32 to index
      %get3A_1678 = arith.constant 112 : index
      %get3A_1679 = tpu.vector_load %arg10[%get3A_1677, %get3A_1678] {strides = array<i32>} : memref<8x128xf32, #tpu.memory_space<vmem>>, vector<1x16xf32>,
      %get3A_1680 = vector.shape_cast %get3A_1679 : vector<1x16xf32> to vector<16xf32>
      %get3A_1681 = arith.constant 3 : i32
      %get3A_1682 = arith.index_cast %get3A_1681 : i32 to index
      %get3A_1683 = arith.constant 0 : index
      %get3A_1684 = tpu.vector_load %arg24[%get3A_1682, %get3A_1683] {strides = array<i32>} : memref<8x128xf32, #tpu.memory_space<vmem>>, vector<1x16xf32>,
      %get3A_1685 = vector.shape_cast %get3A_1684 : vector<1x16xf32> to vector<16xf32>
      %mul3A_1686 = arith.mulf %get3A_1685, %get3A_1645 : vector<16xf32>
      %get3A_1687 = arith.constant 3 : i32
      %get3A_1688 = arith.index_cast %get3A_1687 : i32 to index
      %get3A_1689 = arith.constant 16 : index
      %get3A_1690 = tpu.vector_load %arg24[%get3A_1688, %get3A_1689] {strides = array<i32>} : memref<8x128xf32, #tpu.memory_space<vmem>>, vector<1x16xf32>,
      %get3A_1691 = vector.shape_cast %get3A_1690 : vector<1x16xf32> to vector<16xf32>
      %mul3A_1692 = arith.mulf %get3A_1691, %get3A_1650 : vector<16xf32>
      %add3A_1693 = arith.addf %mul3A_1686, %mul3A_1692 : vector<16xf32>
      %get3A_1694 = arith.constant 3 : i32
      %get3A_1695 = arith.index_cast %get3A_1694 : i32 to index
      %get3A_1696 = arith.constant 32 : index
      %get3A_1697 = tpu.vector_load %arg24[%get3A_1695, %get3A_1696] {strides = array<i32>} : memref<8x128xf32, #tpu.memory_space<vmem>>, vector<1x16xf32>,
      %get3A_1698 = vector.shape_cast %get3A_1697 : vector<1x16xf32> to vector<16xf32>
      %mul3A_1699 = arith.mulf %get3A_1698, %get3A_1655 : vector<16xf32>
      %add3A_1700 = arith.addf %add3A_1693, %mul3A_1699 : vector<16xf32>
      %get3A_1701 = arith.constant 3 : i32
      %get3A_1702 = arith.index_cast %get3A_1701 : i32 to index
      %get3A_1703 = arith.constant 48 : index
      %get3A_1704 = tpu.vector_load %arg24[%get3A_1702, %get3A_1703] {strides = array<i32>} : memref<8x128xf32, #tpu.memory_space<vmem>>, vector<1x16xf32>,
      %get3A_1705 = vector.shape_cast %get3A_1704 : vector<1x16xf32> to vector<16xf32>
      %mul3A_1706 = arith.mulf %get3A_1705, %get3A_1660 : vector<16xf32>
      %add3A_1707 = arith.addf %add3A_1700, %mul3A_1706 : vector<16xf32>
      %get3A_1708 = arith.constant 3 : i32
      %get3A_1709 = arith.index_cast %get3A_1708 : i32 to index
      %get3A_1710 = arith.constant 64 : index
      %get3A_1711 = tpu.vector_load %arg24[%get3A_1709, %get3A_1710] {strides = array<i32>} : memref<8x128xf32, #tpu.memory_space<vmem>>, vector<1x16xf32>,
      %get3A_1712 = vector.shape_cast %get3A_1711 : vector<1x16xf32> to vector<16xf32>
      %mul3A_1713 = arith.mulf %get3A_1712, %get3A_1665 : vector<16xf32>
      %add3A_1714 = arith.addf %add3A_1707, %mul3A_1713 : vector<16xf32>
      %get3A_1715 = arith.constant 3 : i32
      %get3A_1716 = arith.index_cast %get3A_1715 : i32 to index
      %get3A_1717 = arith.constant 80 : index
      %get3A_1718 = tpu.vector_load %arg24[%get3A_1716, %get3A_1717] {strides = array<i32>} : memref<8x128xf32, #tpu.memory_space<vmem>>, vector<1x16xf32>,
      %get3A_1719 = vector.shape_cast %get3A_1718 : vector<1x16xf32> to vector<16xf32>
      %mul3A_1720 = arith.mulf %get3A_1719, %get3A_1670 : vector<16xf32>
      %add3A_1721 = arith.addf %add3A_1714, %mul3A_1720 : vector<16xf32>
      %get3A_1722 = arith.constant 3 : i32
      %get3A_1723 = arith.index_cast %get3A_1722 : i32 to index
      %get3A_1724 = arith.constant 96 : index
      %get3A_1725 = tpu.vector_load %arg24[%get3A_1723, %get3A_1724] {strides = array<i32>} : memref<8x128xf32, #tpu.memory_space<vmem>>, vector<1x16xf32>,
      %get3A_1726 = vector.shape_cast %get3A_1725 : vector<1x16xf32> to vector<16xf32>
      %mul3A_1727 = arith.mulf %get3A_1726, %get3A_1675 : vector<16xf32>
      %add3A_1728 = arith.addf %add3A_1721, %mul3A_1727 : vector<16xf32>
      %get3A_1729 = arith.constant 3 : i32
      %get3A_1730 = arith.index_cast %get3A_1729 : i32 to index
      %get3A_1731 = arith.constant 112 : index
      %get3A_1732 = tpu.vector_load %arg24[%get3A_1730, %get3A_1731] {strides = array<i32>} : memref<8x128xf32, #tpu.memory_space<vmem>>, vector<1x16xf32>,
      %get3A_1733 = vector.shape_cast %get3A_1732 : vector<1x16xf32> to vector<16xf32>
      %mul3A_1734 = arith.mulf %get3A_1733, %get3A_1680 : vector<16xf32>
      %add3A_1735 = arith.addf %add3A_1728, %mul3A_1734 : vector<16xf32>
      %broadcast_in_dim3A_1736 = arith.constant 0.000000e+00 : f32
      %broadcast_in_dim3A_1737 = vector.broadcast %broadcast_in_dim3A_1736 : f32 to vector<16xf32>
      %scan3A_1738 = arith.constant 0 : i32
      %scan3A_1739 = arith.constant 50 : i32
      %scan3A_1740 = arith.addi %scan3A_1738, %scan3A_1739 : i32
      %scan3A_1741 = arith.constant 2 : i32
      %scan3A_1742:8 = scf.for %scan3A_2278 = %scan3A_1738 to %scan3A_1740 step %scan3A_1741 iter_args(%scan3A_2279 = %broadcast_in_dim3A_1737, %scan3A_2280 = %broadcast_in_dim3A_1737, %scan3A_2281 = %broadcast_in_dim3A_1737, %scan3A_2282 = %broadcast_in_dim3A_1737, %scan3A_2283 = %broadcast_in_dim3A_1737, %scan3A_2284 = %broadcast_in_dim3A_1737, %scan3A_2285 = %broadcast_in_dim3A_1737, %scan3A_2286 = %broadcast_in_dim3A_1737) -> (vector<16xf32>, vector<16xf32>, vector<16xf32>, vector<16xf32>, vector<16xf32>, vector<16xf32>, vector<16xf32>, vector<16xf32>)  : i32 {
        %add3A_2287 = arith.constant 150 : i32
        %add3A_2288 = arith.addi %add3A_2287, %scan3A_2278 : i32
        %get3A_2289 = arith.index_cast %add3A_2288 : i32 to index
        %get3A_2290 = arith.constant 0 : index
        %get3A_2291 = tpu.vector_load %arg16[%get3A_2289, %get3A_2290] {strides = array<i32>} : memref<400x128xf32, #tpu.memory_space<vmem>>, vector<1x16xf32>,
        %get3A_2292 = vector.shape_cast %get3A_2291 : vector<1x16xf32> to vector<16xf32>
        %mul3A_2293 = arith.mulf %get3A_2292, %get3A_1645 : vector<16xf32>
        %add3A_2294 = arith.addf %scan3A_2279, %mul3A_2293 : vector<16xf32>
        %get3A_2295 = arith.index_cast %add3A_2288 : i32 to index
        %get3A_2296 = arith.constant 16 : index
        %get3A_2297 = tpu.vector_load %arg16[%get3A_2295, %get3A_2296] {strides = array<i32>} : memref<400x128xf32, #tpu.memory_space<vmem>>, vector<1x16xf32>,
        %get3A_2298 = vector.shape_cast %get3A_2297 : vector<1x16xf32> to vector<16xf32>
        %mul3A_2299 = arith.mulf %get3A_2298, %get3A_1650 : vector<16xf32>
        %add3A_2300 = arith.addf %scan3A_2280, %mul3A_2299 : vector<16xf32>
        %get3A_2301 = arith.index_cast %add3A_2288 : i32 to index
        %get3A_2302 = arith.constant 32 : index
        %get3A_2303 = tpu.vector_load %arg16[%get3A_2301, %get3A_2302] {strides = array<i32>} : memref<400x128xf32, #tpu.memory_space<vmem>>, vector<1x16xf32>,
        %get3A_2304 = vector.shape_cast %get3A_2303 : vector<1x16xf32> to vector<16xf32>
        %mul3A_2305 = arith.mulf %get3A_2304, %get3A_1655 : vector<16xf32>
        %add3A_2306 = arith.addf %scan3A_2281, %mul3A_2305 : vector<16xf32>
        %get3A_2307 = arith.index_cast %add3A_2288 : i32 to index
        %get3A_2308 = arith.constant 48 : index
        %get3A_2309 = tpu.vector_load %arg16[%get3A_2307, %get3A_2308] {strides = array<i32>} : memref<400x128xf32, #tpu.memory_space<vmem>>, vector<1x16xf32>,
        %get3A_2310 = vector.shape_cast %get3A_2309 : vector<1x16xf32> to vector<16xf32>
        %mul3A_2311 = arith.mulf %get3A_2310, %get3A_1660 : vector<16xf32>
        %add3A_2312 = arith.addf %scan3A_2282, %mul3A_2311 : vector<16xf32>
        %get3A_2313 = arith.index_cast %add3A_2288 : i32 to index
        %get3A_2314 = arith.constant 64 : index
        %get3A_2315 = tpu.vector_load %arg16[%get3A_2313, %get3A_2314] {strides = array<i32>} : memref<400x128xf32, #tpu.memory_space<vmem>>, vector<1x16xf32>,
        %get3A_2316 = vector.shape_cast %get3A_2315 : vector<1x16xf32> to vector<16xf32>
        %mul3A_2317 = arith.mulf %get3A_2316, %get3A_1665 : vector<16xf32>
        %add3A_2318 = arith.addf %scan3A_2283, %mul3A_2317 : vector<16xf32>
        %get3A_2319 = arith.index_cast %add3A_2288 : i32 to index
        %get3A_2320 = arith.constant 80 : index
        %get3A_2321 = tpu.vector_load %arg16[%get3A_2319, %get3A_2320] {strides = array<i32>} : memref<400x128xf32, #tpu.memory_space<vmem>>, vector<1x16xf32>,
        %get3A_2322 = vector.shape_cast %get3A_2321 : vector<1x16xf32> to vector<16xf32>
        %mul3A_2323 = arith.mulf %get3A_2322, %get3A_1670 : vector<16xf32>
        %add3A_2324 = arith.addf %scan3A_2284, %mul3A_2323 : vector<16xf32>
        %get3A_2325 = arith.index_cast %add3A_2288 : i32 to index
        %get3A_2326 = arith.constant 96 : index
        %get3A_2327 = tpu.vector_load %arg16[%get3A_2325, %get3A_2326] {strides = array<i32>} : memref<400x128xf32, #tpu.memory_space<vmem>>, vector<1x16xf32>,
        %get3A_2328 = vector.shape_cast %get3A_2327 : vector<1x16xf32> to vector<16xf32>
        %mul3A_2329 = arith.mulf %get3A_2328, %get3A_1675 : vector<16xf32>
        %add3A_2330 = arith.addf %scan3A_2285, %mul3A_2329 : vector<16xf32>
        %get3A_2331 = arith.index_cast %add3A_2288 : i32 to index
        %get3A_2332 = arith.constant 112 : index
        %get3A_2333 = tpu.vector_load %arg16[%get3A_2331, %get3A_2332] {strides = array<i32>} : memref<400x128xf32, #tpu.memory_space<vmem>>, vector<1x16xf32>,
        %get3A_2334 = vector.shape_cast %get3A_2333 : vector<1x16xf32> to vector<16xf32>
        %mul3A_2335 = arith.mulf %get3A_2334, %get3A_1680 : vector<16xf32>
        %add3A_2336 = arith.addf %scan3A_2286, %mul3A_2335 : vector<16xf32>
        %scan3A_2337 = arith.constant 1 : i32
        %scan3A_2338 = arith.addi %scan3A_2278, %scan3A_2337 : i32
        %add3A_2339 = arith.constant 150 : i32
        %add3A_2340 = arith.addi %add3A_2339, %scan3A_2338 : i32
        %get3A_2341 = arith.index_cast %add3A_2340 : i32 to index
        %get3A_2342 = arith.constant 0 : index
        %get3A_2343 = tpu.vector_load %arg16[%get3A_2341, %get3A_2342] {strides = array<i32>} : memref<400x128xf32, #tpu.memory_space<vmem>>, vector<1x16xf32>,
        %get3A_2344 = vector.shape_cast %get3A_2343 : vector<1x16xf32> to vector<16xf32>
        %mul3A_2345 = arith.mulf %get3A_2344, %get3A_1645 : vector<16xf32>
        %add3A_2346 = arith.addf %add3A_2294, %mul3A_2345 : vector<16xf32>
        %get3A_2347 = arith.index_cast %add3A_2340 : i32 to index
        %get3A_2348 = arith.constant 16 : index
        %get3A_2349 = tpu.vector_load %arg16[%get3A_2347, %get3A_2348] {strides = array<i32>} : memref<400x128xf32, #tpu.memory_space<vmem>>, vector<1x16xf32>,
        %get3A_2350 = vector.shape_cast %get3A_2349 : vector<1x16xf32> to vector<16xf32>
        %mul3A_2351 = arith.mulf %get3A_2350, %get3A_1650 : vector<16xf32>
        %add3A_2352 = arith.addf %add3A_2300, %mul3A_2351 : vector<16xf32>
        %get3A_2353 = arith.index_cast %add3A_2340 : i32 to index
        %get3A_2354 = arith.constant 32 : index
        %get3A_2355 = tpu.vector_load %arg16[%get3A_2353, %get3A_2354] {strides = array<i32>} : memref<400x128xf32, #tpu.memory_space<vmem>>, vector<1x16xf32>,
        %get3A_2356 = vector.shape_cast %get3A_2355 : vector<1x16xf32> to vector<16xf32>
        %mul3A_2357 = arith.mulf %get3A_2356, %get3A_1655 : vector<16xf32>
        %add3A_2358 = arith.addf %add3A_2306, %mul3A_2357 : vector<16xf32>
        %get3A_2359 = arith.index_cast %add3A_2340 : i32 to index
        %get3A_2360 = arith.constant 48 : index
        %get3A_2361 = tpu.vector_load %arg16[%get3A_2359, %get3A_2360] {strides = array<i32>} : memref<400x128xf32, #tpu.memory_space<vmem>>, vector<1x16xf32>,
        %get3A_2362 = vector.shape_cast %get3A_2361 : vector<1x16xf32> to vector<16xf32>
        %mul3A_2363 = arith.mulf %get3A_2362, %get3A_1660 : vector<16xf32>
        %add3A_2364 = arith.addf %add3A_2312, %mul3A_2363 : vector<16xf32>
        %get3A_2365 = arith.index_cast %add3A_2340 : i32 to index
        %get3A_2366 = arith.constant 64 : index
        %get3A_2367 = tpu.vector_load %arg16[%get3A_2365, %get3A_2366] {strides = array<i32>} : memref<400x128xf32, #tpu.memory_space<vmem>>, vector<1x16xf32>,
        %get3A_2368 = vector.shape_cast %get3A_2367 : vector<1x16xf32> to vector<16xf32>
        %mul3A_2369 = arith.mulf %get3A_2368, %get3A_1665 : vector<16xf32>
        %add3A_2370 = arith.addf %add3A_2318, %mul3A_2369 : vector<16xf32>
        %get3A_2371 = arith.index_cast %add3A_2340 : i32 to index
        %get3A_2372 = arith.constant 80 : index
        %get3A_2373 = tpu.vector_load %arg16[%get3A_2371, %get3A_2372] {strides = array<i32>} : memref<400x128xf32, #tpu.memory_space<vmem>>, vector<1x16xf32>,
        %get3A_2374 = vector.shape_cast %get3A_2373 : vector<1x16xf32> to vector<16xf32>
        %mul3A_2375 = arith.mulf %get3A_2374, %get3A_1670 : vector<16xf32>
        %add3A_2376 = arith.addf %add3A_2324, %mul3A_2375 : vector<16xf32>
        %get3A_2377 = arith.index_cast %add3A_2340 : i32 to index
        %get3A_2378 = arith.constant 96 : index
        %get3A_2379 = tpu.vector_load %arg16[%get3A_2377, %get3A_2378] {strides = array<i32>} : memref<400x128xf32, #tpu.memory_space<vmem>>, vector<1x16xf32>,
        %get3A_2380 = vector.shape_cast %get3A_2379 : vector<1x16xf32> to vector<16xf32>
        %mul3A_2381 = arith.mulf %get3A_2380, %get3A_1675 : vector<16xf32>
        %add3A_2382 = arith.addf %add3A_2330, %mul3A_2381 : vector<16xf32>
        %get3A_2383 = arith.index_cast %add3A_2340 : i32 to index
        %get3A_2384 = arith.constant 112 : index
        %get3A_2385 = tpu.vector_load %arg16[%get3A_2383, %get3A_2384] {strides = array<i32>} : memref<400x128xf32, #tpu.memory_space<vmem>>, vector<1x16xf32>,
        %get3A_2386 = vector.shape_cast %get3A_2385 : vector<1x16xf32> to vector<16xf32>
        %mul3A_2387 = arith.mulf %get3A_2386, %get3A_1680 : vector<16xf32>
        %add3A_2388 = arith.addf %add3A_2336, %mul3A_2387 : vector<16xf32>
        scf.yield %add3A_2346, %add3A_2352, %add3A_2358, %add3A_2364, %add3A_2370, %add3A_2376, %add3A_2382, %add3A_2388 : vector<16xf32>, vector<16xf32>, vector<16xf32>, vector<16xf32>, vector<16xf32>, vector<16xf32>, vector<16xf32>, vector<16xf32>
      }
      %scan3A_1743 = arith.constant 50 : i32
      %add3A_1744 = arith.addf %scan3A_1742#0, %scan3A_1742#1 : vector<16xf32>
      %add3A_1745 = arith.addf %add3A_1744, %scan3A_1742#2 : vector<16xf32>
      %add3A_1746 = arith.addf %add3A_1745, %scan3A_1742#3 : vector<16xf32>
      %add3A_1747 = arith.addf %add3A_1746, %scan3A_1742#4 : vector<16xf32>
      %add3A_1748 = arith.addf %add3A_1747, %scan3A_1742#5 : vector<16xf32>
      %add3A_1749 = arith.addf %add3A_1748, %scan3A_1742#6 : vector<16xf32>
      %add3A_1750 = arith.addf %add3A_1749, %scan3A_1742#7 : vector<16xf32>
      %mul3A_1751 = arith.constant 8 : i32
      %mul3A_1752 = arith.muli %add3A_1262, %mul3A_1751 : i32
      %add3A_1753 = arith.constant 3 : i32
      %add3A_1754 = arith.addi %mul3A_1752, %add3A_1753 : i32
      %mul3A_1755 = arith.constant 16 : i32
      %mul3A_1756 = arith.muli %add3A_1754, %mul3A_1755 : i32
      %swap3A_1757 = arith.index_cast %mul3A_1756 : i32 to index
      %swap3A_1758 = tpu.vector_load %arg20[%swap3A_1757] {strides = array<i32>} : memref<8192xf32, #tpu.memory_space<vmem>>, vector<16xf32>,
      %swap3A_1759 = vector.shape_cast %swap3A_1758 : vector<16xf32> to vector<16xf32>
      %swap3A_1760 = vector.shape_cast %add3A_1735 : vector<16xf32> to vector<16xf32>
      tpu.vector_store %arg20[%swap3A_1757], %swap3A_1760 {strides = array<i32>} : memref<8192xf32, #tpu.memory_space<vmem>>, vector<16xf32>,
      %mul3A_1761 = arith.constant 16 : i32
      %mul3A_1762 = arith.muli %add3A_1754, %mul3A_1761 : i32
      %swap3A_1763 = arith.index_cast %mul3A_1762 : i32 to index
      %swap3A_1764 = tpu.vector_load %arg17[%swap3A_1763] {strides = array<i32>} : memref<8192xf32, #tpu.memory_space<vmem>>, vector<16xf32>,
      %swap3A_1765 = vector.shape_cast %swap3A_1764 : vector<16xf32> to vector<16xf32>
      %swap3A_1766 = vector.shape_cast %add3A_1750 : vector<16xf32> to vector<16xf32>
      tpu.vector_store %arg17[%swap3A_1763], %swap3A_1766 {strides = array<i32>} : memref<8192xf32, #tpu.memory_space<vmem>>, vector<16xf32>,
      %get3A_1767 = arith.constant 4 : i32
      %get3A_1768 = arith.index_cast %get3A_1767 : i32 to index
      %get3A_1769 = arith.constant 0 : index
      %get3A_1770 = tpu.vector_load %arg10[%get3A_1768, %get3A_1769] {strides = array<i32>} : memref<8x128xf32, #tpu.memory_space<vmem>>, vector<1x16xf32>,
      %get3A_1771 = vector.shape_cast %get3A_1770 : vector<1x16xf32> to vector<16xf32>
      %get3A_1772 = arith.constant 4 : i32
      %get3A_1773 = arith.index_cast %get3A_1772 : i32 to index
      %get3A_1774 = arith.constant 16 : index
      %get3A_1775 = tpu.vector_load %arg10[%get3A_1773, %get3A_1774] {strides = array<i32>} : memref<8x128xf32, #tpu.memory_space<vmem>>, vector<1x16xf32>,
      %get3A_1776 = vector.shape_cast %get3A_1775 : vector<1x16xf32> to vector<16xf32>
      %get3A_1777 = arith.constant 4 : i32
      %get3A_1778 = arith.index_cast %get3A_1777 : i32 to index
      %get3A_1779 = arith.constant 32 : index
      %get3A_1780 = tpu.vector_load %arg10[%get3A_1778, %get3A_1779] {strides = array<i32>} : memref<8x128xf32, #tpu.memory_space<vmem>>, vector<1x16xf32>,
      %get3A_1781 = vector.shape_cast %get3A_1780 : vector<1x16xf32> to vector<16xf32>
      %get3A_1782 = arith.constant 4 : i32
      %get3A_1783 = arith.index_cast %get3A_1782 : i32 to index
      %get3A_1784 = arith.constant 48 : index
      %get3A_1785 = tpu.vector_load %arg10[%get3A_1783, %get3A_1784] {strides = array<i32>} : memref<8x128xf32, #tpu.memory_space<vmem>>, vector<1x16xf32>,
      %get3A_1786 = vector.shape_cast %get3A_1785 : vector<1x16xf32> to vector<16xf32>
      %get3A_1787 = arith.constant 4 : i32
      %get3A_1788 = arith.index_cast %get3A_1787 : i32 to index
      %get3A_1789 = arith.constant 64 : index
      %get3A_1790 = tpu.vector_load %arg10[%get3A_1788, %get3A_1789] {strides = array<i32>} : memref<8x128xf32, #tpu.memory_space<vmem>>, vector<1x16xf32>,
      %get3A_1791 = vector.shape_cast %get3A_1790 : vector<1x16xf32> to vector<16xf32>
      %get3A_1792 = arith.constant 4 : i32
      %get3A_1793 = arith.index_cast %get3A_1792 : i32 to index
      %get3A_1794 = arith.constant 80 : index
      %get3A_1795 = tpu.vector_load %arg10[%get3A_1793, %get3A_1794] {strides = array<i32>} : memref<8x128xf32, #tpu.memory_space<vmem>>, vector<1x16xf32>,
      %get3A_1796 = vector.shape_cast %get3A_1795 : vector<1x16xf32> to vector<16xf32>
      %get3A_1797 = arith.constant 4 : i32
      %get3A_1798 = arith.index_cast %get3A_1797 : i32 to index
      %get3A_1799 = arith.constant 96 : index
      %get3A_1800 = tpu.vector_load %arg10[%get3A_1798, %get3A_1799] {strides = array<i32>} : memref<8x128xf32, #tpu.memory_space<vmem>>, vector<1x16xf32>,
      %get3A_1801 = vector.shape_cast %get3A_1800 : vector<1x16xf32> to vector<16xf32>
      %get3A_1802 = arith.constant 4 : i32
      %get3A_1803 = arith.index_cast %get3A_1802 : i32 to index
      %get3A_1804 = arith.constant 112 : index
      %get3A_1805 = tpu.vector_load %arg10[%get3A_1803, %get3A_1804] {strides = array<i32>} : memref<8x128xf32, #tpu.memory_space<vmem>>, vector<1x16xf32>,
      %get3A_1806 = vector.shape_cast %get3A_1805 : vector<1x16xf32> to vector<16xf32>
      %get3A_1807 = arith.constant 4 : i32
      %get3A_1808 = arith.index_cast %get3A_1807 : i32 to index
      %get3A_1809 = arith.constant 0 : index
      %get3A_1810 = tpu.vector_load %arg24[%get3A_1808, %get3A_1809] {strides = array<i32>} : memref<8x128xf32, #tpu.memory_space<vmem>>, vector<1x16xf32>,
      %get3A_1811 = vector.shape_cast %get3A_1810 : vector<1x16xf32> to vector<16xf32>
      %mul3A_1812 = arith.mulf %get3A_1811, %get3A_1771 : vector<16xf32>
      %get3A_1813 = arith.constant 4 : i32
      %get3A_1814 = arith.index_cast %get3A_1813 : i32 to index
      %get3A_1815 = arith.constant 16 : index
      %get3A_1816 = tpu.vector_load %arg24[%get3A_1814, %get3A_1815] {strides = array<i32>} : memref<8x128xf32, #tpu.memory_space<vmem>>, vector<1x16xf32>,
      %get3A_1817 = vector.shape_cast %get3A_1816 : vector<1x16xf32> to vector<16xf32>
      %mul3A_1818 = arith.mulf %get3A_1817, %get3A_1776 : vector<16xf32>
      %add3A_1819 = arith.addf %mul3A_1812, %mul3A_1818 : vector<16xf32>
      %get3A_1820 = arith.constant 4 : i32
      %get3A_1821 = arith.index_cast %get3A_1820 : i32 to index
      %get3A_1822 = arith.constant 32 : index
      %get3A_1823 = tpu.vector_load %arg24[%get3A_1821, %get3A_1822] {strides = array<i32>} : memref<8x128xf32, #tpu.memory_space<vmem>>, vector<1x16xf32>,
      %get3A_1824 = vector.shape_cast %get3A_1823 : vector<1x16xf32> to vector<16xf32>
      %mul3A_1825 = arith.mulf %get3A_1824, %get3A_1781 : vector<16xf32>
      %add3A_1826 = arith.addf %add3A_1819, %mul3A_1825 : vector<16xf32>
      %get3A_1827 = arith.constant 4 : i32
      %get3A_1828 = arith.index_cast %get3A_1827 : i32 to index
      %get3A_1829 = arith.constant 48 : index
      %get3A_1830 = tpu.vector_load %arg24[%get3A_1828, %get3A_1829] {strides = array<i32>} : memref<8x128xf32, #tpu.memory_space<vmem>>, vector<1x16xf32>,
      %get3A_1831 = vector.shape_cast %get3A_1830 : vector<1x16xf32> to vector<16xf32>
      %mul3A_1832 = arith.mulf %get3A_1831, %get3A_1786 : vector<16xf32>
      %add3A_1833 = arith.addf %add3A_1826, %mul3A_1832 : vector<16xf32>
      %get3A_1834 = arith.constant 4 : i32
      %get3A_1835 = arith.index_cast %get3A_1834 : i32 to index
      %get3A_1836 = arith.constant 64 : index
      %get3A_1837 = tpu.vector_load %arg24[%get3A_1835, %get3A_1836] {strides = array<i32>} : memref<8x128xf32, #tpu.memory_space<vmem>>, vector<1x16xf32>,
      %get3A_1838 = vector.shape_cast %get3A_1837 : vector<1x16xf32> to vector<16xf32>
      %mul3A_1839 = arith.mulf %get3A_1838, %get3A_1791 : vector<16xf32>
      %add3A_1840 = arith.addf %add3A_1833, %mul3A_1839 : vector<16xf32>
      %get3A_1841 = arith.constant 4 : i32
      %get3A_1842 = arith.index_cast %get3A_1841 : i32 to index
      %get3A_1843 = arith.constant 80 : index
      %get3A_1844 = tpu.vector_load %arg24[%get3A_1842, %get3A_1843] {strides = array<i32>} : memref<8x128xf32, #tpu.memory_space<vmem>>, vector<1x16xf32>,
      %get3A_1845 = vector.shape_cast %get3A_1844 : vector<1x16xf32> to vector<16xf32>
      %mul3A_1846 = arith.mulf %get3A_1845, %get3A_1796 : vector<16xf32>
      %add3A_1847 = arith.addf %add3A_1840, %mul3A_1846 : vector<16xf32>
      %get3A_1848 = arith.constant 4 : i32
      %get3A_1849 = arith.index_cast %get3A_1848 : i32 to index
      %get3A_1850 = arith.constant 96 : index
      %get3A_1851 = tpu.vector_load %arg24[%get3A_1849, %get3A_1850] {strides = array<i32>} : memref<8x128xf32, #tpu.memory_space<vmem>>, vector<1x16xf32>,
      %get3A_1852 = vector.shape_cast %get3A_1851 : vector<1x16xf32> to vector<16xf32>
      %mul3A_1853 = arith.mulf %get3A_1852, %get3A_1801 : vector<16xf32>
      %add3A_1854 = arith.addf %add3A_1847, %mul3A_1853 : vector<16xf32>
      %get3A_1855 = arith.constant 4 : i32
      %get3A_1856 = arith.index_cast %get3A_1855 : i32 to index
      %get3A_1857 = arith.constant 112 : index
      %get3A_1858 = tpu.vector_load %arg24[%get3A_1856, %get3A_1857] {strides = array<i32>} : memref<8x128xf32, #tpu.memory_space<vmem>>, vector<1x16xf32>,
      %get3A_1859 = vector.shape_cast %get3A_1858 : vector<1x16xf32> to vector<16xf32>
      %mul3A_1860 = arith.mulf %get3A_1859, %get3A_1806 : vector<16xf32>
      %add3A_1861 = arith.addf %add3A_1854, %mul3A_1860 : vector<16xf32>
      %broadcast_in_dim3A_1862 = arith.constant 0.000000e+00 : f32
      %broadcast_in_dim3A_1863 = vector.broadcast %broadcast_in_dim3A_1862 : f32 to vector<16xf32>
      %scan3A_1864 = arith.constant 0 : i32
      %scan3A_1865 = arith.constant 50 : i32
      %scan3A_1866 = arith.addi %scan3A_1864, %scan3A_1865 : i32
      %scan3A_1867 = arith.constant 2 : i32
      %scan3A_1868:8 = scf.for %scan3A_2278 = %scan3A_1864 to %scan3A_1866 step %scan3A_1867 iter_args(%scan3A_2279 = %broadcast_in_dim3A_1863, %scan3A_2280 = %broadcast_in_dim3A_1863, %scan3A_2281 = %broadcast_in_dim3A_1863, %scan3A_2282 = %broadcast_in_dim3A_1863, %scan3A_2283 = %broadcast_in_dim3A_1863, %scan3A_2284 = %broadcast_in_dim3A_1863, %scan3A_2285 = %broadcast_in_dim3A_1863, %scan3A_2286 = %broadcast_in_dim3A_1863) -> (vector<16xf32>, vector<16xf32>, vector<16xf32>, vector<16xf32>, vector<16xf32>, vector<16xf32>, vector<16xf32>, vector<16xf32>)  : i32 {
        %add3A_2287 = arith.constant 200 : i32
        %add3A_2288 = arith.addi %add3A_2287, %scan3A_2278 : i32
        %get3A_2289 = arith.index_cast %add3A_2288 : i32 to index
        %get3A_2290 = arith.constant 0 : index
        %get3A_2291 = tpu.vector_load %arg16[%get3A_2289, %get3A_2290] {strides = array<i32>} : memref<400x128xf32, #tpu.memory_space<vmem>>, vector<1x16xf32>,
        %get3A_2292 = vector.shape_cast %get3A_2291 : vector<1x16xf32> to vector<16xf32>
        %mul3A_2293 = arith.mulf %get3A_2292, %get3A_1771 : vector<16xf32>
        %add3A_2294 = arith.addf %scan3A_2279, %mul3A_2293 : vector<16xf32>
        %get3A_2295 = arith.index_cast %add3A_2288 : i32 to index
        %get3A_2296 = arith.constant 16 : index
        %get3A_2297 = tpu.vector_load %arg16[%get3A_2295, %get3A_2296] {strides = array<i32>} : memref<400x128xf32, #tpu.memory_space<vmem>>, vector<1x16xf32>,
        %get3A_2298 = vector.shape_cast %get3A_2297 : vector<1x16xf32> to vector<16xf32>
        %mul3A_2299 = arith.mulf %get3A_2298, %get3A_1776 : vector<16xf32>
        %add3A_2300 = arith.addf %scan3A_2280, %mul3A_2299 : vector<16xf32>
        %get3A_2301 = arith.index_cast %add3A_2288 : i32 to index
        %get3A_2302 = arith.constant 32 : index
        %get3A_2303 = tpu.vector_load %arg16[%get3A_2301, %get3A_2302] {strides = array<i32>} : memref<400x128xf32, #tpu.memory_space<vmem>>, vector<1x16xf32>,
        %get3A_2304 = vector.shape_cast %get3A_2303 : vector<1x16xf32> to vector<16xf32>
        %mul3A_2305 = arith.mulf %get3A_2304, %get3A_1781 : vector<16xf32>
        %add3A_2306 = arith.addf %scan3A_2281, %mul3A_2305 : vector<16xf32>
        %get3A_2307 = arith.index_cast %add3A_2288 : i32 to index
        %get3A_2308 = arith.constant 48 : index
        %get3A_2309 = tpu.vector_load %arg16[%get3A_2307, %get3A_2308] {strides = array<i32>} : memref<400x128xf32, #tpu.memory_space<vmem>>, vector<1x16xf32>,
        %get3A_2310 = vector.shape_cast %get3A_2309 : vector<1x16xf32> to vector<16xf32>
        %mul3A_2311 = arith.mulf %get3A_2310, %get3A_1786 : vector<16xf32>
        %add3A_2312 = arith.addf %scan3A_2282, %mul3A_2311 : vector<16xf32>
        %get3A_2313 = arith.index_cast %add3A_2288 : i32 to index
        %get3A_2314 = arith.constant 64 : index
        %get3A_2315 = tpu.vector_load %arg16[%get3A_2313, %get3A_2314] {strides = array<i32>} : memref<400x128xf32, #tpu.memory_space<vmem>>, vector<1x16xf32>,
        %get3A_2316 = vector.shape_cast %get3A_2315 : vector<1x16xf32> to vector<16xf32>
        %mul3A_2317 = arith.mulf %get3A_2316, %get3A_1791 : vector<16xf32>
        %add3A_2318 = arith.addf %scan3A_2283, %mul3A_2317 : vector<16xf32>
        %get3A_2319 = arith.index_cast %add3A_2288 : i32 to index
        %get3A_2320 = arith.constant 80 : index
        %get3A_2321 = tpu.vector_load %arg16[%get3A_2319, %get3A_2320] {strides = array<i32>} : memref<400x128xf32, #tpu.memory_space<vmem>>, vector<1x16xf32>,
        %get3A_2322 = vector.shape_cast %get3A_2321 : vector<1x16xf32> to vector<16xf32>
        %mul3A_2323 = arith.mulf %get3A_2322, %get3A_1796 : vector<16xf32>
        %add3A_2324 = arith.addf %scan3A_2284, %mul3A_2323 : vector<16xf32>
        %get3A_2325 = arith.index_cast %add3A_2288 : i32 to index
        %get3A_2326 = arith.constant 96 : index
        %get3A_2327 = tpu.vector_load %arg16[%get3A_2325, %get3A_2326] {strides = array<i32>} : memref<400x128xf32, #tpu.memory_space<vmem>>, vector<1x16xf32>,
        %get3A_2328 = vector.shape_cast %get3A_2327 : vector<1x16xf32> to vector<16xf32>
        %mul3A_2329 = arith.mulf %get3A_2328, %get3A_1801 : vector<16xf32>
        %add3A_2330 = arith.addf %scan3A_2285, %mul3A_2329 : vector<16xf32>
        %get3A_2331 = arith.index_cast %add3A_2288 : i32 to index
        %get3A_2332 = arith.constant 112 : index
        %get3A_2333 = tpu.vector_load %arg16[%get3A_2331, %get3A_2332] {strides = array<i32>} : memref<400x128xf32, #tpu.memory_space<vmem>>, vector<1x16xf32>,
        %get3A_2334 = vector.shape_cast %get3A_2333 : vector<1x16xf32> to vector<16xf32>
        %mul3A_2335 = arith.mulf %get3A_2334, %get3A_1806 : vector<16xf32>
        %add3A_2336 = arith.addf %scan3A_2286, %mul3A_2335 : vector<16xf32>
        %scan3A_2337 = arith.constant 1 : i32
        %scan3A_2338 = arith.addi %scan3A_2278, %scan3A_2337 : i32
        %add3A_2339 = arith.constant 200 : i32
        %add3A_2340 = arith.addi %add3A_2339, %scan3A_2338 : i32
        %get3A_2341 = arith.index_cast %add3A_2340 : i32 to index
        %get3A_2342 = arith.constant 0 : index
        %get3A_2343 = tpu.vector_load %arg16[%get3A_2341, %get3A_2342] {strides = array<i32>} : memref<400x128xf32, #tpu.memory_space<vmem>>, vector<1x16xf32>,
        %get3A_2344 = vector.shape_cast %get3A_2343 : vector<1x16xf32> to vector<16xf32>
        %mul3A_2345 = arith.mulf %get3A_2344, %get3A_1771 : vector<16xf32>
        %add3A_2346 = arith.addf %add3A_2294, %mul3A_2345 : vector<16xf32>
        %get3A_2347 = arith.index_cast %add3A_2340 : i32 to index
        %get3A_2348 = arith.constant 16 : index
        %get3A_2349 = tpu.vector_load %arg16[%get3A_2347, %get3A_2348] {strides = array<i32>} : memref<400x128xf32, #tpu.memory_space<vmem>>, vector<1x16xf32>,
        %get3A_2350 = vector.shape_cast %get3A_2349 : vector<1x16xf32> to vector<16xf32>
        %mul3A_2351 = arith.mulf %get3A_2350, %get3A_1776 : vector<16xf32>
        %add3A_2352 = arith.addf %add3A_2300, %mul3A_2351 : vector<16xf32>
        %get3A_2353 = arith.index_cast %add3A_2340 : i32 to index
        %get3A_2354 = arith.constant 32 : index
        %get3A_2355 = tpu.vector_load %arg16[%get3A_2353, %get3A_2354] {strides = array<i32>} : memref<400x128xf32, #tpu.memory_space<vmem>>, vector<1x16xf32>,
        %get3A_2356 = vector.shape_cast %get3A_2355 : vector<1x16xf32> to vector<16xf32>
        %mul3A_2357 = arith.mulf %get3A_2356, %get3A_1781 : vector<16xf32>
        %add3A_2358 = arith.addf %add3A_2306, %mul3A_2357 : vector<16xf32>
        %get3A_2359 = arith.index_cast %add3A_2340 : i32 to index
        %get3A_2360 = arith.constant 48 : index
        %get3A_2361 = tpu.vector_load %arg16[%get3A_2359, %get3A_2360] {strides = array<i32>} : memref<400x128xf32, #tpu.memory_space<vmem>>, vector<1x16xf32>,
        %get3A_2362 = vector.shape_cast %get3A_2361 : vector<1x16xf32> to vector<16xf32>
        %mul3A_2363 = arith.mulf %get3A_2362, %get3A_1786 : vector<16xf32>
        %add3A_2364 = arith.addf %add3A_2312, %mul3A_2363 : vector<16xf32>
        %get3A_2365 = arith.index_cast %add3A_2340 : i32 to index
        %get3A_2366 = arith.constant 64 : index
        %get3A_2367 = tpu.vector_load %arg16[%get3A_2365, %get3A_2366] {strides = array<i32>} : memref<400x128xf32, #tpu.memory_space<vmem>>, vector<1x16xf32>,
        %get3A_2368 = vector.shape_cast %get3A_2367 : vector<1x16xf32> to vector<16xf32>
        %mul3A_2369 = arith.mulf %get3A_2368, %get3A_1791 : vector<16xf32>
        %add3A_2370 = arith.addf %add3A_2318, %mul3A_2369 : vector<16xf32>
        %get3A_2371 = arith.index_cast %add3A_2340 : i32 to index
        %get3A_2372 = arith.constant 80 : index
        %get3A_2373 = tpu.vector_load %arg16[%get3A_2371, %get3A_2372] {strides = array<i32>} : memref<400x128xf32, #tpu.memory_space<vmem>>, vector<1x16xf32>,
        %get3A_2374 = vector.shape_cast %get3A_2373 : vector<1x16xf32> to vector<16xf32>
        %mul3A_2375 = arith.mulf %get3A_2374, %get3A_1796 : vector<16xf32>
        %add3A_2376 = arith.addf %add3A_2324, %mul3A_2375 : vector<16xf32>
        %get3A_2377 = arith.index_cast %add3A_2340 : i32 to index
        %get3A_2378 = arith.constant 96 : index
        %get3A_2379 = tpu.vector_load %arg16[%get3A_2377, %get3A_2378] {strides = array<i32>} : memref<400x128xf32, #tpu.memory_space<vmem>>, vector<1x16xf32>,
        %get3A_2380 = vector.shape_cast %get3A_2379 : vector<1x16xf32> to vector<16xf32>
        %mul3A_2381 = arith.mulf %get3A_2380, %get3A_1801 : vector<16xf32>
        %add3A_2382 = arith.addf %add3A_2330, %mul3A_2381 : vector<16xf32>
        %get3A_2383 = arith.index_cast %add3A_2340 : i32 to index
        %get3A_2384 = arith.constant 112 : index
        %get3A_2385 = tpu.vector_load %arg16[%get3A_2383, %get3A_2384] {strides = array<i32>} : memref<400x128xf32, #tpu.memory_space<vmem>>, vector<1x16xf32>,
        %get3A_2386 = vector.shape_cast %get3A_2385 : vector<1x16xf32> to vector<16xf32>
        %mul3A_2387 = arith.mulf %get3A_2386, %get3A_1806 : vector<16xf32>
        %add3A_2388 = arith.addf %add3A_2336, %mul3A_2387 : vector<16xf32>
        scf.yield %add3A_2346, %add3A_2352, %add3A_2358, %add3A_2364, %add3A_2370, %add3A_2376, %add3A_2382, %add3A_2388 : vector<16xf32>, vector<16xf32>, vector<16xf32>, vector<16xf32>, vector<16xf32>, vector<16xf32>, vector<16xf32>, vector<16xf32>
      }
      %scan3A_1869 = arith.constant 50 : i32
      %add3A_1870 = arith.addf %scan3A_1868#0, %scan3A_1868#1 : vector<16xf32>
      %add3A_1871 = arith.addf %add3A_1870, %scan3A_1868#2 : vector<16xf32>
      %add3A_1872 = arith.addf %add3A_1871, %scan3A_1868#3 : vector<16xf32>
      %add3A_1873 = arith.addf %add3A_1872, %scan3A_1868#4 : vector<16xf32>
      %add3A_1874 = arith.addf %add3A_1873, %scan3A_1868#5 : vector<16xf32>
      %add3A_1875 = arith.addf %add3A_1874, %scan3A_1868#6 : vector<16xf32>
      %add3A_1876 = arith.addf %add3A_1875, %scan3A_1868#7 : vector<16xf32>
      %mul3A_1877 = arith.constant 8 : i32
      %mul3A_1878 = arith.muli %add3A_1262, %mul3A_1877 : i32
      %add3A_1879 = arith.constant 4 : i32
      %add3A_1880 = arith.addi %mul3A_1878, %add3A_1879 : i32
      %mul3A_1881 = arith.constant 16 : i32
      %mul3A_1882 = arith.muli %add3A_1880, %mul3A_1881 : i32
      %swap3A_1883 = arith.index_cast %mul3A_1882 : i32 to index
      %swap3A_1884 = tpu.vector_load %arg20[%swap3A_1883] {strides = array<i32>} : memref<8192xf32, #tpu.memory_space<vmem>>, vector<16xf32>,
      %swap3A_1885 = vector.shape_cast %swap3A_1884 : vector<16xf32> to vector<16xf32>
      %swap3A_1886 = vector.shape_cast %add3A_1861 : vector<16xf32> to vector<16xf32>
      tpu.vector_store %arg20[%swap3A_1883], %swap3A_1886 {strides = array<i32>} : memref<8192xf32, #tpu.memory_space<vmem>>, vector<16xf32>,
      %mul3A_1887 = arith.constant 16 : i32
      %mul3A_1888 = arith.muli %add3A_1880, %mul3A_1887 : i32
      %swap3A_1889 = arith.index_cast %mul3A_1888 : i32 to index
      %swap3A_1890 = tpu.vector_load %arg17[%swap3A_1889] {strides = array<i32>} : memref<8192xf32, #tpu.memory_space<vmem>>, vector<16xf32>,
      %swap3A_1891 = vector.shape_cast %swap3A_1890 : vector<16xf32> to vector<16xf32>
      %swap3A_1892 = vector.shape_cast %add3A_1876 : vector<16xf32> to vector<16xf32>
      tpu.vector_store %arg17[%swap3A_1889], %swap3A_1892 {strides = array<i32>} : memref<8192xf32, #tpu.memory_space<vmem>>, vector<16xf32>,
      %get3A_1893 = arith.constant 5 : i32
      %get3A_1894 = arith.index_cast %get3A_1893 : i32 to index
      %get3A_1895 = arith.constant 0 : index
      %get3A_1896 = tpu.vector_load %arg10[%get3A_1894, %get3A_1895] {strides = array<i32>} : memref<8x128xf32, #tpu.memory_space<vmem>>, vector<1x16xf32>,
      %get3A_1897 = vector.shape_cast %get3A_1896 : vector<1x16xf32> to vector<16xf32>
      %get3A_1898 = arith.constant 5 : i32
      %get3A_1899 = arith.index_cast %get3A_1898 : i32 to index
      %get3A_1900 = arith.constant 16 : index
      %get3A_1901 = tpu.vector_load %arg10[%get3A_1899, %get3A_1900] {strides = array<i32>} : memref<8x128xf32, #tpu.memory_space<vmem>>, vector<1x16xf32>,
      %get3A_1902 = vector.shape_cast %get3A_1901 : vector<1x16xf32> to vector<16xf32>
      %get3A_1903 = arith.constant 5 : i32
      %get3A_1904 = arith.index_cast %get3A_1903 : i32 to index
      %get3A_1905 = arith.constant 32 : index
      %get3A_1906 = tpu.vector_load %arg10[%get3A_1904, %get3A_1905] {strides = array<i32>} : memref<8x128xf32, #tpu.memory_space<vmem>>, vector<1x16xf32>,
      %get3A_1907 = vector.shape_cast %get3A_1906 : vector<1x16xf32> to vector<16xf32>
      %get3A_1908 = arith.constant 5 : i32
      %get3A_1909 = arith.index_cast %get3A_1908 : i32 to index
      %get3A_1910 = arith.constant 48 : index
      %get3A_1911 = tpu.vector_load %arg10[%get3A_1909, %get3A_1910] {strides = array<i32>} : memref<8x128xf32, #tpu.memory_space<vmem>>, vector<1x16xf32>,
      %get3A_1912 = vector.shape_cast %get3A_1911 : vector<1x16xf32> to vector<16xf32>
      %get3A_1913 = arith.constant 5 : i32
      %get3A_1914 = arith.index_cast %get3A_1913 : i32 to index
      %get3A_1915 = arith.constant 64 : index
      %get3A_1916 = tpu.vector_load %arg10[%get3A_1914, %get3A_1915] {strides = array<i32>} : memref<8x128xf32, #tpu.memory_space<vmem>>, vector<1x16xf32>,
      %get3A_1917 = vector.shape_cast %get3A_1916 : vector<1x16xf32> to vector<16xf32>
      %get3A_1918 = arith.constant 5 : i32
      %get3A_1919 = arith.index_cast %get3A_1918 : i32 to index
      %get3A_1920 = arith.constant 80 : index
      %get3A_1921 = tpu.vector_load %arg10[%get3A_1919, %get3A_1920] {strides = array<i32>} : memref<8x128xf32, #tpu.memory_space<vmem>>, vector<1x16xf32>,
      %get3A_1922 = vector.shape_cast %get3A_1921 : vector<1x16xf32> to vector<16xf32>
      %get3A_1923 = arith.constant 5 : i32
      %get3A_1924 = arith.index_cast %get3A_1923 : i32 to index
      %get3A_1925 = arith.constant 96 : index
      %get3A_1926 = tpu.vector_load %arg10[%get3A_1924, %get3A_1925] {strides = array<i32>} : memref<8x128xf32, #tpu.memory_space<vmem>>, vector<1x16xf32>,
      %get3A_1927 = vector.shape_cast %get3A_1926 : vector<1x16xf32> to vector<16xf32>
      %get3A_1928 = arith.constant 5 : i32
      %get3A_1929 = arith.index_cast %get3A_1928 : i32 to index
      %get3A_1930 = arith.constant 112 : index
      %get3A_1931 = tpu.vector_load %arg10[%get3A_1929, %get3A_1930] {strides = array<i32>} : memref<8x128xf32, #tpu.memory_space<vmem>>, vector<1x16xf32>,
      %get3A_1932 = vector.shape_cast %get3A_1931 : vector<1x16xf32> to vector<16xf32>
      %get3A_1933 = arith.constant 5 : i32
      %get3A_1934 = arith.index_cast %get3A_1933 : i32 to index
      %get3A_1935 = arith.constant 0 : index
      %get3A_1936 = tpu.vector_load %arg24[%get3A_1934, %get3A_1935] {strides = array<i32>} : memref<8x128xf32, #tpu.memory_space<vmem>>, vector<1x16xf32>,
      %get3A_1937 = vector.shape_cast %get3A_1936 : vector<1x16xf32> to vector<16xf32>
      %mul3A_1938 = arith.mulf %get3A_1937, %get3A_1897 : vector<16xf32>
      %get3A_1939 = arith.constant 5 : i32
      %get3A_1940 = arith.index_cast %get3A_1939 : i32 to index
      %get3A_1941 = arith.constant 16 : index
      %get3A_1942 = tpu.vector_load %arg24[%get3A_1940, %get3A_1941] {strides = array<i32>} : memref<8x128xf32, #tpu.memory_space<vmem>>, vector<1x16xf32>,
      %get3A_1943 = vector.shape_cast %get3A_1942 : vector<1x16xf32> to vector<16xf32>
      %mul3A_1944 = arith.mulf %get3A_1943, %get3A_1902 : vector<16xf32>
      %add3A_1945 = arith.addf %mul3A_1938, %mul3A_1944 : vector<16xf32>
      %get3A_1946 = arith.constant 5 : i32
      %get3A_1947 = arith.index_cast %get3A_1946 : i32 to index
      %get3A_1948 = arith.constant 32 : index
      %get3A_1949 = tpu.vector_load %arg24[%get3A_1947, %get3A_1948] {strides = array<i32>} : memref<8x128xf32, #tpu.memory_space<vmem>>, vector<1x16xf32>,
      %get3A_1950 = vector.shape_cast %get3A_1949 : vector<1x16xf32> to vector<16xf32>
      %mul3A_1951 = arith.mulf %get3A_1950, %get3A_1907 : vector<16xf32>
      %add3A_1952 = arith.addf %add3A_1945, %mul3A_1951 : vector<16xf32>
      %get3A_1953 = arith.constant 5 : i32
      %get3A_1954 = arith.index_cast %get3A_1953 : i32 to index
      %get3A_1955 = arith.constant 48 : index
      %get3A_1956 = tpu.vector_load %arg24[%get3A_1954, %get3A_1955] {strides = array<i32>} : memref<8x128xf32, #tpu.memory_space<vmem>>, vector<1x16xf32>,
      %get3A_1957 = vector.shape_cast %get3A_1956 : vector<1x16xf32> to vector<16xf32>
      %mul3A_1958 = arith.mulf %get3A_1957, %get3A_1912 : vector<16xf32>
      %add3A_1959 = arith.addf %add3A_1952, %mul3A_1958 : vector<16xf32>
      %get3A_1960 = arith.constant 5 : i32
      %get3A_1961 = arith.index_cast %get3A_1960 : i32 to index
      %get3A_1962 = arith.constant 64 : index
      %get3A_1963 = tpu.vector_load %arg24[%get3A_1961, %get3A_1962] {strides = array<i32>} : memref<8x128xf32, #tpu.memory_space<vmem>>, vector<1x16xf32>,
      %get3A_1964 = vector.shape_cast %get3A_1963 : vector<1x16xf32> to vector<16xf32>
      %mul3A_1965 = arith.mulf %get3A_1964, %get3A_1917 : vector<16xf32>
      %add3A_1966 = arith.addf %add3A_1959, %mul3A_1965 : vector<16xf32>
      %get3A_1967 = arith.constant 5 : i32
      %get3A_1968 = arith.index_cast %get3A_1967 : i32 to index
      %get3A_1969 = arith.constant 80 : index
      %get3A_1970 = tpu.vector_load %arg24[%get3A_1968, %get3A_1969] {strides = array<i32>} : memref<8x128xf32, #tpu.memory_space<vmem>>, vector<1x16xf32>,
      %get3A_1971 = vector.shape_cast %get3A_1970 : vector<1x16xf32> to vector<16xf32>
      %mul3A_1972 = arith.mulf %get3A_1971, %get3A_1922 : vector<16xf32>
      %add3A_1973 = arith.addf %add3A_1966, %mul3A_1972 : vector<16xf32>
      %get3A_1974 = arith.constant 5 : i32
      %get3A_1975 = arith.index_cast %get3A_1974 : i32 to index
      %get3A_1976 = arith.constant 96 : index
      %get3A_1977 = tpu.vector_load %arg24[%get3A_1975, %get3A_1976] {strides = array<i32>} : memref<8x128xf32, #tpu.memory_space<vmem>>, vector<1x16xf32>,
      %get3A_1978 = vector.shape_cast %get3A_1977 : vector<1x16xf32> to vector<16xf32>
      %mul3A_1979 = arith.mulf %get3A_1978, %get3A_1927 : vector<16xf32>
      %add3A_1980 = arith.addf %add3A_1973, %mul3A_1979 : vector<16xf32>
      %get3A_1981 = arith.constant 5 : i32
      %get3A_1982 = arith.index_cast %get3A_1981 : i32 to index
      %get3A_1983 = arith.constant 112 : index
      %get3A_1984 = tpu.vector_load %arg24[%get3A_1982, %get3A_1983] {strides = array<i32>} : memref<8x128xf32, #tpu.memory_space<vmem>>, vector<1x16xf32>,
      %get3A_1985 = vector.shape_cast %get3A_1984 : vector<1x16xf32> to vector<16xf32>
      %mul3A_1986 = arith.mulf %get3A_1985, %get3A_1932 : vector<16xf32>
      %add3A_1987 = arith.addf %add3A_1980, %mul3A_1986 : vector<16xf32>
      %broadcast_in_dim3A_1988 = arith.constant 0.000000e+00 : f32
      %broadcast_in_dim3A_1989 = vector.broadcast %broadcast_in_dim3A_1988 : f32 to vector<16xf32>
      %scan3A_1990 = arith.constant 0 : i32
      %scan3A_1991 = arith.constant 50 : i32
      %scan3A_1992 = arith.addi %scan3A_1990, %scan3A_1991 : i32
      %scan3A_1993 = arith.constant 2 : i32
      %scan3A_1994:8 = scf.for %scan3A_2278 = %scan3A_1990 to %scan3A_1992 step %scan3A_1993 iter_args(%scan3A_2279 = %broadcast_in_dim3A_1989, %scan3A_2280 = %broadcast_in_dim3A_1989, %scan3A_2281 = %broadcast_in_dim3A_1989, %scan3A_2282 = %broadcast_in_dim3A_1989, %scan3A_2283 = %broadcast_in_dim3A_1989, %scan3A_2284 = %broadcast_in_dim3A_1989, %scan3A_2285 = %broadcast_in_dim3A_1989, %scan3A_2286 = %broadcast_in_dim3A_1989) -> (vector<16xf32>, vector<16xf32>, vector<16xf32>, vector<16xf32>, vector<16xf32>, vector<16xf32>, vector<16xf32>, vector<16xf32>)  : i32 {
        %add3A_2287 = arith.constant 250 : i32
        %add3A_2288 = arith.addi %add3A_2287, %scan3A_2278 : i32
        %get3A_2289 = arith.index_cast %add3A_2288 : i32 to index
        %get3A_2290 = arith.constant 0 : index
        %get3A_2291 = tpu.vector_load %arg16[%get3A_2289, %get3A_2290] {strides = array<i32>} : memref<400x128xf32, #tpu.memory_space<vmem>>, vector<1x16xf32>,
        %get3A_2292 = vector.shape_cast %get3A_2291 : vector<1x16xf32> to vector<16xf32>
        %mul3A_2293 = arith.mulf %get3A_2292, %get3A_1897 : vector<16xf32>
        %add3A_2294 = arith.addf %scan3A_2279, %mul3A_2293 : vector<16xf32>
        %get3A_2295 = arith.index_cast %add3A_2288 : i32 to index
        %get3A_2296 = arith.constant 16 : index
        %get3A_2297 = tpu.vector_load %arg16[%get3A_2295, %get3A_2296] {strides = array<i32>} : memref<400x128xf32, #tpu.memory_space<vmem>>, vector<1x16xf32>,
        %get3A_2298 = vector.shape_cast %get3A_2297 : vector<1x16xf32> to vector<16xf32>
        %mul3A_2299 = arith.mulf %get3A_2298, %get3A_1902 : vector<16xf32>
        %add3A_2300 = arith.addf %scan3A_2280, %mul3A_2299 : vector<16xf32>
        %get3A_2301 = arith.index_cast %add3A_2288 : i32 to index
        %get3A_2302 = arith.constant 32 : index
        %get3A_2303 = tpu.vector_load %arg16[%get3A_2301, %get3A_2302] {strides = array<i32>} : memref<400x128xf32, #tpu.memory_space<vmem>>, vector<1x16xf32>,
        %get3A_2304 = vector.shape_cast %get3A_2303 : vector<1x16xf32> to vector<16xf32>
        %mul3A_2305 = arith.mulf %get3A_2304, %get3A_1907 : vector<16xf32>
        %add3A_2306 = arith.addf %scan3A_2281, %mul3A_2305 : vector<16xf32>
        %get3A_2307 = arith.index_cast %add3A_2288 : i32 to index
        %get3A_2308 = arith.constant 48 : index
        %get3A_2309 = tpu.vector_load %arg16[%get3A_2307, %get3A_2308] {strides = array<i32>} : memref<400x128xf32, #tpu.memory_space<vmem>>, vector<1x16xf32>,
        %get3A_2310 = vector.shape_cast %get3A_2309 : vector<1x16xf32> to vector<16xf32>
        %mul3A_2311 = arith.mulf %get3A_2310, %get3A_1912 : vector<16xf32>
        %add3A_2312 = arith.addf %scan3A_2282, %mul3A_2311 : vector<16xf32>
        %get3A_2313 = arith.index_cast %add3A_2288 : i32 to index
        %get3A_2314 = arith.constant 64 : index
        %get3A_2315 = tpu.vector_load %arg16[%get3A_2313, %get3A_2314] {strides = array<i32>} : memref<400x128xf32, #tpu.memory_space<vmem>>, vector<1x16xf32>,
        %get3A_2316 = vector.shape_cast %get3A_2315 : vector<1x16xf32> to vector<16xf32>
        %mul3A_2317 = arith.mulf %get3A_2316, %get3A_1917 : vector<16xf32>
        %add3A_2318 = arith.addf %scan3A_2283, %mul3A_2317 : vector<16xf32>
        %get3A_2319 = arith.index_cast %add3A_2288 : i32 to index
        %get3A_2320 = arith.constant 80 : index
        %get3A_2321 = tpu.vector_load %arg16[%get3A_2319, %get3A_2320] {strides = array<i32>} : memref<400x128xf32, #tpu.memory_space<vmem>>, vector<1x16xf32>,
        %get3A_2322 = vector.shape_cast %get3A_2321 : vector<1x16xf32> to vector<16xf32>
        %mul3A_2323 = arith.mulf %get3A_2322, %get3A_1922 : vector<16xf32>
        %add3A_2324 = arith.addf %scan3A_2284, %mul3A_2323 : vector<16xf32>
        %get3A_2325 = arith.index_cast %add3A_2288 : i32 to index
        %get3A_2326 = arith.constant 96 : index
        %get3A_2327 = tpu.vector_load %arg16[%get3A_2325, %get3A_2326] {strides = array<i32>} : memref<400x128xf32, #tpu.memory_space<vmem>>, vector<1x16xf32>,
        %get3A_2328 = vector.shape_cast %get3A_2327 : vector<1x16xf32> to vector<16xf32>
        %mul3A_2329 = arith.mulf %get3A_2328, %get3A_1927 : vector<16xf32>
        %add3A_2330 = arith.addf %scan3A_2285, %mul3A_2329 : vector<16xf32>
        %get3A_2331 = arith.index_cast %add3A_2288 : i32 to index
        %get3A_2332 = arith.constant 112 : index
        %get3A_2333 = tpu.vector_load %arg16[%get3A_2331, %get3A_2332] {strides = array<i32>} : memref<400x128xf32, #tpu.memory_space<vmem>>, vector<1x16xf32>,
        %get3A_2334 = vector.shape_cast %get3A_2333 : vector<1x16xf32> to vector<16xf32>
        %mul3A_2335 = arith.mulf %get3A_2334, %get3A_1932 : vector<16xf32>
        %add3A_2336 = arith.addf %scan3A_2286, %mul3A_2335 : vector<16xf32>
        %scan3A_2337 = arith.constant 1 : i32
        %scan3A_2338 = arith.addi %scan3A_2278, %scan3A_2337 : i32
        %add3A_2339 = arith.constant 250 : i32
        %add3A_2340 = arith.addi %add3A_2339, %scan3A_2338 : i32
        %get3A_2341 = arith.index_cast %add3A_2340 : i32 to index
        %get3A_2342 = arith.constant 0 : index
        %get3A_2343 = tpu.vector_load %arg16[%get3A_2341, %get3A_2342] {strides = array<i32>} : memref<400x128xf32, #tpu.memory_space<vmem>>, vector<1x16xf32>,
        %get3A_2344 = vector.shape_cast %get3A_2343 : vector<1x16xf32> to vector<16xf32>
        %mul3A_2345 = arith.mulf %get3A_2344, %get3A_1897 : vector<16xf32>
        %add3A_2346 = arith.addf %add3A_2294, %mul3A_2345 : vector<16xf32>
        %get3A_2347 = arith.index_cast %add3A_2340 : i32 to index
        %get3A_2348 = arith.constant 16 : index
        %get3A_2349 = tpu.vector_load %arg16[%get3A_2347, %get3A_2348] {strides = array<i32>} : memref<400x128xf32, #tpu.memory_space<vmem>>, vector<1x16xf32>,
        %get3A_2350 = vector.shape_cast %get3A_2349 : vector<1x16xf32> to vector<16xf32>
        %mul3A_2351 = arith.mulf %get3A_2350, %get3A_1902 : vector<16xf32>
        %add3A_2352 = arith.addf %add3A_2300, %mul3A_2351 : vector<16xf32>
        %get3A_2353 = arith.index_cast %add3A_2340 : i32 to index
        %get3A_2354 = arith.constant 32 : index
        %get3A_2355 = tpu.vector_load %arg16[%get3A_2353, %get3A_2354] {strides = array<i32>} : memref<400x128xf32, #tpu.memory_space<vmem>>, vector<1x16xf32>,
        %get3A_2356 = vector.shape_cast %get3A_2355 : vector<1x16xf32> to vector<16xf32>
        %mul3A_2357 = arith.mulf %get3A_2356, %get3A_1907 : vector<16xf32>
        %add3A_2358 = arith.addf %add3A_2306, %mul3A_2357 : vector<16xf32>
        %get3A_2359 = arith.index_cast %add3A_2340 : i32 to index
        %get3A_2360 = arith.constant 48 : index
        %get3A_2361 = tpu.vector_load %arg16[%get3A_2359, %get3A_2360] {strides = array<i32>} : memref<400x128xf32, #tpu.memory_space<vmem>>, vector<1x16xf32>,
        %get3A_2362 = vector.shape_cast %get3A_2361 : vector<1x16xf32> to vector<16xf32>
        %mul3A_2363 = arith.mulf %get3A_2362, %get3A_1912 : vector<16xf32>
        %add3A_2364 = arith.addf %add3A_2312, %mul3A_2363 : vector<16xf32>
        %get3A_2365 = arith.index_cast %add3A_2340 : i32 to index
        %get3A_2366 = arith.constant 64 : index
        %get3A_2367 = tpu.vector_load %arg16[%get3A_2365, %get3A_2366] {strides = array<i32>} : memref<400x128xf32, #tpu.memory_space<vmem>>, vector<1x16xf32>,
        %get3A_2368 = vector.shape_cast %get3A_2367 : vector<1x16xf32> to vector<16xf32>
        %mul3A_2369 = arith.mulf %get3A_2368, %get3A_1917 : vector<16xf32>
        %add3A_2370 = arith.addf %add3A_2318, %mul3A_2369 : vector<16xf32>
        %get3A_2371 = arith.index_cast %add3A_2340 : i32 to index
        %get3A_2372 = arith.constant 80 : index
        %get3A_2373 = tpu.vector_load %arg16[%get3A_2371, %get3A_2372] {strides = array<i32>} : memref<400x128xf32, #tpu.memory_space<vmem>>, vector<1x16xf32>,
        %get3A_2374 = vector.shape_cast %get3A_2373 : vector<1x16xf32> to vector<16xf32>
        %mul3A_2375 = arith.mulf %get3A_2374, %get3A_1922 : vector<16xf32>
        %add3A_2376 = arith.addf %add3A_2324, %mul3A_2375 : vector<16xf32>
        %get3A_2377 = arith.index_cast %add3A_2340 : i32 to index
        %get3A_2378 = arith.constant 96 : index
        %get3A_2379 = tpu.vector_load %arg16[%get3A_2377, %get3A_2378] {strides = array<i32>} : memref<400x128xf32, #tpu.memory_space<vmem>>, vector<1x16xf32>,
        %get3A_2380 = vector.shape_cast %get3A_2379 : vector<1x16xf32> to vector<16xf32>
        %mul3A_2381 = arith.mulf %get3A_2380, %get3A_1927 : vector<16xf32>
        %add3A_2382 = arith.addf %add3A_2330, %mul3A_2381 : vector<16xf32>
        %get3A_2383 = arith.index_cast %add3A_2340 : i32 to index
        %get3A_2384 = arith.constant 112 : index
        %get3A_2385 = tpu.vector_load %arg16[%get3A_2383, %get3A_2384] {strides = array<i32>} : memref<400x128xf32, #tpu.memory_space<vmem>>, vector<1x16xf32>,
        %get3A_2386 = vector.shape_cast %get3A_2385 : vector<1x16xf32> to vector<16xf32>
        %mul3A_2387 = arith.mulf %get3A_2386, %get3A_1932 : vector<16xf32>
        %add3A_2388 = arith.addf %add3A_2336, %mul3A_2387 : vector<16xf32>
        scf.yield %add3A_2346, %add3A_2352, %add3A_2358, %add3A_2364, %add3A_2370, %add3A_2376, %add3A_2382, %add3A_2388 : vector<16xf32>, vector<16xf32>, vector<16xf32>, vector<16xf32>, vector<16xf32>, vector<16xf32>, vector<16xf32>, vector<16xf32>
      }
      %scan3A_1995 = arith.constant 50 : i32
      %add3A_1996 = arith.addf %scan3A_1994#0, %scan3A_1994#1 : vector<16xf32>
      %add3A_1997 = arith.addf %add3A_1996, %scan3A_1994#2 : vector<16xf32>
      %add3A_1998 = arith.addf %add3A_1997, %scan3A_1994#3 : vector<16xf32>
      %add3A_1999 = arith.addf %add3A_1998, %scan3A_1994#4 : vector<16xf32>
      %add3A_2000 = arith.addf %add3A_1999, %scan3A_1994#5 : vector<16xf32>
      %add3A_2001 = arith.addf %add3A_2000, %scan3A_1994#6 : vector<16xf32>
      %add3A_2002 = arith.addf %add3A_2001, %scan3A_1994#7 : vector<16xf32>
      %mul3A_2003 = arith.constant 8 : i32
      %mul3A_2004 = arith.muli %add3A_1262, %mul3A_2003 : i32
      %add3A_2005 = arith.constant 5 : i32
      %add3A_2006 = arith.addi %mul3A_2004, %add3A_2005 : i32
      %mul3A_2007 = arith.constant 16 : i32
      %mul3A_2008 = arith.muli %add3A_2006, %mul3A_2007 : i32
      %swap3A_2009 = arith.index_cast %mul3A_2008 : i32 to index
      %swap3A_2010 = tpu.vector_load %arg20[%swap3A_2009] {strides = array<i32>} : memref<8192xf32, #tpu.memory_space<vmem>>, vector<16xf32>,
      %swap3A_2011 = vector.shape_cast %swap3A_2010 : vector<16xf32> to vector<16xf32>
      %swap3A_2012 = vector.shape_cast %add3A_1987 : vector<16xf32> to vector<16xf32>
      tpu.vector_store %arg20[%swap3A_2009], %swap3A_2012 {strides = array<i32>} : memref<8192xf32, #tpu.memory_space<vmem>>, vector<16xf32>,
      %mul3A_2013 = arith.constant 16 : i32
      %mul3A_2014 = arith.muli %add3A_2006, %mul3A_2013 : i32
      %swap3A_2015 = arith.index_cast %mul3A_2014 : i32 to index
      %swap3A_2016 = tpu.vector_load %arg17[%swap3A_2015] {strides = array<i32>} : memref<8192xf32, #tpu.memory_space<vmem>>, vector<16xf32>,
      %swap3A_2017 = vector.shape_cast %swap3A_2016 : vector<16xf32> to vector<16xf32>
      %swap3A_2018 = vector.shape_cast %add3A_2002 : vector<16xf32> to vector<16xf32>
      tpu.vector_store %arg17[%swap3A_2015], %swap3A_2018 {strides = array<i32>} : memref<8192xf32, #tpu.memory_space<vmem>>, vector<16xf32>,
      %get3A_2019 = arith.constant 6 : i32
      %get3A_2020 = arith.index_cast %get3A_2019 : i32 to index
      %get3A_2021 = arith.constant 0 : index
      %get3A_2022 = tpu.vector_load %arg10[%get3A_2020, %get3A_2021] {strides = array<i32>} : memref<8x128xf32, #tpu.memory_space<vmem>>, vector<1x16xf32>,
      %get3A_2023 = vector.shape_cast %get3A_2022 : vector<1x16xf32> to vector<16xf32>
      %get3A_2024 = arith.constant 6 : i32
      %get3A_2025 = arith.index_cast %get3A_2024 : i32 to index
      %get3A_2026 = arith.constant 16 : index
      %get3A_2027 = tpu.vector_load %arg10[%get3A_2025, %get3A_2026] {strides = array<i32>} : memref<8x128xf32, #tpu.memory_space<vmem>>, vector<1x16xf32>,
      %get3A_2028 = vector.shape_cast %get3A_2027 : vector<1x16xf32> to vector<16xf32>
      %get3A_2029 = arith.constant 6 : i32
      %get3A_2030 = arith.index_cast %get3A_2029 : i32 to index
      %get3A_2031 = arith.constant 32 : index
      %get3A_2032 = tpu.vector_load %arg10[%get3A_2030, %get3A_2031] {strides = array<i32>} : memref<8x128xf32, #tpu.memory_space<vmem>>, vector<1x16xf32>,
      %get3A_2033 = vector.shape_cast %get3A_2032 : vector<1x16xf32> to vector<16xf32>
      %get3A_2034 = arith.constant 6 : i32
      %get3A_2035 = arith.index_cast %get3A_2034 : i32 to index
      %get3A_2036 = arith.constant 48 : index
      %get3A_2037 = tpu.vector_load %arg10[%get3A_2035, %get3A_2036] {strides = array<i32>} : memref<8x128xf32, #tpu.memory_space<vmem>>, vector<1x16xf32>,
      %get3A_2038 = vector.shape_cast %get3A_2037 : vector<1x16xf32> to vector<16xf32>
      %get3A_2039 = arith.constant 6 : i32
      %get3A_2040 = arith.index_cast %get3A_2039 : i32 to index
      %get3A_2041 = arith.constant 64 : index
      %get3A_2042 = tpu.vector_load %arg10[%get3A_2040, %get3A_2041] {strides = array<i32>} : memref<8x128xf32, #tpu.memory_space<vmem>>, vector<1x16xf32>,
      %get3A_2043 = vector.shape_cast %get3A_2042 : vector<1x16xf32> to vector<16xf32>
      %get3A_2044 = arith.constant 6 : i32
      %get3A_2045 = arith.index_cast %get3A_2044 : i32 to index
      %get3A_2046 = arith.constant 80 : index
      %get3A_2047 = tpu.vector_load %arg10[%get3A_2045, %get3A_2046] {strides = array<i32>} : memref<8x128xf32, #tpu.memory_space<vmem>>, vector<1x16xf32>,
      %get3A_2048 = vector.shape_cast %get3A_2047 : vector<1x16xf32> to vector<16xf32>
      %get3A_2049 = arith.constant 6 : i32
      %get3A_2050 = arith.index_cast %get3A_2049 : i32 to index
      %get3A_2051 = arith.constant 96 : index
      %get3A_2052 = tpu.vector_load %arg10[%get3A_2050, %get3A_2051] {strides = array<i32>} : memref<8x128xf32, #tpu.memory_space<vmem>>, vector<1x16xf32>,
      %get3A_2053 = vector.shape_cast %get3A_2052 : vector<1x16xf32> to vector<16xf32>
      %get3A_2054 = arith.constant 6 : i32
      %get3A_2055 = arith.index_cast %get3A_2054 : i32 to index
      %get3A_2056 = arith.constant 112 : index
      %get3A_2057 = tpu.vector_load %arg10[%get3A_2055, %get3A_2056] {strides = array<i32>} : memref<8x128xf32, #tpu.memory_space<vmem>>, vector<1x16xf32>,
      %get3A_2058 = vector.shape_cast %get3A_2057 : vector<1x16xf32> to vector<16xf32>
      %get3A_2059 = arith.constant 6 : i32
      %get3A_2060 = arith.index_cast %get3A_2059 : i32 to index
      %get3A_2061 = arith.constant 0 : index
      %get3A_2062 = tpu.vector_load %arg24[%get3A_2060, %get3A_2061] {strides = array<i32>} : memref<8x128xf32, #tpu.memory_space<vmem>>, vector<1x16xf32>,
      %get3A_2063 = vector.shape_cast %get3A_2062 : vector<1x16xf32> to vector<16xf32>
      %mul3A_2064 = arith.mulf %get3A_2063, %get3A_2023 : vector<16xf32>
      %get3A_2065 = arith.constant 6 : i32
      %get3A_2066 = arith.index_cast %get3A_2065 : i32 to index
      %get3A_2067 = arith.constant 16 : index
      %get3A_2068 = tpu.vector_load %arg24[%get3A_2066, %get3A_2067] {strides = array<i32>} : memref<8x128xf32, #tpu.memory_space<vmem>>, vector<1x16xf32>,
      %get3A_2069 = vector.shape_cast %get3A_2068 : vector<1x16xf32> to vector<16xf32>
      %mul3A_2070 = arith.mulf %get3A_2069, %get3A_2028 : vector<16xf32>
      %add3A_2071 = arith.addf %mul3A_2064, %mul3A_2070 : vector<16xf32>
      %get3A_2072 = arith.constant 6 : i32
      %get3A_2073 = arith.index_cast %get3A_2072 : i32 to index
      %get3A_2074 = arith.constant 32 : index
      %get3A_2075 = tpu.vector_load %arg24[%get3A_2073, %get3A_2074] {strides = array<i32>} : memref<8x128xf32, #tpu.memory_space<vmem>>, vector<1x16xf32>,
      %get3A_2076 = vector.shape_cast %get3A_2075 : vector<1x16xf32> to vector<16xf32>
      %mul3A_2077 = arith.mulf %get3A_2076, %get3A_2033 : vector<16xf32>
      %add3A_2078 = arith.addf %add3A_2071, %mul3A_2077 : vector<16xf32>
      %get3A_2079 = arith.constant 6 : i32
      %get3A_2080 = arith.index_cast %get3A_2079 : i32 to index
      %get3A_2081 = arith.constant 48 : index
      %get3A_2082 = tpu.vector_load %arg24[%get3A_2080, %get3A_2081] {strides = array<i32>} : memref<8x128xf32, #tpu.memory_space<vmem>>, vector<1x16xf32>,
      %get3A_2083 = vector.shape_cast %get3A_2082 : vector<1x16xf32> to vector<16xf32>
      %mul3A_2084 = arith.mulf %get3A_2083, %get3A_2038 : vector<16xf32>
      %add3A_2085 = arith.addf %add3A_2078, %mul3A_2084 : vector<16xf32>
      %get3A_2086 = arith.constant 6 : i32
      %get3A_2087 = arith.index_cast %get3A_2086 : i32 to index
      %get3A_2088 = arith.constant 64 : index
      %get3A_2089 = tpu.vector_load %arg24[%get3A_2087, %get3A_2088] {strides = array<i32>} : memref<8x128xf32, #tpu.memory_space<vmem>>, vector<1x16xf32>,
      %get3A_2090 = vector.shape_cast %get3A_2089 : vector<1x16xf32> to vector<16xf32>
      %mul3A_2091 = arith.mulf %get3A_2090, %get3A_2043 : vector<16xf32>
      %add3A_2092 = arith.addf %add3A_2085, %mul3A_2091 : vector<16xf32>
      %get3A_2093 = arith.constant 6 : i32
      %get3A_2094 = arith.index_cast %get3A_2093 : i32 to index
      %get3A_2095 = arith.constant 80 : index
      %get3A_2096 = tpu.vector_load %arg24[%get3A_2094, %get3A_2095] {strides = array<i32>} : memref<8x128xf32, #tpu.memory_space<vmem>>, vector<1x16xf32>,
      %get3A_2097 = vector.shape_cast %get3A_2096 : vector<1x16xf32> to vector<16xf32>
      %mul3A_2098 = arith.mulf %get3A_2097, %get3A_2048 : vector<16xf32>
      %add3A_2099 = arith.addf %add3A_2092, %mul3A_2098 : vector<16xf32>
      %get3A_2100 = arith.constant 6 : i32
      %get3A_2101 = arith.index_cast %get3A_2100 : i32 to index
      %get3A_2102 = arith.constant 96 : index
      %get3A_2103 = tpu.vector_load %arg24[%get3A_2101, %get3A_2102] {strides = array<i32>} : memref<8x128xf32, #tpu.memory_space<vmem>>, vector<1x16xf32>,
      %get3A_2104 = vector.shape_cast %get3A_2103 : vector<1x16xf32> to vector<16xf32>
      %mul3A_2105 = arith.mulf %get3A_2104, %get3A_2053 : vector<16xf32>
      %add3A_2106 = arith.addf %add3A_2099, %mul3A_2105 : vector<16xf32>
      %get3A_2107 = arith.constant 6 : i32
      %get3A_2108 = arith.index_cast %get3A_2107 : i32 to index
      %get3A_2109 = arith.constant 112 : index
      %get3A_2110 = tpu.vector_load %arg24[%get3A_2108, %get3A_2109] {strides = array<i32>} : memref<8x128xf32, #tpu.memory_space<vmem>>, vector<1x16xf32>,
      %get3A_2111 = vector.shape_cast %get3A_2110 : vector<1x16xf32> to vector<16xf32>
      %mul3A_2112 = arith.mulf %get3A_2111, %get3A_2058 : vector<16xf32>
      %add3A_2113 = arith.addf %add3A_2106, %mul3A_2112 : vector<16xf32>
      %broadcast_in_dim3A_2114 = arith.constant 0.000000e+00 : f32
      %broadcast_in_dim3A_2115 = vector.broadcast %broadcast_in_dim3A_2114 : f32 to vector<16xf32>
      %scan3A_2116 = arith.constant 0 : i32
      %scan3A_2117 = arith.constant 50 : i32
      %scan3A_2118 = arith.addi %scan3A_2116, %scan3A_2117 : i32
      %scan3A_2119 = arith.constant 2 : i32
      %scan3A_2120:8 = scf.for %scan3A_2278 = %scan3A_2116 to %scan3A_2118 step %scan3A_2119 iter_args(%scan3A_2279 = %broadcast_in_dim3A_2115, %scan3A_2280 = %broadcast_in_dim3A_2115, %scan3A_2281 = %broadcast_in_dim3A_2115, %scan3A_2282 = %broadcast_in_dim3A_2115, %scan3A_2283 = %broadcast_in_dim3A_2115, %scan3A_2284 = %broadcast_in_dim3A_2115, %scan3A_2285 = %broadcast_in_dim3A_2115, %scan3A_2286 = %broadcast_in_dim3A_2115) -> (vector<16xf32>, vector<16xf32>, vector<16xf32>, vector<16xf32>, vector<16xf32>, vector<16xf32>, vector<16xf32>, vector<16xf32>)  : i32 {
        %add3A_2287 = arith.constant 300 : i32
        %add3A_2288 = arith.addi %add3A_2287, %scan3A_2278 : i32
        %get3A_2289 = arith.index_cast %add3A_2288 : i32 to index
        %get3A_2290 = arith.constant 0 : index
        %get3A_2291 = tpu.vector_load %arg16[%get3A_2289, %get3A_2290] {strides = array<i32>} : memref<400x128xf32, #tpu.memory_space<vmem>>, vector<1x16xf32>,
        %get3A_2292 = vector.shape_cast %get3A_2291 : vector<1x16xf32> to vector<16xf32>
        %mul3A_2293 = arith.mulf %get3A_2292, %get3A_2023 : vector<16xf32>
        %add3A_2294 = arith.addf %scan3A_2279, %mul3A_2293 : vector<16xf32>
        %get3A_2295 = arith.index_cast %add3A_2288 : i32 to index
        %get3A_2296 = arith.constant 16 : index
        %get3A_2297 = tpu.vector_load %arg16[%get3A_2295, %get3A_2296] {strides = array<i32>} : memref<400x128xf32, #tpu.memory_space<vmem>>, vector<1x16xf32>,
        %get3A_2298 = vector.shape_cast %get3A_2297 : vector<1x16xf32> to vector<16xf32>
        %mul3A_2299 = arith.mulf %get3A_2298, %get3A_2028 : vector<16xf32>
        %add3A_2300 = arith.addf %scan3A_2280, %mul3A_2299 : vector<16xf32>
        %get3A_2301 = arith.index_cast %add3A_2288 : i32 to index
        %get3A_2302 = arith.constant 32 : index
        %get3A_2303 = tpu.vector_load %arg16[%get3A_2301, %get3A_2302] {strides = array<i32>} : memref<400x128xf32, #tpu.memory_space<vmem>>, vector<1x16xf32>,
        %get3A_2304 = vector.shape_cast %get3A_2303 : vector<1x16xf32> to vector<16xf32>
        %mul3A_2305 = arith.mulf %get3A_2304, %get3A_2033 : vector<16xf32>
        %add3A_2306 = arith.addf %scan3A_2281, %mul3A_2305 : vector<16xf32>
        %get3A_2307 = arith.index_cast %add3A_2288 : i32 to index
        %get3A_2308 = arith.constant 48 : index
        %get3A_2309 = tpu.vector_load %arg16[%get3A_2307, %get3A_2308] {strides = array<i32>} : memref<400x128xf32, #tpu.memory_space<vmem>>, vector<1x16xf32>,
        %get3A_2310 = vector.shape_cast %get3A_2309 : vector<1x16xf32> to vector<16xf32>
        %mul3A_2311 = arith.mulf %get3A_2310, %get3A_2038 : vector<16xf32>
        %add3A_2312 = arith.addf %scan3A_2282, %mul3A_2311 : vector<16xf32>
        %get3A_2313 = arith.index_cast %add3A_2288 : i32 to index
        %get3A_2314 = arith.constant 64 : index
        %get3A_2315 = tpu.vector_load %arg16[%get3A_2313, %get3A_2314] {strides = array<i32>} : memref<400x128xf32, #tpu.memory_space<vmem>>, vector<1x16xf32>,
        %get3A_2316 = vector.shape_cast %get3A_2315 : vector<1x16xf32> to vector<16xf32>
        %mul3A_2317 = arith.mulf %get3A_2316, %get3A_2043 : vector<16xf32>
        %add3A_2318 = arith.addf %scan3A_2283, %mul3A_2317 : vector<16xf32>
        %get3A_2319 = arith.index_cast %add3A_2288 : i32 to index
        %get3A_2320 = arith.constant 80 : index
        %get3A_2321 = tpu.vector_load %arg16[%get3A_2319, %get3A_2320] {strides = array<i32>} : memref<400x128xf32, #tpu.memory_space<vmem>>, vector<1x16xf32>,
        %get3A_2322 = vector.shape_cast %get3A_2321 : vector<1x16xf32> to vector<16xf32>
        %mul3A_2323 = arith.mulf %get3A_2322, %get3A_2048 : vector<16xf32>
        %add3A_2324 = arith.addf %scan3A_2284, %mul3A_2323 : vector<16xf32>
        %get3A_2325 = arith.index_cast %add3A_2288 : i32 to index
        %get3A_2326 = arith.constant 96 : index
        %get3A_2327 = tpu.vector_load %arg16[%get3A_2325, %get3A_2326] {strides = array<i32>} : memref<400x128xf32, #tpu.memory_space<vmem>>, vector<1x16xf32>,
        %get3A_2328 = vector.shape_cast %get3A_2327 : vector<1x16xf32> to vector<16xf32>
        %mul3A_2329 = arith.mulf %get3A_2328, %get3A_2053 : vector<16xf32>
        %add3A_2330 = arith.addf %scan3A_2285, %mul3A_2329 : vector<16xf32>
        %get3A_2331 = arith.index_cast %add3A_2288 : i32 to index
        %get3A_2332 = arith.constant 112 : index
        %get3A_2333 = tpu.vector_load %arg16[%get3A_2331, %get3A_2332] {strides = array<i32>} : memref<400x128xf32, #tpu.memory_space<vmem>>, vector<1x16xf32>,
        %get3A_2334 = vector.shape_cast %get3A_2333 : vector<1x16xf32> to vector<16xf32>
        %mul3A_2335 = arith.mulf %get3A_2334, %get3A_2058 : vector<16xf32>
        %add3A_2336 = arith.addf %scan3A_2286, %mul3A_2335 : vector<16xf32>
        %scan3A_2337 = arith.constant 1 : i32
        %scan3A_2338 = arith.addi %scan3A_2278, %scan3A_2337 : i32
        %add3A_2339 = arith.constant 300 : i32
        %add3A_2340 = arith.addi %add3A_2339, %scan3A_2338 : i32
        %get3A_2341 = arith.index_cast %add3A_2340 : i32 to index
        %get3A_2342 = arith.constant 0 : index
        %get3A_2343 = tpu.vector_load %arg16[%get3A_2341, %get3A_2342] {strides = array<i32>} : memref<400x128xf32, #tpu.memory_space<vmem>>, vector<1x16xf32>,
        %get3A_2344 = vector.shape_cast %get3A_2343 : vector<1x16xf32> to vector<16xf32>
        %mul3A_2345 = arith.mulf %get3A_2344, %get3A_2023 : vector<16xf32>
        %add3A_2346 = arith.addf %add3A_2294, %mul3A_2345 : vector<16xf32>
        %get3A_2347 = arith.index_cast %add3A_2340 : i32 to index
        %get3A_2348 = arith.constant 16 : index
        %get3A_2349 = tpu.vector_load %arg16[%get3A_2347, %get3A_2348] {strides = array<i32>} : memref<400x128xf32, #tpu.memory_space<vmem>>, vector<1x16xf32>,
        %get3A_2350 = vector.shape_cast %get3A_2349 : vector<1x16xf32> to vector<16xf32>
        %mul3A_2351 = arith.mulf %get3A_2350, %get3A_2028 : vector<16xf32>
        %add3A_2352 = arith.addf %add3A_2300, %mul3A_2351 : vector<16xf32>
        %get3A_2353 = arith.index_cast %add3A_2340 : i32 to index
        %get3A_2354 = arith.constant 32 : index
        %get3A_2355 = tpu.vector_load %arg16[%get3A_2353, %get3A_2354] {strides = array<i32>} : memref<400x128xf32, #tpu.memory_space<vmem>>, vector<1x16xf32>,
        %get3A_2356 = vector.shape_cast %get3A_2355 : vector<1x16xf32> to vector<16xf32>
        %mul3A_2357 = arith.mulf %get3A_2356, %get3A_2033 : vector<16xf32>
        %add3A_2358 = arith.addf %add3A_2306, %mul3A_2357 : vector<16xf32>
        %get3A_2359 = arith.index_cast %add3A_2340 : i32 to index
        %get3A_2360 = arith.constant 48 : index
        %get3A_2361 = tpu.vector_load %arg16[%get3A_2359, %get3A_2360] {strides = array<i32>} : memref<400x128xf32, #tpu.memory_space<vmem>>, vector<1x16xf32>,
        %get3A_2362 = vector.shape_cast %get3A_2361 : vector<1x16xf32> to vector<16xf32>
        %mul3A_2363 = arith.mulf %get3A_2362, %get3A_2038 : vector<16xf32>
        %add3A_2364 = arith.addf %add3A_2312, %mul3A_2363 : vector<16xf32>
        %get3A_2365 = arith.index_cast %add3A_2340 : i32 to index
        %get3A_2366 = arith.constant 64 : index
        %get3A_2367 = tpu.vector_load %arg16[%get3A_2365, %get3A_2366] {strides = array<i32>} : memref<400x128xf32, #tpu.memory_space<vmem>>, vector<1x16xf32>,
        %get3A_2368 = vector.shape_cast %get3A_2367 : vector<1x16xf32> to vector<16xf32>
        %mul3A_2369 = arith.mulf %get3A_2368, %get3A_2043 : vector<16xf32>
        %add3A_2370 = arith.addf %add3A_2318, %mul3A_2369 : vector<16xf32>
        %get3A_2371 = arith.index_cast %add3A_2340 : i32 to index
        %get3A_2372 = arith.constant 80 : index
        %get3A_2373 = tpu.vector_load %arg16[%get3A_2371, %get3A_2372] {strides = array<i32>} : memref<400x128xf32, #tpu.memory_space<vmem>>, vector<1x16xf32>,
        %get3A_2374 = vector.shape_cast %get3A_2373 : vector<1x16xf32> to vector<16xf32>
        %mul3A_2375 = arith.mulf %get3A_2374, %get3A_2048 : vector<16xf32>
        %add3A_2376 = arith.addf %add3A_2324, %mul3A_2375 : vector<16xf32>
        %get3A_2377 = arith.index_cast %add3A_2340 : i32 to index
        %get3A_2378 = arith.constant 96 : index
        %get3A_2379 = tpu.vector_load %arg16[%get3A_2377, %get3A_2378] {strides = array<i32>} : memref<400x128xf32, #tpu.memory_space<vmem>>, vector<1x16xf32>,
        %get3A_2380 = vector.shape_cast %get3A_2379 : vector<1x16xf32> to vector<16xf32>
        %mul3A_2381 = arith.mulf %get3A_2380, %get3A_2053 : vector<16xf32>
        %add3A_2382 = arith.addf %add3A_2330, %mul3A_2381 : vector<16xf32>
        %get3A_2383 = arith.index_cast %add3A_2340 : i32 to index
        %get3A_2384 = arith.constant 112 : index
        %get3A_2385 = tpu.vector_load %arg16[%get3A_2383, %get3A_2384] {strides = array<i32>} : memref<400x128xf32, #tpu.memory_space<vmem>>, vector<1x16xf32>,
        %get3A_2386 = vector.shape_cast %get3A_2385 : vector<1x16xf32> to vector<16xf32>
        %mul3A_2387 = arith.mulf %get3A_2386, %get3A_2058 : vector<16xf32>
        %add3A_2388 = arith.addf %add3A_2336, %mul3A_2387 : vector<16xf32>
        scf.yield %add3A_2346, %add3A_2352, %add3A_2358, %add3A_2364, %add3A_2370, %add3A_2376, %add3A_2382, %add3A_2388 : vector<16xf32>, vector<16xf32>, vector<16xf32>, vector<16xf32>, vector<16xf32>, vector<16xf32>, vector<16xf32>, vector<16xf32>
      }
      %scan3A_2121 = arith.constant 50 : i32
      %add3A_2122 = arith.addf %scan3A_2120#0, %scan3A_2120#1 : vector<16xf32>
      %add3A_2123 = arith.addf %add3A_2122, %scan3A_2120#2 : vector<16xf32>
      %add3A_2124 = arith.addf %add3A_2123, %scan3A_2120#3 : vector<16xf32>
      %add3A_2125 = arith.addf %add3A_2124, %scan3A_2120#4 : vector<16xf32>
      %add3A_2126 = arith.addf %add3A_2125, %scan3A_2120#5 : vector<16xf32>
      %add3A_2127 = arith.addf %add3A_2126, %scan3A_2120#6 : vector<16xf32>
      %add3A_2128 = arith.addf %add3A_2127, %scan3A_2120#7 : vector<16xf32>
      %mul3A_2129 = arith.constant 8 : i32
      %mul3A_2130 = arith.muli %add3A_1262, %mul3A_2129 : i32
      %add3A_2131 = arith.constant 6 : i32
      %add3A_2132 = arith.addi %mul3A_2130, %add3A_2131 : i32
      %mul3A_2133 = arith.constant 16 : i32
      %mul3A_2134 = arith.muli %add3A_2132, %mul3A_2133 : i32
      %swap3A_2135 = arith.index_cast %mul3A_2134 : i32 to index
      %swap3A_2136 = tpu.vector_load %arg20[%swap3A_2135] {strides = array<i32>} : memref<8192xf32, #tpu.memory_space<vmem>>, vector<16xf32>,
      %swap3A_2137 = vector.shape_cast %swap3A_2136 : vector<16xf32> to vector<16xf32>
      %swap3A_2138 = vector.shape_cast %add3A_2113 : vector<16xf32> to vector<16xf32>
      tpu.vector_store %arg20[%swap3A_2135], %swap3A_2138 {strides = array<i32>} : memref<8192xf32, #tpu.memory_space<vmem>>, vector<16xf32>,
      %mul3A_2139 = arith.constant 16 : i32
      %mul3A_2140 = arith.muli %add3A_2132, %mul3A_2139 : i32
      %swap3A_2141 = arith.index_cast %mul3A_2140 : i32 to index
      %swap3A_2142 = tpu.vector_load %arg17[%swap3A_2141] {strides = array<i32>} : memref<8192xf32, #tpu.memory_space<vmem>>, vector<16xf32>,
      %swap3A_2143 = vector.shape_cast %swap3A_2142 : vector<16xf32> to vector<16xf32>
      %swap3A_2144 = vector.shape_cast %add3A_2128 : vector<16xf32> to vector<16xf32>
      tpu.vector_store %arg17[%swap3A_2141], %swap3A_2144 {strides = array<i32>} : memref<8192xf32, #tpu.memory_space<vmem>>, vector<16xf32>,
      %get3A_2145 = arith.constant 7 : i32
      %get3A_2146 = arith.index_cast %get3A_2145 : i32 to index
      %get3A_2147 = arith.constant 0 : index
      %get3A_2148 = tpu.vector_load %arg10[%get3A_2146, %get3A_2147] {strides = array<i32>} : memref<8x128xf32, #tpu.memory_space<vmem>>, vector<1x16xf32>,
      %get3A_2149 = vector.shape_cast %get3A_2148 : vector<1x16xf32> to vector<16xf32>
      %get3A_2150 = arith.constant 7 : i32
      %get3A_2151 = arith.index_cast %get3A_2150 : i32 to index
      %get3A_2152 = arith.constant 16 : index
      %get3A_2153 = tpu.vector_load %arg10[%get3A_2151, %get3A_2152] {strides = array<i32>} : memref<8x128xf32, #tpu.memory_space<vmem>>, vector<1x16xf32>,
      %get3A_2154 = vector.shape_cast %get3A_2153 : vector<1x16xf32> to vector<16xf32>
      %get3A_2155 = arith.constant 7 : i32
      %get3A_2156 = arith.index_cast %get3A_2155 : i32 to index
      %get3A_2157 = arith.constant 32 : index
      %get3A_2158 = tpu.vector_load %arg10[%get3A_2156, %get3A_2157] {strides = array<i32>} : memref<8x128xf32, #tpu.memory_space<vmem>>, vector<1x16xf32>,
      %get3A_2159 = vector.shape_cast %get3A_2158 : vector<1x16xf32> to vector<16xf32>
      %get3A_2160 = arith.constant 7 : i32
      %get3A_2161 = arith.index_cast %get3A_2160 : i32 to index
      %get3A_2162 = arith.constant 48 : index
      %get3A_2163 = tpu.vector_load %arg10[%get3A_2161, %get3A_2162] {strides = array<i32>} : memref<8x128xf32, #tpu.memory_space<vmem>>, vector<1x16xf32>,
      %get3A_2164 = vector.shape_cast %get3A_2163 : vector<1x16xf32> to vector<16xf32>
      %get3A_2165 = arith.constant 7 : i32
      %get3A_2166 = arith.index_cast %get3A_2165 : i32 to index
      %get3A_2167 = arith.constant 64 : index
      %get3A_2168 = tpu.vector_load %arg10[%get3A_2166, %get3A_2167] {strides = array<i32>} : memref<8x128xf32, #tpu.memory_space<vmem>>, vector<1x16xf32>,
      %get3A_2169 = vector.shape_cast %get3A_2168 : vector<1x16xf32> to vector<16xf32>
      %get3A_2170 = arith.constant 7 : i32
      %get3A_2171 = arith.index_cast %get3A_2170 : i32 to index
      %get3A_2172 = arith.constant 80 : index
      %get3A_2173 = tpu.vector_load %arg10[%get3A_2171, %get3A_2172] {strides = array<i32>} : memref<8x128xf32, #tpu.memory_space<vmem>>, vector<1x16xf32>,
      %get3A_2174 = vector.shape_cast %get3A_2173 : vector<1x16xf32> to vector<16xf32>
      %get3A_2175 = arith.constant 7 : i32
      %get3A_2176 = arith.index_cast %get3A_2175 : i32 to index
      %get3A_2177 = arith.constant 96 : index
      %get3A_2178 = tpu.vector_load %arg10[%get3A_2176, %get3A_2177] {strides = array<i32>} : memref<8x128xf32, #tpu.memory_space<vmem>>, vector<1x16xf32>,
      %get3A_2179 = vector.shape_cast %get3A_2178 : vector<1x16xf32> to vector<16xf32>
      %get3A_2180 = arith.constant 7 : i32
      %get3A_2181 = arith.index_cast %get3A_2180 : i32 to index
      %get3A_2182 = arith.constant 112 : index
      %get3A_2183 = tpu.vector_load %arg10[%get3A_2181, %get3A_2182] {strides = array<i32>} : memref<8x128xf32, #tpu.memory_space<vmem>>, vector<1x16xf32>,
      %get3A_2184 = vector.shape_cast %get3A_2183 : vector<1x16xf32> to vector<16xf32>
      %get3A_2185 = arith.constant 7 : i32
      %get3A_2186 = arith.index_cast %get3A_2185 : i32 to index
      %get3A_2187 = arith.constant 0 : index
      %get3A_2188 = tpu.vector_load %arg24[%get3A_2186, %get3A_2187] {strides = array<i32>} : memref<8x128xf32, #tpu.memory_space<vmem>>, vector<1x16xf32>,
      %get3A_2189 = vector.shape_cast %get3A_2188 : vector<1x16xf32> to vector<16xf32>
      %mul3A_2190 = arith.mulf %get3A_2189, %get3A_2149 : vector<16xf32>
      %get3A_2191 = arith.constant 7 : i32
      %get3A_2192 = arith.index_cast %get3A_2191 : i32 to index
      %get3A_2193 = arith.constant 16 : index
      %get3A_2194 = tpu.vector_load %arg24[%get3A_2192, %get3A_2193] {strides = array<i32>} : memref<8x128xf32, #tpu.memory_space<vmem>>, vector<1x16xf32>,
      %get3A_2195 = vector.shape_cast %get3A_2194 : vector<1x16xf32> to vector<16xf32>
      %mul3A_2196 = arith.mulf %get3A_2195, %get3A_2154 : vector<16xf32>
      %add3A_2197 = arith.addf %mul3A_2190, %mul3A_2196 : vector<16xf32>
      %get3A_2198 = arith.constant 7 : i32
      %get3A_2199 = arith.index_cast %get3A_2198 : i32 to index
      %get3A_2200 = arith.constant 32 : index
      %get3A_2201 = tpu.vector_load %arg24[%get3A_2199, %get3A_2200] {strides = array<i32>} : memref<8x128xf32, #tpu.memory_space<vmem>>, vector<1x16xf32>,
      %get3A_2202 = vector.shape_cast %get3A_2201 : vector<1x16xf32> to vector<16xf32>
      %mul3A_2203 = arith.mulf %get3A_2202, %get3A_2159 : vector<16xf32>
      %add3A_2204 = arith.addf %add3A_2197, %mul3A_2203 : vector<16xf32>
      %get3A_2205 = arith.constant 7 : i32
      %get3A_2206 = arith.index_cast %get3A_2205 : i32 to index
      %get3A_2207 = arith.constant 48 : index
      %get3A_2208 = tpu.vector_load %arg24[%get3A_2206, %get3A_2207] {strides = array<i32>} : memref<8x128xf32, #tpu.memory_space<vmem>>, vector<1x16xf32>,
      %get3A_2209 = vector.shape_cast %get3A_2208 : vector<1x16xf32> to vector<16xf32>
      %mul3A_2210 = arith.mulf %get3A_2209, %get3A_2164 : vector<16xf32>
      %add3A_2211 = arith.addf %add3A_2204, %mul3A_2210 : vector<16xf32>
      %get3A_2212 = arith.constant 7 : i32
      %get3A_2213 = arith.index_cast %get3A_2212 : i32 to index
      %get3A_2214 = arith.constant 64 : index
      %get3A_2215 = tpu.vector_load %arg24[%get3A_2213, %get3A_2214] {strides = array<i32>} : memref<8x128xf32, #tpu.memory_space<vmem>>, vector<1x16xf32>,
      %get3A_2216 = vector.shape_cast %get3A_2215 : vector<1x16xf32> to vector<16xf32>
      %mul3A_2217 = arith.mulf %get3A_2216, %get3A_2169 : vector<16xf32>
      %add3A_2218 = arith.addf %add3A_2211, %mul3A_2217 : vector<16xf32>
      %get3A_2219 = arith.constant 7 : i32
      %get3A_2220 = arith.index_cast %get3A_2219 : i32 to index
      %get3A_2221 = arith.constant 80 : index
      %get3A_2222 = tpu.vector_load %arg24[%get3A_2220, %get3A_2221] {strides = array<i32>} : memref<8x128xf32, #tpu.memory_space<vmem>>, vector<1x16xf32>,
      %get3A_2223 = vector.shape_cast %get3A_2222 : vector<1x16xf32> to vector<16xf32>
      %mul3A_2224 = arith.mulf %get3A_2223, %get3A_2174 : vector<16xf32>
      %add3A_2225 = arith.addf %add3A_2218, %mul3A_2224 : vector<16xf32>
      %get3A_2226 = arith.constant 7 : i32
      %get3A_2227 = arith.index_cast %get3A_2226 : i32 to index
      %get3A_2228 = arith.constant 96 : index
      %get3A_2229 = tpu.vector_load %arg24[%get3A_2227, %get3A_2228] {strides = array<i32>} : memref<8x128xf32, #tpu.memory_space<vmem>>, vector<1x16xf32>,
      %get3A_2230 = vector.shape_cast %get3A_2229 : vector<1x16xf32> to vector<16xf32>
      %mul3A_2231 = arith.mulf %get3A_2230, %get3A_2179 : vector<16xf32>
      %add3A_2232 = arith.addf %add3A_2225, %mul3A_2231 : vector<16xf32>
      %get3A_2233 = arith.constant 7 : i32
      %get3A_2234 = arith.index_cast %get3A_2233 : i32 to index
      %get3A_2235 = arith.constant 112 : index
      %get3A_2236 = tpu.vector_load %arg24[%get3A_2234, %get3A_2235] {strides = array<i32>} : memref<8x128xf32, #tpu.memory_space<vmem>>, vector<1x16xf32>,
      %get3A_2237 = vector.shape_cast %get3A_2236 : vector<1x16xf32> to vector<16xf32>
      %mul3A_2238 = arith.mulf %get3A_2237, %get3A_2184 : vector<16xf32>
      %add3A_2239 = arith.addf %add3A_2232, %mul3A_2238 : vector<16xf32>
      %broadcast_in_dim3A_2240 = arith.constant 0.000000e+00 : f32
      %broadcast_in_dim3A_2241 = vector.broadcast %broadcast_in_dim3A_2240 : f32 to vector<16xf32>
      %scan3A_2242 = arith.constant 0 : i32
      %scan3A_2243 = arith.constant 50 : i32
      %scan3A_2244 = arith.addi %scan3A_2242, %scan3A_2243 : i32
      %scan3A_2245 = arith.constant 2 : i32
      %scan3A_2246:8 = scf.for %scan3A_2278 = %scan3A_2242 to %scan3A_2244 step %scan3A_2245 iter_args(%scan3A_2279 = %broadcast_in_dim3A_2241, %scan3A_2280 = %broadcast_in_dim3A_2241, %scan3A_2281 = %broadcast_in_dim3A_2241, %scan3A_2282 = %broadcast_in_dim3A_2241, %scan3A_2283 = %broadcast_in_dim3A_2241, %scan3A_2284 = %broadcast_in_dim3A_2241, %scan3A_2285 = %broadcast_in_dim3A_2241, %scan3A_2286 = %broadcast_in_dim3A_2241) -> (vector<16xf32>, vector<16xf32>, vector<16xf32>, vector<16xf32>, vector<16xf32>, vector<16xf32>, vector<16xf32>, vector<16xf32>)  : i32 {
        %add3A_2287 = arith.constant 350 : i32
        %add3A_2288 = arith.addi %add3A_2287, %scan3A_2278 : i32
        %get3A_2289 = arith.index_cast %add3A_2288 : i32 to index
        %get3A_2290 = arith.constant 0 : index
        %get3A_2291 = tpu.vector_load %arg16[%get3A_2289, %get3A_2290] {strides = array<i32>} : memref<400x128xf32, #tpu.memory_space<vmem>>, vector<1x16xf32>,
        %get3A_2292 = vector.shape_cast %get3A_2291 : vector<1x16xf32> to vector<16xf32>
        %mul3A_2293 = arith.mulf %get3A_2292, %get3A_2149 : vector<16xf32>
        %add3A_2294 = arith.addf %scan3A_2279, %mul3A_2293 : vector<16xf32>
        %get3A_2295 = arith.index_cast %add3A_2288 : i32 to index
        %get3A_2296 = arith.constant 16 : index
        %get3A_2297 = tpu.vector_load %arg16[%get3A_2295, %get3A_2296] {strides = array<i32>} : memref<400x128xf32, #tpu.memory_space<vmem>>, vector<1x16xf32>,
        %get3A_2298 = vector.shape_cast %get3A_2297 : vector<1x16xf32> to vector<16xf32>
        %mul3A_2299 = arith.mulf %get3A_2298, %get3A_2154 : vector<16xf32>
        %add3A_2300 = arith.addf %scan3A_2280, %mul3A_2299 : vector<16xf32>
        %get3A_2301 = arith.index_cast %add3A_2288 : i32 to index
        %get3A_2302 = arith.constant 32 : index
        %get3A_2303 = tpu.vector_load %arg16[%get3A_2301, %get3A_2302] {strides = array<i32>} : memref<400x128xf32, #tpu.memory_space<vmem>>, vector<1x16xf32>,
        %get3A_2304 = vector.shape_cast %get3A_2303 : vector<1x16xf32> to vector<16xf32>
        %mul3A_2305 = arith.mulf %get3A_2304, %get3A_2159 : vector<16xf32>
        %add3A_2306 = arith.addf %scan3A_2281, %mul3A_2305 : vector<16xf32>
        %get3A_2307 = arith.index_cast %add3A_2288 : i32 to index
        %get3A_2308 = arith.constant 48 : index
        %get3A_2309 = tpu.vector_load %arg16[%get3A_2307, %get3A_2308] {strides = array<i32>} : memref<400x128xf32, #tpu.memory_space<vmem>>, vector<1x16xf32>,
        %get3A_2310 = vector.shape_cast %get3A_2309 : vector<1x16xf32> to vector<16xf32>
        %mul3A_2311 = arith.mulf %get3A_2310, %get3A_2164 : vector<16xf32>
        %add3A_2312 = arith.addf %scan3A_2282, %mul3A_2311 : vector<16xf32>
        %get3A_2313 = arith.index_cast %add3A_2288 : i32 to index
        %get3A_2314 = arith.constant 64 : index
        %get3A_2315 = tpu.vector_load %arg16[%get3A_2313, %get3A_2314] {strides = array<i32>} : memref<400x128xf32, #tpu.memory_space<vmem>>, vector<1x16xf32>,
        %get3A_2316 = vector.shape_cast %get3A_2315 : vector<1x16xf32> to vector<16xf32>
        %mul3A_2317 = arith.mulf %get3A_2316, %get3A_2169 : vector<16xf32>
        %add3A_2318 = arith.addf %scan3A_2283, %mul3A_2317 : vector<16xf32>
        %get3A_2319 = arith.index_cast %add3A_2288 : i32 to index
        %get3A_2320 = arith.constant 80 : index
        %get3A_2321 = tpu.vector_load %arg16[%get3A_2319, %get3A_2320] {strides = array<i32>} : memref<400x128xf32, #tpu.memory_space<vmem>>, vector<1x16xf32>,
        %get3A_2322 = vector.shape_cast %get3A_2321 : vector<1x16xf32> to vector<16xf32>
        %mul3A_2323 = arith.mulf %get3A_2322, %get3A_2174 : vector<16xf32>
        %add3A_2324 = arith.addf %scan3A_2284, %mul3A_2323 : vector<16xf32>
        %get3A_2325 = arith.index_cast %add3A_2288 : i32 to index
        %get3A_2326 = arith.constant 96 : index
        %get3A_2327 = tpu.vector_load %arg16[%get3A_2325, %get3A_2326] {strides = array<i32>} : memref<400x128xf32, #tpu.memory_space<vmem>>, vector<1x16xf32>,
        %get3A_2328 = vector.shape_cast %get3A_2327 : vector<1x16xf32> to vector<16xf32>
        %mul3A_2329 = arith.mulf %get3A_2328, %get3A_2179 : vector<16xf32>
        %add3A_2330 = arith.addf %scan3A_2285, %mul3A_2329 : vector<16xf32>
        %get3A_2331 = arith.index_cast %add3A_2288 : i32 to index
        %get3A_2332 = arith.constant 112 : index
        %get3A_2333 = tpu.vector_load %arg16[%get3A_2331, %get3A_2332] {strides = array<i32>} : memref<400x128xf32, #tpu.memory_space<vmem>>, vector<1x16xf32>,
        %get3A_2334 = vector.shape_cast %get3A_2333 : vector<1x16xf32> to vector<16xf32>
        %mul3A_2335 = arith.mulf %get3A_2334, %get3A_2184 : vector<16xf32>
        %add3A_2336 = arith.addf %scan3A_2286, %mul3A_2335 : vector<16xf32>
        %scan3A_2337 = arith.constant 1 : i32
        %scan3A_2338 = arith.addi %scan3A_2278, %scan3A_2337 : i32
        %add3A_2339 = arith.constant 350 : i32
        %add3A_2340 = arith.addi %add3A_2339, %scan3A_2338 : i32
        %get3A_2341 = arith.index_cast %add3A_2340 : i32 to index
        %get3A_2342 = arith.constant 0 : index
        %get3A_2343 = tpu.vector_load %arg16[%get3A_2341, %get3A_2342] {strides = array<i32>} : memref<400x128xf32, #tpu.memory_space<vmem>>, vector<1x16xf32>,
        %get3A_2344 = vector.shape_cast %get3A_2343 : vector<1x16xf32> to vector<16xf32>
        %mul3A_2345 = arith.mulf %get3A_2344, %get3A_2149 : vector<16xf32>
        %add3A_2346 = arith.addf %add3A_2294, %mul3A_2345 : vector<16xf32>
        %get3A_2347 = arith.index_cast %add3A_2340 : i32 to index
        %get3A_2348 = arith.constant 16 : index
        %get3A_2349 = tpu.vector_load %arg16[%get3A_2347, %get3A_2348] {strides = array<i32>} : memref<400x128xf32, #tpu.memory_space<vmem>>, vector<1x16xf32>,
        %get3A_2350 = vector.shape_cast %get3A_2349 : vector<1x16xf32> to vector<16xf32>
        %mul3A_2351 = arith.mulf %get3A_2350, %get3A_2154 : vector<16xf32>
        %add3A_2352 = arith.addf %add3A_2300, %mul3A_2351 : vector<16xf32>
        %get3A_2353 = arith.index_cast %add3A_2340 : i32 to index
        %get3A_2354 = arith.constant 32 : index
        %get3A_2355 = tpu.vector_load %arg16[%get3A_2353, %get3A_2354] {strides = array<i32>} : memref<400x128xf32, #tpu.memory_space<vmem>>, vector<1x16xf32>,
        %get3A_2356 = vector.shape_cast %get3A_2355 : vector<1x16xf32> to vector<16xf32>
        %mul3A_2357 = arith.mulf %get3A_2356, %get3A_2159 : vector<16xf32>
        %add3A_2358 = arith.addf %add3A_2306, %mul3A_2357 : vector<16xf32>
        %get3A_2359 = arith.index_cast %add3A_2340 : i32 to index
        %get3A_2360 = arith.constant 48 : index
        %get3A_2361 = tpu.vector_load %arg16[%get3A_2359, %get3A_2360] {strides = array<i32>} : memref<400x128xf32, #tpu.memory_space<vmem>>, vector<1x16xf32>,
        %get3A_2362 = vector.shape_cast %get3A_2361 : vector<1x16xf32> to vector<16xf32>
        %mul3A_2363 = arith.mulf %get3A_2362, %get3A_2164 : vector<16xf32>
        %add3A_2364 = arith.addf %add3A_2312, %mul3A_2363 : vector<16xf32>
        %get3A_2365 = arith.index_cast %add3A_2340 : i32 to index
        %get3A_2366 = arith.constant 64 : index
        %get3A_2367 = tpu.vector_load %arg16[%get3A_2365, %get3A_2366] {strides = array<i32>} : memref<400x128xf32, #tpu.memory_space<vmem>>, vector<1x16xf32>,
        %get3A_2368 = vector.shape_cast %get3A_2367 : vector<1x16xf32> to vector<16xf32>
        %mul3A_2369 = arith.mulf %get3A_2368, %get3A_2169 : vector<16xf32>
        %add3A_2370 = arith.addf %add3A_2318, %mul3A_2369 : vector<16xf32>
        %get3A_2371 = arith.index_cast %add3A_2340 : i32 to index
        %get3A_2372 = arith.constant 80 : index
        %get3A_2373 = tpu.vector_load %arg16[%get3A_2371, %get3A_2372] {strides = array<i32>} : memref<400x128xf32, #tpu.memory_space<vmem>>, vector<1x16xf32>,
        %get3A_2374 = vector.shape_cast %get3A_2373 : vector<1x16xf32> to vector<16xf32>
        %mul3A_2375 = arith.mulf %get3A_2374, %get3A_2174 : vector<16xf32>
        %add3A_2376 = arith.addf %add3A_2324, %mul3A_2375 : vector<16xf32>
        %get3A_2377 = arith.index_cast %add3A_2340 : i32 to index
        %get3A_2378 = arith.constant 96 : index
        %get3A_2379 = tpu.vector_load %arg16[%get3A_2377, %get3A_2378] {strides = array<i32>} : memref<400x128xf32, #tpu.memory_space<vmem>>, vector<1x16xf32>,
        %get3A_2380 = vector.shape_cast %get3A_2379 : vector<1x16xf32> to vector<16xf32>
        %mul3A_2381 = arith.mulf %get3A_2380, %get3A_2179 : vector<16xf32>
        %add3A_2382 = arith.addf %add3A_2330, %mul3A_2381 : vector<16xf32>
        %get3A_2383 = arith.index_cast %add3A_2340 : i32 to index
        %get3A_2384 = arith.constant 112 : index
        %get3A_2385 = tpu.vector_load %arg16[%get3A_2383, %get3A_2384] {strides = array<i32>} : memref<400x128xf32, #tpu.memory_space<vmem>>, vector<1x16xf32>,
        %get3A_2386 = vector.shape_cast %get3A_2385 : vector<1x16xf32> to vector<16xf32>
        %mul3A_2387 = arith.mulf %get3A_2386, %get3A_2184 : vector<16xf32>
        %add3A_2388 = arith.addf %add3A_2336, %mul3A_2387 : vector<16xf32>
        scf.yield %add3A_2346, %add3A_2352, %add3A_2358, %add3A_2364, %add3A_2370, %add3A_2376, %add3A_2382, %add3A_2388 : vector<16xf32>, vector<16xf32>, vector<16xf32>, vector<16xf32>, vector<16xf32>, vector<16xf32>, vector<16xf32>, vector<16xf32>
      }
      %scan3A_2247 = arith.constant 50 : i32
      %add3A_2248 = arith.addf %scan3A_2246#0, %scan3A_2246#1 : vector<16xf32>
      %add3A_2249 = arith.addf %add3A_2248, %scan3A_2246#2 : vector<16xf32>
      %add3A_2250 = arith.addf %add3A_2249, %scan3A_2246#3 : vector<16xf32>
      %add3A_2251 = arith.addf %add3A_2250, %scan3A_2246#4 : vector<16xf32>
      %add3A_2252 = arith.addf %add3A_2251, %scan3A_2246#5 : vector<16xf32>
      %add3A_2253 = arith.addf %add3A_2252, %scan3A_2246#6 : vector<16xf32>
      %add3A_2254 = arith.addf %add3A_2253, %scan3A_2246#7 : vector<16xf32>
      %mul3A_2255 = arith.constant 8 : i32
      %mul3A_2256 = arith.muli %add3A_1262, %mul3A_2255 : i32
      %add3A_2257 = arith.constant 7 : i32
      %add3A_2258 = arith.addi %mul3A_2256, %add3A_2257 : i32
      %mul3A_2259 = arith.constant 16 : i32
      %mul3A_2260 = arith.muli %add3A_2258, %mul3A_2259 : i32
      %swap3A_2261 = arith.index_cast %mul3A_2260 : i32 to index
      %swap3A_2262 = tpu.vector_load %arg20[%swap3A_2261] {strides = array<i32>} : memref<8192xf32, #tpu.memory_space<vmem>>, vector<16xf32>,
      %swap3A_2263 = vector.shape_cast %swap3A_2262 : vector<16xf32> to vector<16xf32>
      %swap3A_2264 = vector.shape_cast %add3A_2239 : vector<16xf32> to vector<16xf32>
      tpu.vector_store %arg20[%swap3A_2261], %swap3A_2264 {strides = array<i32>} : memref<8192xf32, #tpu.memory_space<vmem>>, vector<16xf32>,
      %mul3A_2265 = arith.constant 16 : i32
      %mul3A_2266 = arith.muli %add3A_2258, %mul3A_2265 : i32
      %swap3A_2267 = arith.index_cast %mul3A_2266 : i32 to index
      %swap3A_2268 = tpu.vector_load %arg17[%swap3A_2267] {strides = array<i32>} : memref<8192xf32, #tpu.memory_space<vmem>>, vector<16xf32>,
      %swap3A_2269 = vector.shape_cast %swap3A_2268 : vector<16xf32> to vector<16xf32>
      %swap3A_2270 = vector.shape_cast %add3A_2254 : vector<16xf32> to vector<16xf32>
      tpu.vector_store %arg17[%swap3A_2267], %swap3A_2270 {strides = array<i32>} : memref<8192xf32, #tpu.memory_space<vmem>>, vector<16xf32>,
      %add3A_2271 = arith.constant 3 : i32
      %add3A_2272 = arith.addi %add3A_99, %add3A_2271 : i32
      %lt3A_2273 = arith.constant 64 : i32
      %lt3A_2274 = arith.cmpi slt, %add3A_2272, %lt3A_2273 : i32
      %convert_element_type3A_2275 = arith.extui %lt3A_2274 : i1 to i32
      %cond3A_2276 = arith.constant 0 : i32
      %cond3A_2277 = arith.cmpi ne, %convert_element_type3A_2275, %cond3A_2276 : i32
      scf.if %cond3A_2277 {
        %add3A_2278 = arith.constant 3 : i32
        %add3A_2279 = arith.addi %add3A_99, %add3A_2278 : i32
        %mul3A_2280 = arith.constant 8 : i32
        %mul3A_2281 = arith.muli %add3A_2279, %mul3A_2280 : i32
        %add3A_2282 = arith.addi %mul3A_2, %mul3A_2281 : i32
        %mul3A_2283 = arith.constant 50 : i32
        %mul3A_2284 = arith.muli %add3A_2282, %mul3A_2283 : i32
        %dma_wait3A_2285 = tpu.memref_slice %arg2[%add3A_2282] : memref<16384xi32, #tpu.memory_space<hbm>> -> memref<8xi32, #tpu.memory_space<hbm>>
        %dma_wait3A_2286 = tpu.memref_slice %arg2[%add3A_2282] : memref<16384xi32, #tpu.memory_space<hbm>> -> memref<8xi32, #tpu.memory_space<hbm>>
        tpu.wait_dma2 semaphore(%arg14 : memref<!tpu.dma_semaphore, #tpu.memory_space<semaphore_mem>>) src(%dma_wait3A_2286 : memref<8xi32, #tpu.memory_space<hbm>>) dst(%arg12 : memref<8xi32, #tpu.memory_space<vmem>>)
        %dma_wait3A_2287 = tpu.memref_slice %arg3[%add3A_2282] : memref<16384xi32, #tpu.memory_space<hbm>> -> memref<8xi32, #tpu.memory_space<hbm>>
        %dma_wait3A_2288 = tpu.memref_slice %arg3[%add3A_2282] : memref<16384xi32, #tpu.memory_space<hbm>> -> memref<8xi32, #tpu.memory_space<hbm>>
        tpu.wait_dma2 semaphore(%arg14 : memref<!tpu.dma_semaphore, #tpu.memory_space<semaphore_mem>>) src(%dma_wait3A_2288 : memref<8xi32, #tpu.memory_space<hbm>>) dst(%arg26 : memref<8xi32, #tpu.memory_space<vmem>>)
        %dma_wait3A_2289 = tpu.memref_slice %arg4[%mul3A_2284] : memref<819200xi32, #tpu.memory_space<hbm>> -> memref<400xi32, #tpu.memory_space<hbm>>
        %dma_wait3A_2290 = tpu.memref_slice %arg4[%mul3A_2284] : memref<819200xi32, #tpu.memory_space<hbm>> -> memref<400xi32, #tpu.memory_space<hbm>>
        tpu.wait_dma2 semaphore(%arg14 : memref<!tpu.dma_semaphore, #tpu.memory_space<semaphore_mem>>) src(%dma_wait3A_2290 : memref<400xi32, #tpu.memory_space<hbm>>) dst(%arg19 : memref<400xi32, #tpu.memory_space<vmem>>)
      } else {
      }
    }
    %scan3A_90 = arith.constant 32 : i32
    %mul3A_91 = arith.constant 16 : i32
    %mul3A_92 = arith.muli %mul3A_2, %mul3A_91 : i32
    "tpu.region"() ({
      %run_scoped3A = tpu.sem_alloc : memref<!tpu.dma_semaphore, #tpu.memory_space<semaphore_mem>>
      %dma_start3A_95 = tpu.memref_slice %arg7[%mul3A_92] : memref<262144xf32, #tpu.memory_space<hbm>> -> memref<8192xf32, #tpu.memory_space<hbm>>
      %dma_start3A_96 = tpu.memref_slice %arg7[%mul3A_92] : memref<262144xf32, #tpu.memory_space<hbm>> -> memref<8192xf32, #tpu.memory_space<hbm>>
      tpu.enqueue_dma source(%arg20 : memref<8192xf32, #tpu.memory_space<vmem>>) target(%dma_start3A_96 : memref<8192xf32, #tpu.memory_space<hbm>>) target_semaphore(%run_scoped3A : memref<!tpu.dma_semaphore, #tpu.memory_space<semaphore_mem>>)
      %dma_wait3A_97 = tpu.memref_slice %arg7[%mul3A_92] : memref<262144xf32, #tpu.memory_space<hbm>> -> memref<8192xf32, #tpu.memory_space<hbm>>
      %dma_wait3A_98 = tpu.memref_slice %arg7[%mul3A_92] : memref<262144xf32, #tpu.memory_space<hbm>> -> memref<8192xf32, #tpu.memory_space<hbm>>
      tpu.wait_dma2 semaphore(%run_scoped3A : memref<!tpu.dma_semaphore, #tpu.memory_space<semaphore_mem>>) src(%arg20 : memref<8192xf32, #tpu.memory_space<vmem>>) dst(%dma_wait3A_98 : memref<8192xf32, #tpu.memory_space<hbm>>)
      tpu.yield
    }) : () -> ()
    %mul3A_93 = arith.constant 16 : i32
    %mul3A_94 = arith.muli %mul3A_2, %mul3A_93 : i32
    "tpu.region"() ({
      %run_scoped3A = tpu.sem_alloc : memref<!tpu.dma_semaphore, #tpu.memory_space<semaphore_mem>>
      %dma_start3A_95 = tpu.memref_slice %arg8[%mul3A_94] : memref<262144xf32, #tpu.memory_space<hbm>> -> memref<8192xf32, #tpu.memory_space<hbm>>
      %dma_start3A_96 = tpu.memref_slice %arg8[%mul3A_94] : memref<262144xf32, #tpu.memory_space<hbm>> -> memref<8192xf32, #tpu.memory_space<hbm>>
      tpu.enqueue_dma source(%arg17 : memref<8192xf32, #tpu.memory_space<vmem>>) target(%dma_start3A_96 : memref<8192xf32, #tpu.memory_space<hbm>>) target_semaphore(%run_scoped3A : memref<!tpu.dma_semaphore, #tpu.memory_space<semaphore_mem>>)
      %dma_wait3A_97 = tpu.memref_slice %arg8[%mul3A_94] : memref<262144xf32, #tpu.memory_space<hbm>> -> memref<8192xf32, #tpu.memory_space<hbm>>
      %dma_wait3A_98 = tpu.memref_slice %arg8[%mul3A_94] : memref<262144xf32, #tpu.memory_space<hbm>> -> memref<8192xf32, #tpu.memory_space<hbm>>
      tpu.wait_dma2 semaphore(%run_scoped3A : memref<!tpu.dma_semaphore, #tpu.memory_space<semaphore_mem>>) src(%arg17 : memref<8192xf32, #tpu.memory_space<vmem>>) dst(%dma_wait3A_98 : memref<8192xf32, #tpu.memory_space<hbm>>)
      tpu.yield
    }) : () -> ()
    return
  }
}

module attributes {stable_mosaic.version = 14 : i64} {
  func.func @_loss_body(%arg0: memref<2048x128xf32, #tpu.memory_space<vmem>>, %arg1: memref<2048x128xf32, #tpu.memory_space<vmem>>, %arg2: memref<1x1xf32, #tpu.memory_space<smem>>) attributes {dimension_semantics = [], scalar_prefetch = 0 : i64, scratch_operands = 0 : i64, tpu.core_type = #tpu.core_type<tc>} {
    %iota3A = tpu.iota {dimensions = array<i32: 0>} : vector<128x8xi32>
    %jit3A = arith.constant 16 : i32
    %div3A = vector.broadcast %jit3A : i32 to vector<128x8xi32>
    %div3A_0 = arith.divsi %iota3A, %div3A : vector<128x8xi32>
    %sign3A = arith.constant 0 : i32
    %sign3A_1 = vector.broadcast %sign3A : i32 to vector<128x8xi32>
    %sign3A_2 = arith.cmpi sgt, %iota3A, %sign3A_1 : vector<128x8xi32>
    %sign3A_3 = arith.extui %sign3A_2 : vector<128x8xi1> to vector<128x8xi32>
    %sign3A_4 = arith.constant 0 : i32
    %sign3A_5 = vector.broadcast %sign3A_4 : i32 to vector<128x8xi32>
    %sign3A_6 = arith.cmpi slt, %iota3A, %sign3A_5 : vector<128x8xi32>
    %sign3A_7 = arith.extui %sign3A_6 : vector<128x8xi1> to vector<128x8xi32>
    %sign3A_8 = arith.subi %sign3A_3, %sign3A_7 : vector<128x8xi32>
    %sign3A_9 = arith.constant 0 : i32
    %sign3A_10 = arith.cmpi sgt, %jit3A, %sign3A_9 : i32
    %sign3A_11 = arith.extui %sign3A_10 : i1 to i32
    %sign3A_12 = arith.constant 0 : i32
    %sign3A_13 = arith.cmpi slt, %jit3A, %sign3A_12 : i32
    %sign3A_14 = arith.extui %sign3A_13 : i1 to i32
    %sign3A_15 = arith.subi %sign3A_11, %sign3A_14 : i32
    %ne3A = vector.broadcast %sign3A_15 : i32 to vector<128x8xi32>
    %ne3A_16 = arith.cmpi ne, %sign3A_8, %ne3A : vector<128x8xi32>
    %rem3A = vector.broadcast %jit3A : i32 to vector<128x8xi32>
    %rem3A_17 = arith.remsi %iota3A, %rem3A : vector<128x8xi32>
    %ne3A_18 = arith.constant 0 : i32
    %ne3A_19 = vector.broadcast %ne3A_18 : i32 to vector<128x8xi32>
    %ne3A_20 = arith.cmpi ne, %rem3A_17, %ne3A_19 : vector<128x8xi32>
    %and3A = arith.andi %ne3A_16, %ne3A_20 : vector<128x8xi1>
    %sub3A = arith.constant 1 : i32
    %sub3A_21 = vector.broadcast %sub3A : i32 to vector<128x8xi32>
    %sub3A_22 = arith.subi %div3A_0, %sub3A_21 : vector<128x8xi32>
    %select_n3A = arith.select %and3A, %sub3A_22, %div3A_0 : vector<128x8xi1>, vector<128x8xi32>
    %iota3A_23 = tpu.iota {dimensions = array<i32: 1>} : vector<128x8xi32>
    %eq3A = arith.cmpi eq, %select_n3A, %iota3A_23 : vector<128x8xi32>
    %convert_element_type3A = arith.extui %eq3A : vector<128x8xi1> to vector<128x8xi32>
    %convert_element_type3A_24 = arith.sitofp %convert_element_type3A : vector<128x8xi32> to vector<128x8xf32>
    %get3A = arith.constant 0 : index
    %get3A_25 = arith.constant 0 : index
    %get3A_26 = vector.load %arg0[%get3A, %get3A_25] : memref<2048x128xf32, #tpu.memory_space<vmem>>, vector<2048x128xf32>
    %dot_general3A = arith.constant dense<0.000000e+00> : vector<2048x8xf32>
    %dot_general3A_27 = tpu.matmul %get3A_26, %convert_element_type3A_24, %dot_general3A {dimension_numbers = #tpu.dot_dimension_numbers<[1], [0], [0], [1], [0, 0, 1, 1], [], []>, transpose_lhs_hint = false} : vector<2048x128xf32>, vector<128x8xf32>, vector<2048x8xf32> -> vector<2048x8xf32>
    %get3A_28 = arith.constant 0 : index
    %get3A_29 = arith.constant 0 : index
    %get3A_30 = vector.load %arg1[%get3A_28, %get3A_29] : memref<2048x128xf32, #tpu.memory_space<vmem>>, vector<2048x128xf32>
    %dot_general3A_31 = arith.constant dense<0.000000e+00> : vector<2048x8xf32>
    %dot_general3A_32 = tpu.matmul %get3A_30, %convert_element_type3A_24, %dot_general3A_31 {dimension_numbers = #tpu.dot_dimension_numbers<[1], [0], [0], [1], [0, 0, 1, 1], [], []>, transpose_lhs_hint = false} : vector<2048x128xf32>, vector<128x8xf32>, vector<2048x8xf32> -> vector<2048x8xf32>
    %neg3A = arith.constant 0.000000e+00 : f32
    %neg3A_33 = vector.broadcast %neg3A : f32 to vector<2048x8xf32>
    %neg3A_34 = arith.subf %neg3A_33, %dot_general3A_27 : vector<2048x8xf32>
    %custom_jvp_call3A = arith.constant 0.000000e+00 : f32
    %max3A = vector.broadcast %custom_jvp_call3A : f32 to vector<2048x8xf32>
    %max3A_35 = arith.maximumf %neg3A_34, %max3A : vector<2048x8xf32>
    %sub3A_36 = vector.broadcast %custom_jvp_call3A : f32 to vector<2048x8xf32>
    %sub3A_37 = arith.subf %neg3A_34, %sub3A_36 : vector<2048x8xf32>
    %ne3A_38 = arith.cmpf one, %sub3A_37, %sub3A_37 : vector<2048x8xf32>
    %add3A = vector.broadcast %custom_jvp_call3A : f32 to vector<2048x8xf32>
    %add3A_39 = arith.addf %neg3A_34, %add3A : vector<2048x8xf32>
    %abs3A = math.absf %sub3A_37 : vector<2048x8xf32>
    %neg3A_40 = arith.constant 0.000000e+00 : f32
    %neg3A_41 = vector.broadcast %neg3A_40 : f32 to vector<2048x8xf32>
    %neg3A_42 = arith.subf %neg3A_41, %abs3A : vector<2048x8xf32>
    %exp3A = math.exp %neg3A_42 : vector<2048x8xf32>
    %log1p3A = math.log1p %exp3A : vector<2048x8xf32>
    %add3A_43 = arith.addf %max3A_35, %log1p3A : vector<2048x8xf32>
    %select_n3A_44 = arith.select %ne3A_38, %add3A_39, %add3A_43 : vector<2048x8xi1>, vector<2048x8xf32>
    %neg3A_45 = arith.constant 0.000000e+00 : f32
    %neg3A_46 = vector.broadcast %neg3A_45 : f32 to vector<2048x8xf32>
    %neg3A_47 = arith.subf %neg3A_46, %select_n3A_44 : vector<2048x8xf32>
    %neg3A_48 = arith.constant 0.000000e+00 : f32
    %neg3A_49 = vector.broadcast %neg3A_48 : f32 to vector<2048x8xf32>
    %neg3A_50 = arith.subf %neg3A_49, %dot_general3A_32 : vector<2048x8xf32>
    %neg3A_51 = arith.constant 0.000000e+00 : f32
    %neg3A_52 = vector.broadcast %neg3A_51 : f32 to vector<2048x8xf32>
    %neg3A_53 = arith.subf %neg3A_52, %neg3A_50 : vector<2048x8xf32>
    %custom_jvp_call3A_54 = arith.constant 0.000000e+00 : f32
    %max3A_55 = vector.broadcast %custom_jvp_call3A_54 : f32 to vector<2048x8xf32>
    %max3A_56 = arith.maximumf %neg3A_53, %max3A_55 : vector<2048x8xf32>
    %sub3A_57 = vector.broadcast %custom_jvp_call3A_54 : f32 to vector<2048x8xf32>
    %sub3A_58 = arith.subf %neg3A_53, %sub3A_57 : vector<2048x8xf32>
    %ne3A_59 = arith.cmpf one, %sub3A_58, %sub3A_58 : vector<2048x8xf32>
    %add3A_60 = vector.broadcast %custom_jvp_call3A_54 : f32 to vector<2048x8xf32>
    %add3A_61 = arith.addf %neg3A_53, %add3A_60 : vector<2048x8xf32>
    %abs3A_62 = math.absf %sub3A_58 : vector<2048x8xf32>
    %neg3A_63 = arith.constant 0.000000e+00 : f32
    %neg3A_64 = vector.broadcast %neg3A_63 : f32 to vector<2048x8xf32>
    %neg3A_65 = arith.subf %neg3A_64, %abs3A_62 : vector<2048x8xf32>
    %exp3A_66 = math.exp %neg3A_65 : vector<2048x8xf32>
    %log1p3A_67 = math.log1p %exp3A_66 : vector<2048x8xf32>
    %add3A_68 = arith.addf %max3A_56, %log1p3A_67 : vector<2048x8xf32>
    %select_n3A_69 = arith.select %ne3A_59, %add3A_61, %add3A_68 : vector<2048x8xi1>, vector<2048x8xf32>
    %neg3A_70 = arith.constant 0.000000e+00 : f32
    %neg3A_71 = vector.broadcast %neg3A_70 : f32 to vector<2048x8xf32>
    %neg3A_72 = arith.subf %neg3A_71, %select_n3A_69 : vector<2048x8xf32>
    %add3A_73 = arith.addf %neg3A_47, %neg3A_72 : vector<2048x8xf32>
    %reduce_sum3A = vector.shape_cast %add3A_73 : vector<2048x8xf32> to vector<1x2048x8xf32>
    %reduce_sum3A_74 = arith.constant dense<0.000000e+00> : vector<1xf32>
    %reduce_sum3A_75 = vector.multi_reduction <add>, %reduce_sum3A, %reduce_sum3A_74 [1, 2] : vector<1x2048x8xf32> to vector<1xf32>
    %reduce_sum3A_76 = vector.shape_cast %reduce_sum3A_75 : vector<1xf32> to vector<1x1x1xf32>
    %reduce_sum3A_77 = vector.extract %reduce_sum3A_76[0, 0, 0] : f32 from vector<1x1x1xf32>
    %neg3A_78 = arith.constant 0.000000e+00 : f32
    %neg3A_79 = arith.subf %neg3A_78, %reduce_sum3A_77 : f32
    %mul3A = arith.constant 6.10351563E-5 : f32
    %mul3A_80 = arith.mulf %neg3A_79, %mul3A : f32
    %swap3A = arith.constant 0 : index
    %swap3A_81 = arith.constant 0 : index
    %swap3A_82 = memref.load %arg2[%swap3A, %swap3A_81] : memref<1x1xf32, #tpu.memory_space<smem>>
    memref.store %mul3A_80, %arg2[%swap3A, %swap3A_81] : memref<1x1xf32, #tpu.memory_space<smem>>
    return
  }
}

</mosaic_0001>

<sc_bundles>
// kernel: kernel.4.cloned.1.call-start
scs
__scs_entry_jumppad:
0x0: {  	(pc) =	sbr.rel $0x88, $3  }
0x1: {  	(tag) =	ssettag $0x0;
	lr =	simm.s32 $0x1  }
0x2: {  	[smem:$0x3F9C] =	sst lr;
	_ =	strace $0xD0000000  }
0x3: {  	_ = 	snop  }
0x4: {  	_ = 	snop  }
0x5: {  	_ = 	snop  }
0x6: {  	_ = 	snop  }
0x7: {  	_ = 	snop  }
__scs_overlays_trampoline_lowered:
0x8: {  	[smem:$0x3FAB] =	sst s0  }
0x9: {  	[smem:$0x3FAC] =	sst s1  }
0xa: {  	[smem:$0x3FAD] =	sst s2  }
0xb: {  	[smem:$0x3FAE] =	sst s3  }
0xc: {  	[smem:$0x3FAF] =	sst s4  }
0xd: {  	[smem:$0x3FB0] =	sst s5  }
0xe: {  	[smem:$0x3FB1] =	sst s6  }
0xf: {  	[smem:$0x3FB2] =	sst s7  }
0x10: {  	[smem:$0x3FB3] =	sst s8  }
0x11: {  	[smem:$0x3FB4] =	sst s9;
	s0 =	simm.s32 @!p0 $0x0  }
0x12: {  	s1 =	sld [smem:$0x3F9A];
	s0 =	simm.s32 @p0 $0x1  }
0x13: {  	[smem:$0x3FB5] =	sst s0;
	s0 =	simm.s32 @!p1 $0x0  }
0x14: {  	s2 =	sld [smem:$0x3F99];
	s0 =	simm.s32 @p1 $0x1  }
0x15: {  	[smem:$0x3FB6] =	sst s0;
	s0 =	simm.s32 @!p2 $0x0  }
0x16: {  	s3 =	sld [smem:$0x3FDB];
	s0 =	simm.s32 @p2 $0x1  }
0x17: {  	s4 =	simm.s32 $0x1BF5;
	[smem:$0x3FB8] =	sst s0  }
0x18: {  	s0 =	sld [smem:$0x3F9B];
	_ =	swait.ge [sflag:s4], $0x0  }
0x19: {  	s7 =	sld [smem:$0x3F9C]  }
0x1a: {  	s8 =	sadd.s32 $0xFFFFE003, lr  }
0x1b: {  	s9 =	sadd.s32 $0xFFFFFEF7, lr;
	s5 =	simm.s32 $0xFFFFFFFF;
	p2 =	slt.u32 s8, $0xFFFFF086  }
0x1c: {  	p1 =	slt.u32 s9, $0xF7A;
	s5 =	simm.s32 @!p2 $0x0  }
0x1d: {  	s5 =	simm.s32 @p1 $0x1;
	p0 =	seq.s32 s7, s2  }
0x1e: {  	s7 =	smul.u32 @!p0 $0xF7A, s2;
	p2 =	seq.s32 @!p0 s5, $0x0  }
0x1f: {  	s9 =	smul.u32 $0xF7A, s1;
	s8 =	simm.s32 @!p0 $0x1BF5;
	p2 =	por !p2, p0  }
0x20: {  	[sflag:s8] =	ssyncset.s32 @!p0 $0xFFFFF086;
	s6 =	sadd.s32 @!p0 s3, s7;
	s7 =	simm.s32 @!p0 $0x108  }
0x21: {  	s3 =	sadd.s32 s3, s9;
	s6 =	sadd.s32 @!p0 $0x88, s6;
	s7 =	simm.s32 @p2 $0x1082  }
0x22: {  	[simem:s7], [sflag:s8] =	dma.local @!p0 [hbm:s6], $0xF7A  }
0x23: {  	s9 =	sor.u32 $0xD0000000, s2;
	s6 =	simm.s32 $0x108;
	_ =	swait.ge @!p0 [sflag:s8], $0x0  }
0x24: {  	s3 =	sadd.s32 $0x88, s3;
	s6 =	simm.s32 @!p1 $0x1082;
	[sflag:s4] =	ssyncset.s32 $0xFFFFF086  }
0x25: {  	[simem:s6], [sflag:s4] =	dma.local [hbm:s3], $0xF7A  }
0x26: {  	[smem:$0x3F9C] =	sst s1;
	(tag) =	ssettag s2;
	_ =	strace s9  }
0x27: {  	s1 =	sld [smem:$0x3FAC]  }
0x28: {  	s2 =	sld [smem:$0x3FAD]  }
0x29: {  	s4 =	sld [smem:$0x3FAF]  }
0x2a: {  	p0 =	seq.s32 s5, $0x0;
	s5 =	sld [smem:$0x3FB0]  }
0x2b: {  	s6 =	sld [smem:$0x3FB1]  }
0x2c: {  	s7 =	sld [smem:$0x3FB2]  }
0x2d: {  	s3 =	simm.s32 $0x108;
	s8 =	sld [smem:$0x3FB3]  }
0x2e: {  	s3 =	simm.s32 @!p0 $0x1082;
	s9 =	sld [smem:$0x3FB4]  }
0x2f: {  	lr =	sadd.s32 s0, s3;
	s0 =	sld [smem:$0x3FAB]  }
0x30: {  	s3 =	sld [smem:$0x3FAE]  }
0x31: {  	[smem:$0x3FB7] =	sst s10  }
0x32: {  	s10 =	sld [smem:$0x3FB5];
	_ =	sdelay $0x3  }
0x33: {  	p0 =	seq.s32 s10, $0x1;
	s10 =	sld [smem:$0x3FB7];
	_ =	sdelay $0x3  }
0x34: {  	[smem:$0x3FB7] =	sst s10  }
0x35: {  	s10 =	sld [smem:$0x3FB6];
	_ =	sdelay $0x3  }
0x36: {  	p1 =	seq.s32 s10, $0x1;
	s10 =	sld [smem:$0x3FB7];
	_ =	sdelay $0x3  }
0x37: {  	[smem:$0x3FB7] =	sst s10  }
0x38: {  	s10 =	sld [smem:$0x3FB8]  }
0x39: {  	_ = 	snop;
	(pc) =	sbr.ind lr, $3  }
0x3a: {  	_ = 	snop  }
0x3b: {  	_ = 	snop  }
0x3c: {  	p2 =	seq.s32 s10, $0x1;
	s10 =	sld [smem:$0x3FB7]  }
0x3d: {  	_ =	shalt  }
0x3e: {  	_ =	shalt  }
0x3f: {  	_ =	shalt  }
0x40: {  	_ =	shalt  }
0x41: {  	_ =	shalt  }
0x42: {  	_ =	shalt  }
0x43: {  	_ =	shalt  }
0x44: {  	_ =	shalt  }
0x45: {  	_ =	shalt  }
0x46: {  	_ =	shalt  }
0x47: {  	_ =	shalt  }
0x48: {  	_ =	shalt  }
0x49: {  	_ =	shalt  }
0x4a: {  	_ =	shalt  }
0x4b: {  	_ =	shalt  }
0x4c: {  	_ =	shalt  }
0x4d: {  	_ =	shalt  }
0x4e: {  	_ =	shalt  }
0x4f: {  	_ =	shalt  }
0x50: {  	_ =	shalt  }
0x51: {  	_ =	shalt  }
0x52: {  	_ =	shalt  }
0x53: {  	_ =	shalt  }
0x54: {  	_ =	shalt  }
0x55: {  	_ =	shalt  }
0x56: {  	_ =	shalt  }
0x57: {  	_ =	shalt  }
0x58: {  	_ =	shalt  }
0x59: {  	_ =	shalt  }
0x5a: {  	_ =	shalt  }
0x5b: {  	_ =	shalt  }
0x5c: {  	_ =	shalt  }
0x5d: {  	_ =	shalt  }
0x5e: {  	_ =	shalt  }
0x5f: {  	_ =	shalt  }
0x60: {  	_ =	shalt  }
0x61: {  	_ =	shalt  }
0x62: {  	_ =	shalt  }
0x63: {  	_ =	shalt  }
0x64: {  	_ =	shalt  }
0x65: {  	_ =	shalt  }
0x66: {  	_ =	shalt  }
0x67: {  	_ =	shalt  }
0x68: {  	_ =	shalt  }
0x69: {  	_ =	shalt  }
0x6a: {  	_ =	shalt  }
0x6b: {  	_ =	shalt  }
0x6c: {  	_ =	shalt  }
0x6d: {  	_ =	shalt  }
0x6e: {  	_ =	shalt  }
0x6f: {  	_ =	shalt  }
0x70: {  	_ =	shalt  }
0x71: {  	_ =	shalt  }
0x72: {  	_ =	shalt  }
0x73: {  	_ =	shalt  }
0x74: {  	_ =	shalt  }
0x75: {  	_ =	shalt  }
0x76: {  	_ =	shalt  }
0x77: {  	_ =	shalt  }
0x78: {  	_ =	shalt  }
0x79: {  	_ =	shalt  }
0x7a: {  	_ =	shalt  }
0x7b: {  	_ =	shalt  }
0x7c: {  	_ =	shalt  }
0x7d: {  	_ =	shalt  }
0x7e: {  	_ =	shalt  }
0x7f: {  	_ =	shalt  }
0x80: {  	_ =	shalt  }
0x81: {  	_ =	shalt  }
0x82: {  	_ =	shalt  }
0x83: {  	_ =	shalt  }
0x84: {  	_ =	shalt  }
0x85: {  	_ =	shalt  }
0x86: {  	_ =	shalt  }
0x87: {  	_ =	shalt  }
.Lfunc_end0:
.L_simem_size_0:
called_computation_lowered:
.L_overlay_start_0:
0x88: {  	s2 =	sld [smem:$0x3FD9]  }
0x89: {  	s3 =	sld [smem:$0x3FFE];
	_ =	sdelay $0x1  }
0x8a: {  	s1 =	srdreg.scid  }
0x8b: {  	s0 =	sand.u32 $0x1, s1  }
0x8c: {  	s17 =	sshll.u32 s0, $0xA;
	s2 =	sadd.s32 s3, s2  }
0x8d: {  	s2 =	sadd.s32 s2, s17  }
0x8e: {  	[smem:$0x3FC3] =	sst s2  }
0x8f: {  	_ = 	snop  }
0x90: {  	s2 =	sld [smem:$0x3FC9]  }
0x91: {  	s18 =	sld [smem:$0x3FC8]  }
0x92: {  	s4 =	sld [smem:$0x3FC6]  }
0x93: {  	s5 =	sld [smem:$0x3FC5];
	(tm) =	ssettm $0x1  }
0x94: {  	s6 =	sld [smem:$0x3FFB];
	_ =	sdelay $0x3  }
0x95: {  	_ =	strace s6  }
0x96: {  	s6 =	sld [smem:$0x3FFC];
	_ =	sdelay $0x3  }
0x97: {  	_ =	strace s6  }
0x98: {  	s6 =	sld [smem:$0x3FFD];
	_ =	sdelay $0x3  }
0x99: {  	_ =	strace s6  }
0x9a: {  	_ =	strace $0x8FFFFFFF  }
0x9b: {  	s19 =	sld [smem:$0x3FDB];
	_ =	sdelay $0x1  }
0x9c: {  	s7 =	simm.s32 $_scs_section_size  }
0x9d: {  	s8 =	simm.s32 $_size__tile_overlayer_lowered;
	s9 =	simm.s32 $_tile_overlayer_lowered  }
0x9e: {  	s22 =	simm.s32 $0x1BFF;
	s21 =	sshll.u32 s9, $0x1;
	s6 =	sadd.s32 s7, s19  }
0x9f: {  	s10 =	simm.s32 $0x0;
	s20 =	sshll.u32 s8, $0x1;
	s8 =	sadd.s32 s21, s6  }
0xa0: {  	[timem:s10], [sflag:s22] =	dma.local [hbm:s8], s20  }
0xa1: {  	_ =	swait.ge [sflag:s22], s20  }
0xa2: {  	s7 =	ssub.s32 $0x0, s20;
	[sflag:s22] =	ssyncset.done $0x0  }
0xa3: {  	[sflag:s22] =	ssyncadd.s32 s7;
	_ =	sdelay $0x1  }
0xa4: {  	s23 =	simm.s32 $0x1B8B  }
0xa5: {  	_ =	swait.ge [sflag:s23], $0x1  }
0xa6: {  	[sflag:s23] =	ssyncset.done $0x0  }
0xa7: {  	s25 =	simm.s32 $0x1B8E;
	s24 =	sld [smem:$0x3FFE];
	[sflag:s23] =	ssyncadd.s32 $0xFFFFFFFF  }
0xa8: {  	s26 =	simm.s32 $execute0_lowered;
	[smem:$0x3FD2] =	sst s25  }
0xa9: {  	s8 =	sshll.u32 s26, $0x1;
	_ =	strace $0x80000046;
	[dreg:$0x1] =	wrdreg $0xFFFFFFFF  }
0xaa: {  	s28 =	simm.s32 $_size_execute0_lowered;
	s6 =	sadd.s32 s6, s8;
	[dreg:$0x0] =	wrdreg $0x0  }
0xab: {  	s8 =	sshll.u32 s28, $0x1;
	[dreg:$0x2] =	wrdreg s6  }
0xac: {  	[dreg:$0x3] =	wrdreg s8  }
0xad: {  	[dreg:$0x4] =	wrdreg $0xC0  }
0xae: {  	_ =	task [dreg:s10], $0x5FFFF  }
0xaf: {  	[dreg:$0x1] =	wrdreg $0xFFFFFFFF  }
0xb0: {  	[dreg:$0x0] =	wrdreg $0x60  }
0xb1: {  	[dreg:$0x2] =	wrdreg s2  }
0xb2: {  	[dreg:$0x3] =	wrdreg s18  }
0xb3: {  	[dreg:$0x4] =	wrdreg s24  }
0xb4: {  	[dreg:$0x5] =	wrdreg s4  }
0xb5: {  	[dreg:$0x6] =	wrdreg s5  }
0xb6: {  	[dreg:$0x7] =	wrdreg $0x9  }
0xb7: {  	_ =	task.clear_ibuf [dreg:s10], $0x8FFFF;
	_ =	strace $0x90000046  }
0xb8: {  	s29 =	simm.s32 $0x9;
	_ =	strace $0x80000048  }
0xb9: {  	_ =	swait.ge [sflag:s29], $0x1  }
0xba: {  	[sflag:s29] =	ssyncadd.s32 $0xFFFFFFFF  }
0xbb: {  	_ =	strace $0x90000048  }
0xbc: {  	_ =	sfence  }
0xbd: {  	s30 =	sld [smem:$0x0];
	_ =	sdelay $0x2  }
0xbe: {  	s31 =	sshll.u32 s1, $0xD;
	s1 =	sshrl.u32 s1, $0x2  }
0xbf: {  	s3 =	sand.u32 $0x4000, s31;
	s1 =	sadd.s32 s1, s30  }
0xc0: {  	s0 =	sor.u32 s3, s0;
	s1 =	sshll.u32 s1, $0x11  }
0xc1: {  	s0 =	sor.u32 s1, s0  }
0xc2: {  	s0 =	sadd.s32 $0x8F2B, s0  }
0xc3: {  	[sflag:s0] =	ssyncadd.remote.s32 $0x1  }
0xc4: {  	_ =	sfence.sel $0xFFFF  }
0xc5: {  	[dreg:$0x0] =	wrdreg $0xFFFFFFFF;
	(pc) =	sbr.abs _section_cstart, $3  }
0xc6: {  	[dreg:$0x1] =	wrdreg $0xFFFFFFFF  }
0xc7: {  	_ =	task.clear_ibuf [dreg:s10], $0x2FFFF;
	_ =	strace $0x9FFFFFFF  }
0xc8: {  	(tm) =	ssettm $0x7FFFFFFF  }
0xc9: {  	_ =	shalt  }
tec
execute0_lowered:
.L_overlay_start_1:
0x0: {  	(tag) =	ssettag $0x1  }
0x1: {  	s1 =	rddreg [dreg:$0x0]  }
0x2: {  	s2 =	rddreg [dreg:$0x1]  }
0x3: {  	s0 =	rddreg [dreg:$0x2]  }
0x4: {  	s4 =	rddreg [dreg:$0x3]  }
0x5: {  	s5 =	rddreg [dreg:$0x4]  }
0x6: {  	s3 =	srdreg.scid;
	s6 =	stileid.u32;
	s16 =	simm.s32 $0x0  }
0x7: {  	s28 =	simm.s32 $0x880;
	s29 =	simm.s32 $0x1E580;
	s30 =	simm.s32 $0x1BB00  }
0x8: {  	s31 =	simm.s32 $0x2;
	s13 =	simm.s32 $0x4;
	s3 =	sand.u32 $0x1, s3  }
0x9: {  	s6 =	sshll.u32 s6, $0x1;
	[smem:$0x7FF] =	sst s16;
	s7 =	sadd.s32 $0xC00, s0  }
0xa: {  	s6 =	sor.u32 s3, s6;
	_ =	strace $0x80000047;
	s3 =	ssub.s32 $0x2, s3  }
0xb: {  	s8 =	sshll.u32 s6, $0xA;
	s19 =	sshll.u32 s6, $0x9;
	s9 =	smul.u32 $0xC80, s6  }
0xc: {  	s11 =	sshrl.u32 s3, $0x1;
	s6 =	sshll.u32 s6, $0x6;
	s0 =	sadd.s32 s8, s0  }
0xd: {  	s10 =	sor.u32 $0x8, s19;
	s3 =	ssub.s32 s3, s11;
	s20 =	sadd.s32 s1, s6  }
0xe: {  	s6 =	sadd.s32 s2, s6;
	s14 =	sor.u32 $0x10, s19;
	s15 =	sor.u32 $0x18, s19  }
0xf: {  	s19 =	simm.s32 $0xF900;
	s8 =	simm.s32 $0x1BBF0;
	[dreg:$0x6] =	wrdreg s20  }
0x10: {  	s11 =	simm.s32 $0x17100;
	s12 =	smul.u32 $0x32, s10;
	[dreg:$0x7] =	wrdreg s6  }
0x11: {  	s21 =	sadd.s32 s7, s9;
	s22 =	sshrl.u32 s10, $0x3;
	s25 =	sadd.s32 $0x19C00, s0  }
0x12: {  	s0 =	sadd.s32 $0x21C00, s0;
	s26 =	smax.u32 s3, $0x1;
	[dreg:$0x8] =	wrdreg s21  }
0x13: {  	s20 =	simm.s32 $0x1BBA0;
	s9 =	simm.s32 $0x14900;
	[dreg:$0xc] =	wrdreg s25  }
0x14: {  	s10 =	sadd.s32 s1, s22;
	s6 =	sadd.s32 s2, s22;
	[dreg:$0xd] =	wrdreg s0  }
.Ltmp0:
0x15: {  	[dreg:$0xe] =	wrdreg s26;
	s25 =	simm.s32 $0x50;
	(pc) =	sbr.rel .LBB2_1-.Ltmp0, $4  }
0x16: {  	s26 =	simm.s32 $0x1BB50;
	s21 =	simm.s32 $0x12100;
	[dreg:$0x9] =	wrdreg s10  }
0x17: {  	s23 =	sshrl.u32 s12, $0x3;
	[dreg:$0xa] =	wrdreg s6;
	s10 =	simm.s32 $0x1BC40  }
0x18: {  	s12 =	simm.s32 $0x3;
	s6 =	simm.s32 $0x0;
	s24 =	sadd.s32 s7, s23  }
0x19: {  	s23 =	simm.s32 $0x8;
	[dreg:$0xb] =	wrdreg s24;
	s24 =	simm.s32 $0xD100  }
.LBB2_36:
0x1a: {  	s16 =	simm.s32 $0x0;
	s0 =	rddreg [dreg:$0xc];
	s3 =	simm.s32 $0x1BD00  }
0x1b: {  	[hbm4b:s0+s16] =	stream.linear.scatter [tilespmem:s3], [sflag:$0x5], $0x2000, $0x38;
	[tilespmem:$0x1E600] =	vst v63  }
0x1c: {  	s3 =	simm.s32 $0x5  }
0x1d: {  	_ =	swait.ge [sflag:s3], $0x2000  }
0x1e: {  	[sflag:s3] =	ssyncset.done $0x0  }
0x1f: {  	s6 =	simm.s32 $0x19900;
	s17 =	rddreg [dreg:$0xd];
	[sflag:s3] =	ssyncadd.s32 $0xFFFFE000  }
0x20: {  	[hbm4b:s17+s16] =	stream.linear.scatter [tilespmem:s6], [sflag:$0x5], $0x2000, $0x38;
	[tilespmem:$0x1E600] =	vst v63  }
0x21: {  	_ =	swait.ge [sflag:s3], $0x2000  }
0x22: {  	s18 =	rddreg [dreg:$0xf]  }
0x23: {  	s22 =	rddreg [dreg:$0xe];
	s6 =	sadd.s32 $0x1, s18  }
0x24: {  	p0 =	sne.s32 s6, s22  }
.Ltmp1:
0x25: {  	_ = 	snop;
	(pc) =	sbr.rel @!p0 .LBB2_37-.Ltmp1, $3  }
0x26: {  	_ =	sdelay $0x1  }
0x27: {  	[sflag:s3] =	ssyncset.done $0x0  }
0x28: {  	[sflag:s3] =	ssyncadd.s32 $0xFFFFE000  }
.LBB2_1:
0x29: {  	[dreg:$0xf] =	wrdreg s6  }
0x2a: {  	s0 =	rddreg [dreg:$0x6];
	s3 =	simm.s32 $0x800  }
0x2b: {  	[tilespmem:s3], [sflag:$0x1] =	stream.linear.gather [hbm4b:s0+s16], $0x8, $0x38;
	[tilespmem:$0x1E600] =	vst v63  }
0x2c: {  	s17 =	rddreg [dreg:$0x7];
	s6 =	simm.s32 $0x1E500  }
0x2d: {  	[tilespmem:s6], [sflag:$0x1] =	stream.linear.gather [hbm4b:s17+s16], $0x8, $0x38;
	[tilespmem:$0x1E600] =	vst v63  }
0x2e: {  	s18 =	rddreg [dreg:$0x8];
	s22 =	simm.s32 $0x1;
	s17 =	simm.s32 $0x1B900  }
0x2f: {  	[tilespmem:s17], [sflag:$0x1] =	stream.linear.gather [hbm4b:s18+s16], $0x190, $0x38;
	[tilespmem:$0x1E600] =	vst v63  }
0x30: {  	_ =	swait.ge [sflag:s22], $0x8  }
0x31: {  	[sflag:s22] =	ssyncset.done $0x0  }
0x32: {  	[sflag:s22] =	ssyncadd.s32 $0xFFFFFFF8  }
0x33: {  	_ =	swait.ge [sflag:s22], $0x8  }
0x34: {  	[sflag:s22] =	ssyncset.done $0x0  }
0x35: {  	[sflag:s22] =	ssyncadd.s32 $0xFFFFFFF8  }
0x36: {  	_ =	swait.ge [sflag:s22], $0x190  }
0x37: {  	[sflag:s22] =	ssyncset.done $0x0  }
0x38: {  	[sflag:s22] =	ssyncadd.s32 $0xFFFFFE70  }
0x39: {  	[tilespmem:s16], [sflag:$0x3] =	stream.indirect.gather [hbm4b:s4+s23], $0x80, s3, s23, $0xb8;
	[tilespmem:$0x1E600] =	vst v63  }
0x3a: {  	s3 =	simm.s32 $0x1DD00  }
0x3b: {  	[tilespmem:s3], [sflag:$0x3] =	stream.indirect.gather [hbm4b:s5+s23], $0x80, s6, s23, $0xb8;
	[tilespmem:$0x1E600] =	vst v63  }
0x3c: {  	s6 =	simm.s32 $0x900  }
0x3d: {  	[tilespmem:s6], [sflag:$0x3] =	stream.indirect.gather [hbm4b:s5+s25], $0x80, s17, s25, $0xb8;
	[tilespmem:$0x1E600] =	vst v63  }
0x3e: {  	s18 =	simm.s32 $0x1B950;
	s22 =	simm.s32 $0x3100  }
0x3f: {  	[tilespmem:s22], [sflag:$0x3] =	stream.indirect.gather [hbm4b:s5+s25], $0x80, s18, s25, $0xb8;
	[tilespmem:$0x1E600] =	vst v63  }
0x40: {  	s6 =	simm.s32 $0x1B9A0;
	s17 =	simm.s32 $0x5900  }
0x41: {  	[tilespmem:s17], [sflag:$0x3] =	stream.indirect.gather [hbm4b:s5+s25], $0x80, s6, s25, $0xb8;
	[tilespmem:$0x1E600] =	vst v63  }
0x42: {  	s18 =	simm.s32 $0x1B9F0;
	s22 =	simm.s32 $0x8100  }
0x43: {  	[tilespmem:s22], [sflag:$0x3] =	stream.indirect.gather [hbm4b:s5+s25], $0x80, s18, s25, $0xb8;
	[tilespmem:$0x1E600] =	vst v63  }
0x44: {  	s3 =	simm.s32 $0x1BA40;
	s6 =	simm.s32 $0xA900  }
0x45: {  	[tilespmem:s6], [sflag:$0x3] =	stream.indirect.gather [hbm4b:s5+s25], $0x80, s3, s25, $0xb8;
	[tilespmem:$0x1E600] =	vst v63  }
0x46: {  	s17 =	rddreg [dreg:$0x9]  }
0x47: {  	[tilespmem:s28], [sflag:$0x2] =	stream.linear.gather [hbm4b:s17+s16], $0x8, $0x38;
	[tilespmem:$0x1E600] =	vst v63  }
0x48: {  	s18 =	rddreg [dreg:$0xa]  }
0x49: {  	[tilespmem:s29], [sflag:$0x2] =	stream.linear.gather [hbm4b:s18+s16], $0x8, $0x38;
	[tilespmem:$0x1E600] =	vst v63  }
0x4a: {  	s22 =	rddreg [dreg:$0xb]  }
0x4b: {  	[tilespmem:s30], [sflag:$0x2] =	stream.linear.gather [hbm4b:s22+s16], $0x190, $0x38;
	[tilespmem:$0x1E600] =	vst v63  }
0x4c: {  	_ =	swait.ge [sflag:s31], $0x8  }
0x4d: {  	[sflag:s31] =	ssyncset.done $0x0  }
0x4e: {  	[sflag:s31] =	ssyncadd.s32 $0xFFFFFFF8  }
0x4f: {  	_ =	swait.ge [sflag:s31], $0x8  }
0x50: {  	[sflag:s31] =	ssyncset.done $0x0  }
0x51: {  	[sflag:s31] =	ssyncadd.s32 $0xFFFFFFF8  }
0x52: {  	_ =	swait.ge [sflag:s31], $0x190  }
0x53: {  	[sflag:s31] =	ssyncset.done $0x0  }
0x54: {  	s18 =	simm.s32 $0x0;
	[sflag:s31] =	ssyncadd.s32 $0xFFFFFE70  }
.LBB2_2:
0x55: {  	s0 =	simm.s32 $0x400  }
0x56: {  	[tilespmem:s0], [sflag:$0x4] =	stream.indirect.gather [hbm4b:s4+s23], $0x80, s28, s23, $0xb8;
	[tilespmem:$0x1E600] =	vst v63  }
0x57: {  	s16 =	simm.s32 $0x1E100  }
0x58: {  	[tilespmem:s16], [sflag:$0x4] =	stream.indirect.gather [hbm4b:s5+s23], $0x80, s29, s23, $0xb8;
	[tilespmem:$0x1E600] =	vst v63  }
0x59: {  	_ = 	snop  }
0x5a: {  	[tilespmem:s24], [sflag:$0x4] =	stream.indirect.gather [hbm4b:s5+s25], $0x80, s30, s25, $0xb8;
	[tilespmem:$0x1E600] =	vst v63  }
0x5b: {  	_ = 	snop  }
0x5c: {  	[tilespmem:s19], [sflag:$0x4] =	stream.indirect.gather [hbm4b:s5+s25], $0x80, s26, s25, $0xb8;
	[tilespmem:$0x1E600] =	vst v63  }
0x5d: {  	_ = 	snop  }
0x5e: {  	[tilespmem:s21], [sflag:$0x4] =	stream.indirect.gather [hbm4b:s5+s25], $0x80, s20, s25, $0xb8;
	[tilespmem:$0x1E600] =	vst v63  }
0x5f: {  	_ = 	snop  }
0x60: {  	[tilespmem:s9], [sflag:$0x4] =	stream.indirect.gather [hbm4b:s5+s25], $0x80, s8, s25, $0xb8;
	[tilespmem:$0x1E600] =	vst v63  }
0x61: {  	_ = 	snop  }
0x62: {  	[tilespmem:s11], [sflag:$0x4] =	stream.indirect.gather [hbm4b:s5+s25], $0x80, s10, s25, $0xb8;
	[tilespmem:$0x1E600] =	vst v63  }
0x63: {  	_ =	swait.ge [sflag:s12], $0x400  }
0x64: {  	[sflag:s12] =	ssyncset.done $0x0  }
0x65: {  	[sflag:s12] =	ssyncadd.s32 $0xFFFFFC00  }
0x66: {  	_ =	swait.ge [sflag:s12], $0x400  }
0x67: {  	[sflag:s12] =	ssyncset.done $0x0  }
0x68: {  	[sflag:s12] =	ssyncadd.s32 $0xFFFFFC00  }
0x69: {  	_ =	swait.ge [sflag:s12], $0x2800  }
0x6a: {  	[sflag:s12] =	ssyncset.done $0x0  }
0x6b: {  	[sflag:s12] =	ssyncadd.s32 $0xFFFFD800  }
0x6c: {  	_ =	swait.ge [sflag:s12], $0x2800  }
0x6d: {  	[sflag:s12] =	ssyncset.done $0x0  }
0x6e: {  	[sflag:s12] =	ssyncadd.s32 $0xFFFFD800  }
0x6f: {  	_ =	swait.ge [sflag:s12], $0x2800  }
0x70: {  	[sflag:s12] =	ssyncset.done $0x0  }
0x71: {  	[sflag:s12] =	ssyncadd.s32 $0xFFFFD800  }
0x72: {  	_ =	swait.ge [sflag:s12], $0x2800  }
0x73: {  	p0 =	seq.s32 s18, $0x1F;
	[sflag:s12] =	ssyncset.done $0x0  }
0x74: {  	s6 =	sshll.u32 @!p0 s18, $0x4;
	[sflag:s12] =	ssyncadd.s32 $0xFFFFD800  }
0x75: {  	s16 =	sadd.s32 @!p0 s6, s14;
	_ =	swait.ge [sflag:s12], $0x2800  }
0x76: {  	s0 =	simm.s32 @!p0 $0x0;
	s17 =	sshrl.u32 @!p0 s16, $0x3;
	[sflag:s12] =	ssyncset.done $0x0  }
0x77: {  	s3 =	simm.s32 @!p0 $0x800;
	s22 =	sadd.s32 @!p0 s1, s17;
	[sflag:s12] =	ssyncadd.s32 $0xFFFFD800  }
0x78: {  	[tilespmem:s3], [sflag:$0x1] =	stream.linear.gather @!p0 [hbm4b:s22+s0], $0x8, $0x38;
	[tilespmem:$0x1E600] =	vst v63  }
0x79: {  	s3 =	smul.u32 @!p0 $0x32, s16;
	s16 =	sadd.s32 @!p0 s2, s17;
	s17 =	simm.s32 @!p0 $0x1E500  }
0x7a: {  	[tilespmem:s17], [sflag:$0x1] =	stream.linear.gather @!p0 [hbm4b:s16+s0], $0x8, $0x38;
	[tilespmem:$0x1E600] =	vst v63  }
0x7b: {  	s3 =	sshrl.u32 @!p0 s3, $0x3  }
0x7c: {  	s16 =	simm.s32 @!p0 $0x1B900;
	s3 =	sadd.s32 @!p0 s7, s3  }
0x7d: {  	[tilespmem:s16], [sflag:$0x1] =	stream.linear.gather @!p0 [hbm4b:s3+s0], $0x190, $0x38;
	[tilespmem:$0x1E600] =	vst v63  }
0x7e: {  	v11 =	vld [tilespmem:$0x0]  }
0x7f: {  	v12 =	vld [tilespmem:$0x10]  }
0x80: {  	v9 =	vld [tilespmem:$0x20]  }
0x81: {  	v6 =	vld [tilespmem:$0x30]  }
0x82: {  	v4 =	vld [tilespmem:$0x40]  }
0x83: {  	v2 =	vld [tilespmem:$0x50]  }
0x84: {  	v1 =	vld [tilespmem:$0x60]  }
0x85: {  	v0 =	vld [tilespmem:$0x70]  }
0x86: {  	v14 =	vld [tilespmem:$0x1DD00]  }
0x87: {  	v15 =	vld [tilespmem:$0x1DD10]  }
0x88: {  	v13 =	vld [tilespmem:$0x1DD20]  }
0x89: {  	v10 =	vld [tilespmem:$0x1DD30]  }
0x8a: {  	v7 =	vld [tilespmem:$0x1DD40]  }
0x8b: {  	s17 =	simm.s32 $0x980;
	v5 =	vld [tilespmem:$0x1DD50]  }
0x8c: {  	v8 =	vld [tilespmem:s17+$0x0]  }
0x8d: {  	v16 =	vld [tilespmem:s17+$0x10]  }
0x8e: {  	v17 =	vld [tilespmem:s17+$0x20]  }
0x8f: {  	v18 =	vld [tilespmem:s17+$0x30]  }
0x90: {  	v19 =	vld [tilespmem:s17+$0x40]  }
0x91: {  	v20 =	vld [tilespmem:s17+$0x50]  }
0x92: {  	v21 =	vld [tilespmem:s17+$0xFFFFFF80]  }
0x93: {  	v22 =	vld [tilespmem:s17+$0xFFFFFF90]  }
0x94: {  	v23 =	vld [tilespmem:s17+$0xFFFFFFA0]  }
0x95: {  	v28 =	vld [tilespmem:s17+$0xFFFFFFB0]  }
0x96: {  	v29 =	vld [tilespmem:s17+$0xFFFFFFC0];
	v26 =	vmul.f32 v8, v11  }
0x97: {  	v3 =	vld [tilespmem:$0x1DD60];
	v27 =	vmul.f32 v16, v12;
	v24 =	vmul.f32 v17, v9  }
0x98: {  	v32 =	vld [tilespmem:s17+$0xFFFFFFD0];
	v25 =	vmul.f32 v18, v6;
	v16 =	vmul.f32 v19, v4  }
0x99: {  	v31 =	vld [tilespmem:s17+$0xFFFFFFE0];
	v18 =	vmul.f32 v21, v11;
	v19 =	vmul.f32 v22, v12  }
0x9a: {  	v30 =	vld [tilespmem:s17+$0xFFFFFFF0];
	v22 =	vimm.f32 $0.0e+00;
	v17 =	vmul.f32 v20, v2;
	v37 =	vmul.f32 v23, v9  }
0x9b: {  	v8 =	vld [tilespmem:$0x1DD70];
	v34 =	vmul.f32 v28, v6;
	v33 =	vmul.f32 v29, v4;
	v23 =	vimm.f32 $0.0e+00  }
0x9c: {  	v28 =	vld [tilespmem:s17+$0x60];
	v20 =	vimm.f32 $0.0e+00;
	v21 =	vimm.f32 $0.0e+00;
	v35 =	vadd.f32 v18, v22  }
0x9d: {  	s22 =	simm.s32 $0x0;
	s16 =	sshll.u32 s18, $0x8;
	v29 =	vld [tilespmem:s17+$0x70];
	s17 =	simm.s32 $0xA80;
	v36 =	vadd.f32 v19, v22;
	v19 =	vimm.f32 $0.0e+00;
	v18 =	vimm.f32 $0.0e+00  }
.LBB2_3:
0x9e: {  	v38 =	vld [tilespmem:s17+$0x0];
	v22 =	vadd.f32 v37, v22;
	v23 =	vadd.f32 v34, v23;
	v32 =	vmul.f32 v32, v2  }
0x9f: {  	v34 =	vld [tilespmem:s17+$0x10];
	v31 =	vmul.f32 v31, v1;
	v35 =	vadd.f32 v26, v35;
	v36 =	vadd.f32 v27, v36  }
0xa0: {  	v37 =	vld [tilespmem:s17+$0x20];
	v26 =	vmul.f32 v30, v0;
	v22 =	vadd.f32 v24, v22;
	v23 =	vadd.f32 v25, v23  }
0xa1: {  	v20 =	vadd.f32 v33, v20;
	v21 =	vadd.f32 v32, v21;
	v25 =	vld [tilespmem:s17+$0x30];
	v24 =	vmul.f32 v28, v1  }
0xa2: {  	v19 =	vadd.f32 v31, v19;
	v28 =	vld [tilespmem:s17+$0x40];
	v18 =	vadd.f32 v26, v18;
	v26 =	vmul.f32 v29, v0  }
0xa3: {  	v20 =	vadd.f32 v16, v20;
	v21 =	vadd.f32 v17, v21;
	v29 =	vld [tilespmem:s17+$0x50]  }
0xa4: {  	v19 =	vadd.f32 v24, v19;
	v30 =	vld [tilespmem:s17+$0xFFFFFF80];
	v18 =	vadd.f32 v26, v18  }
0xa5: {  	v33 =	vld [tilespmem:s17+$0xFFFFFF90]  }
0xa6: {  	v39 =	vld [tilespmem:s17+$0xFFFFFFA0]  }
0xa7: {  	s22 =	sadd.s32 $0x2, s22;
	v40 =	vld [tilespmem:s17+$0xFFFFFFB0]  }
0xa8: {  	p1 =	slt.u32 s22, $0x30;
	v26 =	vmul.f32 v38, v11;
	v27 =	vmul.f32 v34, v12;
	v41 =	vld [tilespmem:s17+$0xFFFFFFC0]  }
.Ltmp2:
0xa9: {  	v24 =	vmul.f32 v37, v9;
	v25 =	vmul.f32 v25, v6;
	v32 =	vld [tilespmem:s17+$0xFFFFFFD0];
	(pc) =	sbr.rel @p1 .LBB2_3-.Ltmp2, $4  }
0xaa: {  	v16 =	vmul.f32 v28, v4;
	v17 =	vmul.f32 v29, v2;
	v31 =	vld [tilespmem:s17+$0xFFFFFFE0]  }
0xab: {  	v29 =	vmul.f32 v30, v11;
	v33 =	vmul.f32 v33, v12;
	v30 =	vld [tilespmem:s17+$0xFFFFFFF0]  }
0xac: {  	v37 =	vmul.f32 v39, v9;
	v34 =	vmul.f32 v40, v6;
	v28 =	vld [tilespmem:s17+$0x60]  }
0xad: {  	v35 =	vadd.f32 v29, v35;
	v36 =	vadd.f32 v33, v36;
	v33 =	vmul.f32 v41, v4;
	v29 =	vld [tilespmem:s17+$0x70];
	s17 =	sadd.s32 $0x100, s17  }
0xae: {  	v22 =	vadd.f32 v37, v22;
	v11 =	vmul.f32 v14, v11;
	v12 =	vmul.f32 v15, v12  }
0xaf: {  	v14 =	vadd.f32 v26, v35;
	v15 =	vadd.f32 v27, v36  }
0xb0: {  	v23 =	vadd.f32 v34, v23;
	v9 =	vmul.f32 v13, v9;
	v11 =	vadd.f32 v12, v11  }
0xb1: {  	v6 =	vmul.f32 v10, v6;
	v13 =	vadd.f32 v24, v22;
	v14 =	vadd.f32 v15, v14  }
0xb2: {  	v12 =	vmul.f32 v32, v2;
	v15 =	vadd.f32 v25, v23;
	v9 =	vadd.f32 v9, v11  }
0xb3: {  	v4 =	vmul.f32 v7, v4;
	v11 =	vadd.f32 v33, v20;
	v13 =	vadd.f32 v13, v14  }
0xb4: {  	v10 =	vmul.f32 v31, v1;
	v12 =	vadd.f32 v12, v21;
	v6 =	vadd.f32 v6, v9  }
0xb5: {  	v7 =	vmul.f32 v30, v0;
	v9 =	vadd.f32 v16, v11;
	v11 =	vadd.f32 v15, v13  }
0xb6: {  	v2 =	vmul.f32 v5, v2;
	v10 =	vadd.f32 v10, v19;
	v4 =	vadd.f32 v4, v6  }
0xb7: {  	v5 =	vmul.f32 v28, v1;
	v6 =	vadd.f32 v17, v12;
	v9 =	vadd.f32 v9, v11  }
0xb8: {  	v1 =	vmul.f32 v3, v1;
	v7 =	vadd.f32 v7, v18;
	v2 =	vadd.f32 v2, v4  }
0xb9: {  	v3 =	vmul.f32 v29, v0;
	v4 =	vadd.f32 v5, v10;
	v5 =	vadd.f32 v6, v9  }
0xba: {  	v0 =	vmul.f32 v8, v0;
	v1 =	vadd.f32 v1, v2  }
0xbb: {  	v2 =	vadd.f32 v3, v7;
	v3 =	vadd.f32 v4, v5  }
0xbc: {  	v0 =	vadd.f32 v0, v1  }
0xbd: {  	v1 =	vadd.f32 v2, v3  }
0xbe: {  	[tilespmem:s16+$0x1BD00] =	vst v0  }
0xbf: {  	[tilespmem:s16+$0x19900] =	vst v1  }
0xc0: {  	v11 =	vld [tilespmem:$0x80]  }
0xc1: {  	v12 =	vld [tilespmem:$0x90]  }
0xc2: {  	v9 =	vld [tilespmem:$0xA0]  }
0xc3: {  	v6 =	vld [tilespmem:$0xB0]  }
0xc4: {  	v4 =	vld [tilespmem:$0xC0]  }
0xc5: {  	v2 =	vld [tilespmem:$0xD0]  }
0xc6: {  	v1 =	vld [tilespmem:$0xE0]  }
0xc7: {  	v0 =	vld [tilespmem:$0xF0]  }
0xc8: {  	v14 =	vld [tilespmem:$0x1DD80]  }
0xc9: {  	v15 =	vld [tilespmem:$0x1DD90]  }
0xca: {  	v13 =	vld [tilespmem:$0x1DDA0]  }
0xcb: {  	v10 =	vld [tilespmem:$0x1DDB0]  }
0xcc: {  	v7 =	vld [tilespmem:$0x1DDC0]  }
0xcd: {  	s0 =	simm.s32 $0x22F0;
	v5 =	vld [tilespmem:$0x1DDD0]  }
0xce: {  	v8 =	vld [tilespmem:s0+$0xFFFFFF90]  }
0xcf: {  	v16 =	vld [tilespmem:s0+$0xFFFFFFA0]  }
0xd0: {  	v17 =	vld [tilespmem:s0+$0xFFFFFFB0]  }
0xd1: {  	v18 =	vld [tilespmem:s0+$0xFFFFFFC0]  }
0xd2: {  	v19 =	vld [tilespmem:s0+$0xFFFFFFD0]  }
0xd3: {  	v20 =	vld [tilespmem:s0+$0xFFFFFFE0]  }
0xd4: {  	v21 =	vld [tilespmem:s0+$0xFFFFFF10]  }
0xd5: {  	v22 =	vld [tilespmem:s0+$0xFFFFFF20]  }
0xd6: {  	v23 =	vld [tilespmem:s0+$0xFFFFFF30]  }
0xd7: {  	v28 =	vld [tilespmem:s0+$0xFFFFFF40]  }
0xd8: {  	v29 =	vld [tilespmem:s0+$0xFFFFFF50];
	v26 =	vmul.f32 v8, v11  }
0xd9: {  	v3 =	vld [tilespmem:$0x1DDE0];
	v27 =	vmul.f32 v16, v12;
	v24 =	vmul.f32 v17, v9  }
0xda: {  	v32 =	vld [tilespmem:s0+$0xFFFFFF60];
	v25 =	vmul.f32 v18, v6;
	v17 =	vmul.f32 v19, v4  }
0xdb: {  	v31 =	vld [tilespmem:s0+$0xFFFFFF70];
	v16 =	vmul.f32 v21, v11;
	v19 =	vmul.f32 v22, v12  }
0xdc: {  	v30 =	vld [tilespmem:s0+$0xFFFFFF80];
	v22 =	vimm.f32 $0.0e+00;
	v18 =	vmul.f32 v20, v2;
	v37 =	vmul.f32 v23, v9  }
0xdd: {  	v8 =	vld [tilespmem:$0x1DDF0];
	v34 =	vmul.f32 v28, v6;
	v33 =	vmul.f32 v29, v4;
	v23 =	vimm.f32 $0.0e+00  }
0xde: {  	v28 =	vld [tilespmem:s0+$0xFFFFFFF0];
	v20 =	vimm.f32 $0.0e+00;
	v21 =	vimm.f32 $0.0e+00;
	v35 =	vadd.f32 v16, v22  }
0xdf: {  	s22 =	simm.s32 $0x0;
	s17 =	simm.s32 $0x23F0;
	v29 =	vld [tilespmem:s0+$0x0];
	v36 =	vadd.f32 v19, v22;
	v19 =	vimm.f32 $0.0e+00;
	v16 =	vimm.f32 $0.0e+00  }
.LBB2_5:
0xe0: {  	v38 =	vld [tilespmem:s17+$0xFFFFFF90];
	v22 =	vadd.f32 v37, v22;
	v23 =	vadd.f32 v34, v23;
	v32 =	vmul.f32 v32, v2  }
0xe1: {  	v34 =	vld [tilespmem:s17+$0xFFFFFFA0];
	v31 =	vmul.f32 v31, v1;
	v35 =	vadd.f32 v26, v35;
	v36 =	vadd.f32 v27, v36  }
0xe2: {  	v37 =	vld [tilespmem:s17+$0xFFFFFFB0];
	v26 =	vmul.f32 v30, v0;
	v22 =	vadd.f32 v24, v22;
	v23 =	vadd.f32 v25, v23  }
0xe3: {  	v20 =	vadd.f32 v33, v20;
	v21 =	vadd.f32 v32, v21;
	v25 =	vld [tilespmem:s17+$0xFFFFFFC0];
	v24 =	vmul.f32 v28, v1  }
0xe4: {  	v19 =	vadd.f32 v31, v19;
	v28 =	vld [tilespmem:s17+$0xFFFFFFD0];
	v16 =	vadd.f32 v26, v16;
	v26 =	vmul.f32 v29, v0  }
0xe5: {  	v20 =	vadd.f32 v17, v20;
	v21 =	vadd.f32 v18, v21;
	v29 =	vld [tilespmem:s17+$0xFFFFFFE0]  }
0xe6: {  	v19 =	vadd.f32 v24, v19;
	v30 =	vld [tilespmem:s17+$0xFFFFFF10];
	v16 =	vadd.f32 v26, v16  }
0xe7: {  	v33 =	vld [tilespmem:s17+$0xFFFFFF20]  }
0xe8: {  	v39 =	vld [tilespmem:s17+$0xFFFFFF30]  }
0xe9: {  	s22 =	sadd.s32 $0x2, s22;
	v40 =	vld [tilespmem:s17+$0xFFFFFF40]  }
0xea: {  	p1 =	slt.u32 s22, $0x30;
	v26 =	vmul.f32 v38, v11;
	v27 =	vmul.f32 v34, v12;
	v41 =	vld [tilespmem:s17+$0xFFFFFF50]  }
.Ltmp3:
0xeb: {  	v24 =	vmul.f32 v37, v9;
	v25 =	vmul.f32 v25, v6;
	v32 =	vld [tilespmem:s17+$0xFFFFFF60];
	(pc) =	sbr.rel @p1 .LBB2_5-.Ltmp3, $4  }
0xec: {  	v17 =	vmul.f32 v28, v4;
	v18 =	vmul.f32 v29, v2;
	v31 =	vld [tilespmem:s17+$0xFFFFFF70]  }
0xed: {  	v29 =	vmul.f32 v30, v11;
	v33 =	vmul.f32 v33, v12;
	v30 =	vld [tilespmem:s17+$0xFFFFFF80]  }
0xee: {  	v37 =	vmul.f32 v39, v9;
	v34 =	vmul.f32 v40, v6;
	v28 =	vld [tilespmem:s17+$0xFFFFFFF0]  }
0xef: {  	v35 =	vadd.f32 v29, v35;
	v36 =	vadd.f32 v33, v36;
	v33 =	vmul.f32 v41, v4;
	v29 =	vld [tilespmem:s17+$0x0];
	s17 =	sadd.s32 $0x100, s17  }
0xf0: {  	v22 =	vadd.f32 v37, v22;
	v11 =	vmul.f32 v14, v11;
	v12 =	vmul.f32 v15, v12  }
0xf1: {  	v14 =	vadd.f32 v26, v35;
	v15 =	vadd.f32 v27, v36  }
0xf2: {  	v23 =	vadd.f32 v34, v23;
	v9 =	vmul.f32 v13, v9;
	v11 =	vadd.f32 v12, v11  }
0xf3: {  	v6 =	vmul.f32 v10, v6;
	v13 =	vadd.f32 v24, v22;
	v14 =	vadd.f32 v15, v14  }
0xf4: {  	v12 =	vmul.f32 v32, v2;
	v15 =	vadd.f32 v25, v23;
	v9 =	vadd.f32 v9, v11  }
0xf5: {  	v4 =	vmul.f32 v7, v4;
	v11 =	vadd.f32 v33, v20;
	v13 =	vadd.f32 v13, v14  }
0xf6: {  	v10 =	vmul.f32 v31, v1;
	v12 =	vadd.f32 v12, v21;
	v6 =	vadd.f32 v6, v9  }
0xf7: {  	v7 =	vmul.f32 v30, v0;
	v9 =	vadd.f32 v17, v11;
	v11 =	vadd.f32 v15, v13  }
0xf8: {  	v2 =	vmul.f32 v5, v2;
	v10 =	vadd.f32 v10, v19;
	v4 =	vadd.f32 v4, v6  }
0xf9: {  	v5 =	vmul.f32 v28, v1;
	v6 =	vadd.f32 v18, v12;
	v9 =	vadd.f32 v9, v11  }
0xfa: {  	v1 =	vmul.f32 v3, v1;
	v7 =	vadd.f32 v7, v16;
	v2 =	vadd.f32 v2, v4  }
0xfb: {  	v3 =	vmul.f32 v29, v0;
	v4 =	vadd.f32 v5, v10;
	v5 =	vadd.f32 v6, v9  }
0xfc: {  	v0 =	vmul.f32 v8, v0;
	v1 =	vadd.f32 v1, v2  }
0xfd: {  	v2 =	vadd.f32 v3, v7;
	v3 =	vadd.f32 v4, v5  }
0xfe: {  	v0 =	vadd.f32 v0, v1  }
0xff: {  	v1 =	vadd.f32 v2, v3  }
0x100: {  	[tilespmem:s16+$0x1BD10] =	vst v0  }
0x101: {  	[tilespmem:s16+$0x19910] =	vst v1  }
0x102: {  	v11 =	vld [tilespmem:$0x100]  }
0x103: {  	v12 =	vld [tilespmem:$0x110]  }
0x104: {  	v9 =	vld [tilespmem:$0x120]  }
0x105: {  	v6 =	vld [tilespmem:$0x130]  }
0x106: {  	v4 =	vld [tilespmem:$0x140]  }
0x107: {  	v2 =	vld [tilespmem:$0x150]  }
0x108: {  	v1 =	vld [tilespmem:$0x160]  }
0x109: {  	v0 =	vld [tilespmem:$0x170]  }
0x10a: {  	v14 =	vld [tilespmem:$0x1DE00]  }
0x10b: {  	v15 =	vld [tilespmem:$0x1DE10]  }
0x10c: {  	v13 =	vld [tilespmem:$0x1DE20]  }
0x10d: {  	v10 =	vld [tilespmem:$0x1DE30]  }
0x10e: {  	v7 =	vld [tilespmem:$0x1DE40]  }
0x10f: {  	s0 =	simm.s32 $0x3BF0;
	v5 =	vld [tilespmem:$0x1DE50]  }
0x110: {  	v8 =	vld [tilespmem:s0+$0xFFFFFF90]  }
0x111: {  	v16 =	vld [tilespmem:s0+$0xFFFFFFA0]  }
0x112: {  	v17 =	vld [tilespmem:s0+$0xFFFFFFB0]  }
0x113: {  	v18 =	vld [tilespmem:s0+$0xFFFFFFC0]  }
0x114: {  	v19 =	vld [tilespmem:s0+$0xFFFFFFD0]  }
0x115: {  	v20 =	vld [tilespmem:s0+$0xFFFFFFE0]  }
0x116: {  	v21 =	vld [tilespmem:s0+$0xFFFFFF10]  }
0x117: {  	v22 =	vld [tilespmem:s0+$0xFFFFFF20]  }
0x118: {  	v23 =	vld [tilespmem:s0+$0xFFFFFF30]  }
0x119: {  	v28 =	vld [tilespmem:s0+$0xFFFFFF40]  }
0x11a: {  	v29 =	vld [tilespmem:s0+$0xFFFFFF50];
	v26 =	vmul.f32 v8, v11  }
0x11b: {  	v3 =	vld [tilespmem:$0x1DE60];
	v27 =	vmul.f32 v16, v12;
	v24 =	vmul.f32 v17, v9  }
0x11c: {  	v32 =	vld [tilespmem:s0+$0xFFFFFF60];
	v25 =	vmul.f32 v18, v6;
	v17 =	vmul.f32 v19, v4  }
0x11d: {  	v31 =	vld [tilespmem:s0+$0xFFFFFF70];
	v16 =	vmul.f32 v21, v11;
	v19 =	vmul.f32 v22, v12  }
0x11e: {  	v30 =	vld [tilespmem:s0+$0xFFFFFF80];
	v22 =	vimm.f32 $0.0e+00;
	v18 =	vmul.f32 v20, v2;
	v37 =	vmul.f32 v23, v9  }
0x11f: {  	v8 =	vld [tilespmem:$0x1DE70];
	v34 =	vmul.f32 v28, v6;
	v33 =	vmul.f32 v29, v4;
	v23 =	vimm.f32 $0.0e+00  }
0x120: {  	v28 =	vld [tilespmem:s0+$0xFFFFFFF0];
	v20 =	vimm.f32 $0.0e+00;
	v21 =	vimm.f32 $0.0e+00;
	v35 =	vadd.f32 v16, v22  }
0x121: {  	s22 =	simm.s32 $0x0;
	s17 =	simm.s32 $0x3CF0;
	v29 =	vld [tilespmem:s0+$0x0];
	v36 =	vadd.f32 v19, v22;
	v19 =	vimm.f32 $0.0e+00;
	v16 =	vimm.f32 $0.0e+00  }
.LBB2_7:
0x122: {  	v38 =	vld [tilespmem:s17+$0xFFFFFF90];
	v22 =	vadd.f32 v37, v22;
	v23 =	vadd.f32 v34, v23;
	v32 =	vmul.f32 v32, v2  }
0x123: {  	v34 =	vld [tilespmem:s17+$0xFFFFFFA0];
	v31 =	vmul.f32 v31, v1;
	v35 =	vadd.f32 v26, v35;
	v36 =	vadd.f32 v27, v36  }
0x124: {  	v37 =	vld [tilespmem:s17+$0xFFFFFFB0];
	v26 =	vmul.f32 v30, v0;
	v22 =	vadd.f32 v24, v22;
	v23 =	vadd.f32 v25, v23  }
0x125: {  	v20 =	vadd.f32 v33, v20;
	v21 =	vadd.f32 v32, v21;
	v25 =	vld [tilespmem:s17+$0xFFFFFFC0];
	v24 =	vmul.f32 v28, v1  }
0x126: {  	v19 =	vadd.f32 v31, v19;
	v28 =	vld [tilespmem:s17+$0xFFFFFFD0];
	v16 =	vadd.f32 v26, v16;
	v26 =	vmul.f32 v29, v0  }
0x127: {  	v20 =	vadd.f32 v17, v20;
	v21 =	vadd.f32 v18, v21;
	v29 =	vld [tilespmem:s17+$0xFFFFFFE0]  }
0x128: {  	v19 =	vadd.f32 v24, v19;
	v30 =	vld [tilespmem:s17+$0xFFFFFF10];
	v16 =	vadd.f32 v26, v16  }
0x129: {  	v33 =	vld [tilespmem:s17+$0xFFFFFF20]  }
0x12a: {  	v39 =	vld [tilespmem:s17+$0xFFFFFF30]  }
0x12b: {  	s22 =	sadd.s32 $0x2, s22;
	v40 =	vld [tilespmem:s17+$0xFFFFFF40]  }
0x12c: {  	p1 =	slt.u32 s22, $0x30;
	v26 =	vmul.f32 v38, v11;
	v27 =	vmul.f32 v34, v12;
	v41 =	vld [tilespmem:s17+$0xFFFFFF50]  }
.Ltmp4:
0x12d: {  	v24 =	vmul.f32 v37, v9;
	v25 =	vmul.f32 v25, v6;
	v32 =	vld [tilespmem:s17+$0xFFFFFF60];
	(pc) =	sbr.rel @p1 .LBB2_7-.Ltmp4, $4  }
0x12e: {  	v17 =	vmul.f32 v28, v4;
	v18 =	vmul.f32 v29, v2;
	v31 =	vld [tilespmem:s17+$0xFFFFFF70]  }
0x12f: {  	v29 =	vmul.f32 v30, v11;
	v33 =	vmul.f32 v33, v12;
	v30 =	vld [tilespmem:s17+$0xFFFFFF80]  }
0x130: {  	v37 =	vmul.f32 v39, v9;
	v34 =	vmul.f32 v40, v6;
	v28 =	vld [tilespmem:s17+$0xFFFFFFF0]  }
0x131: {  	v35 =	vadd.f32 v29, v35;
	v36 =	vadd.f32 v33, v36;
	v33 =	vmul.f32 v41, v4;
	v29 =	vld [tilespmem:s17+$0x0];
	s17 =	sadd.s32 $0x100, s17  }
0x132: {  	v22 =	vadd.f32 v37, v22;
	v11 =	vmul.f32 v14, v11;
	v12 =	vmul.f32 v15, v12  }
0x133: {  	v14 =	vadd.f32 v26, v35;
	v15 =	vadd.f32 v27, v36  }
0x134: {  	v23 =	vadd.f32 v34, v23;
	v9 =	vmul.f32 v13, v9;
	v11 =	vadd.f32 v12, v11  }
0x135: {  	v6 =	vmul.f32 v10, v6;
	v13 =	vadd.f32 v24, v22;
	v14 =	vadd.f32 v15, v14  }
0x136: {  	v12 =	vmul.f32 v32, v2;
	v15 =	vadd.f32 v25, v23;
	v9 =	vadd.f32 v9, v11  }
0x137: {  	v4 =	vmul.f32 v7, v4;
	v11 =	vadd.f32 v33, v20;
	v13 =	vadd.f32 v13, v14  }
0x138: {  	v10 =	vmul.f32 v31, v1;
	v12 =	vadd.f32 v12, v21;
	v6 =	vadd.f32 v6, v9  }
0x139: {  	v7 =	vmul.f32 v30, v0;
	v9 =	vadd.f32 v17, v11;
	v11 =	vadd.f32 v15, v13  }
0x13a: {  	v2 =	vmul.f32 v5, v2;
	v10 =	vadd.f32 v10, v19;
	v4 =	vadd.f32 v4, v6  }
0x13b: {  	v5 =	vmul.f32 v28, v1;
	v6 =	vadd.f32 v18, v12;
	v9 =	vadd.f32 v9, v11  }
0x13c: {  	v1 =	vmul.f32 v3, v1;
	v7 =	vadd.f32 v7, v16;
	v2 =	vadd.f32 v2, v4  }
0x13d: {  	v3 =	vmul.f32 v29, v0;
	v4 =	vadd.f32 v5, v10;
	v5 =	vadd.f32 v6, v9  }
0x13e: {  	v0 =	vmul.f32 v8, v0;
	v1 =	vadd.f32 v1, v2  }
0x13f: {  	v2 =	vadd.f32 v3, v7;
	v3 =	vadd.f32 v4, v5  }
0x140: {  	v0 =	vadd.f32 v0, v1  }
0x141: {  	v1 =	vadd.f32 v2, v3  }
0x142: {  	[tilespmem:s16+$0x1BD20] =	vst v0  }
0x143: {  	[tilespmem:s16+$0x19920] =	vst v1  }
0x144: {  	v11 =	vld [tilespmem:$0x180]  }
0x145: {  	v12 =	vld [tilespmem:$0x190]  }
0x146: {  	v9 =	vld [tilespmem:$0x1A0]  }
0x147: {  	v6 =	vld [tilespmem:$0x1B0]  }
0x148: {  	v4 =	vld [tilespmem:$0x1C0]  }
0x149: {  	v2 =	vld [tilespmem:$0x1D0]  }
0x14a: {  	v1 =	vld [tilespmem:$0x1E0]  }
0x14b: {  	v0 =	vld [tilespmem:$0x1F0]  }
0x14c: {  	v14 =	vld [tilespmem:$0x1DE80]  }
0x14d: {  	v15 =	vld [tilespmem:$0x1DE90]  }
0x14e: {  	v13 =	vld [tilespmem:$0x1DEA0]  }
0x14f: {  	v10 =	vld [tilespmem:$0x1DEB0]  }
0x150: {  	v7 =	vld [tilespmem:$0x1DEC0]  }
0x151: {  	s0 =	simm.s32 $0x5400;
	v5 =	vld [tilespmem:$0x1DED0]  }
0x152: {  	v8 =	vld [tilespmem:s0+$0x80]  }
0x153: {  	v16 =	vld [tilespmem:s0+$0x90]  }
0x154: {  	v17 =	vld [tilespmem:s0+$0xA0]  }
0x155: {  	v18 =	vld [tilespmem:s0+$0xB0]  }
0x156: {  	v19 =	vld [tilespmem:s0+$0xC0]  }
0x157: {  	v20 =	vld [tilespmem:s0+$0xD0]  }
0x158: {  	v21 =	vld [tilespmem:s0+$0x0]  }
0x159: {  	v22 =	vld [tilespmem:s0+$0x10]  }
0x15a: {  	v23 =	vld [tilespmem:s0+$0x20]  }
0x15b: {  	v28 =	vld [tilespmem:s0+$0x30]  }
0x15c: {  	v29 =	vld [tilespmem:s0+$0x40];
	v26 =	vmul.f32 v8, v11  }
0x15d: {  	v3 =	vld [tilespmem:$0x1DEE0];
	v27 =	vmul.f32 v16, v12;
	v24 =	vmul.f32 v17, v9  }
0x15e: {  	v32 =	vld [tilespmem:s0+$0x50];
	v25 =	vmul.f32 v18, v6;
	v17 =	vmul.f32 v19, v4  }
0x15f: {  	v31 =	vld [tilespmem:s0+$0x60];
	v16 =	vmul.f32 v21, v11;
	v19 =	vmul.f32 v22, v12  }
0x160: {  	v30 =	vld [tilespmem:s0+$0x70];
	v22 =	vimm.f32 $0.0e+00;
	v18 =	vmul.f32 v20, v2;
	v37 =	vmul.f32 v23, v9  }
0x161: {  	v8 =	vld [tilespmem:$0x1DEF0];
	v34 =	vmul.f32 v28, v6;
	v33 =	vmul.f32 v29, v4;
	v23 =	vimm.f32 $0.0e+00  }
0x162: {  	v28 =	vld [tilespmem:s0+$0xE0];
	v20 =	vimm.f32 $0.0e+00;
	v21 =	vimm.f32 $0.0e+00;
	v35 =	vadd.f32 v16, v22  }
0x163: {  	s22 =	simm.s32 $0x0;
	s17 =	simm.s32 $0x5500;
	v29 =	vld [tilespmem:s0+$0xF0];
	v36 =	vadd.f32 v19, v22;
	v19 =	vimm.f32 $0.0e+00;
	v16 =	vimm.f32 $0.0e+00  }
.LBB2_9:
0x164: {  	v38 =	vld [tilespmem:s17+$0x80];
	v22 =	vadd.f32 v37, v22;
	v23 =	vadd.f32 v34, v23;
	v32 =	vmul.f32 v32, v2  }
0x165: {  	v34 =	vld [tilespmem:s17+$0x90];
	v31 =	vmul.f32 v31, v1;
	v35 =	vadd.f32 v26, v35;
	v36 =	vadd.f32 v27, v36  }
0x166: {  	v37 =	vld [tilespmem:s17+$0xA0];
	v26 =	vmul.f32 v30, v0;
	v22 =	vadd.f32 v24, v22;
	v23 =	vadd.f32 v25, v23  }
0x167: {  	v20 =	vadd.f32 v33, v20;
	v21 =	vadd.f32 v32, v21;
	v25 =	vld [tilespmem:s17+$0xB0];
	v24 =	vmul.f32 v28, v1  }
0x168: {  	v19 =	vadd.f32 v31, v19;
	v28 =	vld [tilespmem:s17+$0xC0];
	v16 =	vadd.f32 v26, v16;
	v26 =	vmul.f32 v29, v0  }
0x169: {  	v20 =	vadd.f32 v17, v20;
	v21 =	vadd.f32 v18, v21;
	v29 =	vld [tilespmem:s17+$0xD0]  }
0x16a: {  	v19 =	vadd.f32 v24, v19;
	v30 =	vld [tilespmem:s17+$0x0];
	v16 =	vadd.f32 v26, v16  }
0x16b: {  	v33 =	vld [tilespmem:s17+$0x10]  }
0x16c: {  	v39 =	vld [tilespmem:s17+$0x20]  }
0x16d: {  	s22 =	sadd.s32 $0x2, s22;
	v40 =	vld [tilespmem:s17+$0x30]  }
0x16e: {  	p1 =	slt.u32 s22, $0x30;
	v26 =	vmul.f32 v38, v11;
	v27 =	vmul.f32 v34, v12;
	v41 =	vld [tilespmem:s17+$0x40]  }
.Ltmp5:
0x16f: {  	v24 =	vmul.f32 v37, v9;
	v25 =	vmul.f32 v25, v6;
	v32 =	vld [tilespmem:s17+$0x50];
	(pc) =	sbr.rel @p1 .LBB2_9-.Ltmp5, $4  }
0x170: {  	v17 =	vmul.f32 v28, v4;
	v18 =	vmul.f32 v29, v2;
	v31 =	vld [tilespmem:s17+$0x60]  }
0x171: {  	v29 =	vmul.f32 v30, v11;
	v33 =	vmul.f32 v33, v12;
	v30 =	vld [tilespmem:s17+$0x70]  }
0x172: {  	v37 =	vmul.f32 v39, v9;
	v34 =	vmul.f32 v40, v6;
	v28 =	vld [tilespmem:s17+$0xE0]  }
0x173: {  	v35 =	vadd.f32 v29, v35;
	v36 =	vadd.f32 v33, v36;
	v33 =	vmul.f32 v41, v4;
	v29 =	vld [tilespmem:s17+$0xF0];
	s17 =	sadd.s32 $0x100, s17  }
0x174: {  	v22 =	vadd.f32 v37, v22;
	v11 =	vmul.f32 v14, v11;
	v12 =	vmul.f32 v15, v12  }
0x175: {  	v14 =	vadd.f32 v26, v35;
	v15 =	vadd.f32 v27, v36  }
0x176: {  	v23 =	vadd.f32 v34, v23;
	v9 =	vmul.f32 v13, v9;
	v11 =	vadd.f32 v12, v11  }
0x177: {  	v6 =	vmul.f32 v10, v6;
	v13 =	vadd.f32 v24, v22;
	v14 =	vadd.f32 v15, v14  }
0x178: {  	v12 =	vmul.f32 v32, v2;
	v15 =	vadd.f32 v25, v23;
	v9 =	vadd.f32 v9, v11  }
0x179: {  	v4 =	vmul.f32 v7, v4;
	v11 =	vadd.f32 v33, v20;
	v13 =	vadd.f32 v13, v14  }
0x17a: {  	v10 =	vmul.f32 v31, v1;
	v12 =	vadd.f32 v12, v21;
	v6 =	vadd.f32 v6, v9  }
0x17b: {  	v7 =	vmul.f32 v30, v0;
	v9 =	vadd.f32 v17, v11;
	v11 =	vadd.f32 v15, v13  }
0x17c: {  	v2 =	vmul.f32 v5, v2;
	v10 =	vadd.f32 v10, v19;
	v4 =	vadd.f32 v4, v6  }
0x17d: {  	v5 =	vmul.f32 v28, v1;
	v6 =	vadd.f32 v18, v12;
	v9 =	vadd.f32 v9, v11  }
0x17e: {  	v1 =	vmul.f32 v3, v1;
	v7 =	vadd.f32 v7, v16;
	v2 =	vadd.f32 v2, v4  }
0x17f: {  	v3 =	vmul.f32 v29, v0;
	v4 =	vadd.f32 v5, v10;
	v5 =	vadd.f32 v6, v9  }
0x180: {  	v0 =	vmul.f32 v8, v0;
	v1 =	vadd.f32 v1, v2  }
0x181: {  	v2 =	vadd.f32 v3, v7;
	v3 =	vadd.f32 v4, v5  }
0x182: {  	v0 =	vadd.f32 v0, v1  }
0x183: {  	v1 =	vadd.f32 v2, v3  }
0x184: {  	[tilespmem:s16+$0x1BD30] =	vst v0  }
0x185: {  	[tilespmem:s16+$0x19930] =	vst v1  }
0x186: {  	v11 =	vld [tilespmem:$0x200]  }
0x187: {  	v12 =	vld [tilespmem:$0x210]  }
0x188: {  	v9 =	vld [tilespmem:$0x220]  }
0x189: {  	v6 =	vld [tilespmem:$0x230]  }
0x18a: {  	v4 =	vld [tilespmem:$0x240]  }
0x18b: {  	v2 =	vld [tilespmem:$0x250]  }
0x18c: {  	v1 =	vld [tilespmem:$0x260]  }
0x18d: {  	v0 =	vld [tilespmem:$0x270]  }
0x18e: {  	v14 =	vld [tilespmem:$0x1DF00]  }
0x18f: {  	v15 =	vld [tilespmem:$0x1DF10]  }
0x190: {  	v13 =	vld [tilespmem:$0x1DF20]  }
0x191: {  	v10 =	vld [tilespmem:$0x1DF30]  }
0x192: {  	v7 =	vld [tilespmem:$0x1DF40]  }
0x193: {  	s0 =	simm.s32 $0x6D00;
	v5 =	vld [tilespmem:$0x1DF50]  }
0x194: {  	v8 =	vld [tilespmem:s0+$0x80]  }
0x195: {  	v16 =	vld [tilespmem:s0+$0x90]  }
0x196: {  	v17 =	vld [tilespmem:s0+$0xA0]  }
0x197: {  	v18 =	vld [tilespmem:s0+$0xB0]  }
0x198: {  	v19 =	vld [tilespmem:s0+$0xC0]  }
0x199: {  	v20 =	vld [tilespmem:s0+$0xD0]  }
0x19a: {  	v21 =	vld [tilespmem:s0+$0x0]  }
0x19b: {  	v22 =	vld [tilespmem:s0+$0x10]  }
0x19c: {  	v23 =	vld [tilespmem:s0+$0x20]  }
0x19d: {  	v28 =	vld [tilespmem:s0+$0x30]  }
0x19e: {  	v29 =	vld [tilespmem:s0+$0x40];
	v26 =	vmul.f32 v8, v11  }
0x19f: {  	v3 =	vld [tilespmem:$0x1DF60];
	v27 =	vmul.f32 v16, v12;
	v24 =	vmul.f32 v17, v9  }
0x1a0: {  	v32 =	vld [tilespmem:s0+$0x50];
	v25 =	vmul.f32 v18, v6;
	v17 =	vmul.f32 v19, v4  }
0x1a1: {  	v31 =	vld [tilespmem:s0+$0x60];
	v16 =	vmul.f32 v21, v11;
	v19 =	vmul.f32 v22, v12  }
0x1a2: {  	v30 =	vld [tilespmem:s0+$0x70];
	v22 =	vimm.f32 $0.0e+00;
	v18 =	vmul.f32 v20, v2;
	v37 =	vmul.f32 v23, v9  }
0x1a3: {  	v8 =	vld [tilespmem:$0x1DF70];
	v34 =	vmul.f32 v28, v6;
	v33 =	vmul.f32 v29, v4;
	v23 =	vimm.f32 $0.0e+00  }
0x1a4: {  	v28 =	vld [tilespmem:s0+$0xE0];
	v20 =	vimm.f32 $0.0e+00;
	v21 =	vimm.f32 $0.0e+00;
	v35 =	vadd.f32 v16, v22  }
0x1a5: {  	s22 =	simm.s32 $0x0;
	s17 =	simm.s32 $0x6E00;
	v29 =	vld [tilespmem:s0+$0xF0];
	v36 =	vadd.f32 v19, v22;
	v19 =	vimm.f32 $0.0e+00;
	v16 =	vimm.f32 $0.0e+00  }
.LBB2_11:
0x1a6: {  	v38 =	vld [tilespmem:s17+$0x80];
	v22 =	vadd.f32 v37, v22;
	v23 =	vadd.f32 v34, v23;
	v32 =	vmul.f32 v32, v2  }
0x1a7: {  	v34 =	vld [tilespmem:s17+$0x90];
	v31 =	vmul.f32 v31, v1;
	v35 =	vadd.f32 v26, v35;
	v36 =	vadd.f32 v27, v36  }
0x1a8: {  	v37 =	vld [tilespmem:s17+$0xA0];
	v26 =	vmul.f32 v30, v0;
	v22 =	vadd.f32 v24, v22;
	v23 =	vadd.f32 v25, v23  }
0x1a9: {  	v20 =	vadd.f32 v33, v20;
	v21 =	vadd.f32 v32, v21;
	v25 =	vld [tilespmem:s17+$0xB0];
	v24 =	vmul.f32 v28, v1  }
0x1aa: {  	v19 =	vadd.f32 v31, v19;
	v28 =	vld [tilespmem:s17+$0xC0];
	v16 =	vadd.f32 v26, v16;
	v26 =	vmul.f32 v29, v0  }
0x1ab: {  	v20 =	vadd.f32 v17, v20;
	v21 =	vadd.f32 v18, v21;
	v29 =	vld [tilespmem:s17+$0xD0]  }
0x1ac: {  	v19 =	vadd.f32 v24, v19;
	v30 =	vld [tilespmem:s17+$0x0];
	v16 =	vadd.f32 v26, v16  }
0x1ad: {  	v33 =	vld [tilespmem:s17+$0x10]  }
0x1ae: {  	v39 =	vld [tilespmem:s17+$0x20]  }
0x1af: {  	s22 =	sadd.s32 $0x2, s22;
	v40 =	vld [tilespmem:s17+$0x30]  }
0x1b0: {  	p1 =	slt.u32 s22, $0x30;
	v26 =	vmul.f32 v38, v11;
	v27 =	vmul.f32 v34, v12;
	v41 =	vld [tilespmem:s17+$0x40]  }
.Ltmp6:
0x1b1: {  	v24 =	vmul.f32 v37, v9;
	v25 =	vmul.f32 v25, v6;
	v32 =	vld [tilespmem:s17+$0x50];
	(pc) =	sbr.rel @p1 .LBB2_11-.Ltmp6, $4  }
0x1b2: {  	v17 =	vmul.f32 v28, v4;
	v18 =	vmul.f32 v29, v2;
	v31 =	vld [tilespmem:s17+$0x60]  }
0x1b3: {  	v29 =	vmul.f32 v30, v11;
	v33 =	vmul.f32 v33, v12;
	v30 =	vld [tilespmem:s17+$0x70]  }
0x1b4: {  	v37 =	vmul.f32 v39, v9;
	v34 =	vmul.f32 v40, v6;
	v28 =	vld [tilespmem:s17+$0xE0]  }
0x1b5: {  	v35 =	vadd.f32 v29, v35;
	v36 =	vadd.f32 v33, v36;
	v33 =	vmul.f32 v41, v4;
	v29 =	vld [tilespmem:s17+$0xF0];
	s17 =	sadd.s32 $0x100, s17  }
0x1b6: {  	v22 =	vadd.f32 v37, v22;
	v11 =	vmul.f32 v14, v11;
	v12 =	vmul.f32 v15, v12  }
0x1b7: {  	v14 =	vadd.f32 v26, v35;
	v15 =	vadd.f32 v27, v36  }
0x1b8: {  	v23 =	vadd.f32 v34, v23;
	v9 =	vmul.f32 v13, v9;
	v11 =	vadd.f32 v12, v11  }
0x1b9: {  	v6 =	vmul.f32 v10, v6;
	v13 =	vadd.f32 v24, v22;
	v14 =	vadd.f32 v15, v14  }
0x1ba: {  	v12 =	vmul.f32 v32, v2;
	v15 =	vadd.f32 v25, v23;
	v9 =	vadd.f32 v9, v11  }
0x1bb: {  	v4 =	vmul.f32 v7, v4;
	v11 =	vadd.f32 v33, v20;
	v13 =	vadd.f32 v13, v14  }
0x1bc: {  	v10 =	vmul.f32 v31, v1;
	v12 =	vadd.f32 v12, v21;
	v6 =	vadd.f32 v6, v9  }
0x1bd: {  	v7 =	vmul.f32 v30, v0;
	v9 =	vadd.f32 v17, v11;
	v11 =	vadd.f32 v15, v13  }
0x1be: {  	v2 =	vmul.f32 v5, v2;
	v10 =	vadd.f32 v10, v19;
	v4 =	vadd.f32 v4, v6  }
0x1bf: {  	v5 =	vmul.f32 v28, v1;
	v6 =	vadd.f32 v18, v12;
	v9 =	vadd.f32 v9, v11  }
0x1c0: {  	v1 =	vmul.f32 v3, v1;
	v7 =	vadd.f32 v7, v16;
	v2 =	vadd.f32 v2, v4  }
0x1c1: {  	v3 =	vmul.f32 v29, v0;
	v4 =	vadd.f32 v5, v10;
	v5 =	vadd.f32 v6, v9  }
0x1c2: {  	v0 =	vmul.f32 v8, v0;
	v1 =	vadd.f32 v1, v2  }
0x1c3: {  	v2 =	vadd.f32 v3, v7;
	v3 =	vadd.f32 v4, v5  }
0x1c4: {  	v0 =	vadd.f32 v0, v1  }
0x1c5: {  	v1 =	vadd.f32 v2, v3  }
0x1c6: {  	[tilespmem:s16+$0x1BD40] =	vst v0  }
0x1c7: {  	[tilespmem:s16+$0x19940] =	vst v1  }
0x1c8: {  	v11 =	vld [tilespmem:$0x280]  }
0x1c9: {  	v12 =	vld [tilespmem:$0x290]  }
0x1ca: {  	v9 =	vld [tilespmem:$0x2A0]  }
0x1cb: {  	v6 =	vld [tilespmem:$0x2B0]  }
0x1cc: {  	v4 =	vld [tilespmem:$0x2C0]  }
0x1cd: {  	v2 =	vld [tilespmem:$0x2D0]  }
0x1ce: {  	v1 =	vld [tilespmem:$0x2E0]  }
0x1cf: {  	v0 =	vld [tilespmem:$0x2F0]  }
0x1d0: {  	v14 =	vld [tilespmem:$0x1DF80]  }
0x1d1: {  	v15 =	vld [tilespmem:$0x1DF90]  }
0x1d2: {  	v13 =	vld [tilespmem:$0x1DFA0]  }
0x1d3: {  	v10 =	vld [tilespmem:$0x1DFB0]  }
0x1d4: {  	v7 =	vld [tilespmem:$0x1DFC0]  }
0x1d5: {  	s0 =	simm.s32 $0x8600;
	v5 =	vld [tilespmem:$0x1DFD0]  }
0x1d6: {  	v8 =	vld [tilespmem:s0+$0x80]  }
0x1d7: {  	v16 =	vld [tilespmem:s0+$0x90]  }
0x1d8: {  	v17 =	vld [tilespmem:s0+$0xA0]  }
0x1d9: {  	v18 =	vld [tilespmem:s0+$0xB0]  }
0x1da: {  	v19 =	vld [tilespmem:s0+$0xC0]  }
0x1db: {  	v20 =	vld [tilespmem:s0+$0xD0]  }
0x1dc: {  	v21 =	vld [tilespmem:s0+$0x0]  }
0x1dd: {  	v22 =	vld [tilespmem:s0+$0x10]  }
0x1de: {  	v23 =	vld [tilespmem:s0+$0x20]  }
0x1df: {  	v28 =	vld [tilespmem:s0+$0x30]  }
0x1e0: {  	v29 =	vld [tilespmem:s0+$0x40];
	v26 =	vmul.f32 v8, v11  }
0x1e1: {  	v3 =	vld [tilespmem:$0x1DFE0];
	v27 =	vmul.f32 v16, v12;
	v24 =	vmul.f32 v17, v9  }
0x1e2: {  	v32 =	vld [tilespmem:s0+$0x50];
	v25 =	vmul.f32 v18, v6;
	v17 =	vmul.f32 v19, v4  }
0x1e3: {  	v31 =	vld [tilespmem:s0+$0x60];
	v16 =	vmul.f32 v21, v11;
	v19 =	vmul.f32 v22, v12  }
0x1e4: {  	v30 =	vld [tilespmem:s0+$0x70];
	v22 =	vimm.f32 $0.0e+00;
	v18 =	vmul.f32 v20, v2;
	v37 =	vmul.f32 v23, v9  }
0x1e5: {  	v8 =	vld [tilespmem:$0x1DFF0];
	v34 =	vmul.f32 v28, v6;
	v33 =	vmul.f32 v29, v4;
	v23 =	vimm.f32 $0.0e+00  }
0x1e6: {  	v28 =	vld [tilespmem:s0+$0xE0];
	v20 =	vimm.f32 $0.0e+00;
	v21 =	vimm.f32 $0.0e+00;
	v35 =	vadd.f32 v16, v22  }
0x1e7: {  	s22 =	simm.s32 $0x0;
	s17 =	simm.s32 $0x8700;
	v29 =	vld [tilespmem:s0+$0xF0];
	v36 =	vadd.f32 v19, v22;
	v19 =	vimm.f32 $0.0e+00;
	v16 =	vimm.f32 $0.0e+00  }
.LBB2_13:
0x1e8: {  	v38 =	vld [tilespmem:s17+$0x80];
	v22 =	vadd.f32 v37, v22;
	v23 =	vadd.f32 v34, v23;
	v32 =	vmul.f32 v32, v2  }
0x1e9: {  	v34 =	vld [tilespmem:s17+$0x90];
	v31 =	vmul.f32 v31, v1;
	v35 =	vadd.f32 v26, v35;
	v36 =	vadd.f32 v27, v36  }
0x1ea: {  	v37 =	vld [tilespmem:s17+$0xA0];
	v26 =	vmul.f32 v30, v0;
	v22 =	vadd.f32 v24, v22;
	v23 =	vadd.f32 v25, v23  }
0x1eb: {  	v20 =	vadd.f32 v33, v20;
	v21 =	vadd.f32 v32, v21;
	v25 =	vld [tilespmem:s17+$0xB0];
	v24 =	vmul.f32 v28, v1  }
0x1ec: {  	v19 =	vadd.f32 v31, v19;
	v28 =	vld [tilespmem:s17+$0xC0];
	v16 =	vadd.f32 v26, v16;
	v26 =	vmul.f32 v29, v0  }
0x1ed: {  	v20 =	vadd.f32 v17, v20;
	v21 =	vadd.f32 v18, v21;
	v29 =	vld [tilespmem:s17+$0xD0]  }
0x1ee: {  	v19 =	vadd.f32 v24, v19;
	v30 =	vld [tilespmem:s17+$0x0];
	v16 =	vadd.f32 v26, v16  }
0x1ef: {  	v33 =	vld [tilespmem:s17+$0x10]  }
0x1f0: {  	v39 =	vld [tilespmem:s17+$0x20]  }
0x1f1: {  	s22 =	sadd.s32 $0x2, s22;
	v40 =	vld [tilespmem:s17+$0x30]  }
0x1f2: {  	p1 =	slt.u32 s22, $0x30;
	v26 =	vmul.f32 v38, v11;
	v27 =	vmul.f32 v34, v12;
	v41 =	vld [tilespmem:s17+$0x40]  }
.Ltmp7:
0x1f3: {  	v24 =	vmul.f32 v37, v9;
	v25 =	vmul.f32 v25, v6;
	v32 =	vld [tilespmem:s17+$0x50];
	(pc) =	sbr.rel @p1 .LBB2_13-.Ltmp7, $4  }
0x1f4: {  	v17 =	vmul.f32 v28, v4;
	v18 =	vmul.f32 v29, v2;
	v31 =	vld [tilespmem:s17+$0x60]  }
0x1f5: {  	v29 =	vmul.f32 v30, v11;
	v33 =	vmul.f32 v33, v12;
	v30 =	vld [tilespmem:s17+$0x70]  }
0x1f6: {  	v37 =	vmul.f32 v39, v9;
	v34 =	vmul.f32 v40, v6;
	v28 =	vld [tilespmem:s17+$0xE0]  }
0x1f7: {  	v35 =	vadd.f32 v29, v35;
	v36 =	vadd.f32 v33, v36;
	v33 =	vmul.f32 v41, v4;
	v29 =	vld [tilespmem:s17+$0xF0];
	s17 =	sadd.s32 $0x100, s17  }
0x1f8: {  	v22 =	vadd.f32 v37, v22;
	v11 =	vmul.f32 v14, v11;
	v12 =	vmul.f32 v15, v12  }
0x1f9: {  	v14 =	vadd.f32 v26, v35;
	v15 =	vadd.f32 v27, v36  }
0x1fa: {  	v23 =	vadd.f32 v34, v23;
	v9 =	vmul.f32 v13, v9;
	v11 =	vadd.f32 v12, v11  }
0x1fb: {  	v6 =	vmul.f32 v10, v6;
	v13 =	vadd.f32 v24, v22;
	v14 =	vadd.f32 v15, v14  }
0x1fc: {  	v12 =	vmul.f32 v32, v2;
	v15 =	vadd.f32 v25, v23;
	v9 =	vadd.f32 v9, v11  }
0x1fd: {  	v4 =	vmul.f32 v7, v4;
	v11 =	vadd.f32 v33, v20;
	v13 =	vadd.f32 v13, v14  }
0x1fe: {  	v10 =	vmul.f32 v31, v1;
	v12 =	vadd.f32 v12, v21;
	v6 =	vadd.f32 v6, v9  }
0x1ff: {  	v7 =	vmul.f32 v30, v0;
	v9 =	vadd.f32 v17, v11;
	v11 =	vadd.f32 v15, v13  }
0x200: {  	v2 =	vmul.f32 v5, v2;
	v10 =	vadd.f32 v10, v19;
	v4 =	vadd.f32 v4, v6  }
0x201: {  	v5 =	vmul.f32 v28, v1;
	v6 =	vadd.f32 v18, v12;
	v9 =	vadd.f32 v9, v11  }
0x202: {  	v1 =	vmul.f32 v3, v1;
	v7 =	vadd.f32 v7, v16;
	v2 =	vadd.f32 v2, v4  }
0x203: {  	v3 =	vmul.f32 v29, v0;
	v4 =	vadd.f32 v5, v10;
	v5 =	vadd.f32 v6, v9  }
0x204: {  	v0 =	vmul.f32 v8, v0;
	v1 =	vadd.f32 v1, v2  }
0x205: {  	v2 =	vadd.f32 v3, v7;
	v3 =	vadd.f32 v4, v5  }
0x206: {  	v0 =	vadd.f32 v0, v1  }
0x207: {  	v1 =	vadd.f32 v2, v3  }
0x208: {  	[tilespmem:s16+$0x1BD50] =	vst v0  }
0x209: {  	[tilespmem:s16+$0x19950] =	vst v1  }
0x20a: {  	v11 =	vld [tilespmem:$0x300]  }
0x20b: {  	v12 =	vld [tilespmem:$0x310]  }
0x20c: {  	v9 =	vld [tilespmem:$0x320]  }
0x20d: {  	v6 =	vld [tilespmem:$0x330]  }
0x20e: {  	v4 =	vld [tilespmem:$0x340]  }
0x20f: {  	v2 =	vld [tilespmem:$0x350]  }
0x210: {  	v1 =	vld [tilespmem:$0x360]  }
0x211: {  	v0 =	vld [tilespmem:$0x370]  }
0x212: {  	v14 =	vld [tilespmem:$0x1E000]  }
0x213: {  	v15 =	vld [tilespmem:$0x1E010]  }
0x214: {  	v13 =	vld [tilespmem:$0x1E020]  }
0x215: {  	v10 =	vld [tilespmem:$0x1E030]  }
0x216: {  	v7 =	vld [tilespmem:$0x1E040]  }
0x217: {  	s0 =	simm.s32 $0x9F00;
	v5 =	vld [tilespmem:$0x1E050]  }
0x218: {  	v8 =	vld [tilespmem:s0+$0x80]  }
0x219: {  	v16 =	vld [tilespmem:s0+$0x90]  }
0x21a: {  	v17 =	vld [tilespmem:s0+$0xA0]  }
0x21b: {  	v18 =	vld [tilespmem:s0+$0xB0]  }
0x21c: {  	v19 =	vld [tilespmem:s0+$0xC0]  }
0x21d: {  	v20 =	vld [tilespmem:s0+$0xD0]  }
0x21e: {  	v21 =	vld [tilespmem:s0+$0x0]  }
0x21f: {  	v22 =	vld [tilespmem:s0+$0x10]  }
0x220: {  	v23 =	vld [tilespmem:s0+$0x20]  }
0x221: {  	v28 =	vld [tilespmem:s0+$0x30]  }
0x222: {  	v29 =	vld [tilespmem:s0+$0x40];
	v26 =	vmul.f32 v8, v11  }
0x223: {  	v3 =	vld [tilespmem:$0x1E060];
	v27 =	vmul.f32 v16, v12;
	v24 =	vmul.f32 v17, v9  }
0x224: {  	v32 =	vld [tilespmem:s0+$0x50];
	v25 =	vmul.f32 v18, v6;
	v17 =	vmul.f32 v19, v4  }
0x225: {  	v31 =	vld [tilespmem:s0+$0x60];
	v16 =	vmul.f32 v21, v11;
	v19 =	vmul.f32 v22, v12  }
0x226: {  	v30 =	vld [tilespmem:s0+$0x70];
	v22 =	vimm.f32 $0.0e+00;
	v18 =	vmul.f32 v20, v2;
	v37 =	vmul.f32 v23, v9  }
0x227: {  	v8 =	vld [tilespmem:$0x1E070];
	v34 =	vmul.f32 v28, v6;
	v33 =	vmul.f32 v29, v4;
	v23 =	vimm.f32 $0.0e+00  }
0x228: {  	v28 =	vld [tilespmem:s0+$0xE0];
	v20 =	vimm.f32 $0.0e+00;
	v21 =	vimm.f32 $0.0e+00;
	v35 =	vadd.f32 v16, v22  }
0x229: {  	s22 =	simm.s32 $0x0;
	s17 =	simm.s32 $0xA000;
	v29 =	vld [tilespmem:s0+$0xF0];
	v36 =	vadd.f32 v19, v22;
	v19 =	vimm.f32 $0.0e+00;
	v16 =	vimm.f32 $0.0e+00  }
.LBB2_15:
0x22a: {  	v38 =	vld [tilespmem:s17+$0x80];
	v22 =	vadd.f32 v37, v22;
	v23 =	vadd.f32 v34, v23;
	v32 =	vmul.f32 v32, v2  }
0x22b: {  	v34 =	vld [tilespmem:s17+$0x90];
	v31 =	vmul.f32 v31, v1;
	v35 =	vadd.f32 v26, v35;
	v36 =	vadd.f32 v27, v36  }
0x22c: {  	v37 =	vld [tilespmem:s17+$0xA0];
	v26 =	vmul.f32 v30, v0;
	v22 =	vadd.f32 v24, v22;
	v23 =	vadd.f32 v25, v23  }
0x22d: {  	v20 =	vadd.f32 v33, v20;
	v21 =	vadd.f32 v32, v21;
	v25 =	vld [tilespmem:s17+$0xB0];
	v24 =	vmul.f32 v28, v1  }
0x22e: {  	v19 =	vadd.f32 v31, v19;
	v28 =	vld [tilespmem:s17+$0xC0];
	v16 =	vadd.f32 v26, v16;
	v26 =	vmul.f32 v29, v0  }
0x22f: {  	v20 =	vadd.f32 v17, v20;
	v21 =	vadd.f32 v18, v21;
	v29 =	vld [tilespmem:s17+$0xD0]  }
0x230: {  	v19 =	vadd.f32 v24, v19;
	v30 =	vld [tilespmem:s17+$0x0];
	v16 =	vadd.f32 v26, v16  }
0x231: {  	v33 =	vld [tilespmem:s17+$0x10]  }
0x232: {  	v39 =	vld [tilespmem:s17+$0x20]  }
0x233: {  	s22 =	sadd.s32 $0x2, s22;
	v40 =	vld [tilespmem:s17+$0x30]  }
0x234: {  	p1 =	slt.u32 s22, $0x30;
	v26 =	vmul.f32 v38, v11;
	v27 =	vmul.f32 v34, v12;
	v41 =	vld [tilespmem:s17+$0x40]  }
.Ltmp8:
0x235: {  	v24 =	vmul.f32 v37, v9;
	v25 =	vmul.f32 v25, v6;
	v32 =	vld [tilespmem:s17+$0x50];
	(pc) =	sbr.rel @p1 .LBB2_15-.Ltmp8, $4  }
0x236: {  	v17 =	vmul.f32 v28, v4;
	v18 =	vmul.f32 v29, v2;
	v31 =	vld [tilespmem:s17+$0x60]  }
0x237: {  	v29 =	vmul.f32 v30, v11;
	v33 =	vmul.f32 v33, v12;
	v30 =	vld [tilespmem:s17+$0x70]  }
0x238: {  	v37 =	vmul.f32 v39, v9;
	v34 =	vmul.f32 v40, v6;
	v28 =	vld [tilespmem:s17+$0xE0]  }
0x239: {  	v35 =	vadd.f32 v29, v35;
	v36 =	vadd.f32 v33, v36;
	v33 =	vmul.f32 v41, v4;
	v29 =	vld [tilespmem:s17+$0xF0];
	s17 =	sadd.s32 $0x100, s17  }
0x23a: {  	v22 =	vadd.f32 v37, v22;
	v11 =	vmul.f32 v14, v11;
	v12 =	vmul.f32 v15, v12  }
0x23b: {  	v14 =	vadd.f32 v26, v35;
	v15 =	vadd.f32 v27, v36  }
0x23c: {  	v23 =	vadd.f32 v34, v23;
	v9 =	vmul.f32 v13, v9;
	v11 =	vadd.f32 v12, v11  }
0x23d: {  	v6 =	vmul.f32 v10, v6;
	v13 =	vadd.f32 v24, v22;
	v14 =	vadd.f32 v15, v14  }
0x23e: {  	v12 =	vmul.f32 v32, v2;
	v15 =	vadd.f32 v25, v23;
	v9 =	vadd.f32 v9, v11  }
0x23f: {  	v4 =	vmul.f32 v7, v4;
	v11 =	vadd.f32 v33, v20;
	v13 =	vadd.f32 v13, v14  }
0x240: {  	v10 =	vmul.f32 v31, v1;
	v12 =	vadd.f32 v12, v21;
	v6 =	vadd.f32 v6, v9  }
0x241: {  	v7 =	vmul.f32 v30, v0;
	v9 =	vadd.f32 v17, v11;
	v11 =	vadd.f32 v15, v13  }
0x242: {  	v2 =	vmul.f32 v5, v2;
	v10 =	vadd.f32 v10, v19;
	v4 =	vadd.f32 v4, v6  }
0x243: {  	v5 =	vmul.f32 v28, v1;
	v6 =	vadd.f32 v18, v12;
	v9 =	vadd.f32 v9, v11  }
0x244: {  	v1 =	vmul.f32 v3, v1;
	v7 =	vadd.f32 v7, v16;
	v2 =	vadd.f32 v2, v4  }
0x245: {  	v3 =	vmul.f32 v29, v0;
	v4 =	vadd.f32 v5, v10;
	v5 =	vadd.f32 v6, v9  }
0x246: {  	v0 =	vmul.f32 v8, v0;
	v1 =	vadd.f32 v1, v2  }
0x247: {  	v2 =	vadd.f32 v3, v7;
	v3 =	vadd.f32 v4, v5  }
0x248: {  	v0 =	vadd.f32 v0, v1  }
0x249: {  	v1 =	vadd.f32 v2, v3  }
0x24a: {  	[tilespmem:s16+$0x1BD60] =	vst v0  }
0x24b: {  	[tilespmem:s16+$0x19960] =	vst v1  }
0x24c: {  	v11 =	vld [tilespmem:$0x380]  }
0x24d: {  	v12 =	vld [tilespmem:$0x390]  }
0x24e: {  	v9 =	vld [tilespmem:$0x3A0]  }
0x24f: {  	v6 =	vld [tilespmem:$0x3B0]  }
0x250: {  	v4 =	vld [tilespmem:$0x3C0]  }
0x251: {  	v2 =	vld [tilespmem:$0x3D0]  }
0x252: {  	v1 =	vld [tilespmem:$0x3E0]  }
0x253: {  	v0 =	vld [tilespmem:$0x3F0]  }
0x254: {  	v14 =	vld [tilespmem:$0x1E080]  }
0x255: {  	v15 =	vld [tilespmem:$0x1E090]  }
0x256: {  	v13 =	vld [tilespmem:$0x1E0A0]  }
0x257: {  	v10 =	vld [tilespmem:$0x1E0B0]  }
0x258: {  	v7 =	vld [tilespmem:$0x1E0C0]  }
0x259: {  	s0 =	simm.s32 $0xB800;
	v5 =	vld [tilespmem:$0x1E0D0]  }
0x25a: {  	v8 =	vld [tilespmem:s0+$0x80]  }
0x25b: {  	v16 =	vld [tilespmem:s0+$0x90]  }
0x25c: {  	v17 =	vld [tilespmem:s0+$0xA0]  }
0x25d: {  	v18 =	vld [tilespmem:s0+$0xB0]  }
0x25e: {  	v19 =	vld [tilespmem:s0+$0xC0]  }
0x25f: {  	v20 =	vld [tilespmem:s0+$0xD0]  }
0x260: {  	v21 =	vld [tilespmem:s0+$0x0]  }
0x261: {  	v22 =	vld [tilespmem:s0+$0x10]  }
0x262: {  	v23 =	vld [tilespmem:s0+$0x20]  }
0x263: {  	v28 =	vld [tilespmem:s0+$0x30]  }
0x264: {  	v29 =	vld [tilespmem:s0+$0x40];
	v26 =	vmul.f32 v8, v11  }
0x265: {  	v3 =	vld [tilespmem:$0x1E0E0];
	v27 =	vmul.f32 v16, v12;
	v24 =	vmul.f32 v17, v9  }
0x266: {  	v32 =	vld [tilespmem:s0+$0x50];
	v25 =	vmul.f32 v18, v6;
	v17 =	vmul.f32 v19, v4  }
0x267: {  	v31 =	vld [tilespmem:s0+$0x60];
	v16 =	vmul.f32 v21, v11;
	v19 =	vmul.f32 v22, v12  }
0x268: {  	v30 =	vld [tilespmem:s0+$0x70];
	v22 =	vimm.f32 $0.0e+00;
	v18 =	vmul.f32 v20, v2;
	v37 =	vmul.f32 v23, v9  }
0x269: {  	v8 =	vld [tilespmem:$0x1E0F0];
	v34 =	vmul.f32 v28, v6;
	v33 =	vmul.f32 v29, v4;
	v23 =	vimm.f32 $0.0e+00  }
0x26a: {  	v28 =	vld [tilespmem:s0+$0xE0];
	v20 =	vimm.f32 $0.0e+00;
	v21 =	vimm.f32 $0.0e+00;
	v35 =	vadd.f32 v16, v22  }
0x26b: {  	s22 =	simm.s32 $0x0;
	s17 =	simm.s32 $0xB900;
	v29 =	vld [tilespmem:s0+$0xF0];
	v36 =	vadd.f32 v19, v22;
	v19 =	vimm.f32 $0.0e+00;
	v16 =	vimm.f32 $0.0e+00  }
.LBB2_17:
0x26c: {  	v38 =	vld [tilespmem:s17+$0x80];
	v22 =	vadd.f32 v37, v22;
	v23 =	vadd.f32 v34, v23;
	v32 =	vmul.f32 v32, v2  }
0x26d: {  	v34 =	vld [tilespmem:s17+$0x90];
	v31 =	vmul.f32 v31, v1;
	v35 =	vadd.f32 v26, v35;
	v36 =	vadd.f32 v27, v36  }
0x26e: {  	v37 =	vld [tilespmem:s17+$0xA0];
	v26 =	vmul.f32 v30, v0;
	v22 =	vadd.f32 v24, v22;
	v23 =	vadd.f32 v25, v23  }
0x26f: {  	v20 =	vadd.f32 v33, v20;
	v21 =	vadd.f32 v32, v21;
	v25 =	vld [tilespmem:s17+$0xB0];
	v24 =	vmul.f32 v28, v1  }
0x270: {  	v19 =	vadd.f32 v31, v19;
	v28 =	vld [tilespmem:s17+$0xC0];
	v16 =	vadd.f32 v26, v16;
	v26 =	vmul.f32 v29, v0  }
0x271: {  	v20 =	vadd.f32 v17, v20;
	v21 =	vadd.f32 v18, v21;
	v29 =	vld [tilespmem:s17+$0xD0]  }
0x272: {  	v19 =	vadd.f32 v24, v19;
	v30 =	vld [tilespmem:s17+$0x0];
	v16 =	vadd.f32 v26, v16  }
0x273: {  	v33 =	vld [tilespmem:s17+$0x10]  }
0x274: {  	v39 =	vld [tilespmem:s17+$0x20]  }
0x275: {  	s22 =	sadd.s32 $0x2, s22;
	v40 =	vld [tilespmem:s17+$0x30]  }
0x276: {  	p1 =	slt.u32 s22, $0x30;
	v26 =	vmul.f32 v38, v11;
	v27 =	vmul.f32 v34, v12;
	v41 =	vld [tilespmem:s17+$0x40]  }
.Ltmp9:
0x277: {  	v24 =	vmul.f32 v37, v9;
	v25 =	vmul.f32 v25, v6;
	v32 =	vld [tilespmem:s17+$0x50];
	(pc) =	sbr.rel @p1 .LBB2_17-.Ltmp9, $4  }
0x278: {  	v17 =	vmul.f32 v28, v4;
	v18 =	vmul.f32 v29, v2;
	v31 =	vld [tilespmem:s17+$0x60]  }
0x279: {  	v29 =	vmul.f32 v30, v11;
	v33 =	vmul.f32 v33, v12;
	v30 =	vld [tilespmem:s17+$0x70]  }
0x27a: {  	v37 =	vmul.f32 v39, v9;
	v34 =	vmul.f32 v40, v6;
	v28 =	vld [tilespmem:s17+$0xE0]  }
0x27b: {  	v35 =	vadd.f32 v29, v35;
	v36 =	vadd.f32 v33, v36;
	v33 =	vmul.f32 v41, v4;
	v29 =	vld [tilespmem:s17+$0xF0];
	s17 =	sadd.s32 $0x100, s17  }
0x27c: {  	v22 =	vadd.f32 v37, v22;
	v11 =	vmul.f32 v14, v11;
	v12 =	vmul.f32 v15, v12  }
0x27d: {  	v14 =	vadd.f32 v26, v35;
	v15 =	vadd.f32 v27, v36  }
0x27e: {  	v23 =	vadd.f32 v34, v23;
	v9 =	vmul.f32 v13, v9;
	v11 =	vadd.f32 v12, v11  }
0x27f: {  	v6 =	vmul.f32 v10, v6;
	v13 =	vadd.f32 v24, v22;
	v14 =	vadd.f32 v15, v14  }
0x280: {  	v12 =	vmul.f32 v32, v2;
	v15 =	vadd.f32 v25, v23;
	v9 =	vadd.f32 v9, v11  }
0x281: {  	v4 =	vmul.f32 v7, v4;
	v11 =	vadd.f32 v33, v20;
	v13 =	vadd.f32 v13, v14  }
0x282: {  	v10 =	vmul.f32 v31, v1;
	v12 =	vadd.f32 v12, v21;
	v6 =	vadd.f32 v6, v9  }
0x283: {  	v7 =	vmul.f32 v30, v0;
	v9 =	vadd.f32 v17, v11;
	v11 =	vadd.f32 v15, v13  }
0x284: {  	v2 =	vmul.f32 v5, v2;
	v10 =	vadd.f32 v10, v19;
	v4 =	vadd.f32 v4, v6  }
0x285: {  	v5 =	vmul.f32 v28, v1;
	v6 =	vadd.f32 v18, v12;
	v9 =	vadd.f32 v9, v11  }
0x286: {  	v1 =	vmul.f32 v3, v1;
	v7 =	vadd.f32 v7, v16;
	v2 =	vadd.f32 v2, v4  }
0x287: {  	v3 =	vmul.f32 v29, v0;
	v4 =	vadd.f32 v5, v10;
	v5 =	vadd.f32 v6, v9  }
0x288: {  	v0 =	vmul.f32 v8, v0;
	v1 =	vadd.f32 v1, v2  }
0x289: {  	v2 =	vadd.f32 v3, v7;
	v3 =	vadd.f32 v4, v5  }
0x28a: {  	v0 =	vadd.f32 v0, v1  }
0x28b: {  	v1 =	vadd.f32 v2, v3  }
0x28c: {  	[tilespmem:s16+$0x1BD70] =	vst v0  }
0x28d: {  	s0 =	simm.s32 @!p0 $0x1;
	[tilespmem:s16+$0x19970] =	vst v1  }
0x28e: {  	_ =	swait.ge @!p0 [sflag:s0], $0x8  }
0x28f: {  	[sflag:s0] =	ssyncset.done @!p0 $0x0  }
0x290: {  	[sflag:s0] =	ssyncadd.s32 @!p0 $0xFFFFFFF8  }
0x291: {  	_ =	swait.ge @!p0 [sflag:s0], $0x8  }
0x292: {  	[sflag:s0] =	ssyncset.done @!p0 $0x0  }
0x293: {  	[sflag:s0] =	ssyncadd.s32 @!p0 $0xFFFFFFF8  }
0x294: {  	_ =	swait.ge @!p0 [sflag:s0], $0x190  }
0x295: {  	s3 =	simm.s32 @!p0 $0x800;
	[sflag:s0] =	ssyncset.done @!p0 $0x0  }
0x296: {  	s17 =	simm.s32 @!p0 $0x0;
	[sflag:s0] =	ssyncadd.s32 @!p0 $0xFFFFFE70;
	s0 =	simm.s32 @!p0 $0x8  }
0x297: {  	[tilespmem:s17], [sflag:$0x3] =	stream.indirect.gather @!p0 [hbm4b:s4+s0], $0x80, s3, s0, $0xb8;
	[tilespmem:$0x1E600] =	vst v63  }
0x298: {  	s22 =	simm.s32 @!p0 $0x1DD00;
	s3 =	simm.s32 @!p0 $0x1E500  }
0x299: {  	[tilespmem:s22], [sflag:$0x3] =	stream.indirect.gather @!p0 [hbm4b:s5+s0], $0x80, s3, s0, $0xb8;
	[tilespmem:$0x1E600] =	vst v63  }
0x29a: {  	s0 =	simm.s32 @!p0 $0x50;
	s3 =	simm.s32 @!p0 $0x1B900;
	s22 =	simm.s32 @!p0 $0x900  }
0x29b: {  	[tilespmem:s22], [sflag:$0x3] =	stream.indirect.gather @!p0 [hbm4b:s5+s0], $0x80, s3, s0, $0xb8;
	[tilespmem:$0x1E600] =	vst v63  }
0x29c: {  	s3 =	simm.s32 @!p0 $0x1B950;
	s22 =	simm.s32 @!p0 $0x3100  }
0x29d: {  	[tilespmem:s22], [sflag:$0x3] =	stream.indirect.gather @!p0 [hbm4b:s5+s0], $0x80, s3, s0, $0xb8;
	[tilespmem:$0x1E600] =	vst v63  }
0x29e: {  	s3 =	simm.s32 @!p0 $0x1B9A0;
	s22 =	simm.s32 @!p0 $0x5900  }
0x29f: {  	[tilespmem:s22], [sflag:$0x3] =	stream.indirect.gather @!p0 [hbm4b:s5+s0], $0x80, s3, s0, $0xb8;
	[tilespmem:$0x1E600] =	vst v63  }
0x2a0: {  	s3 =	simm.s32 @!p0 $0x1B9F0;
	s22 =	simm.s32 @!p0 $0x8100  }
0x2a1: {  	[tilespmem:s22], [sflag:$0x3] =	stream.indirect.gather @!p0 [hbm4b:s5+s0], $0x80, s3, s0, $0xb8;
	[tilespmem:$0x1E600] =	vst v63  }
0x2a2: {  	s3 =	simm.s32 @!p0 $0x1BA40;
	s22 =	simm.s32 @!p0 $0xA900  }
0x2a3: {  	[tilespmem:s22], [sflag:$0x3] =	stream.indirect.gather @!p0 [hbm4b:s5+s0], $0x80, s3, s0, $0xb8;
	[tilespmem:$0x1E600] =	vst v63  }
0x2a4: {  	_ =	swait.ge [sflag:s13], $0x400  }
0x2a5: {  	[sflag:s13] =	ssyncset.done $0x0  }
0x2a6: {  	[sflag:s13] =	ssyncadd.s32 $0xFFFFFC00  }
0x2a7: {  	_ =	swait.ge [sflag:s13], $0x400  }
0x2a8: {  	[sflag:s13] =	ssyncset.done $0x0  }
0x2a9: {  	[sflag:s13] =	ssyncadd.s32 $0xFFFFFC00  }
0x2aa: {  	_ =	swait.ge [sflag:s13], $0x2800  }
0x2ab: {  	[sflag:s13] =	ssyncset.done $0x0  }
0x2ac: {  	[sflag:s13] =	ssyncadd.s32 $0xFFFFD800  }
0x2ad: {  	_ =	swait.ge [sflag:s13], $0x2800  }
0x2ae: {  	[sflag:s13] =	ssyncset.done $0x0  }
0x2af: {  	[sflag:s13] =	ssyncadd.s32 $0xFFFFD800  }
0x2b0: {  	_ =	swait.ge [sflag:s13], $0x2800  }
0x2b1: {  	[sflag:s13] =	ssyncset.done $0x0  }
0x2b2: {  	[sflag:s13] =	ssyncadd.s32 $0xFFFFD800  }
0x2b3: {  	_ =	swait.ge [sflag:s13], $0x2800  }
0x2b4: {  	[sflag:s13] =	ssyncset.done $0x0  }
0x2b5: {  	[sflag:s13] =	ssyncadd.s32 $0xFFFFD800  }
0x2b6: {  	s0 =	sadd.s32 @!p0 s6, s15;
	_ =	swait.ge [sflag:s13], $0x2800  }
0x2b7: {  	s22 =	simm.s32 @!p0 $0x880;
	s3 =	sshrl.u32 @!p0 s0, $0x3;
	[sflag:s13] =	ssyncset.done $0x0  }
0x2b8: {  	s0 =	smul.u32 @!p0 $0x32, s0;
	s6 =	sadd.s32 @!p0 s1, s3;
	[sflag:s13] =	ssyncadd.s32 $0xFFFFD800  }
0x2b9: {  	[tilespmem:s22], [sflag:$0x2] =	stream.linear.gather @!p0 [hbm4b:s6+s17], $0x8, $0x38;
	[tilespmem:$0x1E600] =	vst v63  }
0x2ba: {  	s3 =	sadd.s32 @!p0 s2, s3;
	s0 =	sshrl.u32 @!p0 s0, $0x3;
	s6 =	simm.s32 @!p0 $0x1E580  }
0x2bb: {  	[tilespmem:s6], [sflag:$0x2] =	stream.linear.gather @!p0 [hbm4b:s3+s17], $0x8, $0x38;
	[tilespmem:$0x1E600] =	vst v63  }
0x2bc: {  	s0 =	sadd.s32 @!p0 s7, s0;
	s3 =	simm.s32 @!p0 $0x1BB00  }
0x2bd: {  	[tilespmem:s3], [sflag:$0x2] =	stream.linear.gather @!p0 [hbm4b:s0+s17], $0x190, $0x38;
	[tilespmem:$0x1E600] =	vst v63  }
0x2be: {  	v11 =	vld [tilespmem:$0x400]  }
0x2bf: {  	v12 =	vld [tilespmem:$0x410]  }
0x2c0: {  	v9 =	vld [tilespmem:$0x420]  }
0x2c1: {  	v6 =	vld [tilespmem:$0x430]  }
0x2c2: {  	v4 =	vld [tilespmem:$0x440]  }
0x2c3: {  	v2 =	vld [tilespmem:$0x450]  }
0x2c4: {  	v1 =	vld [tilespmem:$0x460]  }
0x2c5: {  	v0 =	vld [tilespmem:$0x470]  }
0x2c6: {  	v14 =	vld [tilespmem:$0x1E100]  }
0x2c7: {  	v15 =	vld [tilespmem:$0x1E110]  }
0x2c8: {  	v13 =	vld [tilespmem:$0x1E120]  }
0x2c9: {  	v10 =	vld [tilespmem:$0x1E130]  }
0x2ca: {  	v7 =	vld [tilespmem:$0x1E140]  }
0x2cb: {  	s22 =	simm.s32 $0xD180;
	v5 =	vld [tilespmem:$0x1E150]  }
0x2cc: {  	v8 =	vld [tilespmem:s22+$0x0]  }
0x2cd: {  	v16 =	vld [tilespmem:s22+$0x10]  }
0x2ce: {  	v17 =	vld [tilespmem:s22+$0x20]  }
0x2cf: {  	v18 =	vld [tilespmem:s22+$0x30]  }
0x2d0: {  	v19 =	vld [tilespmem:s22+$0x40]  }
0x2d1: {  	v20 =	vld [tilespmem:s22+$0x50]  }
0x2d2: {  	v21 =	vld [tilespmem:s22+$0xFFFFFF80]  }
0x2d3: {  	v22 =	vld [tilespmem:s22+$0xFFFFFF90]  }
0x2d4: {  	v23 =	vld [tilespmem:s22+$0xFFFFFFA0]  }
0x2d5: {  	v28 =	vld [tilespmem:s22+$0xFFFFFFB0]  }
0x2d6: {  	v29 =	vld [tilespmem:s22+$0xFFFFFFC0];
	v26 =	vmul.f32 v8, v11  }
0x2d7: {  	v3 =	vld [tilespmem:$0x1E160];
	v27 =	vmul.f32 v16, v12;
	v24 =	vmul.f32 v17, v9  }
0x2d8: {  	v32 =	vld [tilespmem:s22+$0xFFFFFFD0];
	v25 =	vmul.f32 v18, v6;
	v17 =	vmul.f32 v19, v4  }
0x2d9: {  	v31 =	vld [tilespmem:s22+$0xFFFFFFE0];
	v16 =	vmul.f32 v21, v11;
	v19 =	vmul.f32 v22, v12  }
0x2da: {  	v30 =	vld [tilespmem:s22+$0xFFFFFFF0];
	v22 =	vimm.f32 $0.0e+00;
	v18 =	vmul.f32 v20, v2;
	v37 =	vmul.f32 v23, v9  }
0x2db: {  	v8 =	vld [tilespmem:$0x1E170];
	v34 =	vmul.f32 v28, v6;
	v33 =	vmul.f32 v29, v4;
	v23 =	vimm.f32 $0.0e+00  }
0x2dc: {  	v28 =	vld [tilespmem:s22+$0x60];
	v20 =	vimm.f32 $0.0e+00;
	v21 =	vimm.f32 $0.0e+00;
	v35 =	vadd.f32 v16, v22  }
0x2dd: {  	s6 =	simm.s32 $0x0;
	s17 =	simm.s32 $0xD280;
	v29 =	vld [tilespmem:s22+$0x70];
	v36 =	vadd.f32 v19, v22;
	v19 =	vimm.f32 $0.0e+00;
	v16 =	vimm.f32 $0.0e+00  }
.LBB2_19:
0x2de: {  	v38 =	vld [tilespmem:s17+$0x0];
	v22 =	vadd.f32 v37, v22;
	v23 =	vadd.f32 v34, v23;
	v32 =	vmul.f32 v32, v2  }
0x2df: {  	v34 =	vld [tilespmem:s17+$0x10];
	v31 =	vmul.f32 v31, v1;
	v35 =	vadd.f32 v26, v35;
	v36 =	vadd.f32 v27, v36  }
0x2e0: {  	v37 =	vld [tilespmem:s17+$0x20];
	v26 =	vmul.f32 v30, v0;
	v22 =	vadd.f32 v24, v22;
	v23 =	vadd.f32 v25, v23  }
0x2e1: {  	v20 =	vadd.f32 v33, v20;
	v21 =	vadd.f32 v32, v21;
	v25 =	vld [tilespmem:s17+$0x30];
	v24 =	vmul.f32 v28, v1  }
0x2e2: {  	v19 =	vadd.f32 v31, v19;
	v28 =	vld [tilespmem:s17+$0x40];
	v16 =	vadd.f32 v26, v16;
	v26 =	vmul.f32 v29, v0  }
0x2e3: {  	v20 =	vadd.f32 v17, v20;
	v21 =	vadd.f32 v18, v21;
	v29 =	vld [tilespmem:s17+$0x50]  }
0x2e4: {  	v19 =	vadd.f32 v24, v19;
	v30 =	vld [tilespmem:s17+$0xFFFFFF80];
	v16 =	vadd.f32 v26, v16  }
0x2e5: {  	v33 =	vld [tilespmem:s17+$0xFFFFFF90]  }
0x2e6: {  	v39 =	vld [tilespmem:s17+$0xFFFFFFA0]  }
0x2e7: {  	s6 =	sadd.s32 $0x2, s6;
	v40 =	vld [tilespmem:s17+$0xFFFFFFB0]  }
0x2e8: {  	p1 =	slt.u32 s6, $0x30;
	v26 =	vmul.f32 v38, v11;
	v27 =	vmul.f32 v34, v12;
	v41 =	vld [tilespmem:s17+$0xFFFFFFC0]  }
.Ltmp10:
0x2e9: {  	v24 =	vmul.f32 v37, v9;
	v25 =	vmul.f32 v25, v6;
	v32 =	vld [tilespmem:s17+$0xFFFFFFD0];
	(pc) =	sbr.rel @p1 .LBB2_19-.Ltmp10, $4  }
0x2ea: {  	v17 =	vmul.f32 v28, v4;
	v18 =	vmul.f32 v29, v2;
	v31 =	vld [tilespmem:s17+$0xFFFFFFE0]  }
0x2eb: {  	v29 =	vmul.f32 v30, v11;
	v33 =	vmul.f32 v33, v12;
	v30 =	vld [tilespmem:s17+$0xFFFFFFF0]  }
0x2ec: {  	v37 =	vmul.f32 v39, v9;
	v34 =	vmul.f32 v40, v6;
	v28 =	vld [tilespmem:s17+$0x60]  }
0x2ed: {  	v35 =	vadd.f32 v29, v35;
	v36 =	vadd.f32 v33, v36;
	v33 =	vmul.f32 v41, v4;
	v29 =	vld [tilespmem:s17+$0x70];
	s17 =	sadd.s32 $0x100, s17  }
0x2ee: {  	v22 =	vadd.f32 v37, v22;
	v11 =	vmul.f32 v14, v11;
	v12 =	vmul.f32 v15, v12  }
0x2ef: {  	v14 =	vadd.f32 v26, v35;
	v15 =	vadd.f32 v27, v36  }
0x2f0: {  	v23 =	vadd.f32 v34, v23;
	v9 =	vmul.f32 v13, v9;
	v11 =	vadd.f32 v12, v11  }
0x2f1: {  	v6 =	vmul.f32 v10, v6;
	v13 =	vadd.f32 v24, v22;
	v14 =	vadd.f32 v15, v14  }
0x2f2: {  	v12 =	vmul.f32 v32, v2;
	v15 =	vadd.f32 v25, v23;
	v9 =	vadd.f32 v9, v11  }
0x2f3: {  	v4 =	vmul.f32 v7, v4;
	v11 =	vadd.f32 v33, v20;
	v13 =	vadd.f32 v13, v14  }
0x2f4: {  	v10 =	vmul.f32 v31, v1;
	v12 =	vadd.f32 v12, v21;
	v6 =	vadd.f32 v6, v9  }
0x2f5: {  	v7 =	vmul.f32 v30, v0;
	v9 =	vadd.f32 v17, v11;
	v11 =	vadd.f32 v15, v13  }
0x2f6: {  	v2 =	vmul.f32 v5, v2;
	v10 =	vadd.f32 v10, v19;
	v4 =	vadd.f32 v4, v6  }
0x2f7: {  	v5 =	vmul.f32 v28, v1;
	v6 =	vadd.f32 v18, v12;
	v9 =	vadd.f32 v9, v11  }
0x2f8: {  	v1 =	vmul.f32 v3, v1;
	v7 =	vadd.f32 v7, v16;
	v2 =	vadd.f32 v2, v4  }
0x2f9: {  	v3 =	vmul.f32 v29, v0;
	v4 =	vadd.f32 v5, v10;
	v5 =	vadd.f32 v6, v9  }
0x2fa: {  	v0 =	vmul.f32 v8, v0;
	v1 =	vadd.f32 v1, v2  }
0x2fb: {  	v2 =	vadd.f32 v3, v7;
	v3 =	vadd.f32 v4, v5  }
0x2fc: {  	v0 =	vadd.f32 v0, v1  }
0x2fd: {  	v1 =	vadd.f32 v2, v3  }
0x2fe: {  	[tilespmem:s16+$0x1BD80] =	vst v0  }
0x2ff: {  	[tilespmem:s16+$0x19980] =	vst v1  }
0x300: {  	v11 =	vld [tilespmem:$0x480]  }
0x301: {  	v12 =	vld [tilespmem:$0x490]  }
0x302: {  	v9 =	vld [tilespmem:$0x4A0]  }
0x303: {  	v6 =	vld [tilespmem:$0x4B0]  }
0x304: {  	v4 =	vld [tilespmem:$0x4C0]  }
0x305: {  	v2 =	vld [tilespmem:$0x4D0]  }
0x306: {  	v1 =	vld [tilespmem:$0x4E0]  }
0x307: {  	v0 =	vld [tilespmem:$0x4F0]  }
0x308: {  	v14 =	vld [tilespmem:$0x1E180]  }
0x309: {  	v15 =	vld [tilespmem:$0x1E190]  }
0x30a: {  	v13 =	vld [tilespmem:$0x1E1A0]  }
0x30b: {  	v10 =	vld [tilespmem:$0x1E1B0]  }
0x30c: {  	v7 =	vld [tilespmem:$0x1E1C0]  }
0x30d: {  	s0 =	simm.s32 $0xEAF0;
	v5 =	vld [tilespmem:$0x1E1D0]  }
0x30e: {  	v8 =	vld [tilespmem:s0+$0xFFFFFF90]  }
0x30f: {  	v16 =	vld [tilespmem:s0+$0xFFFFFFA0]  }
0x310: {  	v17 =	vld [tilespmem:s0+$0xFFFFFFB0]  }
0x311: {  	v18 =	vld [tilespmem:s0+$0xFFFFFFC0]  }
0x312: {  	v19 =	vld [tilespmem:s0+$0xFFFFFFD0]  }
0x313: {  	v20 =	vld [tilespmem:s0+$0xFFFFFFE0]  }
0x314: {  	v21 =	vld [tilespmem:s0+$0xFFFFFF10]  }
0x315: {  	v22 =	vld [tilespmem:s0+$0xFFFFFF20]  }
0x316: {  	v23 =	vld [tilespmem:s0+$0xFFFFFF30]  }
0x317: {  	v28 =	vld [tilespmem:s0+$0xFFFFFF40]  }
0x318: {  	v29 =	vld [tilespmem:s0+$0xFFFFFF50];
	v26 =	vmul.f32 v8, v11  }
0x319: {  	v3 =	vld [tilespmem:$0x1E1E0];
	v27 =	vmul.f32 v16, v12;
	v24 =	vmul.f32 v17, v9  }
0x31a: {  	v32 =	vld [tilespmem:s0+$0xFFFFFF60];
	v25 =	vmul.f32 v18, v6;
	v17 =	vmul.f32 v19, v4  }
0x31b: {  	v31 =	vld [tilespmem:s0+$0xFFFFFF70];
	v16 =	vmul.f32 v21, v11;
	v19 =	vmul.f32 v22, v12  }
0x31c: {  	v30 =	vld [tilespmem:s0+$0xFFFFFF80];
	v22 =	vimm.f32 $0.0e+00;
	v18 =	vmul.f32 v20, v2;
	v37 =	vmul.f32 v23, v9  }
0x31d: {  	v8 =	vld [tilespmem:$0x1E1F0];
	v34 =	vmul.f32 v28, v6;
	v33 =	vmul.f32 v29, v4;
	v23 =	vimm.f32 $0.0e+00  }
0x31e: {  	v28 =	vld [tilespmem:s0+$0xFFFFFFF0];
	v20 =	vimm.f32 $0.0e+00;
	v21 =	vimm.f32 $0.0e+00;
	v35 =	vadd.f32 v16, v22  }
0x31f: {  	s6 =	simm.s32 $0x0;
	s17 =	simm.s32 $0xEBF0;
	v29 =	vld [tilespmem:s0+$0x0];
	v36 =	vadd.f32 v19, v22;
	v19 =	vimm.f32 $0.0e+00;
	v16 =	vimm.f32 $0.0e+00  }
.LBB2_21:
0x320: {  	v38 =	vld [tilespmem:s17+$0xFFFFFF90];
	v22 =	vadd.f32 v37, v22;
	v23 =	vadd.f32 v34, v23;
	v32 =	vmul.f32 v32, v2  }
0x321: {  	v34 =	vld [tilespmem:s17+$0xFFFFFFA0];
	v31 =	vmul.f32 v31, v1;
	v35 =	vadd.f32 v26, v35;
	v36 =	vadd.f32 v27, v36  }
0x322: {  	v37 =	vld [tilespmem:s17+$0xFFFFFFB0];
	v26 =	vmul.f32 v30, v0;
	v22 =	vadd.f32 v24, v22;
	v23 =	vadd.f32 v25, v23  }
0x323: {  	v20 =	vadd.f32 v33, v20;
	v21 =	vadd.f32 v32, v21;
	v25 =	vld [tilespmem:s17+$0xFFFFFFC0];
	v24 =	vmul.f32 v28, v1  }
0x324: {  	v19 =	vadd.f32 v31, v19;
	v28 =	vld [tilespmem:s17+$0xFFFFFFD0];
	v16 =	vadd.f32 v26, v16;
	v26 =	vmul.f32 v29, v0  }
0x325: {  	v20 =	vadd.f32 v17, v20;
	v21 =	vadd.f32 v18, v21;
	v29 =	vld [tilespmem:s17+$0xFFFFFFE0]  }
0x326: {  	v19 =	vadd.f32 v24, v19;
	v30 =	vld [tilespmem:s17+$0xFFFFFF10];
	v16 =	vadd.f32 v26, v16  }
0x327: {  	v33 =	vld [tilespmem:s17+$0xFFFFFF20]  }
0x328: {  	v39 =	vld [tilespmem:s17+$0xFFFFFF30]  }
0x329: {  	s6 =	sadd.s32 $0x2, s6;
	v40 =	vld [tilespmem:s17+$0xFFFFFF40]  }
0x32a: {  	p1 =	slt.u32 s6, $0x30;
	v26 =	vmul.f32 v38, v11;
	v27 =	vmul.f32 v34, v12;
	v41 =	vld [tilespmem:s17+$0xFFFFFF50]  }
.Ltmp11:
0x32b: {  	v24 =	vmul.f32 v37, v9;
	v25 =	vmul.f32 v25, v6;
	v32 =	vld [tilespmem:s17+$0xFFFFFF60];
	(pc) =	sbr.rel @p1 .LBB2_21-.Ltmp11, $4  }
0x32c: {  	v17 =	vmul.f32 v28, v4;
	v18 =	vmul.f32 v29, v2;
	v31 =	vld [tilespmem:s17+$0xFFFFFF70]  }
0x32d: {  	v29 =	vmul.f32 v30, v11;
	v33 =	vmul.f32 v33, v12;
	v30 =	vld [tilespmem:s17+$0xFFFFFF80]  }
0x32e: {  	v37 =	vmul.f32 v39, v9;
	v34 =	vmul.f32 v40, v6;
	v28 =	vld [tilespmem:s17+$0xFFFFFFF0]  }
0x32f: {  	v35 =	vadd.f32 v29, v35;
	v36 =	vadd.f32 v33, v36;
	v33 =	vmul.f32 v41, v4;
	v29 =	vld [tilespmem:s17+$0x0];
	s17 =	sadd.s32 $0x100, s17  }
0x330: {  	v22 =	vadd.f32 v37, v22;
	v11 =	vmul.f32 v14, v11;
	v12 =	vmul.f32 v15, v12  }
0x331: {  	v14 =	vadd.f32 v26, v35;
	v15 =	vadd.f32 v27, v36  }
0x332: {  	v23 =	vadd.f32 v34, v23;
	v9 =	vmul.f32 v13, v9;
	v11 =	vadd.f32 v12, v11  }
0x333: {  	v6 =	vmul.f32 v10, v6;
	v13 =	vadd.f32 v24, v22;
	v14 =	vadd.f32 v15, v14  }
0x334: {  	v12 =	vmul.f32 v32, v2;
	v15 =	vadd.f32 v25, v23;
	v9 =	vadd.f32 v9, v11  }
0x335: {  	v4 =	vmul.f32 v7, v4;
	v11 =	vadd.f32 v33, v20;
	v13 =	vadd.f32 v13, v14  }
0x336: {  	v10 =	vmul.f32 v31, v1;
	v12 =	vadd.f32 v12, v21;
	v6 =	vadd.f32 v6, v9  }
0x337: {  	v7 =	vmul.f32 v30, v0;
	v9 =	vadd.f32 v17, v11;
	v11 =	vadd.f32 v15, v13  }
0x338: {  	v2 =	vmul.f32 v5, v2;
	v10 =	vadd.f32 v10, v19;
	v4 =	vadd.f32 v4, v6  }
0x339: {  	v5 =	vmul.f32 v28, v1;
	v6 =	vadd.f32 v18, v12;
	v9 =	vadd.f32 v9, v11  }
0x33a: {  	v1 =	vmul.f32 v3, v1;
	v7 =	vadd.f32 v7, v16;
	v2 =	vadd.f32 v2, v4  }
0x33b: {  	v3 =	vmul.f32 v29, v0;
	v4 =	vadd.f32 v5, v10;
	v5 =	vadd.f32 v6, v9  }
0x33c: {  	v0 =	vmul.f32 v8, v0;
	v1 =	vadd.f32 v1, v2  }
0x33d: {  	v2 =	vadd.f32 v3, v7;
	v3 =	vadd.f32 v4, v5  }
0x33e: {  	v0 =	vadd.f32 v0, v1  }
0x33f: {  	v1 =	vadd.f32 v2, v3  }
0x340: {  	[tilespmem:s16+$0x1BD90] =	vst v0  }
0x341: {  	[tilespmem:s16+$0x19990] =	vst v1  }
0x342: {  	v11 =	vld [tilespmem:$0x500]  }
0x343: {  	v12 =	vld [tilespmem:$0x510]  }
0x344: {  	v9 =	vld [tilespmem:$0x520]  }
0x345: {  	v6 =	vld [tilespmem:$0x530]  }
0x346: {  	v4 =	vld [tilespmem:$0x540]  }
0x347: {  	v2 =	vld [tilespmem:$0x550]  }
0x348: {  	v1 =	vld [tilespmem:$0x560]  }
0x349: {  	v0 =	vld [tilespmem:$0x570]  }
0x34a: {  	v14 =	vld [tilespmem:$0x1E200]  }
0x34b: {  	v15 =	vld [tilespmem:$0x1E210]  }
0x34c: {  	v13 =	vld [tilespmem:$0x1E220]  }
0x34d: {  	v10 =	vld [tilespmem:$0x1E230]  }
0x34e: {  	v7 =	vld [tilespmem:$0x1E240]  }
0x34f: {  	s0 =	simm.s32 $0x103F0;
	v5 =	vld [tilespmem:$0x1E250]  }
0x350: {  	v8 =	vld [tilespmem:s0+$0xFFFFFF90]  }
0x351: {  	v16 =	vld [tilespmem:s0+$0xFFFFFFA0]  }
0x352: {  	v17 =	vld [tilespmem:s0+$0xFFFFFFB0]  }
0x353: {  	v18 =	vld [tilespmem:s0+$0xFFFFFFC0]  }
0x354: {  	v19 =	vld [tilespmem:s0+$0xFFFFFFD0]  }
0x355: {  	v20 =	vld [tilespmem:s0+$0xFFFFFFE0]  }
0x356: {  	v21 =	vld [tilespmem:s0+$0xFFFFFF10]  }
0x357: {  	v22 =	vld [tilespmem:s0+$0xFFFFFF20]  }
0x358: {  	v23 =	vld [tilespmem:s0+$0xFFFFFF30]  }
0x359: {  	v28 =	vld [tilespmem:s0+$0xFFFFFF40]  }
0x35a: {  	v29 =	vld [tilespmem:s0+$0xFFFFFF50];
	v26 =	vmul.f32 v8, v11  }
0x35b: {  	v3 =	vld [tilespmem:$0x1E260];
	v27 =	vmul.f32 v16, v12;
	v24 =	vmul.f32 v17, v9  }
0x35c: {  	v32 =	vld [tilespmem:s0+$0xFFFFFF60];
	v25 =	vmul.f32 v18, v6;
	v17 =	vmul.f32 v19, v4  }
0x35d: {  	v31 =	vld [tilespmem:s0+$0xFFFFFF70];
	v16 =	vmul.f32 v21, v11;
	v19 =	vmul.f32 v22, v12  }
0x35e: {  	v30 =	vld [tilespmem:s0+$0xFFFFFF80];
	v22 =	vimm.f32 $0.0e+00;
	v18 =	vmul.f32 v20, v2;
	v37 =	vmul.f32 v23, v9  }
0x35f: {  	v8 =	vld [tilespmem:$0x1E270];
	v34 =	vmul.f32 v28, v6;
	v33 =	vmul.f32 v29, v4;
	v23 =	vimm.f32 $0.0e+00  }
0x360: {  	v28 =	vld [tilespmem:s0+$0xFFFFFFF0];
	v20 =	vimm.f32 $0.0e+00;
	v21 =	vimm.f32 $0.0e+00;
	v35 =	vadd.f32 v16, v22  }
0x361: {  	s6 =	simm.s32 $0x0;
	s17 =	simm.s32 $0x104F0;
	v29 =	vld [tilespmem:s0+$0x0];
	v36 =	vadd.f32 v19, v22;
	v19 =	vimm.f32 $0.0e+00;
	v16 =	vimm.f32 $0.0e+00  }
.LBB2_23:
0x362: {  	v38 =	vld [tilespmem:s17+$0xFFFFFF90];
	v22 =	vadd.f32 v37, v22;
	v23 =	vadd.f32 v34, v23;
	v32 =	vmul.f32 v32, v2  }
0x363: {  	v34 =	vld [tilespmem:s17+$0xFFFFFFA0];
	v31 =	vmul.f32 v31, v1;
	v35 =	vadd.f32 v26, v35;
	v36 =	vadd.f32 v27, v36  }
0x364: {  	v37 =	vld [tilespmem:s17+$0xFFFFFFB0];
	v26 =	vmul.f32 v30, v0;
	v22 =	vadd.f32 v24, v22;
	v23 =	vadd.f32 v25, v23  }
0x365: {  	v20 =	vadd.f32 v33, v20;
	v21 =	vadd.f32 v32, v21;
	v25 =	vld [tilespmem:s17+$0xFFFFFFC0];
	v24 =	vmul.f32 v28, v1  }
0x366: {  	v19 =	vadd.f32 v31, v19;
	v28 =	vld [tilespmem:s17+$0xFFFFFFD0];
	v16 =	vadd.f32 v26, v16;
	v26 =	vmul.f32 v29, v0  }
0x367: {  	v20 =	vadd.f32 v17, v20;
	v21 =	vadd.f32 v18, v21;
	v29 =	vld [tilespmem:s17+$0xFFFFFFE0]  }
0x368: {  	v19 =	vadd.f32 v24, v19;
	v30 =	vld [tilespmem:s17+$0xFFFFFF10];
	v16 =	vadd.f32 v26, v16  }
0x369: {  	v33 =	vld [tilespmem:s17+$0xFFFFFF20]  }
0x36a: {  	v39 =	vld [tilespmem:s17+$0xFFFFFF30]  }
0x36b: {  	s6 =	sadd.s32 $0x2, s6;
	v40 =	vld [tilespmem:s17+$0xFFFFFF40]  }
0x36c: {  	p1 =	slt.u32 s6, $0x30;
	v26 =	vmul.f32 v38, v11;
	v27 =	vmul.f32 v34, v12;
	v41 =	vld [tilespmem:s17+$0xFFFFFF50]  }
.Ltmp12:
0x36d: {  	v24 =	vmul.f32 v37, v9;
	v25 =	vmul.f32 v25, v6;
	v32 =	vld [tilespmem:s17+$0xFFFFFF60];
	(pc) =	sbr.rel @p1 .LBB2_23-.Ltmp12, $4  }
0x36e: {  	v17 =	vmul.f32 v28, v4;
	v18 =	vmul.f32 v29, v2;
	v31 =	vld [tilespmem:s17+$0xFFFFFF70]  }
0x36f: {  	v29 =	vmul.f32 v30, v11;
	v33 =	vmul.f32 v33, v12;
	v30 =	vld [tilespmem:s17+$0xFFFFFF80]  }
0x370: {  	v37 =	vmul.f32 v39, v9;
	v34 =	vmul.f32 v40, v6;
	v28 =	vld [tilespmem:s17+$0xFFFFFFF0]  }
0x371: {  	v35 =	vadd.f32 v29, v35;
	v36 =	vadd.f32 v33, v36;
	v33 =	vmul.f32 v41, v4;
	v29 =	vld [tilespmem:s17+$0x0];
	s17 =	sadd.s32 $0x100, s17  }
0x372: {  	v22 =	vadd.f32 v37, v22;
	v11 =	vmul.f32 v14, v11;
	v12 =	vmul.f32 v15, v12  }
0x373: {  	v14 =	vadd.f32 v26, v35;
	v15 =	vadd.f32 v27, v36  }
0x374: {  	v23 =	vadd.f32 v34, v23;
	v9 =	vmul.f32 v13, v9;
	v11 =	vadd.f32 v12, v11  }
0x375: {  	v6 =	vmul.f32 v10, v6;
	v13 =	vadd.f32 v24, v22;
	v14 =	vadd.f32 v15, v14  }
0x376: {  	v12 =	vmul.f32 v32, v2;
	v15 =	vadd.f32 v25, v23;
	v9 =	vadd.f32 v9, v11  }
0x377: {  	v4 =	vmul.f32 v7, v4;
	v11 =	vadd.f32 v33, v20;
	v13 =	vadd.f32 v13, v14  }
0x378: {  	v10 =	vmul.f32 v31, v1;
	v12 =	vadd.f32 v12, v21;
	v6 =	vadd.f32 v6, v9  }
0x379: {  	v7 =	vmul.f32 v30, v0;
	v9 =	vadd.f32 v17, v11;
	v11 =	vadd.f32 v15, v13  }
0x37a: {  	v2 =	vmul.f32 v5, v2;
	v10 =	vadd.f32 v10, v19;
	v4 =	vadd.f32 v4, v6  }
0x37b: {  	v5 =	vmul.f32 v28, v1;
	v6 =	vadd.f32 v18, v12;
	v9 =	vadd.f32 v9, v11  }
0x37c: {  	v1 =	vmul.f32 v3, v1;
	v7 =	vadd.f32 v7, v16;
	v2 =	vadd.f32 v2, v4  }
0x37d: {  	v3 =	vmul.f32 v29, v0;
	v4 =	vadd.f32 v5, v10;
	v5 =	vadd.f32 v6, v9  }
0x37e: {  	v0 =	vmul.f32 v8, v0;
	v1 =	vadd.f32 v1, v2  }
0x37f: {  	v2 =	vadd.f32 v3, v7;
	v3 =	vadd.f32 v4, v5  }
0x380: {  	v0 =	vadd.f32 v0, v1  }
0x381: {  	v1 =	vadd.f32 v2, v3  }
0x382: {  	[tilespmem:s16+$0x1BDA0] =	vst v0  }
0x383: {  	[tilespmem:s16+$0x199A0] =	vst v1  }
0x384: {  	v11 =	vld [tilespmem:$0x580]  }
0x385: {  	v12 =	vld [tilespmem:$0x590]  }
0x386: {  	v9 =	vld [tilespmem:$0x5A0]  }
0x387: {  	v6 =	vld [tilespmem:$0x5B0]  }
0x388: {  	v4 =	vld [tilespmem:$0x5C0]  }
0x389: {  	v2 =	vld [tilespmem:$0x5D0]  }
0x38a: {  	v1 =	vld [tilespmem:$0x5E0]  }
0x38b: {  	v0 =	vld [tilespmem:$0x5F0]  }
0x38c: {  	v14 =	vld [tilespmem:$0x1E280]  }
0x38d: {  	v15 =	vld [tilespmem:$0x1E290]  }
0x38e: {  	v13 =	vld [tilespmem:$0x1E2A0]  }
0x38f: {  	v10 =	vld [tilespmem:$0x1E2B0]  }
0x390: {  	v7 =	vld [tilespmem:$0x1E2C0]  }
0x391: {  	s0 =	simm.s32 $0x11C00;
	v5 =	vld [tilespmem:$0x1E2D0]  }
0x392: {  	v8 =	vld [tilespmem:s0+$0x80]  }
0x393: {  	v16 =	vld [tilespmem:s0+$0x90]  }
0x394: {  	v17 =	vld [tilespmem:s0+$0xA0]  }
0x395: {  	v18 =	vld [tilespmem:s0+$0xB0]  }
0x396: {  	v19 =	vld [tilespmem:s0+$0xC0]  }
0x397: {  	v20 =	vld [tilespmem:s0+$0xD0]  }
0x398: {  	v21 =	vld [tilespmem:s0+$0x0]  }
0x399: {  	v22 =	vld [tilespmem:s0+$0x10]  }
0x39a: {  	v23 =	vld [tilespmem:s0+$0x20]  }
0x39b: {  	v28 =	vld [tilespmem:s0+$0x30]  }
0x39c: {  	v29 =	vld [tilespmem:s0+$0x40];
	v26 =	vmul.f32 v8, v11  }
0x39d: {  	v3 =	vld [tilespmem:$0x1E2E0];
	v27 =	vmul.f32 v16, v12;
	v24 =	vmul.f32 v17, v9  }
0x39e: {  	v32 =	vld [tilespmem:s0+$0x50];
	v25 =	vmul.f32 v18, v6;
	v17 =	vmul.f32 v19, v4  }
0x39f: {  	v31 =	vld [tilespmem:s0+$0x60];
	v16 =	vmul.f32 v21, v11;
	v19 =	vmul.f32 v22, v12  }
0x3a0: {  	v30 =	vld [tilespmem:s0+$0x70];
	v22 =	vimm.f32 $0.0e+00;
	v18 =	vmul.f32 v20, v2;
	v37 =	vmul.f32 v23, v9  }
0x3a1: {  	v8 =	vld [tilespmem:$0x1E2F0];
	v34 =	vmul.f32 v28, v6;
	v33 =	vmul.f32 v29, v4;
	v23 =	vimm.f32 $0.0e+00  }
0x3a2: {  	v28 =	vld [tilespmem:s0+$0xE0];
	v20 =	vimm.f32 $0.0e+00;
	v21 =	vimm.f32 $0.0e+00;
	v35 =	vadd.f32 v16, v22  }
0x3a3: {  	s6 =	simm.s32 $0x0;
	s17 =	simm.s32 $0x11D00;
	v29 =	vld [tilespmem:s0+$0xF0];
	v36 =	vadd.f32 v19, v22;
	v19 =	vimm.f32 $0.0e+00;
	v16 =	vimm.f32 $0.0e+00  }
.LBB2_25:
0x3a4: {  	v38 =	vld [tilespmem:s17+$0x80];
	v22 =	vadd.f32 v37, v22;
	v23 =	vadd.f32 v34, v23;
	v32 =	vmul.f32 v32, v2  }
0x3a5: {  	v34 =	vld [tilespmem:s17+$0x90];
	v31 =	vmul.f32 v31, v1;
	v35 =	vadd.f32 v26, v35;
	v36 =	vadd.f32 v27, v36  }
0x3a6: {  	v37 =	vld [tilespmem:s17+$0xA0];
	v26 =	vmul.f32 v30, v0;
	v22 =	vadd.f32 v24, v22;
	v23 =	vadd.f32 v25, v23  }
0x3a7: {  	v20 =	vadd.f32 v33, v20;
	v21 =	vadd.f32 v32, v21;
	v25 =	vld [tilespmem:s17+$0xB0];
	v24 =	vmul.f32 v28, v1  }
0x3a8: {  	v19 =	vadd.f32 v31, v19;
	v28 =	vld [tilespmem:s17+$0xC0];
	v16 =	vadd.f32 v26, v16;
	v26 =	vmul.f32 v29, v0  }
0x3a9: {  	v20 =	vadd.f32 v17, v20;
	v21 =	vadd.f32 v18, v21;
	v29 =	vld [tilespmem:s17+$0xD0]  }
0x3aa: {  	v19 =	vadd.f32 v24, v19;
	v30 =	vld [tilespmem:s17+$0x0];
	v16 =	vadd.f32 v26, v16  }
0x3ab: {  	v33 =	vld [tilespmem:s17+$0x10]  }
0x3ac: {  	v39 =	vld [tilespmem:s17+$0x20]  }
0x3ad: {  	s6 =	sadd.s32 $0x2, s6;
	v40 =	vld [tilespmem:s17+$0x30]  }
0x3ae: {  	p1 =	slt.u32 s6, $0x30;
	v26 =	vmul.f32 v38, v11;
	v27 =	vmul.f32 v34, v12;
	v41 =	vld [tilespmem:s17+$0x40]  }
.Ltmp13:
0x3af: {  	v24 =	vmul.f32 v37, v9;
	v25 =	vmul.f32 v25, v6;
	v32 =	vld [tilespmem:s17+$0x50];
	(pc) =	sbr.rel @p1 .LBB2_25-.Ltmp13, $4  }
0x3b0: {  	v17 =	vmul.f32 v28, v4;
	v18 =	vmul.f32 v29, v2;
	v31 =	vld [tilespmem:s17+$0x60]  }
0x3b1: {  	v29 =	vmul.f32 v30, v11;
	v33 =	vmul.f32 v33, v12;
	v30 =	vld [tilespmem:s17+$0x70]  }
0x3b2: {  	v37 =	vmul.f32 v39, v9;
	v34 =	vmul.f32 v40, v6;
	v28 =	vld [tilespmem:s17+$0xE0]  }
0x3b3: {  	v35 =	vadd.f32 v29, v35;
	v36 =	vadd.f32 v33, v36;
	v33 =	vmul.f32 v41, v4;
	v29 =	vld [tilespmem:s17+$0xF0];
	s17 =	sadd.s32 $0x100, s17  }
0x3b4: {  	v22 =	vadd.f32 v37, v22;
	v11 =	vmul.f32 v14, v11;
	v12 =	vmul.f32 v15, v12  }
0x3b5: {  	v14 =	vadd.f32 v26, v35;
	v15 =	vadd.f32 v27, v36  }
0x3b6: {  	v23 =	vadd.f32 v34, v23;
	v9 =	vmul.f32 v13, v9;
	v11 =	vadd.f32 v12, v11  }
0x3b7: {  	v6 =	vmul.f32 v10, v6;
	v13 =	vadd.f32 v24, v22;
	v14 =	vadd.f32 v15, v14  }
0x3b8: {  	v12 =	vmul.f32 v32, v2;
	v15 =	vadd.f32 v25, v23;
	v9 =	vadd.f32 v9, v11  }
0x3b9: {  	v4 =	vmul.f32 v7, v4;
	v11 =	vadd.f32 v33, v20;
	v13 =	vadd.f32 v13, v14  }
0x3ba: {  	v10 =	vmul.f32 v31, v1;
	v12 =	vadd.f32 v12, v21;
	v6 =	vadd.f32 v6, v9  }
0x3bb: {  	v7 =	vmul.f32 v30, v0;
	v9 =	vadd.f32 v17, v11;
	v11 =	vadd.f32 v15, v13  }
0x3bc: {  	v2 =	vmul.f32 v5, v2;
	v10 =	vadd.f32 v10, v19;
	v4 =	vadd.f32 v4, v6  }
0x3bd: {  	v5 =	vmul.f32 v28, v1;
	v6 =	vadd.f32 v18, v12;
	v9 =	vadd.f32 v9, v11  }
0x3be: {  	v1 =	vmul.f32 v3, v1;
	v7 =	vadd.f32 v7, v16;
	v2 =	vadd.f32 v2, v4  }
0x3bf: {  	v3 =	vmul.f32 v29, v0;
	v4 =	vadd.f32 v5, v10;
	v5 =	vadd.f32 v6, v9  }
0x3c0: {  	v0 =	vmul.f32 v8, v0;
	v1 =	vadd.f32 v1, v2  }
0x3c1: {  	v2 =	vadd.f32 v3, v7;
	v3 =	vadd.f32 v4, v5  }
0x3c2: {  	v0 =	vadd.f32 v0, v1  }
0x3c3: {  	v1 =	vadd.f32 v2, v3  }
0x3c4: {  	[tilespmem:s16+$0x1BDB0] =	vst v0  }
0x3c5: {  	[tilespmem:s16+$0x199B0] =	vst v1  }
0x3c6: {  	v11 =	vld [tilespmem:$0x600]  }
0x3c7: {  	v12 =	vld [tilespmem:$0x610]  }
0x3c8: {  	v9 =	vld [tilespmem:$0x620]  }
0x3c9: {  	v6 =	vld [tilespmem:$0x630]  }
0x3ca: {  	v4 =	vld [tilespmem:$0x640]  }
0x3cb: {  	v2 =	vld [tilespmem:$0x650]  }
0x3cc: {  	v1 =	vld [tilespmem:$0x660]  }
0x3cd: {  	v0 =	vld [tilespmem:$0x670]  }
0x3ce: {  	v14 =	vld [tilespmem:$0x1E300]  }
0x3cf: {  	v15 =	vld [tilespmem:$0x1E310]  }
0x3d0: {  	v13 =	vld [tilespmem:$0x1E320]  }
0x3d1: {  	v10 =	vld [tilespmem:$0x1E330]  }
0x3d2: {  	v7 =	vld [tilespmem:$0x1E340]  }
0x3d3: {  	s0 =	simm.s32 $0x13500;
	v5 =	vld [tilespmem:$0x1E350]  }
0x3d4: {  	v8 =	vld [tilespmem:s0+$0x80]  }
0x3d5: {  	v16 =	vld [tilespmem:s0+$0x90]  }
0x3d6: {  	v17 =	vld [tilespmem:s0+$0xA0]  }
0x3d7: {  	v18 =	vld [tilespmem:s0+$0xB0]  }
0x3d8: {  	v19 =	vld [tilespmem:s0+$0xC0]  }
0x3d9: {  	v20 =	vld [tilespmem:s0+$0xD0]  }
0x3da: {  	v21 =	vld [tilespmem:s0+$0x0]  }
0x3db: {  	v22 =	vld [tilespmem:s0+$0x10]  }
0x3dc: {  	v23 =	vld [tilespmem:s0+$0x20]  }
0x3dd: {  	v28 =	vld [tilespmem:s0+$0x30]  }
0x3de: {  	v29 =	vld [tilespmem:s0+$0x40];
	v26 =	vmul.f32 v8, v11  }
0x3df: {  	v3 =	vld [tilespmem:$0x1E360];
	v27 =	vmul.f32 v16, v12;
	v24 =	vmul.f32 v17, v9  }
0x3e0: {  	v32 =	vld [tilespmem:s0+$0x50];
	v25 =	vmul.f32 v18, v6;
	v17 =	vmul.f32 v19, v4  }
0x3e1: {  	v31 =	vld [tilespmem:s0+$0x60];
	v16 =	vmul.f32 v21, v11;
	v19 =	vmul.f32 v22, v12  }
0x3e2: {  	v30 =	vld [tilespmem:s0+$0x70];
	v22 =	vimm.f32 $0.0e+00;
	v18 =	vmul.f32 v20, v2;
	v37 =	vmul.f32 v23, v9  }
0x3e3: {  	v8 =	vld [tilespmem:$0x1E370];
	v34 =	vmul.f32 v28, v6;
	v33 =	vmul.f32 v29, v4;
	v23 =	vimm.f32 $0.0e+00  }
0x3e4: {  	v28 =	vld [tilespmem:s0+$0xE0];
	v20 =	vimm.f32 $0.0e+00;
	v21 =	vimm.f32 $0.0e+00;
	v35 =	vadd.f32 v16, v22  }
0x3e5: {  	s6 =	simm.s32 $0x0;
	s17 =	simm.s32 $0x13600;
	v29 =	vld [tilespmem:s0+$0xF0];
	v36 =	vadd.f32 v19, v22;
	v19 =	vimm.f32 $0.0e+00;
	v16 =	vimm.f32 $0.0e+00  }
.LBB2_27:
0x3e6: {  	v38 =	vld [tilespmem:s17+$0x80];
	v22 =	vadd.f32 v37, v22;
	v23 =	vadd.f32 v34, v23;
	v32 =	vmul.f32 v32, v2  }
0x3e7: {  	v34 =	vld [tilespmem:s17+$0x90];
	v31 =	vmul.f32 v31, v1;
	v35 =	vadd.f32 v26, v35;
	v36 =	vadd.f32 v27, v36  }
0x3e8: {  	v37 =	vld [tilespmem:s17+$0xA0];
	v26 =	vmul.f32 v30, v0;
	v22 =	vadd.f32 v24, v22;
	v23 =	vadd.f32 v25, v23  }
0x3e9: {  	v20 =	vadd.f32 v33, v20;
	v21 =	vadd.f32 v32, v21;
	v25 =	vld [tilespmem:s17+$0xB0];
	v24 =	vmul.f32 v28, v1  }
0x3ea: {  	v19 =	vadd.f32 v31, v19;
	v28 =	vld [tilespmem:s17+$0xC0];
	v16 =	vadd.f32 v26, v16;
	v26 =	vmul.f32 v29, v0  }
0x3eb: {  	v20 =	vadd.f32 v17, v20;
	v21 =	vadd.f32 v18, v21;
	v29 =	vld [tilespmem:s17+$0xD0]  }
0x3ec: {  	v19 =	vadd.f32 v24, v19;
	v30 =	vld [tilespmem:s17+$0x0];
	v16 =	vadd.f32 v26, v16  }
0x3ed: {  	v33 =	vld [tilespmem:s17+$0x10]  }
0x3ee: {  	v39 =	vld [tilespmem:s17+$0x20]  }
0x3ef: {  	s6 =	sadd.s32 $0x2, s6;
	v40 =	vld [tilespmem:s17+$0x30]  }
0x3f0: {  	p1 =	slt.u32 s6, $0x30;
	v26 =	vmul.f32 v38, v11;
	v27 =	vmul.f32 v34, v12;
	v41 =	vld [tilespmem:s17+$0x40]  }
.Ltmp14:
0x3f1: {  	v24 =	vmul.f32 v37, v9;
	v25 =	vmul.f32 v25, v6;
	v32 =	vld [tilespmem:s17+$0x50];
	(pc) =	sbr.rel @p1 .LBB2_27-.Ltmp14, $4  }
0x3f2: {  	v17 =	vmul.f32 v28, v4;
	v18 =	vmul.f32 v29, v2;
	v31 =	vld [tilespmem:s17+$0x60]  }
0x3f3: {  	v29 =	vmul.f32 v30, v11;
	v33 =	vmul.f32 v33, v12;
	v30 =	vld [tilespmem:s17+$0x70]  }
0x3f4: {  	v37 =	vmul.f32 v39, v9;
	v34 =	vmul.f32 v40, v6;
	v28 =	vld [tilespmem:s17+$0xE0]  }
0x3f5: {  	v35 =	vadd.f32 v29, v35;
	v36 =	vadd.f32 v33, v36;
	v33 =	vmul.f32 v41, v4;
	v29 =	vld [tilespmem:s17+$0xF0];
	s17 =	sadd.s32 $0x100, s17  }
0x3f6: {  	v22 =	vadd.f32 v37, v22;
	v11 =	vmul.f32 v14, v11;
	v12 =	vmul.f32 v15, v12  }
0x3f7: {  	v14 =	vadd.f32 v26, v35;
	v15 =	vadd.f32 v27, v36  }
0x3f8: {  	v23 =	vadd.f32 v34, v23;
	v9 =	vmul.f32 v13, v9;
	v11 =	vadd.f32 v12, v11  }
0x3f9: {  	v6 =	vmul.f32 v10, v6;
	v13 =	vadd.f32 v24, v22;
	v14 =	vadd.f32 v15, v14  }
0x3fa: {  	v12 =	vmul.f32 v32, v2;
	v15 =	vadd.f32 v25, v23;
	v9 =	vadd.f32 v9, v11  }
0x3fb: {  	v4 =	vmul.f32 v7, v4;
	v11 =	vadd.f32 v33, v20;
	v13 =	vadd.f32 v13, v14  }
0x3fc: {  	v10 =	vmul.f32 v31, v1;
	v12 =	vadd.f32 v12, v21;
	v6 =	vadd.f32 v6, v9  }
0x3fd: {  	v7 =	vmul.f32 v30, v0;
	v9 =	vadd.f32 v17, v11;
	v11 =	vadd.f32 v15, v13  }
0x3fe: {  	v2 =	vmul.f32 v5, v2;
	v10 =	vadd.f32 v10, v19;
	v4 =	vadd.f32 v4, v6  }
0x3ff: {  	v5 =	vmul.f32 v28, v1;
	v6 =	vadd.f32 v18, v12;
	v9 =	vadd.f32 v9, v11  }
0x400: {  	v1 =	vmul.f32 v3, v1;
	v7 =	vadd.f32 v7, v16;
	v2 =	vadd.f32 v2, v4  }
0x401: {  	v3 =	vmul.f32 v29, v0;
	v4 =	vadd.f32 v5, v10;
	v5 =	vadd.f32 v6, v9  }
0x402: {  	v0 =	vmul.f32 v8, v0;
	v1 =	vadd.f32 v1, v2  }
0x403: {  	v2 =	vadd.f32 v3, v7;
	v3 =	vadd.f32 v4, v5  }
0x404: {  	v0 =	vadd.f32 v0, v1  }
0x405: {  	v1 =	vadd.f32 v2, v3  }
0x406: {  	[tilespmem:s16+$0x1BDC0] =	vst v0  }
0x407: {  	[tilespmem:s16+$0x199C0] =	vst v1  }
0x408: {  	v11 =	vld [tilespmem:$0x680]  }
0x409: {  	v12 =	vld [tilespmem:$0x690]  }
0x40a: {  	v9 =	vld [tilespmem:$0x6A0]  }
0x40b: {  	v6 =	vld [tilespmem:$0x6B0]  }
0x40c: {  	v4 =	vld [tilespmem:$0x6C0]  }
0x40d: {  	v2 =	vld [tilespmem:$0x6D0]  }
0x40e: {  	v1 =	vld [tilespmem:$0x6E0]  }
0x40f: {  	v0 =	vld [tilespmem:$0x6F0]  }
0x410: {  	v14 =	vld [tilespmem:$0x1E380]  }
0x411: {  	v15 =	vld [tilespmem:$0x1E390]  }
0x412: {  	v13 =	vld [tilespmem:$0x1E3A0]  }
0x413: {  	v10 =	vld [tilespmem:$0x1E3B0]  }
0x414: {  	v7 =	vld [tilespmem:$0x1E3C0]  }
0x415: {  	s0 =	simm.s32 $0x14E00;
	v5 =	vld [tilespmem:$0x1E3D0]  }
0x416: {  	v8 =	vld [tilespmem:s0+$0x80]  }
0x417: {  	v16 =	vld [tilespmem:s0+$0x90]  }
0x418: {  	v17 =	vld [tilespmem:s0+$0xA0]  }
0x419: {  	v18 =	vld [tilespmem:s0+$0xB0]  }
0x41a: {  	v19 =	vld [tilespmem:s0+$0xC0]  }
0x41b: {  	v20 =	vld [tilespmem:s0+$0xD0]  }
0x41c: {  	v21 =	vld [tilespmem:s0+$0x0]  }
0x41d: {  	v22 =	vld [tilespmem:s0+$0x10]  }
0x41e: {  	v23 =	vld [tilespmem:s0+$0x20]  }
0x41f: {  	v28 =	vld [tilespmem:s0+$0x30]  }
0x420: {  	v29 =	vld [tilespmem:s0+$0x40];
	v26 =	vmul.f32 v8, v11  }
0x421: {  	v3 =	vld [tilespmem:$0x1E3E0];
	v27 =	vmul.f32 v16, v12;
	v24 =	vmul.f32 v17, v9  }
0x422: {  	v32 =	vld [tilespmem:s0+$0x50];
	v25 =	vmul.f32 v18, v6;
	v17 =	vmul.f32 v19, v4  }
0x423: {  	v31 =	vld [tilespmem:s0+$0x60];
	v16 =	vmul.f32 v21, v11;
	v19 =	vmul.f32 v22, v12  }
0x424: {  	v30 =	vld [tilespmem:s0+$0x70];
	v22 =	vimm.f32 $0.0e+00;
	v18 =	vmul.f32 v20, v2;
	v37 =	vmul.f32 v23, v9  }
0x425: {  	v8 =	vld [tilespmem:$0x1E3F0];
	v34 =	vmul.f32 v28, v6;
	v33 =	vmul.f32 v29, v4;
	v23 =	vimm.f32 $0.0e+00  }
0x426: {  	v28 =	vld [tilespmem:s0+$0xE0];
	v20 =	vimm.f32 $0.0e+00;
	v21 =	vimm.f32 $0.0e+00;
	v35 =	vadd.f32 v16, v22  }
0x427: {  	s6 =	simm.s32 $0x0;
	s17 =	simm.s32 $0x14F00;
	v29 =	vld [tilespmem:s0+$0xF0];
	v36 =	vadd.f32 v19, v22;
	v19 =	vimm.f32 $0.0e+00;
	v16 =	vimm.f32 $0.0e+00  }
.LBB2_29:
0x428: {  	v38 =	vld [tilespmem:s17+$0x80];
	v22 =	vadd.f32 v37, v22;
	v23 =	vadd.f32 v34, v23;
	v32 =	vmul.f32 v32, v2  }
0x429: {  	v34 =	vld [tilespmem:s17+$0x90];
	v31 =	vmul.f32 v31, v1;
	v35 =	vadd.f32 v26, v35;
	v36 =	vadd.f32 v27, v36  }
0x42a: {  	v37 =	vld [tilespmem:s17+$0xA0];
	v26 =	vmul.f32 v30, v0;
	v22 =	vadd.f32 v24, v22;
	v23 =	vadd.f32 v25, v23  }
0x42b: {  	v20 =	vadd.f32 v33, v20;
	v21 =	vadd.f32 v32, v21;
	v25 =	vld [tilespmem:s17+$0xB0];
	v24 =	vmul.f32 v28, v1  }
0x42c: {  	v19 =	vadd.f32 v31, v19;
	v28 =	vld [tilespmem:s17+$0xC0];
	v16 =	vadd.f32 v26, v16;
	v26 =	vmul.f32 v29, v0  }
0x42d: {  	v20 =	vadd.f32 v17, v20;
	v21 =	vadd.f32 v18, v21;
	v29 =	vld [tilespmem:s17+$0xD0]  }
0x42e: {  	v19 =	vadd.f32 v24, v19;
	v30 =	vld [tilespmem:s17+$0x0];
	v16 =	vadd.f32 v26, v16  }
0x42f: {  	v33 =	vld [tilespmem:s17+$0x10]  }
0x430: {  	v39 =	vld [tilespmem:s17+$0x20]  }
0x431: {  	s6 =	sadd.s32 $0x2, s6;
	v40 =	vld [tilespmem:s17+$0x30]  }
0x432: {  	p1 =	slt.u32 s6, $0x30;
	v26 =	vmul.f32 v38, v11;
	v27 =	vmul.f32 v34, v12;
	v41 =	vld [tilespmem:s17+$0x40]  }
.Ltmp15:
0x433: {  	v24 =	vmul.f32 v37, v9;
	v25 =	vmul.f32 v25, v6;
	v32 =	vld [tilespmem:s17+$0x50];
	(pc) =	sbr.rel @p1 .LBB2_29-.Ltmp15, $4  }
0x434: {  	v17 =	vmul.f32 v28, v4;
	v18 =	vmul.f32 v29, v2;
	v31 =	vld [tilespmem:s17+$0x60]  }
0x435: {  	v29 =	vmul.f32 v30, v11;
	v33 =	vmul.f32 v33, v12;
	v30 =	vld [tilespmem:s17+$0x70]  }
0x436: {  	v37 =	vmul.f32 v39, v9;
	v34 =	vmul.f32 v40, v6;
	v28 =	vld [tilespmem:s17+$0xE0]  }
0x437: {  	v35 =	vadd.f32 v29, v35;
	v36 =	vadd.f32 v33, v36;
	v33 =	vmul.f32 v41, v4;
	v29 =	vld [tilespmem:s17+$0xF0];
	s17 =	sadd.s32 $0x100, s17  }
0x438: {  	v22 =	vadd.f32 v37, v22;
	v11 =	vmul.f32 v14, v11;
	v12 =	vmul.f32 v15, v12  }
0x439: {  	v14 =	vadd.f32 v26, v35;
	v15 =	vadd.f32 v27, v36  }
0x43a: {  	v23 =	vadd.f32 v34, v23;
	v9 =	vmul.f32 v13, v9;
	v11 =	vadd.f32 v12, v11  }
0x43b: {  	v6 =	vmul.f32 v10, v6;
	v13 =	vadd.f32 v24, v22;
	v14 =	vadd.f32 v15, v14  }
0x43c: {  	v12 =	vmul.f32 v32, v2;
	v15 =	vadd.f32 v25, v23;
	v9 =	vadd.f32 v9, v11  }
0x43d: {  	v4 =	vmul.f32 v7, v4;
	v11 =	vadd.f32 v33, v20;
	v13 =	vadd.f32 v13, v14  }
0x43e: {  	v10 =	vmul.f32 v31, v1;
	v12 =	vadd.f32 v12, v21;
	v6 =	vadd.f32 v6, v9  }
0x43f: {  	v7 =	vmul.f32 v30, v0;
	v9 =	vadd.f32 v17, v11;
	v11 =	vadd.f32 v15, v13  }
0x440: {  	v2 =	vmul.f32 v5, v2;
	v10 =	vadd.f32 v10, v19;
	v4 =	vadd.f32 v4, v6  }
0x441: {  	v5 =	vmul.f32 v28, v1;
	v6 =	vadd.f32 v18, v12;
	v9 =	vadd.f32 v9, v11  }
0x442: {  	v1 =	vmul.f32 v3, v1;
	v7 =	vadd.f32 v7, v16;
	v2 =	vadd.f32 v2, v4  }
0x443: {  	v3 =	vmul.f32 v29, v0;
	v4 =	vadd.f32 v5, v10;
	v5 =	vadd.f32 v6, v9  }
0x444: {  	v0 =	vmul.f32 v8, v0;
	v1 =	vadd.f32 v1, v2  }
0x445: {  	v2 =	vadd.f32 v3, v7;
	v3 =	vadd.f32 v4, v5  }
0x446: {  	v0 =	vadd.f32 v0, v1  }
0x447: {  	v1 =	vadd.f32 v2, v3  }
0x448: {  	[tilespmem:s16+$0x1BDD0] =	vst v0  }
0x449: {  	[tilespmem:s16+$0x199D0] =	vst v1  }
0x44a: {  	v11 =	vld [tilespmem:$0x700]  }
0x44b: {  	v12 =	vld [tilespmem:$0x710]  }
0x44c: {  	v9 =	vld [tilespmem:$0x720]  }
0x44d: {  	v6 =	vld [tilespmem:$0x730]  }
0x44e: {  	v4 =	vld [tilespmem:$0x740]  }
0x44f: {  	v2 =	vld [tilespmem:$0x750]  }
0x450: {  	v1 =	vld [tilespmem:$0x760]  }
0x451: {  	v0 =	vld [tilespmem:$0x770]  }
0x452: {  	v14 =	vld [tilespmem:$0x1E400]  }
0x453: {  	v15 =	vld [tilespmem:$0x1E410]  }
0x454: {  	v13 =	vld [tilespmem:$0x1E420]  }
0x455: {  	v10 =	vld [tilespmem:$0x1E430]  }
0x456: {  	v7 =	vld [tilespmem:$0x1E440]  }
0x457: {  	s0 =	simm.s32 $0x16700;
	v5 =	vld [tilespmem:$0x1E450]  }
0x458: {  	v8 =	vld [tilespmem:s0+$0x80]  }
0x459: {  	v16 =	vld [tilespmem:s0+$0x90]  }
0x45a: {  	v17 =	vld [tilespmem:s0+$0xA0]  }
0x45b: {  	v18 =	vld [tilespmem:s0+$0xB0]  }
0x45c: {  	v19 =	vld [tilespmem:s0+$0xC0]  }
0x45d: {  	v20 =	vld [tilespmem:s0+$0xD0]  }
0x45e: {  	v21 =	vld [tilespmem:s0+$0x0]  }
0x45f: {  	v22 =	vld [tilespmem:s0+$0x10]  }
0x460: {  	v23 =	vld [tilespmem:s0+$0x20]  }
0x461: {  	v28 =	vld [tilespmem:s0+$0x30]  }
0x462: {  	v29 =	vld [tilespmem:s0+$0x40];
	v26 =	vmul.f32 v8, v11  }
0x463: {  	v3 =	vld [tilespmem:$0x1E460];
	v27 =	vmul.f32 v16, v12;
	v24 =	vmul.f32 v17, v9  }
0x464: {  	v32 =	vld [tilespmem:s0+$0x50];
	v25 =	vmul.f32 v18, v6;
	v17 =	vmul.f32 v19, v4  }
0x465: {  	v31 =	vld [tilespmem:s0+$0x60];
	v16 =	vmul.f32 v21, v11;
	v19 =	vmul.f32 v22, v12  }
0x466: {  	v30 =	vld [tilespmem:s0+$0x70];
	v22 =	vimm.f32 $0.0e+00;
	v18 =	vmul.f32 v20, v2;
	v37 =	vmul.f32 v23, v9  }
0x467: {  	v8 =	vld [tilespmem:$0x1E470];
	v34 =	vmul.f32 v28, v6;
	v33 =	vmul.f32 v29, v4;
	v23 =	vimm.f32 $0.0e+00  }
0x468: {  	v28 =	vld [tilespmem:s0+$0xE0];
	v20 =	vimm.f32 $0.0e+00;
	v21 =	vimm.f32 $0.0e+00;
	v35 =	vadd.f32 v16, v22  }
0x469: {  	s6 =	simm.s32 $0x0;
	s17 =	simm.s32 $0x16800;
	v29 =	vld [tilespmem:s0+$0xF0];
	v36 =	vadd.f32 v19, v22;
	v19 =	vimm.f32 $0.0e+00;
	v16 =	vimm.f32 $0.0e+00  }
.LBB2_31:
0x46a: {  	v38 =	vld [tilespmem:s17+$0x80];
	v22 =	vadd.f32 v37, v22;
	v23 =	vadd.f32 v34, v23;
	v32 =	vmul.f32 v32, v2  }
0x46b: {  	v34 =	vld [tilespmem:s17+$0x90];
	v31 =	vmul.f32 v31, v1;
	v35 =	vadd.f32 v26, v35;
	v36 =	vadd.f32 v27, v36  }
0x46c: {  	v37 =	vld [tilespmem:s17+$0xA0];
	v26 =	vmul.f32 v30, v0;
	v22 =	vadd.f32 v24, v22;
	v23 =	vadd.f32 v25, v23  }
0x46d: {  	v20 =	vadd.f32 v33, v20;
	v21 =	vadd.f32 v32, v21;
	v25 =	vld [tilespmem:s17+$0xB0];
	v24 =	vmul.f32 v28, v1  }
0x46e: {  	v19 =	vadd.f32 v31, v19;
	v28 =	vld [tilespmem:s17+$0xC0];
	v16 =	vadd.f32 v26, v16;
	v26 =	vmul.f32 v29, v0  }
0x46f: {  	v20 =	vadd.f32 v17, v20;
	v21 =	vadd.f32 v18, v21;
	v29 =	vld [tilespmem:s17+$0xD0]  }
0x470: {  	v19 =	vadd.f32 v24, v19;
	v30 =	vld [tilespmem:s17+$0x0];
	v16 =	vadd.f32 v26, v16  }
0x471: {  	v33 =	vld [tilespmem:s17+$0x10]  }
0x472: {  	v39 =	vld [tilespmem:s17+$0x20]  }
0x473: {  	s6 =	sadd.s32 $0x2, s6;
	v40 =	vld [tilespmem:s17+$0x30]  }
0x474: {  	p1 =	slt.u32 s6, $0x30;
	v26 =	vmul.f32 v38, v11;
	v27 =	vmul.f32 v34, v12;
	v41 =	vld [tilespmem:s17+$0x40]  }
.Ltmp16:
0x475: {  	v24 =	vmul.f32 v37, v9;
	v25 =	vmul.f32 v25, v6;
	v32 =	vld [tilespmem:s17+$0x50];
	(pc) =	sbr.rel @p1 .LBB2_31-.Ltmp16, $4  }
0x476: {  	v17 =	vmul.f32 v28, v4;
	v18 =	vmul.f32 v29, v2;
	v31 =	vld [tilespmem:s17+$0x60]  }
0x477: {  	v29 =	vmul.f32 v30, v11;
	v33 =	vmul.f32 v33, v12;
	v30 =	vld [tilespmem:s17+$0x70]  }
0x478: {  	v37 =	vmul.f32 v39, v9;
	v34 =	vmul.f32 v40, v6;
	v28 =	vld [tilespmem:s17+$0xE0]  }
0x479: {  	v35 =	vadd.f32 v29, v35;
	v36 =	vadd.f32 v33, v36;
	v33 =	vmul.f32 v41, v4;
	v29 =	vld [tilespmem:s17+$0xF0];
	s17 =	sadd.s32 $0x100, s17  }
0x47a: {  	v22 =	vadd.f32 v37, v22;
	v11 =	vmul.f32 v14, v11;
	v12 =	vmul.f32 v15, v12  }
0x47b: {  	v14 =	vadd.f32 v26, v35;
	v15 =	vadd.f32 v27, v36  }
0x47c: {  	v23 =	vadd.f32 v34, v23;
	v9 =	vmul.f32 v13, v9;
	v11 =	vadd.f32 v12, v11  }
0x47d: {  	v6 =	vmul.f32 v10, v6;
	v13 =	vadd.f32 v24, v22;
	v14 =	vadd.f32 v15, v14  }
0x47e: {  	v12 =	vmul.f32 v32, v2;
	v15 =	vadd.f32 v25, v23;
	v9 =	vadd.f32 v9, v11  }
0x47f: {  	v4 =	vmul.f32 v7, v4;
	v11 =	vadd.f32 v33, v20;
	v13 =	vadd.f32 v13, v14  }
0x480: {  	v10 =	vmul.f32 v31, v1;
	v12 =	vadd.f32 v12, v21;
	v6 =	vadd.f32 v6, v9  }
0x481: {  	v7 =	vmul.f32 v30, v0;
	v9 =	vadd.f32 v17, v11;
	v11 =	vadd.f32 v15, v13  }
0x482: {  	v2 =	vmul.f32 v5, v2;
	v10 =	vadd.f32 v10, v19;
	v4 =	vadd.f32 v4, v6  }
0x483: {  	v5 =	vmul.f32 v28, v1;
	v6 =	vadd.f32 v18, v12;
	v9 =	vadd.f32 v9, v11  }
0x484: {  	v1 =	vmul.f32 v3, v1;
	v7 =	vadd.f32 v7, v16;
	v2 =	vadd.f32 v2, v4  }
0x485: {  	v3 =	vmul.f32 v29, v0;
	v4 =	vadd.f32 v5, v10;
	v5 =	vadd.f32 v6, v9  }
0x486: {  	v0 =	vmul.f32 v8, v0;
	v1 =	vadd.f32 v1, v2  }
0x487: {  	v2 =	vadd.f32 v3, v7;
	v3 =	vadd.f32 v4, v5  }
0x488: {  	v0 =	vadd.f32 v0, v1  }
0x489: {  	v1 =	vadd.f32 v2, v3  }
0x48a: {  	[tilespmem:s16+$0x1BDE0] =	vst v0  }
0x48b: {  	[tilespmem:s16+$0x199E0] =	vst v1  }
0x48c: {  	v11 =	vld [tilespmem:$0x780]  }
0x48d: {  	v12 =	vld [tilespmem:$0x790]  }
0x48e: {  	v9 =	vld [tilespmem:$0x7A0]  }
0x48f: {  	v6 =	vld [tilespmem:$0x7B0]  }
0x490: {  	v4 =	vld [tilespmem:$0x7C0]  }
0x491: {  	v2 =	vld [tilespmem:$0x7D0]  }
0x492: {  	v1 =	vld [tilespmem:$0x7E0]  }
0x493: {  	v0 =	vld [tilespmem:$0x7F0]  }
0x494: {  	v14 =	vld [tilespmem:$0x1E480]  }
0x495: {  	v15 =	vld [tilespmem:$0x1E490]  }
0x496: {  	v13 =	vld [tilespmem:$0x1E4A0]  }
0x497: {  	v10 =	vld [tilespmem:$0x1E4B0]  }
0x498: {  	v7 =	vld [tilespmem:$0x1E4C0]  }
0x499: {  	s0 =	simm.s32 $0x18000;
	v5 =	vld [tilespmem:$0x1E4D0]  }
0x49a: {  	v8 =	vld [tilespmem:s0+$0x80]  }
0x49b: {  	v16 =	vld [tilespmem:s0+$0x90]  }
0x49c: {  	v17 =	vld [tilespmem:s0+$0xA0]  }
0x49d: {  	v18 =	vld [tilespmem:s0+$0xB0]  }
0x49e: {  	v19 =	vld [tilespmem:s0+$0xC0]  }
0x49f: {  	v20 =	vld [tilespmem:s0+$0xD0]  }
0x4a0: {  	v21 =	vld [tilespmem:s0+$0x0]  }
0x4a1: {  	v22 =	vld [tilespmem:s0+$0x10]  }
0x4a2: {  	v23 =	vld [tilespmem:s0+$0x20]  }
0x4a3: {  	v28 =	vld [tilespmem:s0+$0x30]  }
0x4a4: {  	v29 =	vld [tilespmem:s0+$0x40];
	v26 =	vmul.f32 v8, v11  }
0x4a5: {  	v3 =	vld [tilespmem:$0x1E4E0];
	v27 =	vmul.f32 v16, v12;
	v24 =	vmul.f32 v17, v9  }
0x4a6: {  	v32 =	vld [tilespmem:s0+$0x50];
	v25 =	vmul.f32 v18, v6;
	v17 =	vmul.f32 v19, v4  }
0x4a7: {  	v31 =	vld [tilespmem:s0+$0x60];
	v16 =	vmul.f32 v21, v11;
	v19 =	vmul.f32 v22, v12  }
0x4a8: {  	v30 =	vld [tilespmem:s0+$0x70];
	v22 =	vimm.f32 $0.0e+00;
	v18 =	vmul.f32 v20, v2;
	v37 =	vmul.f32 v23, v9  }
0x4a9: {  	v8 =	vld [tilespmem:$0x1E4F0];
	v34 =	vmul.f32 v28, v6;
	v33 =	vmul.f32 v29, v4;
	v23 =	vimm.f32 $0.0e+00  }
0x4aa: {  	v28 =	vld [tilespmem:s0+$0xE0];
	v20 =	vimm.f32 $0.0e+00;
	v21 =	vimm.f32 $0.0e+00;
	v35 =	vadd.f32 v16, v22  }
0x4ab: {  	s6 =	simm.s32 $0x0;
	s17 =	simm.s32 $0x18100;
	v29 =	vld [tilespmem:s0+$0xF0];
	v36 =	vadd.f32 v19, v22;
	v19 =	vimm.f32 $0.0e+00;
	v16 =	vimm.f32 $0.0e+00  }
.LBB2_33:
0x4ac: {  	v38 =	vld [tilespmem:s17+$0x80];
	v22 =	vadd.f32 v37, v22;
	v23 =	vadd.f32 v34, v23;
	v32 =	vmul.f32 v32, v2  }
0x4ad: {  	v34 =	vld [tilespmem:s17+$0x90];
	v31 =	vmul.f32 v31, v1;
	v35 =	vadd.f32 v26, v35;
	v36 =	vadd.f32 v27, v36  }
0x4ae: {  	v37 =	vld [tilespmem:s17+$0xA0];
	v26 =	vmul.f32 v30, v0;
	v22 =	vadd.f32 v24, v22;
	v23 =	vadd.f32 v25, v23  }
0x4af: {  	v20 =	vadd.f32 v33, v20;
	v21 =	vadd.f32 v32, v21;
	v25 =	vld [tilespmem:s17+$0xB0];
	v24 =	vmul.f32 v28, v1  }
0x4b0: {  	v19 =	vadd.f32 v31, v19;
	v28 =	vld [tilespmem:s17+$0xC0];
	v16 =	vadd.f32 v26, v16;
	v26 =	vmul.f32 v29, v0  }
0x4b1: {  	v20 =	vadd.f32 v17, v20;
	v21 =	vadd.f32 v18, v21;
	v29 =	vld [tilespmem:s17+$0xD0]  }
0x4b2: {  	v19 =	vadd.f32 v24, v19;
	v30 =	vld [tilespmem:s17+$0x0];
	v16 =	vadd.f32 v26, v16  }
0x4b3: {  	v33 =	vld [tilespmem:s17+$0x10]  }
0x4b4: {  	v39 =	vld [tilespmem:s17+$0x20]  }
0x4b5: {  	s6 =	sadd.s32 $0x2, s6;
	v40 =	vld [tilespmem:s17+$0x30]  }
0x4b6: {  	p1 =	slt.u32 s6, $0x30;
	v26 =	vmul.f32 v38, v11;
	v27 =	vmul.f32 v34, v12;
	v41 =	vld [tilespmem:s17+$0x40]  }
.Ltmp17:
0x4b7: {  	v24 =	vmul.f32 v37, v9;
	v25 =	vmul.f32 v25, v6;
	v32 =	vld [tilespmem:s17+$0x50];
	(pc) =	sbr.rel @p1 .LBB2_33-.Ltmp17, $4  }
0x4b8: {  	v17 =	vmul.f32 v28, v4;
	v18 =	vmul.f32 v29, v2;
	v31 =	vld [tilespmem:s17+$0x60]  }
0x4b9: {  	v29 =	vmul.f32 v30, v11;
	v33 =	vmul.f32 v33, v12;
	v30 =	vld [tilespmem:s17+$0x70]  }
0x4ba: {  	v37 =	vmul.f32 v39, v9;
	v34 =	vmul.f32 v40, v6;
	v28 =	vld [tilespmem:s17+$0xE0]  }
0x4bb: {  	v35 =	vadd.f32 v29, v35;
	v36 =	vadd.f32 v33, v36;
	v33 =	vmul.f32 v41, v4;
	v29 =	vld [tilespmem:s17+$0xF0];
	s17 =	sadd.s32 $0x100, s17  }
0x4bc: {  	v22 =	vadd.f32 v37, v22;
	v11 =	vmul.f32 v14, v11;
	v12 =	vmul.f32 v15, v12  }
0x4bd: {  	v43 =	vadd.f32 v26, v35;
	v44 =	vadd.f32 v27, v36  }
0x4be: {  	v23 =	vadd.f32 v34, v23;
	v9 =	vmul.f32 v13, v9;
	v11 =	vadd.f32 v12, v11  }
0x4bf: {  	v45 =	vmul.f32 v32, v2;
	v46 =	vadd.f32 v24, v22;
	v14 =	vadd.f32 v44, v43  }
0x4c0: {  	v6 =	vmul.f32 v10, v6;
	v49 =	vadd.f32 v33, v20;
	v9 =	vadd.f32 v9, v11  }
0x4c1: {  	v4 =	vmul.f32 v7, v4;
	v47 =	vadd.f32 v25, v23;
	v13 =	vadd.f32 v46, v14  }
0x4c2: {  	v48 =	vmul.f32 v31, v1;
	v12 =	vadd.f32 v45, v21;
	v6 =	vadd.f32 v6, v9  }
0x4c3: {  	v53 =	vmul.f32 v5, v2;
	v51 =	vadd.f32 v17, v49;
	v52 =	vadd.f32 v47, v13  }
0x4c4: {  	v50 =	vmul.f32 v30, v0;
	v10 =	vadd.f32 v48, v19;
	v4 =	vadd.f32 v4, v6  }
0x4c5: {  	v54 =	vmul.f32 v28, v1;
	v55 =	vadd.f32 v18, v12;
	v9 =	vadd.f32 v51, v52  }
0x4c6: {  	v56 =	vmul.f32 v3, v1;
	v7 =	vadd.f32 v50, v16;
	v2 =	vadd.f32 v53, v4  }
0x4c7: {  	v57 =	vmul.f32 v29, v0;
	v58 =	vadd.f32 v54, v10;
	v59 =	vadd.f32 v55, v9  }
0x4c8: {  	v60 =	vmul.f32 v8, v0;
	v1 =	vadd.f32 v56, v2  }
.Ltmp18:
0x4c9: {  	v61 =	vadd.f32 v57, v7;
	v62 =	vadd.f32 v58, v59;
	(pc) =	sbr.rel @p0 .LBB2_36-.Ltmp18, $4  }
0x4ca: {  	v0 =	vadd.f32 v60, v1  }
0x4cb: {  	v63 =	vadd.f32 v61, v62  }
0x4cc: {  	[tilespmem:s16+$0x1BDF0] =	vst v0  }
0x4cd: {  	[tilespmem:s16+$0x199F0] =	vst v63  }
0x4ce: {  	_ =	swait.ge [sflag:s31], $0x8  }
0x4cf: {  	[sflag:s31] =	ssyncset.done $0x0  }
0x4d0: {  	[sflag:s31] =	ssyncadd.s32 $0xFFFFFFF8  }
0x4d1: {  	_ =	swait.ge [sflag:s31], $0x8  }
.Ltmp19:
0x4d2: {  	[sflag:s31] =	ssyncset.done $0x0;
	(pc) =	sbr.rel .LBB2_2-.Ltmp19, $4  }
0x4d3: {  	[sflag:s31] =	ssyncadd.s32 $0xFFFFFFF8  }
0x4d4: {  	_ =	swait.ge [sflag:s31], $0x190  }
0x4d5: {  	[sflag:s31] =	ssyncset.done $0x0  }
0x4d6: {  	s18 =	sadd.s32 $0x1, s18;
	[sflag:s31] =	ssyncadd.s32 $0xFFFFFE70  }
.LBB2_37:
0x4d7: {  	_ =	sfence.sel $0x180000  }
0x4d8: {  	[bflag:$0x0] =	sbarrier.arrive $0xFFFF  }
0x4d9: {  	_ =	strace $0x90000047  }
0x4da: {  	s0 =	stileid.u32;
	[bflag:$0x2] =	sbarrier.arrive $0xFFFF  }
0x4db: {  	p0 =	sne.s32 s0, $0x0;
	s0 =	rddreg [dreg:$0x5]  }
0x4dc: {  	s0 =	sadd.s32 @!p0 $0x100000, s0  }
0x4dd: {  	[sflag:s0] =	ssyncadd.tile.s32 @!p0 $0x1;
	_ =	shalt  }
.Lfunc_end2:
_tile_overlayer_lowered:
.L_overlay_start_2:
0x4de: {  	(tag) =	ssettag $0x2  }
0x4df: {  	s0 =	rddreg [dreg:$0x0];
	s2 =	stileid.u32  }
0x4e0: {  	s1 =	rddreg [dreg:$0x1];
	p0 =	sne.s32 s2, $0x0  }
0x4e1: {  	s3 =	rddreg [dreg:$0x2];
	[bflag:$0x3] =	sbarrier.arrive $0xFFFF;
	s2 =	simm.s32 @!p0 $0x1C05  }
0x4e2: {  	[timem:s3], [sflag:s2] =	dma.local @!p0 [hbm:s0], s1  }
0x4e3: {  	s0 =	simm.s32 @!p0 $0x5  }
0x4e4: {  	_ =	swait.ge @!p0 [sflag:s0], s1  }
0x4e5: {  	s1 =	ssub.s32 @!p0 $0x0, s1;
	[sflag:s0] =	ssyncset.done @!p0 $0x0  }
0x4e6: {  	[sflag:s0] =	ssyncadd.s32 @!p0 s1  }
0x4e7: {  	[bflag:$0x3] =	sbarrier.arrive $0xFFFF  }
0x4e8: {  	_ =	shalt  }

</sc_bundles>
